<compile_context>
chip_gen: v7x
topology: tpu7x:2x2x1
jax: 0.10.2.dev20260603
libtpu: 0.0.44.dev20260713+nightly
codegen_flags: <defaults>
</compile_context>

<pallas_src>
import functools

import jax
import jax.numpy as jnp
from jax import lax
from jax.experimental import pallas as pl
from jax.experimental.pallas import tpu as pltpu
from jax.experimental.pallas import tpu_sc as plsc

N = 10000
E = 320000
D1 = 128
D2 = 64
NPROTO = 16
MLPH = 8

NC = 2
NS = 16
NW = NC * NS
EPT = E // NW
C = 80
NCH = EPT // C
_WB_FOR_D = {1: 400, D1: 80, D2: 80}


def _make_sc_deg():
  mesh = plsc.VectorSubcoreMesh(core_axis_name="c", subcore_axis_name="s")
  scratch = [
      pltpu.VMEM((EPT,), jnp.int32),
      pltpu.VMEM((N,), jnp.float32),
  ]

  @functools.partial(
      pl.kernel, mesh=mesh,
      out_type=jax.ShapeDtypeStruct((NW, 1, N), jnp.float32),
      scratch_types=scratch,
      compiler_params=pltpu.CompilerParams(needs_layout_passes=False,
                                          skip_device_barrier=True))
  def k(dst_hbm, z_hbm, out_hbm, dst_v, hist_v):
    cid = lax.axis_index("c")
    sid = lax.axis_index("s")
    wid = cid * NS + sid
    pltpu.sync_copy(z_hbm, hist_v)
    pltpu.sync_copy(dst_hbm.at[pl.ds(wid * EPT, EPT)], dst_v)
    ones = jnp.ones((16,), jnp.float32)
    UNROLL = 5

    def body(i, carry):
      for u in range(UNROLL):
        idx = dst_v[pl.ds((i * UNROLL + u) * 16, 16)]
        plsc.addupdate_scatter(hist_v, [idx], ones)
      return carry

    lax.fori_loop(0, EPT // 16 // UNROLL, body, 0)
    pltpu.sync_copy(hist_v, out_hbm.at[wid, 0])

  return k


def _make_sc_agg(D, tc_tiling=True):
  WB = _WB_FOR_D[D]
  NRCH = N // WB
  mesh = plsc.VectorSubcoreMesh(core_axis_name="c", subcore_axis_name="s")
  scratch = [
      pltpu.VMEM((EPT,), jnp.int32),
      pltpu.VMEM((EPT,), jnp.int32),
      pltpu.VMEM((C, D), jnp.float32),
      pltpu.VMEM((C, D), jnp.float32),
      pltpu.VMEM((C, D), jnp.float32),
      pltpu.VMEM_SHARED((N, D), jnp.float32),
      [pltpu.SemaphoreType.DMA] * 3,
      [pltpu.SemaphoreType.DMA] * 3,
      pltpu.SemaphoreType.DMA,
  ]
  NZ = (NRCH + NS - 1) // NS

  @functools.partial(
      pl.kernel, mesh=mesh,
      out_type=jax.ShapeDtypeStruct((NC, N, D), jnp.float32),
      scratch_types=scratch,
      compiler_params=pltpu.CompilerParams(use_tc_tiling_on_sc=tc_tiling,
                                          skip_device_barrier=True))
  def k(src_hbm, dst_hbm, g_hbm, z_hbm, out_hbm,
        si_v, di_v, r0, r1, r2, accum, gs, ts, sz):
    s0, s1 = gs[0], gs[1]
    cid = lax.axis_index("c")
    sid = lax.axis_index("s")
    wid = cid * NS + sid
    ci = pltpu.async_copy(src_hbm.at[pl.ds(wid * EPT, EPT)], si_v, s0)
    cd = pltpu.async_copy(dst_hbm.at[pl.ds(wid * EPT, EPT)], di_v, s1)
    zb = r1.at[pl.ds(0, WB)]
    pltpu.sync_copy(z_hbm, zb)
    for j in range(NZ):
      ch = j * NS + sid

      @pl.when(ch < NRCH)
      def _():
        pltpu.async_copy(zb, accum.at[pl.ds(ch * WB, WB)], sz)
    for j in range(NZ):
      ch = j * NS + sid

      @pl.when(ch < NRCH)
      def _():
        pltpu.make_async_copy(zb, accum.at[pl.ds(ch * WB, WB)], sz).wait()
    ci.wait()
    cd.wait()
    plsc.subcore_barrier()

    rb = (r0, r1, r2)

    def gslice(i):
      return g_hbm.at[si_v.at[pl.ds(i * C, C)]]

    def sref(i):
      return accum.at[di_v.at[pl.ds(i * C, C)]]

    pltpu.async_copy(gslice(0), rb[0], gs[0])
    pltpu.async_copy(gslice(1), rb[1], gs[1])

    def step(i, off, first=False, last=False):
      b = off % 3
      pltpu.make_async_copy(gslice(i), rb[b], gs[b]).wait()
      pltpu.async_copy(rb[b], sref(i), ts[b], add=True)
      if not first:
        pb = (off + 2) % 3
        pltpu.make_async_copy(rb[pb], sref(i - 1), ts[pb]).wait()
        if not last:
          pltpu.async_copy(gslice(i + 2), rb[pb], gs[pb])

    step(0, 0, first=True)
    pltpu.async_copy(gslice(2), rb[2], gs[2])
    step(1, 1)
    step(2, 2)

    def body(k, carry):
      i = 3 * k
      step(i, 0)
      step(i + 1, 1)
      step(i + 2, 2)
      return carry

    assert NCH % 3 == 2, "pipeline assumes NCH = 3m+2"
    lax.fori_loop(1, (NCH - 2) // 3, body, 0)
    step(NCH - 2, 0, last=True)
    step(NCH - 1, 1, last=True)
    pltpu.make_async_copy(rb[1], sref(NCH - 1), ts[1]).wait()
    plsc.subcore_barrier()

    def wb_buf(j):
      r = r0 if j % 2 == 0 else r1
      return r.at[pl.ds(0, WB)], (s0 if j % 2 == 0 else s1)

    for j in range(NZ):
      ch = j * NS + sid
      buf, sem = wb_buf(j)
      if j >= 2:
        pch = (j - 2) * NS + sid
        pltpu.make_async_copy(buf, out_hbm.at[cid, pl.ds(pch * WB, WB)],
                              sem).wait()

      def do_wb(ch=ch, buf=buf, sem=sem):
        pltpu.sync_copy(accum.at[pl.ds(ch * WB, WB)], buf)
        pltpu.async_copy(buf, out_hbm.at[cid, pl.ds(ch * WB, WB)], sem)

      if j < NZ - 1:
        do_wb()
      else:
        pl.when(ch < NRCH)(do_wb)
    ch = (NZ - 2) * NS + sid
    buf, sem = wb_buf(NZ - 2)
    pltpu.make_async_copy(buf, out_hbm.at[cid, pl.ds(ch * WB, WB)], sem).wait()
    ch2 = (NZ - 1) * NS + sid
    buf2, sem2 = wb_buf(NZ - 1)

    @pl.when(ch2 < NRCH)
    def _():
      pltpu.make_async_copy(buf2, out_hbm.at[cid, pl.ds(ch2 * WB, WB)],
                            sem2).wait()

  return k


_deg_sc = _make_sc_deg()
_agg_sc = _make_sc_agg(D1)
_agg2_sc = _make_sc_agg(D2, tc_tiling=False)


def _tc1(dp_ref, x_ref, w1_ref, g_ref, dinv_ref):
  dp2 = jnp.squeeze(dp_ref[...], axis=1)
  ones_w = jnp.ones((NW, 1), jnp.float32)
  deg = lax.dot_general(dp2, ones_w, (((0,), (0,)), ((), ())),
                        preferred_element_type=jnp.float32) + 1.0
  dinv = lax.rsqrt(deg)
  dinv_ref[...] = dinv
  h = jnp.dot(x_ref[...], w1_ref[...], preferred_element_type=jnp.float32)
  g_ref[...] = h * dinv


def _tc2(q_ref, g1_ref, dinv_ref, b1_ref, w2_ref, g2_ref):
  dinv = dinv_ref[...]
  pre = (q_ref[0] + q_ref[1] + g1_ref[...]) * dinv + b1_ref[...]
  out1 = jnp.maximum(pre, 0.0)
  h2 = jnp.dot(out1, w2_ref[...], preferred_element_type=jnp.float32)
  g2_ref[...] = h2 * dinv


def _tc3(r_ref, g2_ref, dinv_ref, b2_ref, p_ref, mw0_ref, mb0_ref,
         mw1_ref, mb1_ref, s_ref):
  dinv = dinv_ref[...]
  pre = (r_ref[0] + r_ref[1] + g2_ref[...]) * dinv + b2_ref[...]
  emb = jnp.maximum(pre, 0.0)
  p = p_ref[...]
  pn = jnp.sum(p * p, axis=1)
  en = jnp.sum(emb * emb, axis=1, keepdims=True)
  cross = lax.dot_general(emb, p, (((1,), (1,)), ((), ())),
                          preferred_element_type=jnp.float32)
  dist = en + pn[None, :] - 2.0 * cross
  sim = jnp.log(dist + 1.0) - jnp.log(dist + 1e-4)
  z = jax.nn.gelu(jnp.dot(sim, mw0_ref[...],
                          preferred_element_type=jnp.float32) + mb0_ref[...])
  z = jnp.dot(z, mw1_ref[...], preferred_element_type=jnp.float32) + mb1_ref[...]
  s_ref[...] = jax.nn.sigmoid(z)


def kernel(x, edge_index, y, W1, b1, W2, b2, prototypes, mW0, mb0, mW1, mb1):
  src = edge_index[0].astype(jnp.int32)
  dst = edge_index[1].astype(jnp.int32)
  zrow = jnp.zeros((N,), jnp.float32)
  zerosD1 = jnp.zeros((_WB_FOR_D[D1], D1), jnp.float32)
  zerosD2 = jnp.zeros((_WB_FOR_D[D2], D2), jnp.float32)

  dp = _deg_sc(dst, zrow)

  g1, dinv = pl.pallas_call(
      _tc1,
      out_shape=[jax.ShapeDtypeStruct((N, D1), jnp.float32),
                 jax.ShapeDtypeStruct((N, 1), jnp.float32)],
  )(dp, x, W1)

  q = _agg_sc(src, dst, g1, zerosD1)

  g2 = pl.pallas_call(
      _tc2,
      out_shape=jax.ShapeDtypeStruct((N, D2), jnp.float32),
  )(q, g1, dinv, b1, W2)

  r = _agg2_sc(src, dst, g2, zerosD2)

  scores = pl.pallas_call(
      _tc3,
      out_shape=jax.ShapeDtypeStruct((N, 1), jnp.float32),
  )(r, g2, dinv, b2, prototypes, mW0, mb0, mW1, mb1)

  return (jnp.squeeze(scores, axis=-1), y.astype(jnp.float32))

# --- scband reference (transcript-rebuilt; emitter-appended) ---
"""Pipeline reference for scband-sladgnn-59983513256401 (READ-ONLY COPY).

The authoritative reference and input builder live on the scoring server;
editing this copy changes nothing except your own understanding.
"""

import jax, jax.numpy as jnp
import numpy as np

N_NODES = 10000
N_EDGES = 320000
D_FEAT = 128
HIDDEN = [128, 64]
N_PROTO = 16  # num_classes * num_prototypes_per_class
MLP_HID = 8   # mlp_input_dim // 2


def setup_inputs(seed: int = 0) -> dict:
    key = jax.random.key(seed)
    ks = jax.random.split(key, 12)
    x = jax.random.normal(ks[0], (N_NODES, D_FEAT), dtype=jnp.float32)
    edge_index = jax.random.randint(ks[1], (2, N_EDGES), 0, N_NODES, dtype=jnp.int64 if jax.config.read('jax_enable_x64') else jnp.int32)
    y = jax.random.randint(ks[2], (N_NODES,), 0, 2, dtype=jnp.int32)
    # GCN layer params (Linear with bias, stored as [in, out])
    W1 = jax.random.normal(ks[3], (D_FEAT, HIDDEN[0]), dtype=jnp.float32) * (1.0 / np.sqrt(D_FEAT))
    b1 = jnp.zeros((HIDDEN[0],), dtype=jnp.float32)
    W2 = jax.random.normal(ks[4], (HIDDEN[0], HIDDEN[1]), dtype=jnp.float32) * (1.0 / np.sqrt(HIDDEN[0]))
    b2 = jnp.zeros((HIDDEN[1],), dtype=jnp.float32)
    # prototype layer: (num_classes, n_proto_per_class, hidden[-1]) -> store flat (16, 64)
    prototypes = jax.random.normal(ks[5], (N_PROTO, HIDDEN[1]), dtype=jnp.float32)
    # MLPReadout: Linear(16,8), Linear(8,1)
    mW0 = jax.random.normal(ks[6], (N_PROTO, MLP_HID), dtype=jnp.float32) * (1.0 / np.sqrt(N_PROTO))
    mb0 = jnp.zeros((MLP_HID,), dtype=jnp.float32)
    mW1 = jax.random.normal(ks[7], (MLP_HID, 1), dtype=jnp.float32) * (1.0 / np.sqrt(MLP_HID))
    mb1 = jnp.zeros((1,), dtype=jnp.float32)
    return {"x": x, "edge_index": edge_index, "y": y, "W1": W1, "b1": b1,
            "W2": W2, "b2": b2, "prototypes": prototypes,
            "mW0": mW0, "mb0": mb0, "mW1": mW1, "mb1": mb1}


def _gcn_conv(x, W, b, edge_index, n_nodes):
    # PyG GCNConv: add self-loops, symmetric normalization, scatter-add aggregation
    src, dst = edge_index[0], edge_index[1]
    loop = jnp.arange(n_nodes, dtype=src.dtype)
    src2 = jnp.concatenate([src, loop])
    dst2 = jnp.concatenate([dst, loop])
    ew = jnp.ones(src2.shape[0], dtype=jnp.float32)
    deg = jax.ops.segment_sum(ew, dst2, num_segments=n_nodes)
    deg_inv_sqrt = jnp.where(deg > 0, 1.0 / jnp.sqrt(deg), 0.0)
    norm = deg_inv_sqrt[src2] * deg_inv_sqrt[dst2]
    h = x @ W
    msg = h[src2] * norm[:, None]
    out = jax.ops.segment_sum(msg, dst2, num_segments=n_nodes)
    return out + b


def _calculate_similarity(emb, protos):
    # distance = ||e_i - p_k||^2 ; sim = log((d+1)/(d+1e-4))
    diff = emb[:, None, :] - protos[None, :, :]
    distance = jnp.sum(diff * diff, axis=-1)
    eps = 0.0001
    return jnp.log((distance + 1.0) / (distance + eps))


def reference(x, edge_index, y, W1, b1, W2, b2, prototypes, mW0, mb0, mW1, mb1):
    n = x.shape[0]
    h = jax.nn.relu(_gcn_conv(x, W1, b1, edge_index, n))
    h = jax.nn.relu(_gcn_conv(h, W2, b2, edge_index, n))
    sim = _calculate_similarity(h, prototypes)
    # MLPReadout (eval mode: dropout is identity)
    z = jax.nn.gelu(sim @ mW0 + mb0)
    z = z @ mW1 + mb1
    scores = jax.nn.sigmoid(z)
    return (jnp.squeeze(scores, axis=-1), y.astype(jnp.float32))

if __name__ == "__main__":
    import jax
    _d = setup_inputs()
    print(jax.jit(kernel)(*tuple(_d.values())))

</pallas_src>

<mosaic_0001>
#map = affine_map<(d0, d1) -> (0)>
#map1 = affine_map<(d0, d1) -> (0, 0, 0)>
module attributes {stable_mosaic.version = 14 : i64} {
  func.func @k(%arg0: i32, %arg1: i32, %arg2: memref<320000xi32, #tpu.memory_space<hbm>>, %arg3: memref<10000xf32, #tpu.memory_space<hbm>>, %arg4: memref<32x1x10000xf32, #tpu.memory_space<hbm>>, %arg5: memref<10000xi32, #tpu.memory_space<vmem>>, %arg6: memref<10000xf32, #tpu.memory_space<vmem>>) attributes {dimension_semantics = [#tpu.dimension_semantics<core_parallel>, #tpu.dimension_semantics<subcore_parallel>], iteration_bounds = array<i64: 2, 16>, scalar_prefetch = 0 : i64, scratch_operands = 2 : i64, tpu.core_type = #tpu.core_type<sc_vector_subcore>, window_params = [{transform_indices = #map}, {transform_indices = #map}, {transform_indices = #map1}]} {
    %mul3A = arith.constant 16 : i32
    %mul3A_0 = arith.muli %arg0, %mul3A : i32
    %add3A = arith.addi %mul3A_0, %arg1 : i32
    "tpu.region"() ({
      %run_scoped3A_9 = tpu.sem_alloc : memref<!tpu.dma_semaphore, #tpu.memory_space<semaphore_mem>>
      tpu.enqueue_dma source(%arg3 : memref<10000xf32, #tpu.memory_space<hbm>>) target(%arg6 : memref<10000xf32, #tpu.memory_space<vmem>>) target_semaphore(%run_scoped3A_9 : memref<!tpu.dma_semaphore, #tpu.memory_space<semaphore_mem>>)
      tpu.wait_dma2 semaphore(%run_scoped3A_9 : memref<!tpu.dma_semaphore, #tpu.memory_space<semaphore_mem>>) src(%arg3 : memref<10000xf32, #tpu.memory_space<hbm>>) dst(%arg6 : memref<10000xf32, #tpu.memory_space<vmem>>)
      tpu.yield
    }) : () -> ()
    %mul3A_1 = arith.constant 10000 : i32
    %mul3A_2 = arith.muli %add3A, %mul3A_1 : i32
    "tpu.region"() ({
      %run_scoped3A_9 = tpu.sem_alloc : memref<!tpu.dma_semaphore, #tpu.memory_space<semaphore_mem>>
      %dma_start3A = tpu.memref_slice %arg2[%mul3A_2] : memref<320000xi32, #tpu.memory_space<hbm>> -> memref<10000xi32, #tpu.memory_space<hbm>>
      %dma_start3A_10 = tpu.memref_slice %arg2[%mul3A_2] : memref<320000xi32, #tpu.memory_space<hbm>> -> memref<10000xi32, #tpu.memory_space<hbm>>
      tpu.enqueue_dma source(%dma_start3A_10 : memref<10000xi32, #tpu.memory_space<hbm>>) target(%arg5 : memref<10000xi32, #tpu.memory_space<vmem>>) target_semaphore(%run_scoped3A_9 : memref<!tpu.dma_semaphore, #tpu.memory_space<semaphore_mem>>)
      %dma_wait3A = tpu.memref_slice %arg2[%mul3A_2] : memref<320000xi32, #tpu.memory_space<hbm>> -> memref<10000xi32, #tpu.memory_space<hbm>>
      %dma_wait3A_11 = tpu.memref_slice %arg2[%mul3A_2] : memref<320000xi32, #tpu.memory_space<hbm>> -> memref<10000xi32, #tpu.memory_space<hbm>>
      tpu.wait_dma2 semaphore(%run_scoped3A_9 : memref<!tpu.dma_semaphore, #tpu.memory_space<semaphore_mem>>) src(%dma_wait3A_11 : memref<10000xi32, #tpu.memory_space<hbm>>) dst(%arg5 : memref<10000xi32, #tpu.memory_space<vmem>>)
      tpu.yield
    }) : () -> ()
    %broadcast_in_dim3A = arith.constant 1.000000e+00 : f32
    %broadcast_in_dim3A_3 = vector.broadcast %broadcast_in_dim3A : f32 to vector<16xf32>
    %scan3A = arith.constant 0 : i32
    %scan3A_4 = arith.constant 0 : i32
    %scan3A_5 = arith.constant 125 : i32
    %scan3A_6 = arith.addi %scan3A_4, %scan3A_5 : i32
    %scan3A_7 = arith.constant 1 : i32
    scf.for %scan3A_9 = %scan3A_4 to %scan3A_6 step %scan3A_7  : i32 {
      %mul3A_10 = arith.constant 5 : i32
      %mul3A_11 = arith.muli %scan3A_9, %mul3A_10 : i32
      %add3A_12 = arith.constant 0 : i32
      %add3A_13 = arith.addi %mul3A_11, %add3A_12 : i32
      %mul3A_14 = arith.constant 16 : i32
      %mul3A_15 = arith.muli %add3A_13, %mul3A_14 : i32
      %get3A = arith.index_cast %mul3A_15 : i32 to index
      %get3A_16 = tpu.vector_load %arg5[%get3A] {strides = array<i32>} : memref<10000xi32, #tpu.memory_space<vmem>>, vector<16xi32>,
      tpu.vector_store_idx %arg6[%get3A_16], %broadcast_in_dim3A_3 {add = true} : memref<10000xf32, #tpu.memory_space<vmem>>[vector<16xi32>], vector<16xf32>,
      %mul3A_17 = arith.constant 5 : i32
      %mul3A_18 = arith.muli %scan3A_9, %mul3A_17 : i32
      %add3A_19 = arith.constant 1 : i32
      %add3A_20 = arith.addi %mul3A_18, %add3A_19 : i32
      %mul3A_21 = arith.constant 16 : i32
      %mul3A_22 = arith.muli %add3A_20, %mul3A_21 : i32
      %get3A_23 = arith.index_cast %mul3A_22 : i32 to index
      %get3A_24 = tpu.vector_load %arg5[%get3A_23] {strides = array<i32>} : memref<10000xi32, #tpu.memory_space<vmem>>, vector<16xi32>,
      tpu.vector_store_idx %arg6[%get3A_24], %broadcast_in_dim3A_3 {add = true} : memref<10000xf32, #tpu.memory_space<vmem>>[vector<16xi32>], vector<16xf32>,
      %mul3A_25 = arith.constant 5 : i32
      %mul3A_26 = arith.muli %scan3A_9, %mul3A_25 : i32
      %add3A_27 = arith.constant 2 : i32
      %add3A_28 = arith.addi %mul3A_26, %add3A_27 : i32
      %mul3A_29 = arith.constant 16 : i32
      %mul3A_30 = arith.muli %add3A_28, %mul3A_29 : i32
      %get3A_31 = arith.index_cast %mul3A_30 : i32 to index
      %get3A_32 = tpu.vector_load %arg5[%get3A_31] {strides = array<i32>} : memref<10000xi32, #tpu.memory_space<vmem>>, vector<16xi32>,
      tpu.vector_store_idx %arg6[%get3A_32], %broadcast_in_dim3A_3 {add = true} : memref<10000xf32, #tpu.memory_space<vmem>>[vector<16xi32>], vector<16xf32>,
      %mul3A_33 = arith.constant 5 : i32
      %mul3A_34 = arith.muli %scan3A_9, %mul3A_33 : i32
      %add3A_35 = arith.constant 3 : i32
      %add3A_36 = arith.addi %mul3A_34, %add3A_35 : i32
      %mul3A_37 = arith.constant 16 : i32
      %mul3A_38 = arith.muli %add3A_36, %mul3A_37 : i32
      %get3A_39 = arith.index_cast %mul3A_38 : i32 to index
      %get3A_40 = tpu.vector_load %arg5[%get3A_39] {strides = array<i32>} : memref<10000xi32, #tpu.memory_space<vmem>>, vector<16xi32>,
      tpu.vector_store_idx %arg6[%get3A_40], %broadcast_in_dim3A_3 {add = true} : memref<10000xf32, #tpu.memory_space<vmem>>[vector<16xi32>], vector<16xf32>,
      %mul3A_41 = arith.constant 5 : i32
      %mul3A_42 = arith.muli %scan3A_9, %mul3A_41 : i32
      %add3A_43 = arith.constant 4 : i32
      %add3A_44 = arith.addi %mul3A_42, %add3A_43 : i32
      %mul3A_45 = arith.constant 16 : i32
      %mul3A_46 = arith.muli %add3A_44, %mul3A_45 : i32
      %get3A_47 = arith.index_cast %mul3A_46 : i32 to index
      %get3A_48 = tpu.vector_load %arg5[%get3A_47] {strides = array<i32>} : memref<10000xi32, #tpu.memory_space<vmem>>, vector<16xi32>,
      tpu.vector_store_idx %arg6[%get3A_48], %broadcast_in_dim3A_3 {add = true} : memref<10000xf32, #tpu.memory_space<vmem>>[vector<16xi32>], vector<16xf32>,
    }
    %scan3A_8 = arith.constant 125 : i32
    %run_scoped3A = arith.constant 0 : i32
    "tpu.region"() ({
      %run_scoped3A_9 = tpu.sem_alloc : memref<!tpu.dma_semaphore, #tpu.memory_space<semaphore_mem>>
      %dma_start3A = arith.constant 0 : i32
      %dma_start3A_10 = tpu.memref_slice %arg4[%add3A, %run_scoped3A, %dma_start3A] : memref<32x1x10000xf32, #tpu.memory_space<hbm>> -> memref<1x1x10000xf32, #tpu.memory_space<hbm>>
      %dma_start3A_11 = tpu.memref_squeeze %dma_start3A_10 : memref<1x1x10000xf32, #tpu.memory_space<hbm>> -> memref<10000xf32, #tpu.memory_space<hbm>>
      %dma_start3A_12 = arith.constant 0 : i32
      %dma_start3A_13 = tpu.memref_slice %arg4[%add3A, %run_scoped3A, %dma_start3A_12] : memref<32x1x10000xf32, #tpu.memory_space<hbm>> -> memref<1x1x10000xf32, #tpu.memory_space<hbm>>
      %dma_start3A_14 = tpu.memref_squeeze %dma_start3A_13 : memref<1x1x10000xf32, #tpu.memory_space<hbm>> -> memref<10000xf32, #tpu.memory_space<hbm>>
      tpu.enqueue_dma source(%arg6 : memref<10000xf32, #tpu.memory_space<vmem>>) target(%dma_start3A_14 : memref<10000xf32, #tpu.memory_space<hbm>>) target_semaphore(%run_scoped3A_9 : memref<!tpu.dma_semaphore, #tpu.memory_space<semaphore_mem>>)
      %dma_wait3A = arith.constant 0 : i32
      %dma_wait3A_15 = tpu.memref_slice %arg4[%add3A, %run_scoped3A, %dma_wait3A] : memref<32x1x10000xf32, #tpu.memory_space<hbm>> -> memref<1x1x10000xf32, #tpu.memory_space<hbm>>
      %dma_wait3A_16 = tpu.memref_squeeze %dma_wait3A_15 : memref<1x1x10000xf32, #tpu.memory_space<hbm>> -> memref<10000xf32, #tpu.memory_space<hbm>>
      %dma_wait3A_17 = arith.constant 0 : i32
      %dma_wait3A_18 = tpu.memref_slice %arg4[%add3A, %run_scoped3A, %dma_wait3A_17] : memref<32x1x10000xf32, #tpu.memory_space<hbm>> -> memref<1x1x10000xf32, #tpu.memory_space<hbm>>
      %dma_wait3A_19 = tpu.memref_squeeze %dma_wait3A_18 : memref<1x1x10000xf32, #tpu.memory_space<hbm>> -> memref<10000xf32, #tpu.memory_space<hbm>>
      tpu.wait_dma2 semaphore(%run_scoped3A_9 : memref<!tpu.dma_semaphore, #tpu.memory_space<semaphore_mem>>) src(%arg6 : memref<10000xf32, #tpu.memory_space<vmem>>) dst(%dma_wait3A_19 : memref<10000xf32, #tpu.memory_space<hbm>>)
      tpu.yield
    }) : () -> ()
    return
  }
}

#map = affine_map<(d0, d1) -> (0)>
#map1 = affine_map<(d0, d1) -> (0, 0)>
#map2 = affine_map<(d0, d1) -> (0, 0, 0)>
module attributes {stable_mosaic.version = 14 : i64} {
  func.func @k(%arg0: i32, %arg1: i32, %arg2: memref<320000xi32, #tpu.memory_space<hbm>>, %arg3: memref<320000xi32, #tpu.memory_space<hbm>>, %arg4: memref<10000x64xf32, #tpu.memory_space<hbm>>, %arg5: memref<80x64xf32, #tpu.memory_space<hbm>>, %arg6: memref<2x10000x64xf32, #tpu.memory_space<hbm>>, %arg7: memref<10000xi32, #tpu.memory_space<vmem>>, %arg8: memref<10000xi32, #tpu.memory_space<vmem>>, %arg9: memref<80x64xf32, #tpu.memory_space<vmem>>, %arg10: memref<80x64xf32, #tpu.memory_space<vmem>>, %arg11: memref<80x64xf32, #tpu.memory_space<vmem>>, %arg12: memref<10000x64xf32, #tpu.memory_space<vmem_shared>>, %arg13: memref<!tpu.dma_semaphore, #tpu.memory_space<semaphore_mem>>, %arg14: memref<!tpu.dma_semaphore, #tpu.memory_space<semaphore_mem>>, %arg15: memref<!tpu.dma_semaphore, #tpu.memory_space<semaphore_mem>>, %arg16: memref<!tpu.dma_semaphore, #tpu.memory_space<semaphore_mem>>, %arg17: memref<!tpu.dma_semaphore, #tpu.memory_space<semaphore_mem>>, %arg18: memref<!tpu.dma_semaphore, #tpu.memory_space<semaphore_mem>>, %arg19: memref<!tpu.dma_semaphore, #tpu.memory_space<semaphore_mem>>) attributes {dimension_semantics = [#tpu.dimension_semantics<core_parallel>, #tpu.dimension_semantics<subcore_parallel>], iteration_bounds = array<i64: 2, 16>, scalar_prefetch = 0 : i64, scratch_operands = 13 : i64, tpu.core_type = #tpu.core_type<sc_vector_subcore>, window_params = [{transform_indices = #map}, {transform_indices = #map}, {transform_indices = #map1}, {transform_indices = #map1}, {transform_indices = #map2}]} {
    %mul3A = arith.constant 16 : i32
    %mul3A_0 = arith.muli %arg0, %mul3A : i32
    %add3A = arith.addi %mul3A_0, %arg1 : i32
    %mul3A_1 = arith.constant 10000 : i32
    %mul3A_2 = arith.muli %add3A, %mul3A_1 : i32
    %dma_start3A = tpu.memref_slice %arg2[%mul3A_2] : memref<320000xi32, #tpu.memory_space<hbm>> -> memref<10000xi32, #tpu.memory_space<hbm>>
    %dma_start3A_3 = tpu.memref_slice %arg2[%mul3A_2] : memref<320000xi32, #tpu.memory_space<hbm>> -> memref<10000xi32, #tpu.memory_space<hbm>>
    tpu.enqueue_dma source(%dma_start3A_3 : memref<10000xi32, #tpu.memory_space<hbm>>) target(%arg7 : memref<10000xi32, #tpu.memory_space<vmem>>) target_semaphore(%arg13 : memref<!tpu.dma_semaphore, #tpu.memory_space<semaphore_mem>>)
    %mul3A_4 = arith.constant 10000 : i32
    %mul3A_5 = arith.muli %add3A, %mul3A_4 : i32
    %dma_start3A_6 = tpu.memref_slice %arg3[%mul3A_5] : memref<320000xi32, #tpu.memory_space<hbm>> -> memref<10000xi32, #tpu.memory_space<hbm>>
    %dma_start3A_7 = tpu.memref_slice %arg3[%mul3A_5] : memref<320000xi32, #tpu.memory_space<hbm>> -> memref<10000xi32, #tpu.memory_space<hbm>>
    tpu.enqueue_dma source(%dma_start3A_7 : memref<10000xi32, #tpu.memory_space<hbm>>) target(%arg8 : memref<10000xi32, #tpu.memory_space<vmem>>) target_semaphore(%arg14 : memref<!tpu.dma_semaphore, #tpu.memory_space<semaphore_mem>>)
    "tpu.region"() ({
      %run_scoped3A = tpu.sem_alloc : memref<!tpu.dma_semaphore, #tpu.memory_space<semaphore_mem>>
      %dma_start3A_478 = arith.constant 0 : i32
      %dma_start3A_479 = arith.constant 0 : i32
      %dma_start3A_480 = tpu.memref_slice %arg10[%dma_start3A_478, %dma_start3A_479] : memref<80x64xf32, #tpu.memory_space<vmem>> -> memref<80x64xf32, #tpu.memory_space<vmem>>
      %dma_start3A_481 = arith.constant 0 : i32
      %dma_start3A_482 = arith.constant 0 : i32
      %dma_start3A_483 = tpu.memref_slice %arg10[%dma_start3A_481, %dma_start3A_482] : memref<80x64xf32, #tpu.memory_space<vmem>> -> memref<80x64xf32, #tpu.memory_space<vmem>>
      tpu.enqueue_dma source(%arg5 : memref<80x64xf32, #tpu.memory_space<hbm>>) target(%dma_start3A_483 : memref<80x64xf32, #tpu.memory_space<vmem>>) target_semaphore(%run_scoped3A : memref<!tpu.dma_semaphore, #tpu.memory_space<semaphore_mem>>)
      %dma_wait3A_484 = arith.constant 0 : i32
      %dma_wait3A_485 = arith.constant 0 : i32
      %dma_wait3A_486 = tpu.memref_slice %arg10[%dma_wait3A_484, %dma_wait3A_485] : memref<80x64xf32, #tpu.memory_space<vmem>> -> memref<80x64xf32, #tpu.memory_space<vmem>>
      %dma_wait3A_487 = arith.constant 0 : i32
      %dma_wait3A_488 = arith.constant 0 : i32
      %dma_wait3A_489 = tpu.memref_slice %arg10[%dma_wait3A_487, %dma_wait3A_488] : memref<80x64xf32, #tpu.memory_space<vmem>> -> memref<80x64xf32, #tpu.memory_space<vmem>>
      tpu.wait_dma2 semaphore(%run_scoped3A : memref<!tpu.dma_semaphore, #tpu.memory_space<semaphore_mem>>) src(%arg5 : memref<80x64xf32, #tpu.memory_space<hbm>>) dst(%dma_wait3A_489 : memref<80x64xf32, #tpu.memory_space<vmem>>)
      tpu.yield
    }) : () -> ()
    %add3A_8 = arith.constant 0 : i32
    %add3A_9 = arith.addi %add3A_8, %arg1 : i32
    %lt3A = arith.constant 125 : i32
    %lt3A_10 = arith.cmpi slt, %add3A_9, %lt3A : i32
    %convert_element_type3A = arith.extui %lt3A_10 : i1 to i32
    %cond3A = arith.constant 0 : i32
    %cond3A_11 = arith.cmpi ne, %convert_element_type3A, %cond3A : i32
    scf.if %cond3A_11 {
      %mul3A_478 = arith.constant 80 : i32
      %mul3A_479 = arith.muli %add3A_9, %mul3A_478 : i32
      %dma_start3A_480 = arith.constant 0 : i32
      %dma_start3A_481 = arith.constant 0 : i32
      %dma_start3A_482 = tpu.memref_slice %arg10[%dma_start3A_480, %dma_start3A_481] : memref<80x64xf32, #tpu.memory_space<vmem>> -> memref<80x64xf32, #tpu.memory_space<vmem>>
      %dma_start3A_483 = arith.constant 0 : i32
      %dma_start3A_484 = tpu.memref_slice %arg12[%mul3A_479, %dma_start3A_483] : memref<10000x64xf32, #tpu.memory_space<vmem_shared>> -> memref<80x64xf32, #tpu.memory_space<vmem_shared>>
      %dma_start3A_485 = arith.constant 0 : i32
      %dma_start3A_486 = tpu.memref_slice %arg12[%mul3A_479, %dma_start3A_485] : memref<10000x64xf32, #tpu.memory_space<vmem_shared>> -> memref<80x64xf32, #tpu.memory_space<vmem_shared>>
      %dma_start3A_487 = arith.constant 0 : i32
      %dma_start3A_488 = arith.constant 0 : i32
      %dma_start3A_489 = tpu.memref_slice %arg10[%dma_start3A_487, %dma_start3A_488] : memref<80x64xf32, #tpu.memory_space<vmem>> -> memref<80x64xf32, #tpu.memory_space<vmem>>
      tpu.enqueue_dma source(%dma_start3A_489 : memref<80x64xf32, #tpu.memory_space<vmem>>) target(%dma_start3A_486 : memref<80x64xf32, #tpu.memory_space<vmem_shared>>) target_semaphore(%arg19 : memref<!tpu.dma_semaphore, #tpu.memory_space<semaphore_mem>>)
    } else {
    }
    %add3A_12 = arith.constant 16 : i32
    %add3A_13 = arith.addi %add3A_12, %arg1 : i32
    %lt3A_14 = arith.constant 125 : i32
    %lt3A_15 = arith.cmpi slt, %add3A_13, %lt3A_14 : i32
    %convert_element_type3A_16 = arith.extui %lt3A_15 : i1 to i32
    %cond3A_17 = arith.constant 0 : i32
    %cond3A_18 = arith.cmpi ne, %convert_element_type3A_16, %cond3A_17 : i32
    scf.if %cond3A_18 {
      %mul3A_478 = arith.constant 80 : i32
      %mul3A_479 = arith.muli %add3A_13, %mul3A_478 : i32
      %dma_start3A_480 = arith.constant 0 : i32
      %dma_start3A_481 = arith.constant 0 : i32
      %dma_start3A_482 = tpu.memref_slice %arg10[%dma_start3A_480, %dma_start3A_481] : memref<80x64xf32, #tpu.memory_space<vmem>> -> memref<80x64xf32, #tpu.memory_space<vmem>>
      %dma_start3A_483 = arith.constant 0 : i32
      %dma_start3A_484 = tpu.memref_slice %arg12[%mul3A_479, %dma_start3A_483] : memref<10000x64xf32, #tpu.memory_space<vmem_shared>> -> memref<80x64xf32, #tpu.memory_space<vmem_shared>>
      %dma_start3A_485 = arith.constant 0 : i32
      %dma_start3A_486 = tpu.memref_slice %arg12[%mul3A_479, %dma_start3A_485] : memref<10000x64xf32, #tpu.memory_space<vmem_shared>> -> memref<80x64xf32, #tpu.memory_space<vmem_shared>>
      %dma_start3A_487 = arith.constant 0 : i32
      %dma_start3A_488 = arith.constant 0 : i32
      %dma_start3A_489 = tpu.memref_slice %arg10[%dma_start3A_487, %dma_start3A_488] : memref<80x64xf32, #tpu.memory_space<vmem>> -> memref<80x64xf32, #tpu.memory_space<vmem>>
      tpu.enqueue_dma source(%dma_start3A_489 : memref<80x64xf32, #tpu.memory_space<vmem>>) target(%dma_start3A_486 : memref<80x64xf32, #tpu.memory_space<vmem_shared>>) target_semaphore(%arg19 : memref<!tpu.dma_semaphore, #tpu.memory_space<semaphore_mem>>)
    } else {
    }
    %add3A_19 = arith.constant 32 : i32
    %add3A_20 = arith.addi %add3A_19, %arg1 : i32
    %lt3A_21 = arith.constant 125 : i32
    %lt3A_22 = arith.cmpi slt, %add3A_20, %lt3A_21 : i32
    %convert_element_type3A_23 = arith.extui %lt3A_22 : i1 to i32
    %cond3A_24 = arith.constant 0 : i32
    %cond3A_25 = arith.cmpi ne, %convert_element_type3A_23, %cond3A_24 : i32
    scf.if %cond3A_25 {
      %mul3A_478 = arith.constant 80 : i32
      %mul3A_479 = arith.muli %add3A_20, %mul3A_478 : i32
      %dma_start3A_480 = arith.constant 0 : i32
      %dma_start3A_481 = arith.constant 0 : i32
      %dma_start3A_482 = tpu.memref_slice %arg10[%dma_start3A_480, %dma_start3A_481] : memref<80x64xf32, #tpu.memory_space<vmem>> -> memref<80x64xf32, #tpu.memory_space<vmem>>
      %dma_start3A_483 = arith.constant 0 : i32
      %dma_start3A_484 = tpu.memref_slice %arg12[%mul3A_479, %dma_start3A_483] : memref<10000x64xf32, #tpu.memory_space<vmem_shared>> -> memref<80x64xf32, #tpu.memory_space<vmem_shared>>
      %dma_start3A_485 = arith.constant 0 : i32
      %dma_start3A_486 = tpu.memref_slice %arg12[%mul3A_479, %dma_start3A_485] : memref<10000x64xf32, #tpu.memory_space<vmem_shared>> -> memref<80x64xf32, #tpu.memory_space<vmem_shared>>
      %dma_start3A_487 = arith.constant 0 : i32
      %dma_start3A_488 = arith.constant 0 : i32
      %dma_start3A_489 = tpu.memref_slice %arg10[%dma_start3A_487, %dma_start3A_488] : memref<80x64xf32, #tpu.memory_space<vmem>> -> memref<80x64xf32, #tpu.memory_space<vmem>>
      tpu.enqueue_dma source(%dma_start3A_489 : memref<80x64xf32, #tpu.memory_space<vmem>>) target(%dma_start3A_486 : memref<80x64xf32, #tpu.memory_space<vmem_shared>>) target_semaphore(%arg19 : memref<!tpu.dma_semaphore, #tpu.memory_space<semaphore_mem>>)
    } else {
    }
    %add3A_26 = arith.constant 48 : i32
    %add3A_27 = arith.addi %add3A_26, %arg1 : i32
    %lt3A_28 = arith.constant 125 : i32
    %lt3A_29 = arith.cmpi slt, %add3A_27, %lt3A_28 : i32
    %convert_element_type3A_30 = arith.extui %lt3A_29 : i1 to i32
    %cond3A_31 = arith.constant 0 : i32
    %cond3A_32 = arith.cmpi ne, %convert_element_type3A_30, %cond3A_31 : i32
    scf.if %cond3A_32 {
      %mul3A_478 = arith.constant 80 : i32
      %mul3A_479 = arith.muli %add3A_27, %mul3A_478 : i32
      %dma_start3A_480 = arith.constant 0 : i32
      %dma_start3A_481 = arith.constant 0 : i32
      %dma_start3A_482 = tpu.memref_slice %arg10[%dma_start3A_480, %dma_start3A_481] : memref<80x64xf32, #tpu.memory_space<vmem>> -> memref<80x64xf32, #tpu.memory_space<vmem>>
      %dma_start3A_483 = arith.constant 0 : i32
      %dma_start3A_484 = tpu.memref_slice %arg12[%mul3A_479, %dma_start3A_483] : memref<10000x64xf32, #tpu.memory_space<vmem_shared>> -> memref<80x64xf32, #tpu.memory_space<vmem_shared>>
      %dma_start3A_485 = arith.constant 0 : i32
      %dma_start3A_486 = tpu.memref_slice %arg12[%mul3A_479, %dma_start3A_485] : memref<10000x64xf32, #tpu.memory_space<vmem_shared>> -> memref<80x64xf32, #tpu.memory_space<vmem_shared>>
      %dma_start3A_487 = arith.constant 0 : i32
      %dma_start3A_488 = arith.constant 0 : i32
      %dma_start3A_489 = tpu.memref_slice %arg10[%dma_start3A_487, %dma_start3A_488] : memref<80x64xf32, #tpu.memory_space<vmem>> -> memref<80x64xf32, #tpu.memory_space<vmem>>
      tpu.enqueue_dma source(%dma_start3A_489 : memref<80x64xf32, #tpu.memory_space<vmem>>) target(%dma_start3A_486 : memref<80x64xf32, #tpu.memory_space<vmem_shared>>) target_semaphore(%arg19 : memref<!tpu.dma_semaphore, #tpu.memory_space<semaphore_mem>>)
    } else {
    }
    %add3A_33 = arith.constant 64 : i32
    %add3A_34 = arith.addi %add3A_33, %arg1 : i32
    %lt3A_35 = arith.constant 125 : i32
    %lt3A_36 = arith.cmpi slt, %add3A_34, %lt3A_35 : i32
    %convert_element_type3A_37 = arith.extui %lt3A_36 : i1 to i32
    %cond3A_38 = arith.constant 0 : i32
    %cond3A_39 = arith.cmpi ne, %convert_element_type3A_37, %cond3A_38 : i32
    scf.if %cond3A_39 {
      %mul3A_478 = arith.constant 80 : i32
      %mul3A_479 = arith.muli %add3A_34, %mul3A_478 : i32
      %dma_start3A_480 = arith.constant 0 : i32
      %dma_start3A_481 = arith.constant 0 : i32
      %dma_start3A_482 = tpu.memref_slice %arg10[%dma_start3A_480, %dma_start3A_481] : memref<80x64xf32, #tpu.memory_space<vmem>> -> memref<80x64xf32, #tpu.memory_space<vmem>>
      %dma_start3A_483 = arith.constant 0 : i32
      %dma_start3A_484 = tpu.memref_slice %arg12[%mul3A_479, %dma_start3A_483] : memref<10000x64xf32, #tpu.memory_space<vmem_shared>> -> memref<80x64xf32, #tpu.memory_space<vmem_shared>>
      %dma_start3A_485 = arith.constant 0 : i32
      %dma_start3A_486 = tpu.memref_slice %arg12[%mul3A_479, %dma_start3A_485] : memref<10000x64xf32, #tpu.memory_space<vmem_shared>> -> memref<80x64xf32, #tpu.memory_space<vmem_shared>>
      %dma_start3A_487 = arith.constant 0 : i32
      %dma_start3A_488 = arith.constant 0 : i32
      %dma_start3A_489 = tpu.memref_slice %arg10[%dma_start3A_487, %dma_start3A_488] : memref<80x64xf32, #tpu.memory_space<vmem>> -> memref<80x64xf32, #tpu.memory_space<vmem>>
      tpu.enqueue_dma source(%dma_start3A_489 : memref<80x64xf32, #tpu.memory_space<vmem>>) target(%dma_start3A_486 : memref<80x64xf32, #tpu.memory_space<vmem_shared>>) target_semaphore(%arg19 : memref<!tpu.dma_semaphore, #tpu.memory_space<semaphore_mem>>)
    } else {
    }
    %add3A_40 = arith.constant 80 : i32
    %add3A_41 = arith.addi %add3A_40, %arg1 : i32
    %lt3A_42 = arith.constant 125 : i32
    %lt3A_43 = arith.cmpi slt, %add3A_41, %lt3A_42 : i32
    %convert_element_type3A_44 = arith.extui %lt3A_43 : i1 to i32
    %cond3A_45 = arith.constant 0 : i32
    %cond3A_46 = arith.cmpi ne, %convert_element_type3A_44, %cond3A_45 : i32
    scf.if %cond3A_46 {
      %mul3A_478 = arith.constant 80 : i32
      %mul3A_479 = arith.muli %add3A_41, %mul3A_478 : i32
      %dma_start3A_480 = arith.constant 0 : i32
      %dma_start3A_481 = arith.constant 0 : i32
      %dma_start3A_482 = tpu.memref_slice %arg10[%dma_start3A_480, %dma_start3A_481] : memref<80x64xf32, #tpu.memory_space<vmem>> -> memref<80x64xf32, #tpu.memory_space<vmem>>
      %dma_start3A_483 = arith.constant 0 : i32
      %dma_start3A_484 = tpu.memref_slice %arg12[%mul3A_479, %dma_start3A_483] : memref<10000x64xf32, #tpu.memory_space<vmem_shared>> -> memref<80x64xf32, #tpu.memory_space<vmem_shared>>
      %dma_start3A_485 = arith.constant 0 : i32
      %dma_start3A_486 = tpu.memref_slice %arg12[%mul3A_479, %dma_start3A_485] : memref<10000x64xf32, #tpu.memory_space<vmem_shared>> -> memref<80x64xf32, #tpu.memory_space<vmem_shared>>
      %dma_start3A_487 = arith.constant 0 : i32
      %dma_start3A_488 = arith.constant 0 : i32
      %dma_start3A_489 = tpu.memref_slice %arg10[%dma_start3A_487, %dma_start3A_488] : memref<80x64xf32, #tpu.memory_space<vmem>> -> memref<80x64xf32, #tpu.memory_space<vmem>>
      tpu.enqueue_dma source(%dma_start3A_489 : memref<80x64xf32, #tpu.memory_space<vmem>>) target(%dma_start3A_486 : memref<80x64xf32, #tpu.memory_space<vmem_shared>>) target_semaphore(%arg19 : memref<!tpu.dma_semaphore, #tpu.memory_space<semaphore_mem>>)
    } else {
    }
    %add3A_47 = arith.constant 96 : i32
    %add3A_48 = arith.addi %add3A_47, %arg1 : i32
    %lt3A_49 = arith.constant 125 : i32
    %lt3A_50 = arith.cmpi slt, %add3A_48, %lt3A_49 : i32
    %convert_element_type3A_51 = arith.extui %lt3A_50 : i1 to i32
    %cond3A_52 = arith.constant 0 : i32
    %cond3A_53 = arith.cmpi ne, %convert_element_type3A_51, %cond3A_52 : i32
    scf.if %cond3A_53 {
      %mul3A_478 = arith.constant 80 : i32
      %mul3A_479 = arith.muli %add3A_48, %mul3A_478 : i32
      %dma_start3A_480 = arith.constant 0 : i32
      %dma_start3A_481 = arith.constant 0 : i32
      %dma_start3A_482 = tpu.memref_slice %arg10[%dma_start3A_480, %dma_start3A_481] : memref<80x64xf32, #tpu.memory_space<vmem>> -> memref<80x64xf32, #tpu.memory_space<vmem>>
      %dma_start3A_483 = arith.constant 0 : i32
      %dma_start3A_484 = tpu.memref_slice %arg12[%mul3A_479, %dma_start3A_483] : memref<10000x64xf32, #tpu.memory_space<vmem_shared>> -> memref<80x64xf32, #tpu.memory_space<vmem_shared>>
      %dma_start3A_485 = arith.constant 0 : i32
      %dma_start3A_486 = tpu.memref_slice %arg12[%mul3A_479, %dma_start3A_485] : memref<10000x64xf32, #tpu.memory_space<vmem_shared>> -> memref<80x64xf32, #tpu.memory_space<vmem_shared>>
      %dma_start3A_487 = arith.constant 0 : i32
      %dma_start3A_488 = arith.constant 0 : i32
      %dma_start3A_489 = tpu.memref_slice %arg10[%dma_start3A_487, %dma_start3A_488] : memref<80x64xf32, #tpu.memory_space<vmem>> -> memref<80x64xf32, #tpu.memory_space<vmem>>
      tpu.enqueue_dma source(%dma_start3A_489 : memref<80x64xf32, #tpu.memory_space<vmem>>) target(%dma_start3A_486 : memref<80x64xf32, #tpu.memory_space<vmem_shared>>) target_semaphore(%arg19 : memref<!tpu.dma_semaphore, #tpu.memory_space<semaphore_mem>>)
    } else {
    }
    %add3A_54 = arith.constant 112 : i32
    %add3A_55 = arith.addi %add3A_54, %arg1 : i32
    %lt3A_56 = arith.constant 125 : i32
    %lt3A_57 = arith.cmpi slt, %add3A_55, %lt3A_56 : i32
    %convert_element_type3A_58 = arith.extui %lt3A_57 : i1 to i32
    %cond3A_59 = arith.constant 0 : i32
    %cond3A_60 = arith.cmpi ne, %convert_element_type3A_58, %cond3A_59 : i32
    scf.if %cond3A_60 {
      %mul3A_478 = arith.constant 80 : i32
      %mul3A_479 = arith.muli %add3A_55, %mul3A_478 : i32
      %dma_start3A_480 = arith.constant 0 : i32
      %dma_start3A_481 = arith.constant 0 : i32
      %dma_start3A_482 = tpu.memref_slice %arg10[%dma_start3A_480, %dma_start3A_481] : memref<80x64xf32, #tpu.memory_space<vmem>> -> memref<80x64xf32, #tpu.memory_space<vmem>>
      %dma_start3A_483 = arith.constant 0 : i32
      %dma_start3A_484 = tpu.memref_slice %arg12[%mul3A_479, %dma_start3A_483] : memref<10000x64xf32, #tpu.memory_space<vmem_shared>> -> memref<80x64xf32, #tpu.memory_space<vmem_shared>>
      %dma_start3A_485 = arith.constant 0 : i32
      %dma_start3A_486 = tpu.memref_slice %arg12[%mul3A_479, %dma_start3A_485] : memref<10000x64xf32, #tpu.memory_space<vmem_shared>> -> memref<80x64xf32, #tpu.memory_space<vmem_shared>>
      %dma_start3A_487 = arith.constant 0 : i32
      %dma_start3A_488 = arith.constant 0 : i32
      %dma_start3A_489 = tpu.memref_slice %arg10[%dma_start3A_487, %dma_start3A_488] : memref<80x64xf32, #tpu.memory_space<vmem>> -> memref<80x64xf32, #tpu.memory_space<vmem>>
      tpu.enqueue_dma source(%dma_start3A_489 : memref<80x64xf32, #tpu.memory_space<vmem>>) target(%dma_start3A_486 : memref<80x64xf32, #tpu.memory_space<vmem_shared>>) target_semaphore(%arg19 : memref<!tpu.dma_semaphore, #tpu.memory_space<semaphore_mem>>)
    } else {
    }
    %add3A_61 = arith.constant 0 : i32
    %add3A_62 = arith.addi %add3A_61, %arg1 : i32
    %lt3A_63 = arith.constant 125 : i32
    %lt3A_64 = arith.cmpi slt, %add3A_62, %lt3A_63 : i32
    %convert_element_type3A_65 = arith.extui %lt3A_64 : i1 to i32
    %cond3A_66 = arith.constant 0 : i32
    %cond3A_67 = arith.cmpi ne, %convert_element_type3A_65, %cond3A_66 : i32
    scf.if %cond3A_67 {
      %mul3A_478 = arith.constant 80 : i32
      %mul3A_479 = arith.muli %add3A_62, %mul3A_478 : i32
      %dma_wait3A_480 = arith.constant 0 : i32
      %dma_wait3A_481 = arith.constant 0 : i32
      %dma_wait3A_482 = tpu.memref_slice %arg10[%dma_wait3A_480, %dma_wait3A_481] : memref<80x64xf32, #tpu.memory_space<vmem>> -> memref<80x64xf32, #tpu.memory_space<vmem>>
      %dma_wait3A_483 = arith.constant 0 : i32
      %dma_wait3A_484 = tpu.memref_slice %arg12[%mul3A_479, %dma_wait3A_483] : memref<10000x64xf32, #tpu.memory_space<vmem_shared>> -> memref<80x64xf32, #tpu.memory_space<vmem_shared>>
      %dma_wait3A_485 = arith.constant 0 : i32
      %dma_wait3A_486 = tpu.memref_slice %arg12[%mul3A_479, %dma_wait3A_485] : memref<10000x64xf32, #tpu.memory_space<vmem_shared>> -> memref<80x64xf32, #tpu.memory_space<vmem_shared>>
      %dma_wait3A_487 = arith.constant 0 : i32
      %dma_wait3A_488 = arith.constant 0 : i32
      %dma_wait3A_489 = tpu.memref_slice %arg10[%dma_wait3A_487, %dma_wait3A_488] : memref<80x64xf32, #tpu.memory_space<vmem>> -> memref<80x64xf32, #tpu.memory_space<vmem>>
      tpu.wait_dma2 semaphore(%arg19 : memref<!tpu.dma_semaphore, #tpu.memory_space<semaphore_mem>>) src(%dma_wait3A_489 : memref<80x64xf32, #tpu.memory_space<vmem>>) dst(%dma_wait3A_486 : memref<80x64xf32, #tpu.memory_space<vmem_shared>>)
    } else {
    }
    %add3A_68 = arith.constant 16 : i32
    %add3A_69 = arith.addi %add3A_68, %arg1 : i32
    %lt3A_70 = arith.constant 125 : i32
    %lt3A_71 = arith.cmpi slt, %add3A_69, %lt3A_70 : i32
    %convert_element_type3A_72 = arith.extui %lt3A_71 : i1 to i32
    %cond3A_73 = arith.constant 0 : i32
    %cond3A_74 = arith.cmpi ne, %convert_element_type3A_72, %cond3A_73 : i32
    scf.if %cond3A_74 {
      %mul3A_478 = arith.constant 80 : i32
      %mul3A_479 = arith.muli %add3A_69, %mul3A_478 : i32
      %dma_wait3A_480 = arith.constant 0 : i32
      %dma_wait3A_481 = arith.constant 0 : i32
      %dma_wait3A_482 = tpu.memref_slice %arg10[%dma_wait3A_480, %dma_wait3A_481] : memref<80x64xf32, #tpu.memory_space<vmem>> -> memref<80x64xf32, #tpu.memory_space<vmem>>
      %dma_wait3A_483 = arith.constant 0 : i32
      %dma_wait3A_484 = tpu.memref_slice %arg12[%mul3A_479, %dma_wait3A_483] : memref<10000x64xf32, #tpu.memory_space<vmem_shared>> -> memref<80x64xf32, #tpu.memory_space<vmem_shared>>
      %dma_wait3A_485 = arith.constant 0 : i32
      %dma_wait3A_486 = tpu.memref_slice %arg12[%mul3A_479, %dma_wait3A_485] : memref<10000x64xf32, #tpu.memory_space<vmem_shared>> -> memref<80x64xf32, #tpu.memory_space<vmem_shared>>
      %dma_wait3A_487 = arith.constant 0 : i32
      %dma_wait3A_488 = arith.constant 0 : i32
      %dma_wait3A_489 = tpu.memref_slice %arg10[%dma_wait3A_487, %dma_wait3A_488] : memref<80x64xf32, #tpu.memory_space<vmem>> -> memref<80x64xf32, #tpu.memory_space<vmem>>
      tpu.wait_dma2 semaphore(%arg19 : memref<!tpu.dma_semaphore, #tpu.memory_space<semaphore_mem>>) src(%dma_wait3A_489 : memref<80x64xf32, #tpu.memory_space<vmem>>) dst(%dma_wait3A_486 : memref<80x64xf32, #tpu.memory_space<vmem_shared>>)
    } else {
    }
    %add3A_75 = arith.constant 32 : i32
    %add3A_76 = arith.addi %add3A_75, %arg1 : i32
    %lt3A_77 = arith.constant 125 : i32
    %lt3A_78 = arith.cmpi slt, %add3A_76, %lt3A_77 : i32
    %convert_element_type3A_79 = arith.extui %lt3A_78 : i1 to i32
    %cond3A_80 = arith.constant 0 : i32
    %cond3A_81 = arith.cmpi ne, %convert_element_type3A_79, %cond3A_80 : i32
    scf.if %cond3A_81 {
      %mul3A_478 = arith.constant 80 : i32
      %mul3A_479 = arith.muli %add3A_76, %mul3A_478 : i32
      %dma_wait3A_480 = arith.constant 0 : i32
      %dma_wait3A_481 = arith.constant 0 : i32
      %dma_wait3A_482 = tpu.memref_slice %arg10[%dma_wait3A_480, %dma_wait3A_481] : memref<80x64xf32, #tpu.memory_space<vmem>> -> memref<80x64xf32, #tpu.memory_space<vmem>>
      %dma_wait3A_483 = arith.constant 0 : i32
      %dma_wait3A_484 = tpu.memref_slice %arg12[%mul3A_479, %dma_wait3A_483] : memref<10000x64xf32, #tpu.memory_space<vmem_shared>> -> memref<80x64xf32, #tpu.memory_space<vmem_shared>>
      %dma_wait3A_485 = arith.constant 0 : i32
      %dma_wait3A_486 = tpu.memref_slice %arg12[%mul3A_479, %dma_wait3A_485] : memref<10000x64xf32, #tpu.memory_space<vmem_shared>> -> memref<80x64xf32, #tpu.memory_space<vmem_shared>>
      %dma_wait3A_487 = arith.constant 0 : i32
      %dma_wait3A_488 = arith.constant 0 : i32
      %dma_wait3A_489 = tpu.memref_slice %arg10[%dma_wait3A_487, %dma_wait3A_488] : memref<80x64xf32, #tpu.memory_space<vmem>> -> memref<80x64xf32, #tpu.memory_space<vmem>>
      tpu.wait_dma2 semaphore(%arg19 : memref<!tpu.dma_semaphore, #tpu.memory_space<semaphore_mem>>) src(%dma_wait3A_489 : memref<80x64xf32, #tpu.memory_space<vmem>>) dst(%dma_wait3A_486 : memref<80x64xf32, #tpu.memory_space<vmem_shared>>)
    } else {
    }
    %add3A_82 = arith.constant 48 : i32
    %add3A_83 = arith.addi %add3A_82, %arg1 : i32
    %lt3A_84 = arith.constant 125 : i32
    %lt3A_85 = arith.cmpi slt, %add3A_83, %lt3A_84 : i32
    %convert_element_type3A_86 = arith.extui %lt3A_85 : i1 to i32
    %cond3A_87 = arith.constant 0 : i32
    %cond3A_88 = arith.cmpi ne, %convert_element_type3A_86, %cond3A_87 : i32
    scf.if %cond3A_88 {
      %mul3A_478 = arith.constant 80 : i32
      %mul3A_479 = arith.muli %add3A_83, %mul3A_478 : i32
      %dma_wait3A_480 = arith.constant 0 : i32
      %dma_wait3A_481 = arith.constant 0 : i32
      %dma_wait3A_482 = tpu.memref_slice %arg10[%dma_wait3A_480, %dma_wait3A_481] : memref<80x64xf32, #tpu.memory_space<vmem>> -> memref<80x64xf32, #tpu.memory_space<vmem>>
      %dma_wait3A_483 = arith.constant 0 : i32
      %dma_wait3A_484 = tpu.memref_slice %arg12[%mul3A_479, %dma_wait3A_483] : memref<10000x64xf32, #tpu.memory_space<vmem_shared>> -> memref<80x64xf32, #tpu.memory_space<vmem_shared>>
      %dma_wait3A_485 = arith.constant 0 : i32
      %dma_wait3A_486 = tpu.memref_slice %arg12[%mul3A_479, %dma_wait3A_485] : memref<10000x64xf32, #tpu.memory_space<vmem_shared>> -> memref<80x64xf32, #tpu.memory_space<vmem_shared>>
      %dma_wait3A_487 = arith.constant 0 : i32
      %dma_wait3A_488 = arith.constant 0 : i32
      %dma_wait3A_489 = tpu.memref_slice %arg10[%dma_wait3A_487, %dma_wait3A_488] : memref<80x64xf32, #tpu.memory_space<vmem>> -> memref<80x64xf32, #tpu.memory_space<vmem>>
      tpu.wait_dma2 semaphore(%arg19 : memref<!tpu.dma_semaphore, #tpu.memory_space<semaphore_mem>>) src(%dma_wait3A_489 : memref<80x64xf32, #tpu.memory_space<vmem>>) dst(%dma_wait3A_486 : memref<80x64xf32, #tpu.memory_space<vmem_shared>>)
    } else {
    }
    %add3A_89 = arith.constant 64 : i32
    %add3A_90 = arith.addi %add3A_89, %arg1 : i32
    %lt3A_91 = arith.constant 125 : i32
    %lt3A_92 = arith.cmpi slt, %add3A_90, %lt3A_91 : i32
    %convert_element_type3A_93 = arith.extui %lt3A_92 : i1 to i32
    %cond3A_94 = arith.constant 0 : i32
    %cond3A_95 = arith.cmpi ne, %convert_element_type3A_93, %cond3A_94 : i32
    scf.if %cond3A_95 {
      %mul3A_478 = arith.constant 80 : i32
      %mul3A_479 = arith.muli %add3A_90, %mul3A_478 : i32
      %dma_wait3A_480 = arith.constant 0 : i32
      %dma_wait3A_481 = arith.constant 0 : i32
      %dma_wait3A_482 = tpu.memref_slice %arg10[%dma_wait3A_480, %dma_wait3A_481] : memref<80x64xf32, #tpu.memory_space<vmem>> -> memref<80x64xf32, #tpu.memory_space<vmem>>
      %dma_wait3A_483 = arith.constant 0 : i32
      %dma_wait3A_484 = tpu.memref_slice %arg12[%mul3A_479, %dma_wait3A_483] : memref<10000x64xf32, #tpu.memory_space<vmem_shared>> -> memref<80x64xf32, #tpu.memory_space<vmem_shared>>
      %dma_wait3A_485 = arith.constant 0 : i32
      %dma_wait3A_486 = tpu.memref_slice %arg12[%mul3A_479, %dma_wait3A_485] : memref<10000x64xf32, #tpu.memory_space<vmem_shared>> -> memref<80x64xf32, #tpu.memory_space<vmem_shared>>
      %dma_wait3A_487 = arith.constant 0 : i32
      %dma_wait3A_488 = arith.constant 0 : i32
      %dma_wait3A_489 = tpu.memref_slice %arg10[%dma_wait3A_487, %dma_wait3A_488] : memref<80x64xf32, #tpu.memory_space<vmem>> -> memref<80x64xf32, #tpu.memory_space<vmem>>
      tpu.wait_dma2 semaphore(%arg19 : memref<!tpu.dma_semaphore, #tpu.memory_space<semaphore_mem>>) src(%dma_wait3A_489 : memref<80x64xf32, #tpu.memory_space<vmem>>) dst(%dma_wait3A_486 : memref<80x64xf32, #tpu.memory_space<vmem_shared>>)
    } else {
    }
    %add3A_96 = arith.constant 80 : i32
    %add3A_97 = arith.addi %add3A_96, %arg1 : i32
    %lt3A_98 = arith.constant 125 : i32
    %lt3A_99 = arith.cmpi slt, %add3A_97, %lt3A_98 : i32
    %convert_element_type3A_100 = arith.extui %lt3A_99 : i1 to i32
    %cond3A_101 = arith.constant 0 : i32
    %cond3A_102 = arith.cmpi ne, %convert_element_type3A_100, %cond3A_101 : i32
    scf.if %cond3A_102 {
      %mul3A_478 = arith.constant 80 : i32
      %mul3A_479 = arith.muli %add3A_97, %mul3A_478 : i32
      %dma_wait3A_480 = arith.constant 0 : i32
      %dma_wait3A_481 = arith.constant 0 : i32
      %dma_wait3A_482 = tpu.memref_slice %arg10[%dma_wait3A_480, %dma_wait3A_481] : memref<80x64xf32, #tpu.memory_space<vmem>> -> memref<80x64xf32, #tpu.memory_space<vmem>>
      %dma_wait3A_483 = arith.constant 0 : i32
      %dma_wait3A_484 = tpu.memref_slice %arg12[%mul3A_479, %dma_wait3A_483] : memref<10000x64xf32, #tpu.memory_space<vmem_shared>> -> memref<80x64xf32, #tpu.memory_space<vmem_shared>>
      %dma_wait3A_485 = arith.constant 0 : i32
      %dma_wait3A_486 = tpu.memref_slice %arg12[%mul3A_479, %dma_wait3A_485] : memref<10000x64xf32, #tpu.memory_space<vmem_shared>> -> memref<80x64xf32, #tpu.memory_space<vmem_shared>>
      %dma_wait3A_487 = arith.constant 0 : i32
      %dma_wait3A_488 = arith.constant 0 : i32
      %dma_wait3A_489 = tpu.memref_slice %arg10[%dma_wait3A_487, %dma_wait3A_488] : memref<80x64xf32, #tpu.memory_space<vmem>> -> memref<80x64xf32, #tpu.memory_space<vmem>>
      tpu.wait_dma2 semaphore(%arg19 : memref<!tpu.dma_semaphore, #tpu.memory_space<semaphore_mem>>) src(%dma_wait3A_489 : memref<80x64xf32, #tpu.memory_space<vmem>>) dst(%dma_wait3A_486 : memref<80x64xf32, #tpu.memory_space<vmem_shared>>)
    } else {
    }
    %add3A_103 = arith.constant 96 : i32
    %add3A_104 = arith.addi %add3A_103, %arg1 : i32
    %lt3A_105 = arith.constant 125 : i32
    %lt3A_106 = arith.cmpi slt, %add3A_104, %lt3A_105 : i32
    %convert_element_type3A_107 = arith.extui %lt3A_106 : i1 to i32
    %cond3A_108 = arith.constant 0 : i32
    %cond3A_109 = arith.cmpi ne, %convert_element_type3A_107, %cond3A_108 : i32
    scf.if %cond3A_109 {
      %mul3A_478 = arith.constant 80 : i32
      %mul3A_479 = arith.muli %add3A_104, %mul3A_478 : i32
      %dma_wait3A_480 = arith.constant 0 : i32
      %dma_wait3A_481 = arith.constant 0 : i32
      %dma_wait3A_482 = tpu.memref_slice %arg10[%dma_wait3A_480, %dma_wait3A_481] : memref<80x64xf32, #tpu.memory_space<vmem>> -> memref<80x64xf32, #tpu.memory_space<vmem>>
      %dma_wait3A_483 = arith.constant 0 : i32
      %dma_wait3A_484 = tpu.memref_slice %arg12[%mul3A_479, %dma_wait3A_483] : memref<10000x64xf32, #tpu.memory_space<vmem_shared>> -> memref<80x64xf32, #tpu.memory_space<vmem_shared>>
      %dma_wait3A_485 = arith.constant 0 : i32
      %dma_wait3A_486 = tpu.memref_slice %arg12[%mul3A_479, %dma_wait3A_485] : memref<10000x64xf32, #tpu.memory_space<vmem_shared>> -> memref<80x64xf32, #tpu.memory_space<vmem_shared>>
      %dma_wait3A_487 = arith.constant 0 : i32
      %dma_wait3A_488 = arith.constant 0 : i32
      %dma_wait3A_489 = tpu.memref_slice %arg10[%dma_wait3A_487, %dma_wait3A_488] : memref<80x64xf32, #tpu.memory_space<vmem>> -> memref<80x64xf32, #tpu.memory_space<vmem>>
      tpu.wait_dma2 semaphore(%arg19 : memref<!tpu.dma_semaphore, #tpu.memory_space<semaphore_mem>>) src(%dma_wait3A_489 : memref<80x64xf32, #tpu.memory_space<vmem>>) dst(%dma_wait3A_486 : memref<80x64xf32, #tpu.memory_space<vmem_shared>>)
    } else {
    }
    %add3A_110 = arith.constant 112 : i32
    %add3A_111 = arith.addi %add3A_110, %arg1 : i32
    %lt3A_112 = arith.constant 125 : i32
    %lt3A_113 = arith.cmpi slt, %add3A_111, %lt3A_112 : i32
    %convert_element_type3A_114 = arith.extui %lt3A_113 : i1 to i32
    %cond3A_115 = arith.constant 0 : i32
    %cond3A_116 = arith.cmpi ne, %convert_element_type3A_114, %cond3A_115 : i32
    scf.if %cond3A_116 {
      %mul3A_478 = arith.constant 80 : i32
      %mul3A_479 = arith.muli %add3A_111, %mul3A_478 : i32
      %dma_wait3A_480 = arith.constant 0 : i32
      %dma_wait3A_481 = arith.constant 0 : i32
      %dma_wait3A_482 = tpu.memref_slice %arg10[%dma_wait3A_480, %dma_wait3A_481] : memref<80x64xf32, #tpu.memory_space<vmem>> -> memref<80x64xf32, #tpu.memory_space<vmem>>
      %dma_wait3A_483 = arith.constant 0 : i32
      %dma_wait3A_484 = tpu.memref_slice %arg12[%mul3A_479, %dma_wait3A_483] : memref<10000x64xf32, #tpu.memory_space<vmem_shared>> -> memref<80x64xf32, #tpu.memory_space<vmem_shared>>
      %dma_wait3A_485 = arith.constant 0 : i32
      %dma_wait3A_486 = tpu.memref_slice %arg12[%mul3A_479, %dma_wait3A_485] : memref<10000x64xf32, #tpu.memory_space<vmem_shared>> -> memref<80x64xf32, #tpu.memory_space<vmem_shared>>
      %dma_wait3A_487 = arith.constant 0 : i32
      %dma_wait3A_488 = arith.constant 0 : i32
      %dma_wait3A_489 = tpu.memref_slice %arg10[%dma_wait3A_487, %dma_wait3A_488] : memref<80x64xf32, #tpu.memory_space<vmem>> -> memref<80x64xf32, #tpu.memory_space<vmem>>
      tpu.wait_dma2 semaphore(%arg19 : memref<!tpu.dma_semaphore, #tpu.memory_space<semaphore_mem>>) src(%dma_wait3A_489 : memref<80x64xf32, #tpu.memory_space<vmem>>) dst(%dma_wait3A_486 : memref<80x64xf32, #tpu.memory_space<vmem_shared>>)
    } else {
    }
    %dma_wait3A = tpu.memref_slice %arg2[%mul3A_2] : memref<320000xi32, #tpu.memory_space<hbm>> -> memref<10000xi32, #tpu.memory_space<hbm>>
    %dma_wait3A_117 = tpu.memref_slice %arg2[%mul3A_2] : memref<320000xi32, #tpu.memory_space<hbm>> -> memref<10000xi32, #tpu.memory_space<hbm>>
    tpu.wait_dma2 semaphore(%arg13 : memref<!tpu.dma_semaphore, #tpu.memory_space<semaphore_mem>>) src(%dma_wait3A_117 : memref<10000xi32, #tpu.memory_space<hbm>>) dst(%arg7 : memref<10000xi32, #tpu.memory_space<vmem>>)
    %dma_wait3A_118 = tpu.memref_slice %arg3[%mul3A_5] : memref<320000xi32, #tpu.memory_space<hbm>> -> memref<10000xi32, #tpu.memory_space<hbm>>
    %dma_wait3A_119 = tpu.memref_slice %arg3[%mul3A_5] : memref<320000xi32, #tpu.memory_space<hbm>> -> memref<10000xi32, #tpu.memory_space<hbm>>
    tpu.wait_dma2 semaphore(%arg14 : memref<!tpu.dma_semaphore, #tpu.memory_space<semaphore_mem>>) src(%dma_wait3A_119 : memref<10000xi32, #tpu.memory_space<hbm>>) dst(%arg8 : memref<10000xi32, #tpu.memory_space<vmem>>)
    %barrier3A = arith.constant 0 : index
    tpu.barrier barrier_id(%barrier3A)
    %dma_start3A_120 = arith.constant 0 : i32
    %dma_start3A_121 = tpu.memref_slice %arg7[%dma_start3A_120] : memref<10000xi32, #tpu.memory_space<vmem>> -> memref<80xi32, #tpu.memory_space<vmem>>
    %dma_start3A_122 = arith.constant 0 : i32
    %dma_start3A_123 = arith.constant 0 : i32
    %dma_start3A_124 = tpu.memref_slice %arg4[%dma_start3A_122, %dma_start3A_123] : memref<10000x64xf32, #tpu.memory_space<hbm>> -> memref<10000x64xf32, #tpu.memory_space<hbm>>
    tpu.enqueue_indirect_dma source(%dma_start3A_124 : memref<10000x64xf32, #tpu.memory_space<hbm>>) target(%arg9 : memref<80x64xf32, #tpu.memory_space<vmem>>) offsets(%dma_start3A_121 : memref<80xi32, #tpu.memory_space<vmem>>) semaphore(%arg13 : memref<!tpu.dma_semaphore, #tpu.memory_space<semaphore_mem>>)
    %dma_start3A_125 = arith.constant 80 : i32
    %dma_start3A_126 = tpu.memref_slice %arg7[%dma_start3A_125] : memref<10000xi32, #tpu.memory_space<vmem>> -> memref<80xi32, #tpu.memory_space<vmem>>
    %dma_start3A_127 = arith.constant 0 : i32
    %dma_start3A_128 = arith.constant 0 : i32
    %dma_start3A_129 = tpu.memref_slice %arg4[%dma_start3A_127, %dma_start3A_128] : memref<10000x64xf32, #tpu.memory_space<hbm>> -> memref<10000x64xf32, #tpu.memory_space<hbm>>
    tpu.enqueue_indirect_dma source(%dma_start3A_129 : memref<10000x64xf32, #tpu.memory_space<hbm>>) target(%arg10 : memref<80x64xf32, #tpu.memory_space<vmem>>) offsets(%dma_start3A_126 : memref<80xi32, #tpu.memory_space<vmem>>) semaphore(%arg14 : memref<!tpu.dma_semaphore, #tpu.memory_space<semaphore_mem>>)
    %dma_wait3A_130 = arith.constant 0 : i32
    %dma_wait3A_131 = tpu.memref_slice %arg7[%dma_wait3A_130] : memref<10000xi32, #tpu.memory_space<vmem>> -> memref<80xi32, #tpu.memory_space<vmem>>
    %dma_wait3A_132 = arith.constant 0 : i32
    %dma_wait3A_133 = arith.constant 0 : i32
    %dma_wait3A_134 = tpu.memref_slice %arg4[%dma_wait3A_132, %dma_wait3A_133] : memref<10000x64xf32, #tpu.memory_space<hbm>> -> memref<10000x64xf32, #tpu.memory_space<hbm>>
    tpu.wait_indirect_dma semaphore(%arg13 : memref<!tpu.dma_semaphore, #tpu.memory_space<semaphore_mem>>) src(%dma_wait3A_134 : memref<10000x64xf32, #tpu.memory_space<hbm>>) dst(%arg9 : memref<80x64xf32, #tpu.memory_space<vmem>>)
    %dma_start3A_135 = arith.constant 0 : i32
    %dma_start3A_136 = tpu.memref_slice %arg8[%dma_start3A_135] : memref<10000xi32, #tpu.memory_space<vmem>> -> memref<80xi32, #tpu.memory_space<vmem>>
    %dma_start3A_137 = arith.constant 0 : i32
    %dma_start3A_138 = arith.constant 0 : i32
    %dma_start3A_139 = tpu.memref_slice %arg12[%dma_start3A_137, %dma_start3A_138] : memref<10000x64xf32, #tpu.memory_space<vmem_shared>> -> memref<10000x64xf32, #tpu.memory_space<vmem_shared>>
    tpu.enqueue_indirect_dma source(%arg9 : memref<80x64xf32, #tpu.memory_space<vmem>>) target(%dma_start3A_139 : memref<10000x64xf32, #tpu.memory_space<vmem_shared>>) offsets(%dma_start3A_136 : memref<80xi32, #tpu.memory_space<vmem>>) semaphore(%arg16 : memref<!tpu.dma_semaphore, #tpu.memory_space<semaphore_mem>>) {add = true}
    %dma_start3A_140 = arith.constant 160 : i32
    %dma_start3A_141 = tpu.memref_slice %arg7[%dma_start3A_140] : memref<10000xi32, #tpu.memory_space<vmem>> -> memref<80xi32, #tpu.memory_space<vmem>>
    %dma_start3A_142 = arith.constant 0 : i32
    %dma_start3A_143 = arith.constant 0 : i32
    %dma_start3A_144 = tpu.memref_slice %arg4[%dma_start3A_142, %dma_start3A_143] : memref<10000x64xf32, #tpu.memory_space<hbm>> -> memref<10000x64xf32, #tpu.memory_space<hbm>>
    tpu.enqueue_indirect_dma source(%dma_start3A_144 : memref<10000x64xf32, #tpu.memory_space<hbm>>) target(%arg11 : memref<80x64xf32, #tpu.memory_space<vmem>>) offsets(%dma_start3A_141 : memref<80xi32, #tpu.memory_space<vmem>>) semaphore(%arg15 : memref<!tpu.dma_semaphore, #tpu.memory_space<semaphore_mem>>)
    %dma_wait3A_145 = arith.constant 80 : i32
    %dma_wait3A_146 = tpu.memref_slice %arg7[%dma_wait3A_145] : memref<10000xi32, #tpu.memory_space<vmem>> -> memref<80xi32, #tpu.memory_space<vmem>>
    %dma_wait3A_147 = arith.constant 0 : i32
    %dma_wait3A_148 = arith.constant 0 : i32
    %dma_wait3A_149 = tpu.memref_slice %arg4[%dma_wait3A_147, %dma_wait3A_148] : memref<10000x64xf32, #tpu.memory_space<hbm>> -> memref<10000x64xf32, #tpu.memory_space<hbm>>
    tpu.wait_indirect_dma semaphore(%arg14 : memref<!tpu.dma_semaphore, #tpu.memory_space<semaphore_mem>>) src(%dma_wait3A_149 : memref<10000x64xf32, #tpu.memory_space<hbm>>) dst(%arg10 : memref<80x64xf32, #tpu.memory_space<vmem>>)
    %dma_start3A_150 = arith.constant 80 : i32
    %dma_start3A_151 = tpu.memref_slice %arg8[%dma_start3A_150] : memref<10000xi32, #tpu.memory_space<vmem>> -> memref<80xi32, #tpu.memory_space<vmem>>
    %dma_start3A_152 = arith.constant 0 : i32
    %dma_start3A_153 = arith.constant 0 : i32
    %dma_start3A_154 = tpu.memref_slice %arg12[%dma_start3A_152, %dma_start3A_153] : memref<10000x64xf32, #tpu.memory_space<vmem_shared>> -> memref<10000x64xf32, #tpu.memory_space<vmem_shared>>
    tpu.enqueue_indirect_dma source(%arg10 : memref<80x64xf32, #tpu.memory_space<vmem>>) target(%dma_start3A_154 : memref<10000x64xf32, #tpu.memory_space<vmem_shared>>) offsets(%dma_start3A_151 : memref<80xi32, #tpu.memory_space<vmem>>) semaphore(%arg17 : memref<!tpu.dma_semaphore, #tpu.memory_space<semaphore_mem>>) {add = true}
    %dma_wait3A_155 = arith.constant 0 : i32
    %dma_wait3A_156 = tpu.memref_slice %arg8[%dma_wait3A_155] : memref<10000xi32, #tpu.memory_space<vmem>> -> memref<80xi32, #tpu.memory_space<vmem>>
    %dma_wait3A_157 = arith.constant 0 : i32
    %dma_wait3A_158 = arith.constant 0 : i32
    %dma_wait3A_159 = tpu.memref_slice %arg12[%dma_wait3A_157, %dma_wait3A_158] : memref<10000x64xf32, #tpu.memory_space<vmem_shared>> -> memref<10000x64xf32, #tpu.memory_space<vmem_shared>>
    tpu.wait_indirect_dma semaphore(%arg16 : memref<!tpu.dma_semaphore, #tpu.memory_space<semaphore_mem>>) src(%arg9 : memref<80x64xf32, #tpu.memory_space<vmem>>) dst(%dma_wait3A_159 : memref<10000x64xf32, #tpu.memory_space<vmem_shared>>)
    %dma_start3A_160 = arith.constant 240 : i32
    %dma_start3A_161 = tpu.memref_slice %arg7[%dma_start3A_160] : memref<10000xi32, #tpu.memory_space<vmem>> -> memref<80xi32, #tpu.memory_space<vmem>>
    %dma_start3A_162 = arith.constant 0 : i32
    %dma_start3A_163 = arith.constant 0 : i32
    %dma_start3A_164 = tpu.memref_slice %arg4[%dma_start3A_162, %dma_start3A_163] : memref<10000x64xf32, #tpu.memory_space<hbm>> -> memref<10000x64xf32, #tpu.memory_space<hbm>>
    tpu.enqueue_indirect_dma source(%dma_start3A_164 : memref<10000x64xf32, #tpu.memory_space<hbm>>) target(%arg9 : memref<80x64xf32, #tpu.memory_space<vmem>>) offsets(%dma_start3A_161 : memref<80xi32, #tpu.memory_space<vmem>>) semaphore(%arg13 : memref<!tpu.dma_semaphore, #tpu.memory_space<semaphore_mem>>)
    %dma_wait3A_165 = arith.constant 160 : i32
    %dma_wait3A_166 = tpu.memref_slice %arg7[%dma_wait3A_165] : memref<10000xi32, #tpu.memory_space<vmem>> -> memref<80xi32, #tpu.memory_space<vmem>>
    %dma_wait3A_167 = arith.constant 0 : i32
    %dma_wait3A_168 = arith.constant 0 : i32
    %dma_wait3A_169 = tpu.memref_slice %arg4[%dma_wait3A_167, %dma_wait3A_168] : memref<10000x64xf32, #tpu.memory_space<hbm>> -> memref<10000x64xf32, #tpu.memory_space<hbm>>
    tpu.wait_indirect_dma semaphore(%arg15 : memref<!tpu.dma_semaphore, #tpu.memory_space<semaphore_mem>>) src(%dma_wait3A_169 : memref<10000x64xf32, #tpu.memory_space<hbm>>) dst(%arg11 : memref<80x64xf32, #tpu.memory_space<vmem>>)
    %dma_start3A_170 = arith.constant 160 : i32
    %dma_start3A_171 = tpu.memref_slice %arg8[%dma_start3A_170] : memref<10000xi32, #tpu.memory_space<vmem>> -> memref<80xi32, #tpu.memory_space<vmem>>
    %dma_start3A_172 = arith.constant 0 : i32
    %dma_start3A_173 = arith.constant 0 : i32
    %dma_start3A_174 = tpu.memref_slice %arg12[%dma_start3A_172, %dma_start3A_173] : memref<10000x64xf32, #tpu.memory_space<vmem_shared>> -> memref<10000x64xf32, #tpu.memory_space<vmem_shared>>
    tpu.enqueue_indirect_dma source(%arg11 : memref<80x64xf32, #tpu.memory_space<vmem>>) target(%dma_start3A_174 : memref<10000x64xf32, #tpu.memory_space<vmem_shared>>) offsets(%dma_start3A_171 : memref<80xi32, #tpu.memory_space<vmem>>) semaphore(%arg18 : memref<!tpu.dma_semaphore, #tpu.memory_space<semaphore_mem>>) {add = true}
    %dma_wait3A_175 = arith.constant 80 : i32
    %dma_wait3A_176 = tpu.memref_slice %arg8[%dma_wait3A_175] : memref<10000xi32, #tpu.memory_space<vmem>> -> memref<80xi32, #tpu.memory_space<vmem>>
    %dma_wait3A_177 = arith.constant 0 : i32
    %dma_wait3A_178 = arith.constant 0 : i32
    %dma_wait3A_179 = tpu.memref_slice %arg12[%dma_wait3A_177, %dma_wait3A_178] : memref<10000x64xf32, #tpu.memory_space<vmem_shared>> -> memref<10000x64xf32, #tpu.memory_space<vmem_shared>>
    tpu.wait_indirect_dma semaphore(%arg17 : memref<!tpu.dma_semaphore, #tpu.memory_space<semaphore_mem>>) src(%arg10 : memref<80x64xf32, #tpu.memory_space<vmem>>) dst(%dma_wait3A_179 : memref<10000x64xf32, #tpu.memory_space<vmem_shared>>)
    %dma_start3A_180 = arith.constant 320 : i32
    %dma_start3A_181 = tpu.memref_slice %arg7[%dma_start3A_180] : memref<10000xi32, #tpu.memory_space<vmem>> -> memref<80xi32, #tpu.memory_space<vmem>>
    %dma_start3A_182 = arith.constant 0 : i32
    %dma_start3A_183 = arith.constant 0 : i32
    %dma_start3A_184 = tpu.memref_slice %arg4[%dma_start3A_182, %dma_start3A_183] : memref<10000x64xf32, #tpu.memory_space<hbm>> -> memref<10000x64xf32, #tpu.memory_space<hbm>>
    tpu.enqueue_indirect_dma source(%dma_start3A_184 : memref<10000x64xf32, #tpu.memory_space<hbm>>) target(%arg10 : memref<80x64xf32, #tpu.memory_space<vmem>>) offsets(%dma_start3A_181 : memref<80xi32, #tpu.memory_space<vmem>>) semaphore(%arg14 : memref<!tpu.dma_semaphore, #tpu.memory_space<semaphore_mem>>)
    %scan3A = arith.constant 0 : i32
    %scan3A_185 = arith.constant 1 : i32
    %scan3A_186 = arith.constant 40 : i32
    %scan3A_187 = arith.addi %scan3A_185, %scan3A_186 : i32
    %scan3A_188 = arith.constant 1 : i32
    scf.for %scan3A_478 = %scan3A_185 to %scan3A_187 step %scan3A_188  : i32 {
      %mul3A_479 = arith.constant 3 : i32
      %mul3A_480 = arith.muli %mul3A_479, %scan3A_478 : i32
      %mul3A_481 = arith.constant 80 : i32
      %mul3A_482 = arith.muli %mul3A_480, %mul3A_481 : i32
      %dma_wait3A_483 = tpu.memref_slice %arg7[%mul3A_482] : memref<10000xi32, #tpu.memory_space<vmem>> -> memref<80xi32, #tpu.memory_space<vmem>>
      %dma_wait3A_484 = arith.constant 0 : i32
      %dma_wait3A_485 = arith.constant 0 : i32
      %dma_wait3A_486 = tpu.memref_slice %arg4[%dma_wait3A_484, %dma_wait3A_485] : memref<10000x64xf32, #tpu.memory_space<hbm>> -> memref<10000x64xf32, #tpu.memory_space<hbm>>
      tpu.wait_indirect_dma semaphore(%arg13 : memref<!tpu.dma_semaphore, #tpu.memory_space<semaphore_mem>>) src(%dma_wait3A_486 : memref<10000x64xf32, #tpu.memory_space<hbm>>) dst(%arg9 : memref<80x64xf32, #tpu.memory_space<vmem>>)
      %mul3A_487 = arith.constant 80 : i32
      %mul3A_488 = arith.muli %mul3A_480, %mul3A_487 : i32
      %dma_start3A_489 = tpu.memref_slice %arg8[%mul3A_488] : memref<10000xi32, #tpu.memory_space<vmem>> -> memref<80xi32, #tpu.memory_space<vmem>>
      %dma_start3A_490 = arith.constant 0 : i32
      %dma_start3A_491 = arith.constant 0 : i32
      %dma_start3A_492 = tpu.memref_slice %arg12[%dma_start3A_490, %dma_start3A_491] : memref<10000x64xf32, #tpu.memory_space<vmem_shared>> -> memref<10000x64xf32, #tpu.memory_space<vmem_shared>>
      tpu.enqueue_indirect_dma source(%arg9 : memref<80x64xf32, #tpu.memory_space<vmem>>) target(%dma_start3A_492 : memref<10000x64xf32, #tpu.memory_space<vmem_shared>>) offsets(%dma_start3A_489 : memref<80xi32, #tpu.memory_space<vmem>>) semaphore(%arg16 : memref<!tpu.dma_semaphore, #tpu.memory_space<semaphore_mem>>) {add = true}
      %sub3A = arith.constant 1 : i32
      %sub3A_493 = arith.subi %mul3A_480, %sub3A : i32
      %mul3A_494 = arith.constant 80 : i32
      %mul3A_495 = arith.muli %sub3A_493, %mul3A_494 : i32
      %dma_wait3A_496 = tpu.memref_slice %arg8[%mul3A_495] : memref<10000xi32, #tpu.memory_space<vmem>> -> memref<80xi32, #tpu.memory_space<vmem>>
      %dma_wait3A_497 = arith.constant 0 : i32
      %dma_wait3A_498 = arith.constant 0 : i32
      %dma_wait3A_499 = tpu.memref_slice %arg12[%dma_wait3A_497, %dma_wait3A_498] : memref<10000x64xf32, #tpu.memory_space<vmem_shared>> -> memref<10000x64xf32, #tpu.memory_space<vmem_shared>>
      tpu.wait_indirect_dma semaphore(%arg18 : memref<!tpu.dma_semaphore, #tpu.memory_space<semaphore_mem>>) src(%arg11 : memref<80x64xf32, #tpu.memory_space<vmem>>) dst(%dma_wait3A_499 : memref<10000x64xf32, #tpu.memory_space<vmem_shared>>)
      %add3A_500 = arith.constant 2 : i32
      %add3A_501 = arith.addi %mul3A_480, %add3A_500 : i32
      %mul3A_502 = arith.constant 80 : i32
      %mul3A_503 = arith.muli %add3A_501, %mul3A_502 : i32
      %dma_start3A_504 = tpu.memref_slice %arg7[%mul3A_503] : memref<10000xi32, #tpu.memory_space<vmem>> -> memref<80xi32, #tpu.memory_space<vmem>>
      %dma_start3A_505 = arith.constant 0 : i32
      %dma_start3A_506 = arith.constant 0 : i32
      %dma_start3A_507 = tpu.memref_slice %arg4[%dma_start3A_505, %dma_start3A_506] : memref<10000x64xf32, #tpu.memory_space<hbm>> -> memref<10000x64xf32, #tpu.memory_space<hbm>>
      tpu.enqueue_indirect_dma source(%dma_start3A_507 : memref<10000x64xf32, #tpu.memory_space<hbm>>) target(%arg11 : memref<80x64xf32, #tpu.memory_space<vmem>>) offsets(%dma_start3A_504 : memref<80xi32, #tpu.memory_space<vmem>>) semaphore(%arg15 : memref<!tpu.dma_semaphore, #tpu.memory_space<semaphore_mem>>)
      %add3A_508 = arith.constant 1 : i32
      %add3A_509 = arith.addi %mul3A_480, %add3A_508 : i32
      %mul3A_510 = arith.constant 80 : i32
      %mul3A_511 = arith.muli %add3A_509, %mul3A_510 : i32
      %dma_wait3A_512 = tpu.memref_slice %arg7[%mul3A_511] : memref<10000xi32, #tpu.memory_space<vmem>> -> memref<80xi32, #tpu.memory_space<vmem>>
      %dma_wait3A_513 = arith.constant 0 : i32
      %dma_wait3A_514 = arith.constant 0 : i32
      %dma_wait3A_515 = tpu.memref_slice %arg4[%dma_wait3A_513, %dma_wait3A_514] : memref<10000x64xf32, #tpu.memory_space<hbm>> -> memref<10000x64xf32, #tpu.memory_space<hbm>>
      tpu.wait_indirect_dma semaphore(%arg14 : memref<!tpu.dma_semaphore, #tpu.memory_space<semaphore_mem>>) src(%dma_wait3A_515 : memref<10000x64xf32, #tpu.memory_space<hbm>>) dst(%arg10 : memref<80x64xf32, #tpu.memory_space<vmem>>)
      %mul3A_516 = arith.constant 80 : i32
      %mul3A_517 = arith.muli %add3A_509, %mul3A_516 : i32
      %dma_start3A_518 = tpu.memref_slice %arg8[%mul3A_517] : memref<10000xi32, #tpu.memory_space<vmem>> -> memref<80xi32, #tpu.memory_space<vmem>>
      %dma_start3A_519 = arith.constant 0 : i32
      %dma_start3A_520 = arith.constant 0 : i32
      %dma_start3A_521 = tpu.memref_slice %arg12[%dma_start3A_519, %dma_start3A_520] : memref<10000x64xf32, #tpu.memory_space<vmem_shared>> -> memref<10000x64xf32, #tpu.memory_space<vmem_shared>>
      tpu.enqueue_indirect_dma source(%arg10 : memref<80x64xf32, #tpu.memory_space<vmem>>) target(%dma_start3A_521 : memref<10000x64xf32, #tpu.memory_space<vmem_shared>>) offsets(%dma_start3A_518 : memref<80xi32, #tpu.memory_space<vmem>>) semaphore(%arg17 : memref<!tpu.dma_semaphore, #tpu.memory_space<semaphore_mem>>) {add = true}
      %sub3A_522 = arith.constant 1 : i32
      %sub3A_523 = arith.subi %add3A_509, %sub3A_522 : i32
      %mul3A_524 = arith.constant 80 : i32
      %mul3A_525 = arith.muli %sub3A_523, %mul3A_524 : i32
      %dma_wait3A_526 = tpu.memref_slice %arg8[%mul3A_525] : memref<10000xi32, #tpu.memory_space<vmem>> -> memref<80xi32, #tpu.memory_space<vmem>>
      %dma_wait3A_527 = arith.constant 0 : i32
      %dma_wait3A_528 = arith.constant 0 : i32
      %dma_wait3A_529 = tpu.memref_slice %arg12[%dma_wait3A_527, %dma_wait3A_528] : memref<10000x64xf32, #tpu.memory_space<vmem_shared>> -> memref<10000x64xf32, #tpu.memory_space<vmem_shared>>
      tpu.wait_indirect_dma semaphore(%arg16 : memref<!tpu.dma_semaphore, #tpu.memory_space<semaphore_mem>>) src(%arg9 : memref<80x64xf32, #tpu.memory_space<vmem>>) dst(%dma_wait3A_529 : memref<10000x64xf32, #tpu.memory_space<vmem_shared>>)
      %add3A_530 = arith.constant 2 : i32
      %add3A_531 = arith.addi %add3A_509, %add3A_530 : i32
      %mul3A_532 = arith.constant 80 : i32
      %mul3A_533 = arith.muli %add3A_531, %mul3A_532 : i32
      %dma_start3A_534 = tpu.memref_slice %arg7[%mul3A_533] : memref<10000xi32, #tpu.memory_space<vmem>> -> memref<80xi32, #tpu.memory_space<vmem>>
      %dma_start3A_535 = arith.constant 0 : i32
      %dma_start3A_536 = arith.constant 0 : i32
      %dma_start3A_537 = tpu.memref_slice %arg4[%dma_start3A_535, %dma_start3A_536] : memref<10000x64xf32, #tpu.memory_space<hbm>> -> memref<10000x64xf32, #tpu.memory_space<hbm>>
      tpu.enqueue_indirect_dma source(%dma_start3A_537 : memref<10000x64xf32, #tpu.memory_space<hbm>>) target(%arg9 : memref<80x64xf32, #tpu.memory_space<vmem>>) offsets(%dma_start3A_534 : memref<80xi32, #tpu.memory_space<vmem>>) semaphore(%arg13 : memref<!tpu.dma_semaphore, #tpu.memory_space<semaphore_mem>>)
      %add3A_538 = arith.constant 2 : i32
      %add3A_539 = arith.addi %mul3A_480, %add3A_538 : i32
      %mul3A_540 = arith.constant 80 : i32
      %mul3A_541 = arith.muli %add3A_539, %mul3A_540 : i32
      %dma_wait3A_542 = tpu.memref_slice %arg7[%mul3A_541] : memref<10000xi32, #tpu.memory_space<vmem>> -> memref<80xi32, #tpu.memory_space<vmem>>
      %dma_wait3A_543 = arith.constant 0 : i32
      %dma_wait3A_544 = arith.constant 0 : i32
      %dma_wait3A_545 = tpu.memref_slice %arg4[%dma_wait3A_543, %dma_wait3A_544] : memref<10000x64xf32, #tpu.memory_space<hbm>> -> memref<10000x64xf32, #tpu.memory_space<hbm>>
      tpu.wait_indirect_dma semaphore(%arg15 : memref<!tpu.dma_semaphore, #tpu.memory_space<semaphore_mem>>) src(%dma_wait3A_545 : memref<10000x64xf32, #tpu.memory_space<hbm>>) dst(%arg11 : memref<80x64xf32, #tpu.memory_space<vmem>>)
      %mul3A_546 = arith.constant 80 : i32
      %mul3A_547 = arith.muli %add3A_539, %mul3A_546 : i32
      %dma_start3A_548 = tpu.memref_slice %arg8[%mul3A_547] : memref<10000xi32, #tpu.memory_space<vmem>> -> memref<80xi32, #tpu.memory_space<vmem>>
      %dma_start3A_549 = arith.constant 0 : i32
      %dma_start3A_550 = arith.constant 0 : i32
      %dma_start3A_551 = tpu.memref_slice %arg12[%dma_start3A_549, %dma_start3A_550] : memref<10000x64xf32, #tpu.memory_space<vmem_shared>> -> memref<10000x64xf32, #tpu.memory_space<vmem_shared>>
      tpu.enqueue_indirect_dma source(%arg11 : memref<80x64xf32, #tpu.memory_space<vmem>>) target(%dma_start3A_551 : memref<10000x64xf32, #tpu.memory_space<vmem_shared>>) offsets(%dma_start3A_548 : memref<80xi32, #tpu.memory_space<vmem>>) semaphore(%arg18 : memref<!tpu.dma_semaphore, #tpu.memory_space<semaphore_mem>>) {add = true}
      %sub3A_552 = arith.constant 1 : i32
      %sub3A_553 = arith.subi %add3A_539, %sub3A_552 : i32
      %mul3A_554 = arith.constant 80 : i32
      %mul3A_555 = arith.muli %sub3A_553, %mul3A_554 : i32
      %dma_wait3A_556 = tpu.memref_slice %arg8[%mul3A_555] : memref<10000xi32, #tpu.memory_space<vmem>> -> memref<80xi32, #tpu.memory_space<vmem>>
      %dma_wait3A_557 = arith.constant 0 : i32
      %dma_wait3A_558 = arith.constant 0 : i32
      %dma_wait3A_559 = tpu.memref_slice %arg12[%dma_wait3A_557, %dma_wait3A_558] : memref<10000x64xf32, #tpu.memory_space<vmem_shared>> -> memref<10000x64xf32, #tpu.memory_space<vmem_shared>>
      tpu.wait_indirect_dma semaphore(%arg17 : memref<!tpu.dma_semaphore, #tpu.memory_space<semaphore_mem>>) src(%arg10 : memref<80x64xf32, #tpu.memory_space<vmem>>) dst(%dma_wait3A_559 : memref<10000x64xf32, #tpu.memory_space<vmem_shared>>)
      %add3A_560 = arith.constant 2 : i32
      %add3A_561 = arith.addi %add3A_539, %add3A_560 : i32
      %mul3A_562 = arith.constant 80 : i32
      %mul3A_563 = arith.muli %add3A_561, %mul3A_562 : i32
      %dma_start3A_564 = tpu.memref_slice %arg7[%mul3A_563] : memref<10000xi32, #tpu.memory_space<vmem>> -> memref<80xi32, #tpu.memory_space<vmem>>
      %dma_start3A_565 = arith.constant 0 : i32
      %dma_start3A_566 = arith.constant 0 : i32
      %dma_start3A_567 = tpu.memref_slice %arg4[%dma_start3A_565, %dma_start3A_566] : memref<10000x64xf32, #tpu.memory_space<hbm>> -> memref<10000x64xf32, #tpu.memory_space<hbm>>
      tpu.enqueue_indirect_dma source(%dma_start3A_567 : memref<10000x64xf32, #tpu.memory_space<hbm>>) target(%arg10 : memref<80x64xf32, #tpu.memory_space<vmem>>) offsets(%dma_start3A_564 : memref<80xi32, #tpu.memory_space<vmem>>) semaphore(%arg14 : memref<!tpu.dma_semaphore, #tpu.memory_space<semaphore_mem>>)
    }
    %scan3A_189 = arith.constant 40 : i32
    %dma_wait3A_190 = arith.constant 9840 : i32
    %dma_wait3A_191 = tpu.memref_slice %arg7[%dma_wait3A_190] : memref<10000xi32, #tpu.memory_space<vmem>> -> memref<80xi32, #tpu.memory_space<vmem>>
    %dma_wait3A_192 = arith.constant 0 : i32
    %dma_wait3A_193 = arith.constant 0 : i32
    %dma_wait3A_194 = tpu.memref_slice %arg4[%dma_wait3A_192, %dma_wait3A_193] : memref<10000x64xf32, #tpu.memory_space<hbm>> -> memref<10000x64xf32, #tpu.memory_space<hbm>>
    tpu.wait_indirect_dma semaphore(%arg13 : memref<!tpu.dma_semaphore, #tpu.memory_space<semaphore_mem>>) src(%dma_wait3A_194 : memref<10000x64xf32, #tpu.memory_space<hbm>>) dst(%arg9 : memref<80x64xf32, #tpu.memory_space<vmem>>)
    %dma_start3A_195 = arith.constant 9840 : i32
    %dma_start3A_196 = tpu.memref_slice %arg8[%dma_start3A_195] : memref<10000xi32, #tpu.memory_space<vmem>> -> memref<80xi32, #tpu.memory_space<vmem>>
    %dma_start3A_197 = arith.constant 0 : i32
    %dma_start3A_198 = arith.constant 0 : i32
    %dma_start3A_199 = tpu.memref_slice %arg12[%dma_start3A_197, %dma_start3A_198] : memref<10000x64xf32, #tpu.memory_space<vmem_shared>> -> memref<10000x64xf32, #tpu.memory_space<vmem_shared>>
    tpu.enqueue_indirect_dma source(%arg9 : memref<80x64xf32, #tpu.memory_space<vmem>>) target(%dma_start3A_199 : memref<10000x64xf32, #tpu.memory_space<vmem_shared>>) offsets(%dma_start3A_196 : memref<80xi32, #tpu.memory_space<vmem>>) semaphore(%arg16 : memref<!tpu.dma_semaphore, #tpu.memory_space<semaphore_mem>>) {add = true}
    %dma_wait3A_200 = arith.constant 9760 : i32
    %dma_wait3A_201 = tpu.memref_slice %arg8[%dma_wait3A_200] : memref<10000xi32, #tpu.memory_space<vmem>> -> memref<80xi32, #tpu.memory_space<vmem>>
    %dma_wait3A_202 = arith.constant 0 : i32
    %dma_wait3A_203 = arith.constant 0 : i32
    %dma_wait3A_204 = tpu.memref_slice %arg12[%dma_wait3A_202, %dma_wait3A_203] : memref<10000x64xf32, #tpu.memory_space<vmem_shared>> -> memref<10000x64xf32, #tpu.memory_space<vmem_shared>>
    tpu.wait_indirect_dma semaphore(%arg18 : memref<!tpu.dma_semaphore, #tpu.memory_space<semaphore_mem>>) src(%arg11 : memref<80x64xf32, #tpu.memory_space<vmem>>) dst(%dma_wait3A_204 : memref<10000x64xf32, #tpu.memory_space<vmem_shared>>)
    %dma_wait3A_205 = arith.constant 9920 : i32
    %dma_wait3A_206 = tpu.memref_slice %arg7[%dma_wait3A_205] : memref<10000xi32, #tpu.memory_space<vmem>> -> memref<80xi32, #tpu.memory_space<vmem>>
    %dma_wait3A_207 = arith.constant 0 : i32
    %dma_wait3A_208 = arith.constant 0 : i32
    %dma_wait3A_209 = tpu.memref_slice %arg4[%dma_wait3A_207, %dma_wait3A_208] : memref<10000x64xf32, #tpu.memory_space<hbm>> -> memref<10000x64xf32, #tpu.memory_space<hbm>>
    tpu.wait_indirect_dma semaphore(%arg14 : memref<!tpu.dma_semaphore, #tpu.memory_space<semaphore_mem>>) src(%dma_wait3A_209 : memref<10000x64xf32, #tpu.memory_space<hbm>>) dst(%arg10 : memref<80x64xf32, #tpu.memory_space<vmem>>)
    %dma_start3A_210 = arith.constant 9920 : i32
    %dma_start3A_211 = tpu.memref_slice %arg8[%dma_start3A_210] : memref<10000xi32, #tpu.memory_space<vmem>> -> memref<80xi32, #tpu.memory_space<vmem>>
    %dma_start3A_212 = arith.constant 0 : i32
    %dma_start3A_213 = arith.constant 0 : i32
    %dma_start3A_214 = tpu.memref_slice %arg12[%dma_start3A_212, %dma_start3A_213] : memref<10000x64xf32, #tpu.memory_space<vmem_shared>> -> memref<10000x64xf32, #tpu.memory_space<vmem_shared>>
    tpu.enqueue_indirect_dma source(%arg10 : memref<80x64xf32, #tpu.memory_space<vmem>>) target(%dma_start3A_214 : memref<10000x64xf32, #tpu.memory_space<vmem_shared>>) offsets(%dma_start3A_211 : memref<80xi32, #tpu.memory_space<vmem>>) semaphore(%arg17 : memref<!tpu.dma_semaphore, #tpu.memory_space<semaphore_mem>>) {add = true}
    %dma_wait3A_215 = arith.constant 9840 : i32
    %dma_wait3A_216 = tpu.memref_slice %arg8[%dma_wait3A_215] : memref<10000xi32, #tpu.memory_space<vmem>> -> memref<80xi32, #tpu.memory_space<vmem>>
    %dma_wait3A_217 = arith.constant 0 : i32
    %dma_wait3A_218 = arith.constant 0 : i32
    %dma_wait3A_219 = tpu.memref_slice %arg12[%dma_wait3A_217, %dma_wait3A_218] : memref<10000x64xf32, #tpu.memory_space<vmem_shared>> -> memref<10000x64xf32, #tpu.memory_space<vmem_shared>>
    tpu.wait_indirect_dma semaphore(%arg16 : memref<!tpu.dma_semaphore, #tpu.memory_space<semaphore_mem>>) src(%arg9 : memref<80x64xf32, #tpu.memory_space<vmem>>) dst(%dma_wait3A_219 : memref<10000x64xf32, #tpu.memory_space<vmem_shared>>)
    %dma_wait3A_220 = arith.constant 9920 : i32
    %dma_wait3A_221 = tpu.memref_slice %arg8[%dma_wait3A_220] : memref<10000xi32, #tpu.memory_space<vmem>> -> memref<80xi32, #tpu.memory_space<vmem>>
    %dma_wait3A_222 = arith.constant 0 : i32
    %dma_wait3A_223 = arith.constant 0 : i32
    %dma_wait3A_224 = tpu.memref_slice %arg12[%dma_wait3A_222, %dma_wait3A_223] : memref<10000x64xf32, #tpu.memory_space<vmem_shared>> -> memref<10000x64xf32, #tpu.memory_space<vmem_shared>>
    tpu.wait_indirect_dma semaphore(%arg17 : memref<!tpu.dma_semaphore, #tpu.memory_space<semaphore_mem>>) src(%arg10 : memref<80x64xf32, #tpu.memory_space<vmem>>) dst(%dma_wait3A_224 : memref<10000x64xf32, #tpu.memory_space<vmem_shared>>)
    %barrier3A_225 = arith.constant 0 : index
    tpu.barrier barrier_id(%barrier3A_225)
    %add3A_226 = arith.constant 0 : i32
    %add3A_227 = arith.addi %add3A_226, %arg1 : i32
    %mul3A_228 = arith.constant 80 : i32
    %mul3A_229 = arith.muli %add3A_227, %mul3A_228 : i32
    "tpu.region"() ({
      %run_scoped3A = tpu.sem_alloc : memref<!tpu.dma_semaphore, #tpu.memory_space<semaphore_mem>>
      %dma_start3A_478 = arith.constant 0 : i32
      %dma_start3A_479 = arith.constant 0 : i32
      %dma_start3A_480 = tpu.memref_slice %arg9[%dma_start3A_478, %dma_start3A_479] : memref<80x64xf32, #tpu.memory_space<vmem>> -> memref<80x64xf32, #tpu.memory_space<vmem>>
      %dma_start3A_481 = arith.constant 0 : i32
      %dma_start3A_482 = tpu.memref_slice %arg12[%mul3A_229, %dma_start3A_481] : memref<10000x64xf32, #tpu.memory_space<vmem_shared>> -> memref<80x64xf32, #tpu.memory_space<vmem_shared>>
      %dma_start3A_483 = arith.constant 0 : i32
      %dma_start3A_484 = arith.constant 0 : i32
      %dma_start3A_485 = tpu.memref_slice %arg9[%dma_start3A_483, %dma_start3A_484] : memref<80x64xf32, #tpu.memory_space<vmem>> -> memref<80x64xf32, #tpu.memory_space<vmem>>
      %dma_start3A_486 = arith.constant 0 : i32
      %dma_start3A_487 = tpu.memref_slice %arg12[%mul3A_229, %dma_start3A_486] : memref<10000x64xf32, #tpu.memory_space<vmem_shared>> -> memref<80x64xf32, #tpu.memory_space<vmem_shared>>
      tpu.enqueue_dma source(%dma_start3A_487 : memref<80x64xf32, #tpu.memory_space<vmem_shared>>) target(%dma_start3A_485 : memref<80x64xf32, #tpu.memory_space<vmem>>) target_semaphore(%run_scoped3A : memref<!tpu.dma_semaphore, #tpu.memory_space<semaphore_mem>>)
      %dma_wait3A_488 = arith.constant 0 : i32
      %dma_wait3A_489 = arith.constant 0 : i32
      %dma_wait3A_490 = tpu.memref_slice %arg9[%dma_wait3A_488, %dma_wait3A_489] : memref<80x64xf32, #tpu.memory_space<vmem>> -> memref<80x64xf32, #tpu.memory_space<vmem>>
      %dma_wait3A_491 = arith.constant 0 : i32
      %dma_wait3A_492 = tpu.memref_slice %arg12[%mul3A_229, %dma_wait3A_491] : memref<10000x64xf32, #tpu.memory_space<vmem_shared>> -> memref<80x64xf32, #tpu.memory_space<vmem_shared>>
      %dma_wait3A_493 = arith.constant 0 : i32
      %dma_wait3A_494 = arith.constant 0 : i32
      %dma_wait3A_495 = tpu.memref_slice %arg9[%dma_wait3A_493, %dma_wait3A_494] : memref<80x64xf32, #tpu.memory_space<vmem>> -> memref<80x64xf32, #tpu.memory_space<vmem>>
      %dma_wait3A_496 = arith.constant 0 : i32
      %dma_wait3A_497 = tpu.memref_slice %arg12[%mul3A_229, %dma_wait3A_496] : memref<10000x64xf32, #tpu.memory_space<vmem_shared>> -> memref<80x64xf32, #tpu.memory_space<vmem_shared>>
      tpu.wait_dma2 semaphore(%run_scoped3A : memref<!tpu.dma_semaphore, #tpu.memory_space<semaphore_mem>>) src(%dma_wait3A_497 : memref<80x64xf32, #tpu.memory_space<vmem_shared>>) dst(%dma_wait3A_495 : memref<80x64xf32, #tpu.memory_space<vmem>>)
      tpu.yield
    }) : () -> ()
    %mul3A_230 = arith.constant 80 : i32
    %mul3A_231 = arith.muli %add3A_227, %mul3A_230 : i32
    %dma_start3A_232 = arith.constant 0 : i32
    %dma_start3A_233 = arith.constant 0 : i32
    %dma_start3A_234 = tpu.memref_slice %arg9[%dma_start3A_232, %dma_start3A_233] : memref<80x64xf32, #tpu.memory_space<vmem>> -> memref<80x64xf32, #tpu.memory_space<vmem>>
    %dma_start3A_235 = arith.constant 0 : i32
    %dma_start3A_236 = tpu.memref_slice %arg6[%arg0, %mul3A_231, %dma_start3A_235] : memref<2x10000x64xf32, #tpu.memory_space<hbm>> -> memref<1x80x64xf32, #tpu.memory_space<hbm>>
    %dma_start3A_237 = tpu.memref_squeeze %dma_start3A_236 : memref<1x80x64xf32, #tpu.memory_space<hbm>> -> memref<80x64xf32, #tpu.memory_space<hbm>>
    %dma_start3A_238 = arith.constant 0 : i32
    %dma_start3A_239 = tpu.memref_slice %arg6[%arg0, %mul3A_231, %dma_start3A_238] : memref<2x10000x64xf32, #tpu.memory_space<hbm>> -> memref<1x80x64xf32, #tpu.memory_space<hbm>>
    %dma_start3A_240 = tpu.memref_squeeze %dma_start3A_239 : memref<1x80x64xf32, #tpu.memory_space<hbm>> -> memref<80x64xf32, #tpu.memory_space<hbm>>
    %dma_start3A_241 = arith.constant 0 : i32
    %dma_start3A_242 = arith.constant 0 : i32
    %dma_start3A_243 = tpu.memref_slice %arg9[%dma_start3A_241, %dma_start3A_242] : memref<80x64xf32, #tpu.memory_space<vmem>> -> memref<80x64xf32, #tpu.memory_space<vmem>>
    tpu.enqueue_dma source(%dma_start3A_243 : memref<80x64xf32, #tpu.memory_space<vmem>>) target(%dma_start3A_240 : memref<80x64xf32, #tpu.memory_space<hbm>>) target_semaphore(%arg13 : memref<!tpu.dma_semaphore, #tpu.memory_space<semaphore_mem>>)
    %add3A_244 = arith.constant 16 : i32
    %add3A_245 = arith.addi %add3A_244, %arg1 : i32
    %mul3A_246 = arith.constant 80 : i32
    %mul3A_247 = arith.muli %add3A_245, %mul3A_246 : i32
    "tpu.region"() ({
      %run_scoped3A = tpu.sem_alloc : memref<!tpu.dma_semaphore, #tpu.memory_space<semaphore_mem>>
      %dma_start3A_478 = arith.constant 0 : i32
      %dma_start3A_479 = arith.constant 0 : i32
      %dma_start3A_480 = tpu.memref_slice %arg10[%dma_start3A_478, %dma_start3A_479] : memref<80x64xf32, #tpu.memory_space<vmem>> -> memref<80x64xf32, #tpu.memory_space<vmem>>
      %dma_start3A_481 = arith.constant 0 : i32
      %dma_start3A_482 = tpu.memref_slice %arg12[%mul3A_247, %dma_start3A_481] : memref<10000x64xf32, #tpu.memory_space<vmem_shared>> -> memref<80x64xf32, #tpu.memory_space<vmem_shared>>
      %dma_start3A_483 = arith.constant 0 : i32
      %dma_start3A_484 = arith.constant 0 : i32
      %dma_start3A_485 = tpu.memref_slice %arg10[%dma_start3A_483, %dma_start3A_484] : memref<80x64xf32, #tpu.memory_space<vmem>> -> memref<80x64xf32, #tpu.memory_space<vmem>>
      %dma_start3A_486 = arith.constant 0 : i32
      %dma_start3A_487 = tpu.memref_slice %arg12[%mul3A_247, %dma_start3A_486] : memref<10000x64xf32, #tpu.memory_space<vmem_shared>> -> memref<80x64xf32, #tpu.memory_space<vmem_shared>>
      tpu.enqueue_dma source(%dma_start3A_487 : memref<80x64xf32, #tpu.memory_space<vmem_shared>>) target(%dma_start3A_485 : memref<80x64xf32, #tpu.memory_space<vmem>>) target_semaphore(%run_scoped3A : memref<!tpu.dma_semaphore, #tpu.memory_space<semaphore_mem>>)
      %dma_wait3A_488 = arith.constant 0 : i32
      %dma_wait3A_489 = arith.constant 0 : i32
      %dma_wait3A_490 = tpu.memref_slice %arg10[%dma_wait3A_488, %dma_wait3A_489] : memref<80x64xf32, #tpu.memory_space<vmem>> -> memref<80x64xf32, #tpu.memory_space<vmem>>
      %dma_wait3A_491 = arith.constant 0 : i32
      %dma_wait3A_492 = tpu.memref_slice %arg12[%mul3A_247, %dma_wait3A_491] : memref<10000x64xf32, #tpu.memory_space<vmem_shared>> -> memref<80x64xf32, #tpu.memory_space<vmem_shared>>
      %dma_wait3A_493 = arith.constant 0 : i32
      %dma_wait3A_494 = arith.constant 0 : i32
      %dma_wait3A_495 = tpu.memref_slice %arg10[%dma_wait3A_493, %dma_wait3A_494] : memref<80x64xf32, #tpu.memory_space<vmem>> -> memref<80x64xf32, #tpu.memory_space<vmem>>
      %dma_wait3A_496 = arith.constant 0 : i32
      %dma_wait3A_497 = tpu.memref_slice %arg12[%mul3A_247, %dma_wait3A_496] : memref<10000x64xf32, #tpu.memory_space<vmem_shared>> -> memref<80x64xf32, #tpu.memory_space<vmem_shared>>
      tpu.wait_dma2 semaphore(%run_scoped3A : memref<!tpu.dma_semaphore, #tpu.memory_space<semaphore_mem>>) src(%dma_wait3A_497 : memref<80x64xf32, #tpu.memory_space<vmem_shared>>) dst(%dma_wait3A_495 : memref<80x64xf32, #tpu.memory_space<vmem>>)
      tpu.yield
    }) : () -> ()
    %mul3A_248 = arith.constant 80 : i32
    %mul3A_249 = arith.muli %add3A_245, %mul3A_248 : i32
    %dma_start3A_250 = arith.constant 0 : i32
    %dma_start3A_251 = arith.constant 0 : i32
    %dma_start3A_252 = tpu.memref_slice %arg10[%dma_start3A_250, %dma_start3A_251] : memref<80x64xf32, #tpu.memory_space<vmem>> -> memref<80x64xf32, #tpu.memory_space<vmem>>
    %dma_start3A_253 = arith.constant 0 : i32
    %dma_start3A_254 = tpu.memref_slice %arg6[%arg0, %mul3A_249, %dma_start3A_253] : memref<2x10000x64xf32, #tpu.memory_space<hbm>> -> memref<1x80x64xf32, #tpu.memory_space<hbm>>
    %dma_start3A_255 = tpu.memref_squeeze %dma_start3A_254 : memref<1x80x64xf32, #tpu.memory_space<hbm>> -> memref<80x64xf32, #tpu.memory_space<hbm>>
    %dma_start3A_256 = arith.constant 0 : i32
    %dma_start3A_257 = tpu.memref_slice %arg6[%arg0, %mul3A_249, %dma_start3A_256] : memref<2x10000x64xf32, #tpu.memory_space<hbm>> -> memref<1x80x64xf32, #tpu.memory_space<hbm>>
    %dma_start3A_258 = tpu.memref_squeeze %dma_start3A_257 : memref<1x80x64xf32, #tpu.memory_space<hbm>> -> memref<80x64xf32, #tpu.memory_space<hbm>>
    %dma_start3A_259 = arith.constant 0 : i32
    %dma_start3A_260 = arith.constant 0 : i32
    %dma_start3A_261 = tpu.memref_slice %arg10[%dma_start3A_259, %dma_start3A_260] : memref<80x64xf32, #tpu.memory_space<vmem>> -> memref<80x64xf32, #tpu.memory_space<vmem>>
    tpu.enqueue_dma source(%dma_start3A_261 : memref<80x64xf32, #tpu.memory_space<vmem>>) target(%dma_start3A_258 : memref<80x64xf32, #tpu.memory_space<hbm>>) target_semaphore(%arg14 : memref<!tpu.dma_semaphore, #tpu.memory_space<semaphore_mem>>)
    %add3A_262 = arith.constant 32 : i32
    %add3A_263 = arith.addi %add3A_262, %arg1 : i32
    %add3A_264 = arith.constant 0 : i32
    %add3A_265 = arith.addi %add3A_264, %arg1 : i32
    %mul3A_266 = arith.constant 80 : i32
    %mul3A_267 = arith.muli %add3A_265, %mul3A_266 : i32
    %dma_wait3A_268 = arith.constant 0 : i32
    %dma_wait3A_269 = arith.constant 0 : i32
    %dma_wait3A_270 = tpu.memref_slice %arg9[%dma_wait3A_268, %dma_wait3A_269] : memref<80x64xf32, #tpu.memory_space<vmem>> -> memref<80x64xf32, #tpu.memory_space<vmem>>
    %dma_wait3A_271 = arith.constant 0 : i32
    %dma_wait3A_272 = tpu.memref_slice %arg6[%arg0, %mul3A_267, %dma_wait3A_271] : memref<2x10000x64xf32, #tpu.memory_space<hbm>> -> memref<1x80x64xf32, #tpu.memory_space<hbm>>
    %dma_wait3A_273 = tpu.memref_squeeze %dma_wait3A_272 : memref<1x80x64xf32, #tpu.memory_space<hbm>> -> memref<80x64xf32, #tpu.memory_space<hbm>>
    %dma_wait3A_274 = arith.constant 0 : i32
    %dma_wait3A_275 = tpu.memref_slice %arg6[%arg0, %mul3A_267, %dma_wait3A_274] : memref<2x10000x64xf32, #tpu.memory_space<hbm>> -> memref<1x80x64xf32, #tpu.memory_space<hbm>>
    %dma_wait3A_276 = tpu.memref_squeeze %dma_wait3A_275 : memref<1x80x64xf32, #tpu.memory_space<hbm>> -> memref<80x64xf32, #tpu.memory_space<hbm>>
    %dma_wait3A_277 = arith.constant 0 : i32
    %dma_wait3A_278 = arith.constant 0 : i32
    %dma_wait3A_279 = tpu.memref_slice %arg9[%dma_wait3A_277, %dma_wait3A_278] : memref<80x64xf32, #tpu.memory_space<vmem>> -> memref<80x64xf32, #tpu.memory_space<vmem>>
    tpu.wait_dma2 semaphore(%arg13 : memref<!tpu.dma_semaphore, #tpu.memory_space<semaphore_mem>>) src(%dma_wait3A_279 : memref<80x64xf32, #tpu.memory_space<vmem>>) dst(%dma_wait3A_276 : memref<80x64xf32, #tpu.memory_space<hbm>>)
    %mul3A_280 = arith.constant 80 : i32
    %mul3A_281 = arith.muli %add3A_263, %mul3A_280 : i32
    "tpu.region"() ({
      %run_scoped3A = tpu.sem_alloc : memref<!tpu.dma_semaphore, #tpu.memory_space<semaphore_mem>>
      %dma_start3A_478 = arith.constant 0 : i32
      %dma_start3A_479 = arith.constant 0 : i32
      %dma_start3A_480 = tpu.memref_slice %arg9[%dma_start3A_478, %dma_start3A_479] : memref<80x64xf32, #tpu.memory_space<vmem>> -> memref<80x64xf32, #tpu.memory_space<vmem>>
      %dma_start3A_481 = arith.constant 0 : i32
      %dma_start3A_482 = tpu.memref_slice %arg12[%mul3A_281, %dma_start3A_481] : memref<10000x64xf32, #tpu.memory_space<vmem_shared>> -> memref<80x64xf32, #tpu.memory_space<vmem_shared>>
      %dma_start3A_483 = arith.constant 0 : i32
      %dma_start3A_484 = arith.constant 0 : i32
      %dma_start3A_485 = tpu.memref_slice %arg9[%dma_start3A_483, %dma_start3A_484] : memref<80x64xf32, #tpu.memory_space<vmem>> -> memref<80x64xf32, #tpu.memory_space<vmem>>
      %dma_start3A_486 = arith.constant 0 : i32
      %dma_start3A_487 = tpu.memref_slice %arg12[%mul3A_281, %dma_start3A_486] : memref<10000x64xf32, #tpu.memory_space<vmem_shared>> -> memref<80x64xf32, #tpu.memory_space<vmem_shared>>
      tpu.enqueue_dma source(%dma_start3A_487 : memref<80x64xf32, #tpu.memory_space<vmem_shared>>) target(%dma_start3A_485 : memref<80x64xf32, #tpu.memory_space<vmem>>) target_semaphore(%run_scoped3A : memref<!tpu.dma_semaphore, #tpu.memory_space<semaphore_mem>>)
      %dma_wait3A_488 = arith.constant 0 : i32
      %dma_wait3A_489 = arith.constant 0 : i32
      %dma_wait3A_490 = tpu.memref_slice %arg9[%dma_wait3A_488, %dma_wait3A_489] : memref<80x64xf32, #tpu.memory_space<vmem>> -> memref<80x64xf32, #tpu.memory_space<vmem>>
      %dma_wait3A_491 = arith.constant 0 : i32
      %dma_wait3A_492 = tpu.memref_slice %arg12[%mul3A_281, %dma_wait3A_491] : memref<10000x64xf32, #tpu.memory_space<vmem_shared>> -> memref<80x64xf32, #tpu.memory_space<vmem_shared>>
      %dma_wait3A_493 = arith.constant 0 : i32
      %dma_wait3A_494 = arith.constant 0 : i32
      %dma_wait3A_495 = tpu.memref_slice %arg9[%dma_wait3A_493, %dma_wait3A_494] : memref<80x64xf32, #tpu.memory_space<vmem>> -> memref<80x64xf32, #tpu.memory_space<vmem>>
      %dma_wait3A_496 = arith.constant 0 : i32
      %dma_wait3A_497 = tpu.memref_slice %arg12[%mul3A_281, %dma_wait3A_496] : memref<10000x64xf32, #tpu.memory_space<vmem_shared>> -> memref<80x64xf32, #tpu.memory_space<vmem_shared>>
      tpu.wait_dma2 semaphore(%run_scoped3A : memref<!tpu.dma_semaphore, #tpu.memory_space<semaphore_mem>>) src(%dma_wait3A_497 : memref<80x64xf32, #tpu.memory_space<vmem_shared>>) dst(%dma_wait3A_495 : memref<80x64xf32, #tpu.memory_space<vmem>>)
      tpu.yield
    }) : () -> ()
    %mul3A_282 = arith.constant 80 : i32
    %mul3A_283 = arith.muli %add3A_263, %mul3A_282 : i32
    %dma_start3A_284 = arith.constant 0 : i32
    %dma_start3A_285 = arith.constant 0 : i32
    %dma_start3A_286 = tpu.memref_slice %arg9[%dma_start3A_284, %dma_start3A_285] : memref<80x64xf32, #tpu.memory_space<vmem>> -> memref<80x64xf32, #tpu.memory_space<vmem>>
    %dma_start3A_287 = arith.constant 0 : i32
    %dma_start3A_288 = tpu.memref_slice %arg6[%arg0, %mul3A_283, %dma_start3A_287] : memref<2x10000x64xf32, #tpu.memory_space<hbm>> -> memref<1x80x64xf32, #tpu.memory_space<hbm>>
    %dma_start3A_289 = tpu.memref_squeeze %dma_start3A_288 : memref<1x80x64xf32, #tpu.memory_space<hbm>> -> memref<80x64xf32, #tpu.memory_space<hbm>>
    %dma_start3A_290 = arith.constant 0 : i32
    %dma_start3A_291 = tpu.memref_slice %arg6[%arg0, %mul3A_283, %dma_start3A_290] : memref<2x10000x64xf32, #tpu.memory_space<hbm>> -> memref<1x80x64xf32, #tpu.memory_space<hbm>>
    %dma_start3A_292 = tpu.memref_squeeze %dma_start3A_291 : memref<1x80x64xf32, #tpu.memory_space<hbm>> -> memref<80x64xf32, #tpu.memory_space<hbm>>
    %dma_start3A_293 = arith.constant 0 : i32
    %dma_start3A_294 = arith.constant 0 : i32
    %dma_start3A_295 = tpu.memref_slice %arg9[%dma_start3A_293, %dma_start3A_294] : memref<80x64xf32, #tpu.memory_space<vmem>> -> memref<80x64xf32, #tpu.memory_space<vmem>>
    tpu.enqueue_dma source(%dma_start3A_295 : memref<80x64xf32, #tpu.memory_space<vmem>>) target(%dma_start3A_292 : memref<80x64xf32, #tpu.memory_space<hbm>>) target_semaphore(%arg13 : memref<!tpu.dma_semaphore, #tpu.memory_space<semaphore_mem>>)
    %add3A_296 = arith.constant 48 : i32
    %add3A_297 = arith.addi %add3A_296, %arg1 : i32
    %add3A_298 = arith.constant 16 : i32
    %add3A_299 = arith.addi %add3A_298, %arg1 : i32
    %mul3A_300 = arith.constant 80 : i32
    %mul3A_301 = arith.muli %add3A_299, %mul3A_300 : i32
    %dma_wait3A_302 = arith.constant 0 : i32
    %dma_wait3A_303 = arith.constant 0 : i32
    %dma_wait3A_304 = tpu.memref_slice %arg10[%dma_wait3A_302, %dma_wait3A_303] : memref<80x64xf32, #tpu.memory_space<vmem>> -> memref<80x64xf32, #tpu.memory_space<vmem>>
    %dma_wait3A_305 = arith.constant 0 : i32
    %dma_wait3A_306 = tpu.memref_slice %arg6[%arg0, %mul3A_301, %dma_wait3A_305] : memref<2x10000x64xf32, #tpu.memory_space<hbm>> -> memref<1x80x64xf32, #tpu.memory_space<hbm>>
    %dma_wait3A_307 = tpu.memref_squeeze %dma_wait3A_306 : memref<1x80x64xf32, #tpu.memory_space<hbm>> -> memref<80x64xf32, #tpu.memory_space<hbm>>
    %dma_wait3A_308 = arith.constant 0 : i32
    %dma_wait3A_309 = tpu.memref_slice %arg6[%arg0, %mul3A_301, %dma_wait3A_308] : memref<2x10000x64xf32, #tpu.memory_space<hbm>> -> memref<1x80x64xf32, #tpu.memory_space<hbm>>
    %dma_wait3A_310 = tpu.memref_squeeze %dma_wait3A_309 : memref<1x80x64xf32, #tpu.memory_space<hbm>> -> memref<80x64xf32, #tpu.memory_space<hbm>>
    %dma_wait3A_311 = arith.constant 0 : i32
    %dma_wait3A_312 = arith.constant 0 : i32
    %dma_wait3A_313 = tpu.memref_slice %arg10[%dma_wait3A_311, %dma_wait3A_312] : memref<80x64xf32, #tpu.memory_space<vmem>> -> memref<80x64xf32, #tpu.memory_space<vmem>>
    tpu.wait_dma2 semaphore(%arg14 : memref<!tpu.dma_semaphore, #tpu.memory_space<semaphore_mem>>) src(%dma_wait3A_313 : memref<80x64xf32, #tpu.memory_space<vmem>>) dst(%dma_wait3A_310 : memref<80x64xf32, #tpu.memory_space<hbm>>)
    %mul3A_314 = arith.constant 80 : i32
    %mul3A_315 = arith.muli %add3A_297, %mul3A_314 : i32
    "tpu.region"() ({
      %run_scoped3A = tpu.sem_alloc : memref<!tpu.dma_semaphore, #tpu.memory_space<semaphore_mem>>
      %dma_start3A_478 = arith.constant 0 : i32
      %dma_start3A_479 = arith.constant 0 : i32
      %dma_start3A_480 = tpu.memref_slice %arg10[%dma_start3A_478, %dma_start3A_479] : memref<80x64xf32, #tpu.memory_space<vmem>> -> memref<80x64xf32, #tpu.memory_space<vmem>>
      %dma_start3A_481 = arith.constant 0 : i32
      %dma_start3A_482 = tpu.memref_slice %arg12[%mul3A_315, %dma_start3A_481] : memref<10000x64xf32, #tpu.memory_space<vmem_shared>> -> memref<80x64xf32, #tpu.memory_space<vmem_shared>>
      %dma_start3A_483 = arith.constant 0 : i32
      %dma_start3A_484 = arith.constant 0 : i32
      %dma_start3A_485 = tpu.memref_slice %arg10[%dma_start3A_483, %dma_start3A_484] : memref<80x64xf32, #tpu.memory_space<vmem>> -> memref<80x64xf32, #tpu.memory_space<vmem>>
      %dma_start3A_486 = arith.constant 0 : i32
      %dma_start3A_487 = tpu.memref_slice %arg12[%mul3A_315, %dma_start3A_486] : memref<10000x64xf32, #tpu.memory_space<vmem_shared>> -> memref<80x64xf32, #tpu.memory_space<vmem_shared>>
      tpu.enqueue_dma source(%dma_start3A_487 : memref<80x64xf32, #tpu.memory_space<vmem_shared>>) target(%dma_start3A_485 : memref<80x64xf32, #tpu.memory_space<vmem>>) target_semaphore(%run_scoped3A : memref<!tpu.dma_semaphore, #tpu.memory_space<semaphore_mem>>)
      %dma_wait3A_488 = arith.constant 0 : i32
      %dma_wait3A_489 = arith.constant 0 : i32
      %dma_wait3A_490 = tpu.memref_slice %arg10[%dma_wait3A_488, %dma_wait3A_489] : memref<80x64xf32, #tpu.memory_space<vmem>> -> memref<80x64xf32, #tpu.memory_space<vmem>>
      %dma_wait3A_491 = arith.constant 0 : i32
      %dma_wait3A_492 = tpu.memref_slice %arg12[%mul3A_315, %dma_wait3A_491] : memref<10000x64xf32, #tpu.memory_space<vmem_shared>> -> memref<80x64xf32, #tpu.memory_space<vmem_shared>>
      %dma_wait3A_493 = arith.constant 0 : i32
      %dma_wait3A_494 = arith.constant 0 : i32
      %dma_wait3A_495 = tpu.memref_slice %arg10[%dma_wait3A_493, %dma_wait3A_494] : memref<80x64xf32, #tpu.memory_space<vmem>> -> memref<80x64xf32, #tpu.memory_space<vmem>>
      %dma_wait3A_496 = arith.constant 0 : i32
      %dma_wait3A_497 = tpu.memref_slice %arg12[%mul3A_315, %dma_wait3A_496] : memref<10000x64xf32, #tpu.memory_space<vmem_shared>> -> memref<80x64xf32, #tpu.memory_space<vmem_shared>>
      tpu.wait_dma2 semaphore(%run_scoped3A : memref<!tpu.dma_semaphore, #tpu.memory_space<semaphore_mem>>) src(%dma_wait3A_497 : memref<80x64xf32, #tpu.memory_space<vmem_shared>>) dst(%dma_wait3A_495 : memref<80x64xf32, #tpu.memory_space<vmem>>)
      tpu.yield
    }) : () -> ()
    %mul3A_316 = arith.constant 80 : i32
    %mul3A_317 = arith.muli %add3A_297, %mul3A_316 : i32
    %dma_start3A_318 = arith.constant 0 : i32
    %dma_start3A_319 = arith.constant 0 : i32
    %dma_start3A_320 = tpu.memref_slice %arg10[%dma_start3A_318, %dma_start3A_319] : memref<80x64xf32, #tpu.memory_space<vmem>> -> memref<80x64xf32, #tpu.memory_space<vmem>>
    %dma_start3A_321 = arith.constant 0 : i32
    %dma_start3A_322 = tpu.memref_slice %arg6[%arg0, %mul3A_317, %dma_start3A_321] : memref<2x10000x64xf32, #tpu.memory_space<hbm>> -> memref<1x80x64xf32, #tpu.memory_space<hbm>>
    %dma_start3A_323 = tpu.memref_squeeze %dma_start3A_322 : memref<1x80x64xf32, #tpu.memory_space<hbm>> -> memref<80x64xf32, #tpu.memory_space<hbm>>
    %dma_start3A_324 = arith.constant 0 : i32
    %dma_start3A_325 = tpu.memref_slice %arg6[%arg0, %mul3A_317, %dma_start3A_324] : memref<2x10000x64xf32, #tpu.memory_space<hbm>> -> memref<1x80x64xf32, #tpu.memory_space<hbm>>
    %dma_start3A_326 = tpu.memref_squeeze %dma_start3A_325 : memref<1x80x64xf32, #tpu.memory_space<hbm>> -> memref<80x64xf32, #tpu.memory_space<hbm>>
    %dma_start3A_327 = arith.constant 0 : i32
    %dma_start3A_328 = arith.constant 0 : i32
    %dma_start3A_329 = tpu.memref_slice %arg10[%dma_start3A_327, %dma_start3A_328] : memref<80x64xf32, #tpu.memory_space<vmem>> -> memref<80x64xf32, #tpu.memory_space<vmem>>
    tpu.enqueue_dma source(%dma_start3A_329 : memref<80x64xf32, #tpu.memory_space<vmem>>) target(%dma_start3A_326 : memref<80x64xf32, #tpu.memory_space<hbm>>) target_semaphore(%arg14 : memref<!tpu.dma_semaphore, #tpu.memory_space<semaphore_mem>>)
    %add3A_330 = arith.constant 64 : i32
    %add3A_331 = arith.addi %add3A_330, %arg1 : i32
    %add3A_332 = arith.constant 32 : i32
    %add3A_333 = arith.addi %add3A_332, %arg1 : i32
    %mul3A_334 = arith.constant 80 : i32
    %mul3A_335 = arith.muli %add3A_333, %mul3A_334 : i32
    %dma_wait3A_336 = arith.constant 0 : i32
    %dma_wait3A_337 = arith.constant 0 : i32
    %dma_wait3A_338 = tpu.memref_slice %arg9[%dma_wait3A_336, %dma_wait3A_337] : memref<80x64xf32, #tpu.memory_space<vmem>> -> memref<80x64xf32, #tpu.memory_space<vmem>>
    %dma_wait3A_339 = arith.constant 0 : i32
    %dma_wait3A_340 = tpu.memref_slice %arg6[%arg0, %mul3A_335, %dma_wait3A_339] : memref<2x10000x64xf32, #tpu.memory_space<hbm>> -> memref<1x80x64xf32, #tpu.memory_space<hbm>>
    %dma_wait3A_341 = tpu.memref_squeeze %dma_wait3A_340 : memref<1x80x64xf32, #tpu.memory_space<hbm>> -> memref<80x64xf32, #tpu.memory_space<hbm>>
    %dma_wait3A_342 = arith.constant 0 : i32
    %dma_wait3A_343 = tpu.memref_slice %arg6[%arg0, %mul3A_335, %dma_wait3A_342] : memref<2x10000x64xf32, #tpu.memory_space<hbm>> -> memref<1x80x64xf32, #tpu.memory_space<hbm>>
    %dma_wait3A_344 = tpu.memref_squeeze %dma_wait3A_343 : memref<1x80x64xf32, #tpu.memory_space<hbm>> -> memref<80x64xf32, #tpu.memory_space<hbm>>
    %dma_wait3A_345 = arith.constant 0 : i32
    %dma_wait3A_346 = arith.constant 0 : i32
    %dma_wait3A_347 = tpu.memref_slice %arg9[%dma_wait3A_345, %dma_wait3A_346] : memref<80x64xf32, #tpu.memory_space<vmem>> -> memref<80x64xf32, #tpu.memory_space<vmem>>
    tpu.wait_dma2 semaphore(%arg13 : memref<!tpu.dma_semaphore, #tpu.memory_space<semaphore_mem>>) src(%dma_wait3A_347 : memref<80x64xf32, #tpu.memory_space<vmem>>) dst(%dma_wait3A_344 : memref<80x64xf32, #tpu.memory_space<hbm>>)
    %mul3A_348 = arith.constant 80 : i32
    %mul3A_349 = arith.muli %add3A_331, %mul3A_348 : i32
    "tpu.region"() ({
      %run_scoped3A = tpu.sem_alloc : memref<!tpu.dma_semaphore, #tpu.memory_space<semaphore_mem>>
      %dma_start3A_478 = arith.constant 0 : i32
      %dma_start3A_479 = arith.constant 0 : i32
      %dma_start3A_480 = tpu.memref_slice %arg9[%dma_start3A_478, %dma_start3A_479] : memref<80x64xf32, #tpu.memory_space<vmem>> -> memref<80x64xf32, #tpu.memory_space<vmem>>
      %dma_start3A_481 = arith.constant 0 : i32
      %dma_start3A_482 = tpu.memref_slice %arg12[%mul3A_349, %dma_start3A_481] : memref<10000x64xf32, #tpu.memory_space<vmem_shared>> -> memref<80x64xf32, #tpu.memory_space<vmem_shared>>
      %dma_start3A_483 = arith.constant 0 : i32
      %dma_start3A_484 = arith.constant 0 : i32
      %dma_start3A_485 = tpu.memref_slice %arg9[%dma_start3A_483, %dma_start3A_484] : memref<80x64xf32, #tpu.memory_space<vmem>> -> memref<80x64xf32, #tpu.memory_space<vmem>>
      %dma_start3A_486 = arith.constant 0 : i32
      %dma_start3A_487 = tpu.memref_slice %arg12[%mul3A_349, %dma_start3A_486] : memref<10000x64xf32, #tpu.memory_space<vmem_shared>> -> memref<80x64xf32, #tpu.memory_space<vmem_shared>>
      tpu.enqueue_dma source(%dma_start3A_487 : memref<80x64xf32, #tpu.memory_space<vmem_shared>>) target(%dma_start3A_485 : memref<80x64xf32, #tpu.memory_space<vmem>>) target_semaphore(%run_scoped3A : memref<!tpu.dma_semaphore, #tpu.memory_space<semaphore_mem>>)
      %dma_wait3A_488 = arith.constant 0 : i32
      %dma_wait3A_489 = arith.constant 0 : i32
      %dma_wait3A_490 = tpu.memref_slice %arg9[%dma_wait3A_488, %dma_wait3A_489] : memref<80x64xf32, #tpu.memory_space<vmem>> -> memref<80x64xf32, #tpu.memory_space<vmem>>
      %dma_wait3A_491 = arith.constant 0 : i32
      %dma_wait3A_492 = tpu.memref_slice %arg12[%mul3A_349, %dma_wait3A_491] : memref<10000x64xf32, #tpu.memory_space<vmem_shared>> -> memref<80x64xf32, #tpu.memory_space<vmem_shared>>
      %dma_wait3A_493 = arith.constant 0 : i32
      %dma_wait3A_494 = arith.constant 0 : i32
      %dma_wait3A_495 = tpu.memref_slice %arg9[%dma_wait3A_493, %dma_wait3A_494] : memref<80x64xf32, #tpu.memory_space<vmem>> -> memref<80x64xf32, #tpu.memory_space<vmem>>
      %dma_wait3A_496 = arith.constant 0 : i32
      %dma_wait3A_497 = tpu.memref_slice %arg12[%mul3A_349, %dma_wait3A_496] : memref<10000x64xf32, #tpu.memory_space<vmem_shared>> -> memref<80x64xf32, #tpu.memory_space<vmem_shared>>
      tpu.wait_dma2 semaphore(%run_scoped3A : memref<!tpu.dma_semaphore, #tpu.memory_space<semaphore_mem>>) src(%dma_wait3A_497 : memref<80x64xf32, #tpu.memory_space<vmem_shared>>) dst(%dma_wait3A_495 : memref<80x64xf32, #tpu.memory_space<vmem>>)
      tpu.yield
    }) : () -> ()
    %mul3A_350 = arith.constant 80 : i32
    %mul3A_351 = arith.muli %add3A_331, %mul3A_350 : i32
    %dma_start3A_352 = arith.constant 0 : i32
    %dma_start3A_353 = arith.constant 0 : i32
    %dma_start3A_354 = tpu.memref_slice %arg9[%dma_start3A_352, %dma_start3A_353] : memref<80x64xf32, #tpu.memory_space<vmem>> -> memref<80x64xf32, #tpu.memory_space<vmem>>
    %dma_start3A_355 = arith.constant 0 : i32
    %dma_start3A_356 = tpu.memref_slice %arg6[%arg0, %mul3A_351, %dma_start3A_355] : memref<2x10000x64xf32, #tpu.memory_space<hbm>> -> memref<1x80x64xf32, #tpu.memory_space<hbm>>
    %dma_start3A_357 = tpu.memref_squeeze %dma_start3A_356 : memref<1x80x64xf32, #tpu.memory_space<hbm>> -> memref<80x64xf32, #tpu.memory_space<hbm>>
    %dma_start3A_358 = arith.constant 0 : i32
    %dma_start3A_359 = tpu.memref_slice %arg6[%arg0, %mul3A_351, %dma_start3A_358] : memref<2x10000x64xf32, #tpu.memory_space<hbm>> -> memref<1x80x64xf32, #tpu.memory_space<hbm>>
    %dma_start3A_360 = tpu.memref_squeeze %dma_start3A_359 : memref<1x80x64xf32, #tpu.memory_space<hbm>> -> memref<80x64xf32, #tpu.memory_space<hbm>>
    %dma_start3A_361 = arith.constant 0 : i32
    %dma_start3A_362 = arith.constant 0 : i32
    %dma_start3A_363 = tpu.memref_slice %arg9[%dma_start3A_361, %dma_start3A_362] : memref<80x64xf32, #tpu.memory_space<vmem>> -> memref<80x64xf32, #tpu.memory_space<vmem>>
    tpu.enqueue_dma source(%dma_start3A_363 : memref<80x64xf32, #tpu.memory_space<vmem>>) target(%dma_start3A_360 : memref<80x64xf32, #tpu.memory_space<hbm>>) target_semaphore(%arg13 : memref<!tpu.dma_semaphore, #tpu.memory_space<semaphore_mem>>)
    %add3A_364 = arith.constant 80 : i32
    %add3A_365 = arith.addi %add3A_364, %arg1 : i32
    %add3A_366 = arith.constant 48 : i32
    %add3A_367 = arith.addi %add3A_366, %arg1 : i32
    %mul3A_368 = arith.constant 80 : i32
    %mul3A_369 = arith.muli %add3A_367, %mul3A_368 : i32
    %dma_wait3A_370 = arith.constant 0 : i32
    %dma_wait3A_371 = arith.constant 0 : i32
    %dma_wait3A_372 = tpu.memref_slice %arg10[%dma_wait3A_370, %dma_wait3A_371] : memref<80x64xf32, #tpu.memory_space<vmem>> -> memref<80x64xf32, #tpu.memory_space<vmem>>
    %dma_wait3A_373 = arith.constant 0 : i32
    %dma_wait3A_374 = tpu.memref_slice %arg6[%arg0, %mul3A_369, %dma_wait3A_373] : memref<2x10000x64xf32, #tpu.memory_space<hbm>> -> memref<1x80x64xf32, #tpu.memory_space<hbm>>
    %dma_wait3A_375 = tpu.memref_squeeze %dma_wait3A_374 : memref<1x80x64xf32, #tpu.memory_space<hbm>> -> memref<80x64xf32, #tpu.memory_space<hbm>>
    %dma_wait3A_376 = arith.constant 0 : i32
    %dma_wait3A_377 = tpu.memref_slice %arg6[%arg0, %mul3A_369, %dma_wait3A_376] : memref<2x10000x64xf32, #tpu.memory_space<hbm>> -> memref<1x80x64xf32, #tpu.memory_space<hbm>>
    %dma_wait3A_378 = tpu.memref_squeeze %dma_wait3A_377 : memref<1x80x64xf32, #tpu.memory_space<hbm>> -> memref<80x64xf32, #tpu.memory_space<hbm>>
    %dma_wait3A_379 = arith.constant 0 : i32
    %dma_wait3A_380 = arith.constant 0 : i32
    %dma_wait3A_381 = tpu.memref_slice %arg10[%dma_wait3A_379, %dma_wait3A_380] : memref<80x64xf32, #tpu.memory_space<vmem>> -> memref<80x64xf32, #tpu.memory_space<vmem>>
    tpu.wait_dma2 semaphore(%arg14 : memref<!tpu.dma_semaphore, #tpu.memory_space<semaphore_mem>>) src(%dma_wait3A_381 : memref<80x64xf32, #tpu.memory_space<vmem>>) dst(%dma_wait3A_378 : memref<80x64xf32, #tpu.memory_space<hbm>>)
    %mul3A_382 = arith.constant 80 : i32
    %mul3A_383 = arith.muli %add3A_365, %mul3A_382 : i32
    "tpu.region"() ({
      %run_scoped3A = tpu.sem_alloc : memref<!tpu.dma_semaphore, #tpu.memory_space<semaphore_mem>>
      %dma_start3A_478 = arith.constant 0 : i32
      %dma_start3A_479 = arith.constant 0 : i32
      %dma_start3A_480 = tpu.memref_slice %arg10[%dma_start3A_478, %dma_start3A_479] : memref<80x64xf32, #tpu.memory_space<vmem>> -> memref<80x64xf32, #tpu.memory_space<vmem>>
      %dma_start3A_481 = arith.constant 0 : i32
      %dma_start3A_482 = tpu.memref_slice %arg12[%mul3A_383, %dma_start3A_481] : memref<10000x64xf32, #tpu.memory_space<vmem_shared>> -> memref<80x64xf32, #tpu.memory_space<vmem_shared>>
      %dma_start3A_483 = arith.constant 0 : i32
      %dma_start3A_484 = arith.constant 0 : i32
      %dma_start3A_485 = tpu.memref_slice %arg10[%dma_start3A_483, %dma_start3A_484] : memref<80x64xf32, #tpu.memory_space<vmem>> -> memref<80x64xf32, #tpu.memory_space<vmem>>
      %dma_start3A_486 = arith.constant 0 : i32
      %dma_start3A_487 = tpu.memref_slice %arg12[%mul3A_383, %dma_start3A_486] : memref<10000x64xf32, #tpu.memory_space<vmem_shared>> -> memref<80x64xf32, #tpu.memory_space<vmem_shared>>
      tpu.enqueue_dma source(%dma_start3A_487 : memref<80x64xf32, #tpu.memory_space<vmem_shared>>) target(%dma_start3A_485 : memref<80x64xf32, #tpu.memory_space<vmem>>) target_semaphore(%run_scoped3A : memref<!tpu.dma_semaphore, #tpu.memory_space<semaphore_mem>>)
      %dma_wait3A_488 = arith.constant 0 : i32
      %dma_wait3A_489 = arith.constant 0 : i32
      %dma_wait3A_490 = tpu.memref_slice %arg10[%dma_wait3A_488, %dma_wait3A_489] : memref<80x64xf32, #tpu.memory_space<vmem>> -> memref<80x64xf32, #tpu.memory_space<vmem>>
      %dma_wait3A_491 = arith.constant 0 : i32
      %dma_wait3A_492 = tpu.memref_slice %arg12[%mul3A_383, %dma_wait3A_491] : memref<10000x64xf32, #tpu.memory_space<vmem_shared>> -> memref<80x64xf32, #tpu.memory_space<vmem_shared>>
      %dma_wait3A_493 = arith.constant 0 : i32
      %dma_wait3A_494 = arith.constant 0 : i32
      %dma_wait3A_495 = tpu.memref_slice %arg10[%dma_wait3A_493, %dma_wait3A_494] : memref<80x64xf32, #tpu.memory_space<vmem>> -> memref<80x64xf32, #tpu.memory_space<vmem>>
      %dma_wait3A_496 = arith.constant 0 : i32
      %dma_wait3A_497 = tpu.memref_slice %arg12[%mul3A_383, %dma_wait3A_496] : memref<10000x64xf32, #tpu.memory_space<vmem_shared>> -> memref<80x64xf32, #tpu.memory_space<vmem_shared>>
      tpu.wait_dma2 semaphore(%run_scoped3A : memref<!tpu.dma_semaphore, #tpu.memory_space<semaphore_mem>>) src(%dma_wait3A_497 : memref<80x64xf32, #tpu.memory_space<vmem_shared>>) dst(%dma_wait3A_495 : memref<80x64xf32, #tpu.memory_space<vmem>>)
      tpu.yield
    }) : () -> ()
    %mul3A_384 = arith.constant 80 : i32
    %mul3A_385 = arith.muli %add3A_365, %mul3A_384 : i32
    %dma_start3A_386 = arith.constant 0 : i32
    %dma_start3A_387 = arith.constant 0 : i32
    %dma_start3A_388 = tpu.memref_slice %arg10[%dma_start3A_386, %dma_start3A_387] : memref<80x64xf32, #tpu.memory_space<vmem>> -> memref<80x64xf32, #tpu.memory_space<vmem>>
    %dma_start3A_389 = arith.constant 0 : i32
    %dma_start3A_390 = tpu.memref_slice %arg6[%arg0, %mul3A_385, %dma_start3A_389] : memref<2x10000x64xf32, #tpu.memory_space<hbm>> -> memref<1x80x64xf32, #tpu.memory_space<hbm>>
    %dma_start3A_391 = tpu.memref_squeeze %dma_start3A_390 : memref<1x80x64xf32, #tpu.memory_space<hbm>> -> memref<80x64xf32, #tpu.memory_space<hbm>>
    %dma_start3A_392 = arith.constant 0 : i32
    %dma_start3A_393 = tpu.memref_slice %arg6[%arg0, %mul3A_385, %dma_start3A_392] : memref<2x10000x64xf32, #tpu.memory_space<hbm>> -> memref<1x80x64xf32, #tpu.memory_space<hbm>>
    %dma_start3A_394 = tpu.memref_squeeze %dma_start3A_393 : memref<1x80x64xf32, #tpu.memory_space<hbm>> -> memref<80x64xf32, #tpu.memory_space<hbm>>
    %dma_start3A_395 = arith.constant 0 : i32
    %dma_start3A_396 = arith.constant 0 : i32
    %dma_start3A_397 = tpu.memref_slice %arg10[%dma_start3A_395, %dma_start3A_396] : memref<80x64xf32, #tpu.memory_space<vmem>> -> memref<80x64xf32, #tpu.memory_space<vmem>>
    tpu.enqueue_dma source(%dma_start3A_397 : memref<80x64xf32, #tpu.memory_space<vmem>>) target(%dma_start3A_394 : memref<80x64xf32, #tpu.memory_space<hbm>>) target_semaphore(%arg14 : memref<!tpu.dma_semaphore, #tpu.memory_space<semaphore_mem>>)
    %add3A_398 = arith.constant 96 : i32
    %add3A_399 = arith.addi %add3A_398, %arg1 : i32
    %add3A_400 = arith.constant 64 : i32
    %add3A_401 = arith.addi %add3A_400, %arg1 : i32
    %mul3A_402 = arith.constant 80 : i32
    %mul3A_403 = arith.muli %add3A_401, %mul3A_402 : i32
    %dma_wait3A_404 = arith.constant 0 : i32
    %dma_wait3A_405 = arith.constant 0 : i32
    %dma_wait3A_406 = tpu.memref_slice %arg9[%dma_wait3A_404, %dma_wait3A_405] : memref<80x64xf32, #tpu.memory_space<vmem>> -> memref<80x64xf32, #tpu.memory_space<vmem>>
    %dma_wait3A_407 = arith.constant 0 : i32
    %dma_wait3A_408 = tpu.memref_slice %arg6[%arg0, %mul3A_403, %dma_wait3A_407] : memref<2x10000x64xf32, #tpu.memory_space<hbm>> -> memref<1x80x64xf32, #tpu.memory_space<hbm>>
    %dma_wait3A_409 = tpu.memref_squeeze %dma_wait3A_408 : memref<1x80x64xf32, #tpu.memory_space<hbm>> -> memref<80x64xf32, #tpu.memory_space<hbm>>
    %dma_wait3A_410 = arith.constant 0 : i32
    %dma_wait3A_411 = tpu.memref_slice %arg6[%arg0, %mul3A_403, %dma_wait3A_410] : memref<2x10000x64xf32, #tpu.memory_space<hbm>> -> memref<1x80x64xf32, #tpu.memory_space<hbm>>
    %dma_wait3A_412 = tpu.memref_squeeze %dma_wait3A_411 : memref<1x80x64xf32, #tpu.memory_space<hbm>> -> memref<80x64xf32, #tpu.memory_space<hbm>>
    %dma_wait3A_413 = arith.constant 0 : i32
    %dma_wait3A_414 = arith.constant 0 : i32
    %dma_wait3A_415 = tpu.memref_slice %arg9[%dma_wait3A_413, %dma_wait3A_414] : memref<80x64xf32, #tpu.memory_space<vmem>> -> memref<80x64xf32, #tpu.memory_space<vmem>>
    tpu.wait_dma2 semaphore(%arg13 : memref<!tpu.dma_semaphore, #tpu.memory_space<semaphore_mem>>) src(%dma_wait3A_415 : memref<80x64xf32, #tpu.memory_space<vmem>>) dst(%dma_wait3A_412 : memref<80x64xf32, #tpu.memory_space<hbm>>)
    %mul3A_416 = arith.constant 80 : i32
    %mul3A_417 = arith.muli %add3A_399, %mul3A_416 : i32
    "tpu.region"() ({
      %run_scoped3A = tpu.sem_alloc : memref<!tpu.dma_semaphore, #tpu.memory_space<semaphore_mem>>
      %dma_start3A_478 = arith.constant 0 : i32
      %dma_start3A_479 = arith.constant 0 : i32
      %dma_start3A_480 = tpu.memref_slice %arg9[%dma_start3A_478, %dma_start3A_479] : memref<80x64xf32, #tpu.memory_space<vmem>> -> memref<80x64xf32, #tpu.memory_space<vmem>>
      %dma_start3A_481 = arith.constant 0 : i32
      %dma_start3A_482 = tpu.memref_slice %arg12[%mul3A_417, %dma_start3A_481] : memref<10000x64xf32, #tpu.memory_space<vmem_shared>> -> memref<80x64xf32, #tpu.memory_space<vmem_shared>>
      %dma_start3A_483 = arith.constant 0 : i32
      %dma_start3A_484 = arith.constant 0 : i32
      %dma_start3A_485 = tpu.memref_slice %arg9[%dma_start3A_483, %dma_start3A_484] : memref<80x64xf32, #tpu.memory_space<vmem>> -> memref<80x64xf32, #tpu.memory_space<vmem>>
      %dma_start3A_486 = arith.constant 0 : i32
      %dma_start3A_487 = tpu.memref_slice %arg12[%mul3A_417, %dma_start3A_486] : memref<10000x64xf32, #tpu.memory_space<vmem_shared>> -> memref<80x64xf32, #tpu.memory_space<vmem_shared>>
      tpu.enqueue_dma source(%dma_start3A_487 : memref<80x64xf32, #tpu.memory_space<vmem_shared>>) target(%dma_start3A_485 : memref<80x64xf32, #tpu.memory_space<vmem>>) target_semaphore(%run_scoped3A : memref<!tpu.dma_semaphore, #tpu.memory_space<semaphore_mem>>)
      %dma_wait3A_488 = arith.constant 0 : i32
      %dma_wait3A_489 = arith.constant 0 : i32
      %dma_wait3A_490 = tpu.memref_slice %arg9[%dma_wait3A_488, %dma_wait3A_489] : memref<80x64xf32, #tpu.memory_space<vmem>> -> memref<80x64xf32, #tpu.memory_space<vmem>>
      %dma_wait3A_491 = arith.constant 0 : i32
      %dma_wait3A_492 = tpu.memref_slice %arg12[%mul3A_417, %dma_wait3A_491] : memref<10000x64xf32, #tpu.memory_space<vmem_shared>> -> memref<80x64xf32, #tpu.memory_space<vmem_shared>>
      %dma_wait3A_493 = arith.constant 0 : i32
      %dma_wait3A_494 = arith.constant 0 : i32
      %dma_wait3A_495 = tpu.memref_slice %arg9[%dma_wait3A_493, %dma_wait3A_494] : memref<80x64xf32, #tpu.memory_space<vmem>> -> memref<80x64xf32, #tpu.memory_space<vmem>>
      %dma_wait3A_496 = arith.constant 0 : i32
      %dma_wait3A_497 = tpu.memref_slice %arg12[%mul3A_417, %dma_wait3A_496] : memref<10000x64xf32, #tpu.memory_space<vmem_shared>> -> memref<80x64xf32, #tpu.memory_space<vmem_shared>>
      tpu.wait_dma2 semaphore(%run_scoped3A : memref<!tpu.dma_semaphore, #tpu.memory_space<semaphore_mem>>) src(%dma_wait3A_497 : memref<80x64xf32, #tpu.memory_space<vmem_shared>>) dst(%dma_wait3A_495 : memref<80x64xf32, #tpu.memory_space<vmem>>)
      tpu.yield
    }) : () -> ()
    %mul3A_418 = arith.constant 80 : i32
    %mul3A_419 = arith.muli %add3A_399, %mul3A_418 : i32
    %dma_start3A_420 = arith.constant 0 : i32
    %dma_start3A_421 = arith.constant 0 : i32
    %dma_start3A_422 = tpu.memref_slice %arg9[%dma_start3A_420, %dma_start3A_421] : memref<80x64xf32, #tpu.memory_space<vmem>> -> memref<80x64xf32, #tpu.memory_space<vmem>>
    %dma_start3A_423 = arith.constant 0 : i32
    %dma_start3A_424 = tpu.memref_slice %arg6[%arg0, %mul3A_419, %dma_start3A_423] : memref<2x10000x64xf32, #tpu.memory_space<hbm>> -> memref<1x80x64xf32, #tpu.memory_space<hbm>>
    %dma_start3A_425 = tpu.memref_squeeze %dma_start3A_424 : memref<1x80x64xf32, #tpu.memory_space<hbm>> -> memref<80x64xf32, #tpu.memory_space<hbm>>
    %dma_start3A_426 = arith.constant 0 : i32
    %dma_start3A_427 = tpu.memref_slice %arg6[%arg0, %mul3A_419, %dma_start3A_426] : memref<2x10000x64xf32, #tpu.memory_space<hbm>> -> memref<1x80x64xf32, #tpu.memory_space<hbm>>
    %dma_start3A_428 = tpu.memref_squeeze %dma_start3A_427 : memref<1x80x64xf32, #tpu.memory_space<hbm>> -> memref<80x64xf32, #tpu.memory_space<hbm>>
    %dma_start3A_429 = arith.constant 0 : i32
    %dma_start3A_430 = arith.constant 0 : i32
    %dma_start3A_431 = tpu.memref_slice %arg9[%dma_start3A_429, %dma_start3A_430] : memref<80x64xf32, #tpu.memory_space<vmem>> -> memref<80x64xf32, #tpu.memory_space<vmem>>
    tpu.enqueue_dma source(%dma_start3A_431 : memref<80x64xf32, #tpu.memory_space<vmem>>) target(%dma_start3A_428 : memref<80x64xf32, #tpu.memory_space<hbm>>) target_semaphore(%arg13 : memref<!tpu.dma_semaphore, #tpu.memory_space<semaphore_mem>>)
    %add3A_432 = arith.constant 112 : i32
    %add3A_433 = arith.addi %add3A_432, %arg1 : i32
    %add3A_434 = arith.constant 80 : i32
    %add3A_435 = arith.addi %add3A_434, %arg1 : i32
    %mul3A_436 = arith.constant 80 : i32
    %mul3A_437 = arith.muli %add3A_435, %mul3A_436 : i32
    %dma_wait3A_438 = arith.constant 0 : i32
    %dma_wait3A_439 = arith.constant 0 : i32
    %dma_wait3A_440 = tpu.memref_slice %arg10[%dma_wait3A_438, %dma_wait3A_439] : memref<80x64xf32, #tpu.memory_space<vmem>> -> memref<80x64xf32, #tpu.memory_space<vmem>>
    %dma_wait3A_441 = arith.constant 0 : i32
    %dma_wait3A_442 = tpu.memref_slice %arg6[%arg0, %mul3A_437, %dma_wait3A_441] : memref<2x10000x64xf32, #tpu.memory_space<hbm>> -> memref<1x80x64xf32, #tpu.memory_space<hbm>>
    %dma_wait3A_443 = tpu.memref_squeeze %dma_wait3A_442 : memref<1x80x64xf32, #tpu.memory_space<hbm>> -> memref<80x64xf32, #tpu.memory_space<hbm>>
    %dma_wait3A_444 = arith.constant 0 : i32
    %dma_wait3A_445 = tpu.memref_slice %arg6[%arg0, %mul3A_437, %dma_wait3A_444] : memref<2x10000x64xf32, #tpu.memory_space<hbm>> -> memref<1x80x64xf32, #tpu.memory_space<hbm>>
    %dma_wait3A_446 = tpu.memref_squeeze %dma_wait3A_445 : memref<1x80x64xf32, #tpu.memory_space<hbm>> -> memref<80x64xf32, #tpu.memory_space<hbm>>
    %dma_wait3A_447 = arith.constant 0 : i32
    %dma_wait3A_448 = arith.constant 0 : i32
    %dma_wait3A_449 = tpu.memref_slice %arg10[%dma_wait3A_447, %dma_wait3A_448] : memref<80x64xf32, #tpu.memory_space<vmem>> -> memref<80x64xf32, #tpu.memory_space<vmem>>
    tpu.wait_dma2 semaphore(%arg14 : memref<!tpu.dma_semaphore, #tpu.memory_space<semaphore_mem>>) src(%dma_wait3A_449 : memref<80x64xf32, #tpu.memory_space<vmem>>) dst(%dma_wait3A_446 : memref<80x64xf32, #tpu.memory_space<hbm>>)
    %lt3A_450 = arith.constant 125 : i32
    %lt3A_451 = arith.cmpi slt, %add3A_433, %lt3A_450 : i32
    %convert_element_type3A_452 = arith.extui %lt3A_451 : i1 to i32
    %cond3A_453 = arith.constant 0 : i32
    %cond3A_454 = arith.cmpi ne, %convert_element_type3A_452, %cond3A_453 : i32
    scf.if %cond3A_454 {
      %mul3A_478 = arith.constant 80 : i32
      %mul3A_479 = arith.muli %add3A_433, %mul3A_478 : i32
      "tpu.region"() ({
        %run_scoped3A = tpu.sem_alloc : memref<!tpu.dma_semaphore, #tpu.memory_space<semaphore_mem>>
        %dma_start3A_494 = arith.constant 0 : i32
        %dma_start3A_495 = arith.constant 0 : i32
        %dma_start3A_496 = tpu.memref_slice %arg10[%dma_start3A_494, %dma_start3A_495] : memref<80x64xf32, #tpu.memory_space<vmem>> -> memref<80x64xf32, #tpu.memory_space<vmem>>
        %dma_start3A_497 = arith.constant 0 : i32
        %dma_start3A_498 = tpu.memref_slice %arg12[%mul3A_479, %dma_start3A_497] : memref<10000x64xf32, #tpu.memory_space<vmem_shared>> -> memref<80x64xf32, #tpu.memory_space<vmem_shared>>
        %dma_start3A_499 = arith.constant 0 : i32
        %dma_start3A_500 = arith.constant 0 : i32
        %dma_start3A_501 = tpu.memref_slice %arg10[%dma_start3A_499, %dma_start3A_500] : memref<80x64xf32, #tpu.memory_space<vmem>> -> memref<80x64xf32, #tpu.memory_space<vmem>>
        %dma_start3A_502 = arith.constant 0 : i32
        %dma_start3A_503 = tpu.memref_slice %arg12[%mul3A_479, %dma_start3A_502] : memref<10000x64xf32, #tpu.memory_space<vmem_shared>> -> memref<80x64xf32, #tpu.memory_space<vmem_shared>>
        tpu.enqueue_dma source(%dma_start3A_503 : memref<80x64xf32, #tpu.memory_space<vmem_shared>>) target(%dma_start3A_501 : memref<80x64xf32, #tpu.memory_space<vmem>>) target_semaphore(%run_scoped3A : memref<!tpu.dma_semaphore, #tpu.memory_space<semaphore_mem>>)
        %dma_wait3A_504 = arith.constant 0 : i32
        %dma_wait3A_505 = arith.constant 0 : i32
        %dma_wait3A_506 = tpu.memref_slice %arg10[%dma_wait3A_504, %dma_wait3A_505] : memref<80x64xf32, #tpu.memory_space<vmem>> -> memref<80x64xf32, #tpu.memory_space<vmem>>
        %dma_wait3A_507 = arith.constant 0 : i32
        %dma_wait3A_508 = tpu.memref_slice %arg12[%mul3A_479, %dma_wait3A_507] : memref<10000x64xf32, #tpu.memory_space<vmem_shared>> -> memref<80x64xf32, #tpu.memory_space<vmem_shared>>
        %dma_wait3A_509 = arith.constant 0 : i32
        %dma_wait3A_510 = arith.constant 0 : i32
        %dma_wait3A_511 = tpu.memref_slice %arg10[%dma_wait3A_509, %dma_wait3A_510] : memref<80x64xf32, #tpu.memory_space<vmem>> -> memref<80x64xf32, #tpu.memory_space<vmem>>
        %dma_wait3A_512 = arith.constant 0 : i32
        %dma_wait3A_513 = tpu.memref_slice %arg12[%mul3A_479, %dma_wait3A_512] : memref<10000x64xf32, #tpu.memory_space<vmem_shared>> -> memref<80x64xf32, #tpu.memory_space<vmem_shared>>
        tpu.wait_dma2 semaphore(%run_scoped3A : memref<!tpu.dma_semaphore, #tpu.memory_space<semaphore_mem>>) src(%dma_wait3A_513 : memref<80x64xf32, #tpu.memory_space<vmem_shared>>) dst(%dma_wait3A_511 : memref<80x64xf32, #tpu.memory_space<vmem>>)
        tpu.yield
      }) : () -> ()
      %mul3A_480 = arith.constant 80 : i32
      %mul3A_481 = arith.muli %add3A_433, %mul3A_480 : i32
      %dma_start3A_482 = arith.constant 0 : i32
      %dma_start3A_483 = arith.constant 0 : i32
      %dma_start3A_484 = tpu.memref_slice %arg10[%dma_start3A_482, %dma_start3A_483] : memref<80x64xf32, #tpu.memory_space<vmem>> -> memref<80x64xf32, #tpu.memory_space<vmem>>
      %dma_start3A_485 = arith.constant 0 : i32
      %dma_start3A_486 = tpu.memref_slice %arg6[%arg0, %mul3A_481, %dma_start3A_485] : memref<2x10000x64xf32, #tpu.memory_space<hbm>> -> memref<1x80x64xf32, #tpu.memory_space<hbm>>
      %dma_start3A_487 = tpu.memref_squeeze %dma_start3A_486 : memref<1x80x64xf32, #tpu.memory_space<hbm>> -> memref<80x64xf32, #tpu.memory_space<hbm>>
      %dma_start3A_488 = arith.constant 0 : i32
      %dma_start3A_489 = tpu.memref_slice %arg6[%arg0, %mul3A_481, %dma_start3A_488] : memref<2x10000x64xf32, #tpu.memory_space<hbm>> -> memref<1x80x64xf32, #tpu.memory_space<hbm>>
      %dma_start3A_490 = tpu.memref_squeeze %dma_start3A_489 : memref<1x80x64xf32, #tpu.memory_space<hbm>> -> memref<80x64xf32, #tpu.memory_space<hbm>>
      %dma_start3A_491 = arith.constant 0 : i32
      %dma_start3A_492 = arith.constant 0 : i32
      %dma_start3A_493 = tpu.memref_slice %arg10[%dma_start3A_491, %dma_start3A_492] : memref<80x64xf32, #tpu.memory_space<vmem>> -> memref<80x64xf32, #tpu.memory_space<vmem>>
      tpu.enqueue_dma source(%dma_start3A_493 : memref<80x64xf32, #tpu.memory_space<vmem>>) target(%dma_start3A_490 : memref<80x64xf32, #tpu.memory_space<hbm>>) target_semaphore(%arg14 : memref<!tpu.dma_semaphore, #tpu.memory_space<semaphore_mem>>)
    } else {
    }
    %add3A_455 = arith.constant 96 : i32
    %add3A_456 = arith.addi %add3A_455, %arg1 : i32
    %mul3A_457 = arith.constant 80 : i32
    %mul3A_458 = arith.muli %add3A_456, %mul3A_457 : i32
    %dma_wait3A_459 = arith.constant 0 : i32
    %dma_wait3A_460 = arith.constant 0 : i32
    %dma_wait3A_461 = tpu.memref_slice %arg9[%dma_wait3A_459, %dma_wait3A_460] : memref<80x64xf32, #tpu.memory_space<vmem>> -> memref<80x64xf32, #tpu.memory_space<vmem>>
    %dma_wait3A_462 = arith.constant 0 : i32
    %dma_wait3A_463 = tpu.memref_slice %arg6[%arg0, %mul3A_458, %dma_wait3A_462] : memref<2x10000x64xf32, #tpu.memory_space<hbm>> -> memref<1x80x64xf32, #tpu.memory_space<hbm>>
    %dma_wait3A_464 = tpu.memref_squeeze %dma_wait3A_463 : memref<1x80x64xf32, #tpu.memory_space<hbm>> -> memref<80x64xf32, #tpu.memory_space<hbm>>
    %dma_wait3A_465 = arith.constant 0 : i32
    %dma_wait3A_466 = tpu.memref_slice %arg6[%arg0, %mul3A_458, %dma_wait3A_465] : memref<2x10000x64xf32, #tpu.memory_space<hbm>> -> memref<1x80x64xf32, #tpu.memory_space<hbm>>
    %dma_wait3A_467 = tpu.memref_squeeze %dma_wait3A_466 : memref<1x80x64xf32, #tpu.memory_space<hbm>> -> memref<80x64xf32, #tpu.memory_space<hbm>>
    %dma_wait3A_468 = arith.constant 0 : i32
    %dma_wait3A_469 = arith.constant 0 : i32
    %dma_wait3A_470 = tpu.memref_slice %arg9[%dma_wait3A_468, %dma_wait3A_469] : memref<80x64xf32, #tpu.memory_space<vmem>> -> memref<80x64xf32, #tpu.memory_space<vmem>>
    tpu.wait_dma2 semaphore(%arg13 : memref<!tpu.dma_semaphore, #tpu.memory_space<semaphore_mem>>) src(%dma_wait3A_470 : memref<80x64xf32, #tpu.memory_space<vmem>>) dst(%dma_wait3A_467 : memref<80x64xf32, #tpu.memory_space<hbm>>)
    %add3A_471 = arith.constant 112 : i32
    %add3A_472 = arith.addi %add3A_471, %arg1 : i32
    %lt3A_473 = arith.constant 125 : i32
    %lt3A_474 = arith.cmpi slt, %add3A_472, %lt3A_473 : i32
    %convert_element_type3A_475 = arith.extui %lt3A_474 : i1 to i32
    %cond3A_476 = arith.constant 0 : i32
    %cond3A_477 = arith.cmpi ne, %convert_element_type3A_475, %cond3A_476 : i32
    scf.if %cond3A_477 {
      %mul3A_478 = arith.constant 80 : i32
      %mul3A_479 = arith.muli %add3A_472, %mul3A_478 : i32
      %dma_wait3A_480 = arith.constant 0 : i32
      %dma_wait3A_481 = arith.constant 0 : i32
      %dma_wait3A_482 = tpu.memref_slice %arg10[%dma_wait3A_480, %dma_wait3A_481] : memref<80x64xf32, #tpu.memory_space<vmem>> -> memref<80x64xf32, #tpu.memory_space<vmem>>
      %dma_wait3A_483 = arith.constant 0 : i32
      %dma_wait3A_484 = tpu.memref_slice %arg6[%arg0, %mul3A_479, %dma_wait3A_483] : memref<2x10000x64xf32, #tpu.memory_space<hbm>> -> memref<1x80x64xf32, #tpu.memory_space<hbm>>
      %dma_wait3A_485 = tpu.memref_squeeze %dma_wait3A_484 : memref<1x80x64xf32, #tpu.memory_space<hbm>> -> memref<80x64xf32, #tpu.memory_space<hbm>>
      %dma_wait3A_486 = arith.constant 0 : i32
      %dma_wait3A_487 = tpu.memref_slice %arg6[%arg0, %mul3A_479, %dma_wait3A_486] : memref<2x10000x64xf32, #tpu.memory_space<hbm>> -> memref<1x80x64xf32, #tpu.memory_space<hbm>>
      %dma_wait3A_488 = tpu.memref_squeeze %dma_wait3A_487 : memref<1x80x64xf32, #tpu.memory_space<hbm>> -> memref<80x64xf32, #tpu.memory_space<hbm>>
      %dma_wait3A_489 = arith.constant 0 : i32
      %dma_wait3A_490 = arith.constant 0 : i32
      %dma_wait3A_491 = tpu.memref_slice %arg10[%dma_wait3A_489, %dma_wait3A_490] : memref<80x64xf32, #tpu.memory_space<vmem>> -> memref<80x64xf32, #tpu.memory_space<vmem>>
      tpu.wait_dma2 semaphore(%arg14 : memref<!tpu.dma_semaphore, #tpu.memory_space<semaphore_mem>>) src(%dma_wait3A_491 : memref<80x64xf32, #tpu.memory_space<vmem>>) dst(%dma_wait3A_488 : memref<80x64xf32, #tpu.memory_space<hbm>>)
    } else {
    }
    return
  }
}

#map = affine_map<(d0, d1) -> (0)>
#map1 = affine_map<(d0, d1) -> (0, 0)>
#map2 = affine_map<(d0, d1) -> (0, 0, 0)>
module attributes {stable_mosaic.version = 14 : i64} {
  func.func @k(%arg0: i32, %arg1: i32, %arg2: memref<320000xi32, #tpu.memory_space<hbm>>, %arg3: memref<320000xi32, #tpu.memory_space<hbm>>, %arg4: memref<10000x128xf32, #tpu.memory_space<hbm>>, %arg5: memref<80x128xf32, #tpu.memory_space<hbm>>, %arg6: memref<2x10000x128xf32, #tpu.memory_space<hbm>>, %arg7: memref<10000xi32, #tpu.memory_space<vmem>>, %arg8: memref<10000xi32, #tpu.memory_space<vmem>>, %arg9: memref<80x128xf32, #tpu.memory_space<vmem>>, %arg10: memref<80x128xf32, #tpu.memory_space<vmem>>, %arg11: memref<80x128xf32, #tpu.memory_space<vmem>>, %arg12: memref<10000x128xf32, #tpu.memory_space<vmem_shared>>, %arg13: memref<!tpu.dma_semaphore, #tpu.memory_space<semaphore_mem>>, %arg14: memref<!tpu.dma_semaphore, #tpu.memory_space<semaphore_mem>>, %arg15: memref<!tpu.dma_semaphore, #tpu.memory_space<semaphore_mem>>, %arg16: memref<!tpu.dma_semaphore, #tpu.memory_space<semaphore_mem>>, %arg17: memref<!tpu.dma_semaphore, #tpu.memory_space<semaphore_mem>>, %arg18: memref<!tpu.dma_semaphore, #tpu.memory_space<semaphore_mem>>, %arg19: memref<!tpu.dma_semaphore, #tpu.memory_space<semaphore_mem>>) attributes {dimension_semantics = [#tpu.dimension_semantics<core_parallel>, #tpu.dimension_semantics<subcore_parallel>], iteration_bounds = array<i64: 2, 16>, scalar_prefetch = 0 : i64, scratch_operands = 13 : i64, tpu.core_type = #tpu.core_type<sc_vector_subcore>, window_params = [{transform_indices = #map}, {transform_indices = #map}, {transform_indices = #map1}, {transform_indices = #map1}, {transform_indices = #map2}]} {
    %mul3A = arith.constant 16 : i32
    %mul3A_0 = arith.muli %arg0, %mul3A : i32
    %add3A = arith.addi %mul3A_0, %arg1 : i32
    %mul3A_1 = arith.constant 10000 : i32
    %mul3A_2 = arith.muli %add3A, %mul3A_1 : i32
    %dma_start3A = tpu.memref_slice %arg2[%mul3A_2] : memref<320000xi32, #tpu.memory_space<hbm>> -> memref<10000xi32, #tpu.memory_space<hbm>>
    %dma_start3A_3 = tpu.memref_slice %arg2[%mul3A_2] : memref<320000xi32, #tpu.memory_space<hbm>> -> memref<10000xi32, #tpu.memory_space<hbm>>
    tpu.enqueue_dma source(%dma_start3A_3 : memref<10000xi32, #tpu.memory_space<hbm>>) target(%arg7 : memref<10000xi32, #tpu.memory_space<vmem>>) target_semaphore(%arg13 : memref<!tpu.dma_semaphore, #tpu.memory_space<semaphore_mem>>)
    %mul3A_4 = arith.constant 10000 : i32
    %mul3A_5 = arith.muli %add3A, %mul3A_4 : i32
    %dma_start3A_6 = tpu.memref_slice %arg3[%mul3A_5] : memref<320000xi32, #tpu.memory_space<hbm>> -> memref<10000xi32, #tpu.memory_space<hbm>>
    %dma_start3A_7 = tpu.memref_slice %arg3[%mul3A_5] : memref<320000xi32, #tpu.memory_space<hbm>> -> memref<10000xi32, #tpu.memory_space<hbm>>
    tpu.enqueue_dma source(%dma_start3A_7 : memref<10000xi32, #tpu.memory_space<hbm>>) target(%arg8 : memref<10000xi32, #tpu.memory_space<vmem>>) target_semaphore(%arg14 : memref<!tpu.dma_semaphore, #tpu.memory_space<semaphore_mem>>)
    "tpu.region"() ({
      %run_scoped3A = tpu.sem_alloc : memref<!tpu.dma_semaphore, #tpu.memory_space<semaphore_mem>>
      %dma_start3A_478 = arith.constant 0 : i32
      %dma_start3A_479 = arith.constant 0 : i32
      %dma_start3A_480 = tpu.memref_slice %arg10[%dma_start3A_478, %dma_start3A_479] : memref<80x128xf32, #tpu.memory_space<vmem>> -> memref<80x128xf32, #tpu.memory_space<vmem>>
      %dma_start3A_481 = arith.constant 0 : i32
      %dma_start3A_482 = arith.constant 0 : i32
      %dma_start3A_483 = tpu.memref_slice %arg10[%dma_start3A_481, %dma_start3A_482] : memref<80x128xf32, #tpu.memory_space<vmem>> -> memref<80x128xf32, #tpu.memory_space<vmem>>
      tpu.enqueue_dma source(%arg5 : memref<80x128xf32, #tpu.memory_space<hbm>>) target(%dma_start3A_483 : memref<80x128xf32, #tpu.memory_space<vmem>>) target_semaphore(%run_scoped3A : memref<!tpu.dma_semaphore, #tpu.memory_space<semaphore_mem>>)
      %dma_wait3A_484 = arith.constant 0 : i32
      %dma_wait3A_485 = arith.constant 0 : i32
      %dma_wait3A_486 = tpu.memref_slice %arg10[%dma_wait3A_484, %dma_wait3A_485] : memref<80x128xf32, #tpu.memory_space<vmem>> -> memref<80x128xf32, #tpu.memory_space<vmem>>
      %dma_wait3A_487 = arith.constant 0 : i32
      %dma_wait3A_488 = arith.constant 0 : i32
      %dma_wait3A_489 = tpu.memref_slice %arg10[%dma_wait3A_487, %dma_wait3A_488] : memref<80x128xf32, #tpu.memory_space<vmem>> -> memref<80x128xf32, #tpu.memory_space<vmem>>
      tpu.wait_dma2 semaphore(%run_scoped3A : memref<!tpu.dma_semaphore, #tpu.memory_space<semaphore_mem>>) src(%arg5 : memref<80x128xf32, #tpu.memory_space<hbm>>) dst(%dma_wait3A_489 : memref<80x128xf32, #tpu.memory_space<vmem>>)
      tpu.yield
    }) : () -> ()
    %add3A_8 = arith.constant 0 : i32
    %add3A_9 = arith.addi %add3A_8, %arg1 : i32
    %lt3A = arith.constant 125 : i32
    %lt3A_10 = arith.cmpi slt, %add3A_9, %lt3A : i32
    %convert_element_type3A = arith.extui %lt3A_10 : i1 to i32
    %cond3A = arith.constant 0 : i32
    %cond3A_11 = arith.cmpi ne, %convert_element_type3A, %cond3A : i32
    scf.if %cond3A_11 {
      %mul3A_478 = arith.constant 80 : i32
      %mul3A_479 = arith.muli %add3A_9, %mul3A_478 : i32
      %dma_start3A_480 = arith.constant 0 : i32
      %dma_start3A_481 = arith.constant 0 : i32
      %dma_start3A_482 = tpu.memref_slice %arg10[%dma_start3A_480, %dma_start3A_481] : memref<80x128xf32, #tpu.memory_space<vmem>> -> memref<80x128xf32, #tpu.memory_space<vmem>>
      %dma_start3A_483 = arith.constant 0 : i32
      %dma_start3A_484 = tpu.memref_slice %arg12[%mul3A_479, %dma_start3A_483] : memref<10000x128xf32, #tpu.memory_space<vmem_shared>> -> memref<80x128xf32, #tpu.memory_space<vmem_shared>>
      %dma_start3A_485 = arith.constant 0 : i32
      %dma_start3A_486 = tpu.memref_slice %arg12[%mul3A_479, %dma_start3A_485] : memref<10000x128xf32, #tpu.memory_space<vmem_shared>> -> memref<80x128xf32, #tpu.memory_space<vmem_shared>>
      %dma_start3A_487 = arith.constant 0 : i32
      %dma_start3A_488 = arith.constant 0 : i32
      %dma_start3A_489 = tpu.memref_slice %arg10[%dma_start3A_487, %dma_start3A_488] : memref<80x128xf32, #tpu.memory_space<vmem>> -> memref<80x128xf32, #tpu.memory_space<vmem>>
      tpu.enqueue_dma source(%dma_start3A_489 : memref<80x128xf32, #tpu.memory_space<vmem>>) target(%dma_start3A_486 : memref<80x128xf32, #tpu.memory_space<vmem_shared>>) target_semaphore(%arg19 : memref<!tpu.dma_semaphore, #tpu.memory_space<semaphore_mem>>)
    } else {
    }
    %add3A_12 = arith.constant 16 : i32
    %add3A_13 = arith.addi %add3A_12, %arg1 : i32
    %lt3A_14 = arith.constant 125 : i32
    %lt3A_15 = arith.cmpi slt, %add3A_13, %lt3A_14 : i32
    %convert_element_type3A_16 = arith.extui %lt3A_15 : i1 to i32
    %cond3A_17 = arith.constant 0 : i32
    %cond3A_18 = arith.cmpi ne, %convert_element_type3A_16, %cond3A_17 : i32
    scf.if %cond3A_18 {
      %mul3A_478 = arith.constant 80 : i32
      %mul3A_479 = arith.muli %add3A_13, %mul3A_478 : i32
      %dma_start3A_480 = arith.constant 0 : i32
      %dma_start3A_481 = arith.constant 0 : i32
      %dma_start3A_482 = tpu.memref_slice %arg10[%dma_start3A_480, %dma_start3A_481] : memref<80x128xf32, #tpu.memory_space<vmem>> -> memref<80x128xf32, #tpu.memory_space<vmem>>
      %dma_start3A_483 = arith.constant 0 : i32
      %dma_start3A_484 = tpu.memref_slice %arg12[%mul3A_479, %dma_start3A_483] : memref<10000x128xf32, #tpu.memory_space<vmem_shared>> -> memref<80x128xf32, #tpu.memory_space<vmem_shared>>
      %dma_start3A_485 = arith.constant 0 : i32
      %dma_start3A_486 = tpu.memref_slice %arg12[%mul3A_479, %dma_start3A_485] : memref<10000x128xf32, #tpu.memory_space<vmem_shared>> -> memref<80x128xf32, #tpu.memory_space<vmem_shared>>
      %dma_start3A_487 = arith.constant 0 : i32
      %dma_start3A_488 = arith.constant 0 : i32
      %dma_start3A_489 = tpu.memref_slice %arg10[%dma_start3A_487, %dma_start3A_488] : memref<80x128xf32, #tpu.memory_space<vmem>> -> memref<80x128xf32, #tpu.memory_space<vmem>>
      tpu.enqueue_dma source(%dma_start3A_489 : memref<80x128xf32, #tpu.memory_space<vmem>>) target(%dma_start3A_486 : memref<80x128xf32, #tpu.memory_space<vmem_shared>>) target_semaphore(%arg19 : memref<!tpu.dma_semaphore, #tpu.memory_space<semaphore_mem>>)
    } else {
    }
    %add3A_19 = arith.constant 32 : i32
    %add3A_20 = arith.addi %add3A_19, %arg1 : i32
    %lt3A_21 = arith.constant 125 : i32
    %lt3A_22 = arith.cmpi slt, %add3A_20, %lt3A_21 : i32
    %convert_element_type3A_23 = arith.extui %lt3A_22 : i1 to i32
    %cond3A_24 = arith.constant 0 : i32
    %cond3A_25 = arith.cmpi ne, %convert_element_type3A_23, %cond3A_24 : i32
    scf.if %cond3A_25 {
      %mul3A_478 = arith.constant 80 : i32
      %mul3A_479 = arith.muli %add3A_20, %mul3A_478 : i32
      %dma_start3A_480 = arith.constant 0 : i32
      %dma_start3A_481 = arith.constant 0 : i32
      %dma_start3A_482 = tpu.memref_slice %arg10[%dma_start3A_480, %dma_start3A_481] : memref<80x128xf32, #tpu.memory_space<vmem>> -> memref<80x128xf32, #tpu.memory_space<vmem>>
      %dma_start3A_483 = arith.constant 0 : i32
      %dma_start3A_484 = tpu.memref_slice %arg12[%mul3A_479, %dma_start3A_483] : memref<10000x128xf32, #tpu.memory_space<vmem_shared>> -> memref<80x128xf32, #tpu.memory_space<vmem_shared>>
      %dma_start3A_485 = arith.constant 0 : i32
      %dma_start3A_486 = tpu.memref_slice %arg12[%mul3A_479, %dma_start3A_485] : memref<10000x128xf32, #tpu.memory_space<vmem_shared>> -> memref<80x128xf32, #tpu.memory_space<vmem_shared>>
      %dma_start3A_487 = arith.constant 0 : i32
      %dma_start3A_488 = arith.constant 0 : i32
      %dma_start3A_489 = tpu.memref_slice %arg10[%dma_start3A_487, %dma_start3A_488] : memref<80x128xf32, #tpu.memory_space<vmem>> -> memref<80x128xf32, #tpu.memory_space<vmem>>
      tpu.enqueue_dma source(%dma_start3A_489 : memref<80x128xf32, #tpu.memory_space<vmem>>) target(%dma_start3A_486 : memref<80x128xf32, #tpu.memory_space<vmem_shared>>) target_semaphore(%arg19 : memref<!tpu.dma_semaphore, #tpu.memory_space<semaphore_mem>>)
    } else {
    }
    %add3A_26 = arith.constant 48 : i32
    %add3A_27 = arith.addi %add3A_26, %arg1 : i32
    %lt3A_28 = arith.constant 125 : i32
    %lt3A_29 = arith.cmpi slt, %add3A_27, %lt3A_28 : i32
    %convert_element_type3A_30 = arith.extui %lt3A_29 : i1 to i32
    %cond3A_31 = arith.constant 0 : i32
    %cond3A_32 = arith.cmpi ne, %convert_element_type3A_30, %cond3A_31 : i32
    scf.if %cond3A_32 {
      %mul3A_478 = arith.constant 80 : i32
      %mul3A_479 = arith.muli %add3A_27, %mul3A_478 : i32
      %dma_start3A_480 = arith.constant 0 : i32
      %dma_start3A_481 = arith.constant 0 : i32
      %dma_start3A_482 = tpu.memref_slice %arg10[%dma_start3A_480, %dma_start3A_481] : memref<80x128xf32, #tpu.memory_space<vmem>> -> memref<80x128xf32, #tpu.memory_space<vmem>>
      %dma_start3A_483 = arith.constant 0 : i32
      %dma_start3A_484 = tpu.memref_slice %arg12[%mul3A_479, %dma_start3A_483] : memref<10000x128xf32, #tpu.memory_space<vmem_shared>> -> memref<80x128xf32, #tpu.memory_space<vmem_shared>>
      %dma_start3A_485 = arith.constant 0 : i32
      %dma_start3A_486 = tpu.memref_slice %arg12[%mul3A_479, %dma_start3A_485] : memref<10000x128xf32, #tpu.memory_space<vmem_shared>> -> memref<80x128xf32, #tpu.memory_space<vmem_shared>>
      %dma_start3A_487 = arith.constant 0 : i32
      %dma_start3A_488 = arith.constant 0 : i32
      %dma_start3A_489 = tpu.memref_slice %arg10[%dma_start3A_487, %dma_start3A_488] : memref<80x128xf32, #tpu.memory_space<vmem>> -> memref<80x128xf32, #tpu.memory_space<vmem>>
      tpu.enqueue_dma source(%dma_start3A_489 : memref<80x128xf32, #tpu.memory_space<vmem>>) target(%dma_start3A_486 : memref<80x128xf32, #tpu.memory_space<vmem_shared>>) target_semaphore(%arg19 : memref<!tpu.dma_semaphore, #tpu.memory_space<semaphore_mem>>)
    } else {
    }
    %add3A_33 = arith.constant 64 : i32
    %add3A_34 = arith.addi %add3A_33, %arg1 : i32
    %lt3A_35 = arith.constant 125 : i32
    %lt3A_36 = arith.cmpi slt, %add3A_34, %lt3A_35 : i32
    %convert_element_type3A_37 = arith.extui %lt3A_36 : i1 to i32
    %cond3A_38 = arith.constant 0 : i32
    %cond3A_39 = arith.cmpi ne, %convert_element_type3A_37, %cond3A_38 : i32
    scf.if %cond3A_39 {
      %mul3A_478 = arith.constant 80 : i32
      %mul3A_479 = arith.muli %add3A_34, %mul3A_478 : i32
      %dma_start3A_480 = arith.constant 0 : i32
      %dma_start3A_481 = arith.constant 0 : i32
      %dma_start3A_482 = tpu.memref_slice %arg10[%dma_start3A_480, %dma_start3A_481] : memref<80x128xf32, #tpu.memory_space<vmem>> -> memref<80x128xf32, #tpu.memory_space<vmem>>
      %dma_start3A_483 = arith.constant 0 : i32
      %dma_start3A_484 = tpu.memref_slice %arg12[%mul3A_479, %dma_start3A_483] : memref<10000x128xf32, #tpu.memory_space<vmem_shared>> -> memref<80x128xf32, #tpu.memory_space<vmem_shared>>
      %dma_start3A_485 = arith.constant 0 : i32
      %dma_start3A_486 = tpu.memref_slice %arg12[%mul3A_479, %dma_start3A_485] : memref<10000x128xf32, #tpu.memory_space<vmem_shared>> -> memref<80x128xf32, #tpu.memory_space<vmem_shared>>
      %dma_start3A_487 = arith.constant 0 : i32
      %dma_start3A_488 = arith.constant 0 : i32
      %dma_start3A_489 = tpu.memref_slice %arg10[%dma_start3A_487, %dma_start3A_488] : memref<80x128xf32, #tpu.memory_space<vmem>> -> memref<80x128xf32, #tpu.memory_space<vmem>>
      tpu.enqueue_dma source(%dma_start3A_489 : memref<80x128xf32, #tpu.memory_space<vmem>>) target(%dma_start3A_486 : memref<80x128xf32, #tpu.memory_space<vmem_shared>>) target_semaphore(%arg19 : memref<!tpu.dma_semaphore, #tpu.memory_space<semaphore_mem>>)
    } else {
    }
    %add3A_40 = arith.constant 80 : i32
    %add3A_41 = arith.addi %add3A_40, %arg1 : i32
    %lt3A_42 = arith.constant 125 : i32
    %lt3A_43 = arith.cmpi slt, %add3A_41, %lt3A_42 : i32
    %convert_element_type3A_44 = arith.extui %lt3A_43 : i1 to i32
    %cond3A_45 = arith.constant 0 : i32
    %cond3A_46 = arith.cmpi ne, %convert_element_type3A_44, %cond3A_45 : i32
    scf.if %cond3A_46 {
      %mul3A_478 = arith.constant 80 : i32
      %mul3A_479 = arith.muli %add3A_41, %mul3A_478 : i32
      %dma_start3A_480 = arith.constant 0 : i32
      %dma_start3A_481 = arith.constant 0 : i32
      %dma_start3A_482 = tpu.memref_slice %arg10[%dma_start3A_480, %dma_start3A_481] : memref<80x128xf32, #tpu.memory_space<vmem>> -> memref<80x128xf32, #tpu.memory_space<vmem>>
      %dma_start3A_483 = arith.constant 0 : i32
      %dma_start3A_484 = tpu.memref_slice %arg12[%mul3A_479, %dma_start3A_483] : memref<10000x128xf32, #tpu.memory_space<vmem_shared>> -> memref<80x128xf32, #tpu.memory_space<vmem_shared>>
      %dma_start3A_485 = arith.constant 0 : i32
      %dma_start3A_486 = tpu.memref_slice %arg12[%mul3A_479, %dma_start3A_485] : memref<10000x128xf32, #tpu.memory_space<vmem_shared>> -> memref<80x128xf32, #tpu.memory_space<vmem_shared>>
      %dma_start3A_487 = arith.constant 0 : i32
      %dma_start3A_488 = arith.constant 0 : i32
      %dma_start3A_489 = tpu.memref_slice %arg10[%dma_start3A_487, %dma_start3A_488] : memref<80x128xf32, #tpu.memory_space<vmem>> -> memref<80x128xf32, #tpu.memory_space<vmem>>
      tpu.enqueue_dma source(%dma_start3A_489 : memref<80x128xf32, #tpu.memory_space<vmem>>) target(%dma_start3A_486 : memref<80x128xf32, #tpu.memory_space<vmem_shared>>) target_semaphore(%arg19 : memref<!tpu.dma_semaphore, #tpu.memory_space<semaphore_mem>>)
    } else {
    }
    %add3A_47 = arith.constant 96 : i32
    %add3A_48 = arith.addi %add3A_47, %arg1 : i32
    %lt3A_49 = arith.constant 125 : i32
    %lt3A_50 = arith.cmpi slt, %add3A_48, %lt3A_49 : i32
    %convert_element_type3A_51 = arith.extui %lt3A_50 : i1 to i32
    %cond3A_52 = arith.constant 0 : i32
    %cond3A_53 = arith.cmpi ne, %convert_element_type3A_51, %cond3A_52 : i32
    scf.if %cond3A_53 {
      %mul3A_478 = arith.constant 80 : i32
      %mul3A_479 = arith.muli %add3A_48, %mul3A_478 : i32
      %dma_start3A_480 = arith.constant 0 : i32
      %dma_start3A_481 = arith.constant 0 : i32
      %dma_start3A_482 = tpu.memref_slice %arg10[%dma_start3A_480, %dma_start3A_481] : memref<80x128xf32, #tpu.memory_space<vmem>> -> memref<80x128xf32, #tpu.memory_space<vmem>>
      %dma_start3A_483 = arith.constant 0 : i32
      %dma_start3A_484 = tpu.memref_slice %arg12[%mul3A_479, %dma_start3A_483] : memref<10000x128xf32, #tpu.memory_space<vmem_shared>> -> memref<80x128xf32, #tpu.memory_space<vmem_shared>>
      %dma_start3A_485 = arith.constant 0 : i32
      %dma_start3A_486 = tpu.memref_slice %arg12[%mul3A_479, %dma_start3A_485] : memref<10000x128xf32, #tpu.memory_space<vmem_shared>> -> memref<80x128xf32, #tpu.memory_space<vmem_shared>>
      %dma_start3A_487 = arith.constant 0 : i32
      %dma_start3A_488 = arith.constant 0 : i32
      %dma_start3A_489 = tpu.memref_slice %arg10[%dma_start3A_487, %dma_start3A_488] : memref<80x128xf32, #tpu.memory_space<vmem>> -> memref<80x128xf32, #tpu.memory_space<vmem>>
      tpu.enqueue_dma source(%dma_start3A_489 : memref<80x128xf32, #tpu.memory_space<vmem>>) target(%dma_start3A_486 : memref<80x128xf32, #tpu.memory_space<vmem_shared>>) target_semaphore(%arg19 : memref<!tpu.dma_semaphore, #tpu.memory_space<semaphore_mem>>)
    } else {
    }
    %add3A_54 = arith.constant 112 : i32
    %add3A_55 = arith.addi %add3A_54, %arg1 : i32
    %lt3A_56 = arith.constant 125 : i32
    %lt3A_57 = arith.cmpi slt, %add3A_55, %lt3A_56 : i32
    %convert_element_type3A_58 = arith.extui %lt3A_57 : i1 to i32
    %cond3A_59 = arith.constant 0 : i32
    %cond3A_60 = arith.cmpi ne, %convert_element_type3A_58, %cond3A_59 : i32
    scf.if %cond3A_60 {
      %mul3A_478 = arith.constant 80 : i32
      %mul3A_479 = arith.muli %add3A_55, %mul3A_478 : i32
      %dma_start3A_480 = arith.constant 0 : i32
      %dma_start3A_481 = arith.constant 0 : i32
      %dma_start3A_482 = tpu.memref_slice %arg10[%dma_start3A_480, %dma_start3A_481] : memref<80x128xf32, #tpu.memory_space<vmem>> -> memref<80x128xf32, #tpu.memory_space<vmem>>
      %dma_start3A_483 = arith.constant 0 : i32
      %dma_start3A_484 = tpu.memref_slice %arg12[%mul3A_479, %dma_start3A_483] : memref<10000x128xf32, #tpu.memory_space<vmem_shared>> -> memref<80x128xf32, #tpu.memory_space<vmem_shared>>
      %dma_start3A_485 = arith.constant 0 : i32
      %dma_start3A_486 = tpu.memref_slice %arg12[%mul3A_479, %dma_start3A_485] : memref<10000x128xf32, #tpu.memory_space<vmem_shared>> -> memref<80x128xf32, #tpu.memory_space<vmem_shared>>
      %dma_start3A_487 = arith.constant 0 : i32
      %dma_start3A_488 = arith.constant 0 : i32
      %dma_start3A_489 = tpu.memref_slice %arg10[%dma_start3A_487, %dma_start3A_488] : memref<80x128xf32, #tpu.memory_space<vmem>> -> memref<80x128xf32, #tpu.memory_space<vmem>>
      tpu.enqueue_dma source(%dma_start3A_489 : memref<80x128xf32, #tpu.memory_space<vmem>>) target(%dma_start3A_486 : memref<80x128xf32, #tpu.memory_space<vmem_shared>>) target_semaphore(%arg19 : memref<!tpu.dma_semaphore, #tpu.memory_space<semaphore_mem>>)
    } else {
    }
    %add3A_61 = arith.constant 0 : i32
    %add3A_62 = arith.addi %add3A_61, %arg1 : i32
    %lt3A_63 = arith.constant 125 : i32
    %lt3A_64 = arith.cmpi slt, %add3A_62, %lt3A_63 : i32
    %convert_element_type3A_65 = arith.extui %lt3A_64 : i1 to i32
    %cond3A_66 = arith.constant 0 : i32
    %cond3A_67 = arith.cmpi ne, %convert_element_type3A_65, %cond3A_66 : i32
    scf.if %cond3A_67 {
      %mul3A_478 = arith.constant 80 : i32
      %mul3A_479 = arith.muli %add3A_62, %mul3A_478 : i32
      %dma_wait3A_480 = arith.constant 0 : i32
      %dma_wait3A_481 = arith.constant 0 : i32
      %dma_wait3A_482 = tpu.memref_slice %arg10[%dma_wait3A_480, %dma_wait3A_481] : memref<80x128xf32, #tpu.memory_space<vmem>> -> memref<80x128xf32, #tpu.memory_space<vmem>>
      %dma_wait3A_483 = arith.constant 0 : i32
      %dma_wait3A_484 = tpu.memref_slice %arg12[%mul3A_479, %dma_wait3A_483] : memref<10000x128xf32, #tpu.memory_space<vmem_shared>> -> memref<80x128xf32, #tpu.memory_space<vmem_shared>>
      %dma_wait3A_485 = arith.constant 0 : i32
      %dma_wait3A_486 = tpu.memref_slice %arg12[%mul3A_479, %dma_wait3A_485] : memref<10000x128xf32, #tpu.memory_space<vmem_shared>> -> memref<80x128xf32, #tpu.memory_space<vmem_shared>>
      %dma_wait3A_487 = arith.constant 0 : i32
      %dma_wait3A_488 = arith.constant 0 : i32
      %dma_wait3A_489 = tpu.memref_slice %arg10[%dma_wait3A_487, %dma_wait3A_488] : memref<80x128xf32, #tpu.memory_space<vmem>> -> memref<80x128xf32, #tpu.memory_space<vmem>>
      tpu.wait_dma2 semaphore(%arg19 : memref<!tpu.dma_semaphore, #tpu.memory_space<semaphore_mem>>) src(%dma_wait3A_489 : memref<80x128xf32, #tpu.memory_space<vmem>>) dst(%dma_wait3A_486 : memref<80x128xf32, #tpu.memory_space<vmem_shared>>)
    } else {
    }
    %add3A_68 = arith.constant 16 : i32
    %add3A_69 = arith.addi %add3A_68, %arg1 : i32
    %lt3A_70 = arith.constant 125 : i32
    %lt3A_71 = arith.cmpi slt, %add3A_69, %lt3A_70 : i32
    %convert_element_type3A_72 = arith.extui %lt3A_71 : i1 to i32
    %cond3A_73 = arith.constant 0 : i32
    %cond3A_74 = arith.cmpi ne, %convert_element_type3A_72, %cond3A_73 : i32
    scf.if %cond3A_74 {
      %mul3A_478 = arith.constant 80 : i32
      %mul3A_479 = arith.muli %add3A_69, %mul3A_478 : i32
      %dma_wait3A_480 = arith.constant 0 : i32
      %dma_wait3A_481 = arith.constant 0 : i32
      %dma_wait3A_482 = tpu.memref_slice %arg10[%dma_wait3A_480, %dma_wait3A_481] : memref<80x128xf32, #tpu.memory_space<vmem>> -> memref<80x128xf32, #tpu.memory_space<vmem>>
      %dma_wait3A_483 = arith.constant 0 : i32
      %dma_wait3A_484 = tpu.memref_slice %arg12[%mul3A_479, %dma_wait3A_483] : memref<10000x128xf32, #tpu.memory_space<vmem_shared>> -> memref<80x128xf32, #tpu.memory_space<vmem_shared>>
      %dma_wait3A_485 = arith.constant 0 : i32
      %dma_wait3A_486 = tpu.memref_slice %arg12[%mul3A_479, %dma_wait3A_485] : memref<10000x128xf32, #tpu.memory_space<vmem_shared>> -> memref<80x128xf32, #tpu.memory_space<vmem_shared>>
      %dma_wait3A_487 = arith.constant 0 : i32
      %dma_wait3A_488 = arith.constant 0 : i32
      %dma_wait3A_489 = tpu.memref_slice %arg10[%dma_wait3A_487, %dma_wait3A_488] : memref<80x128xf32, #tpu.memory_space<vmem>> -> memref<80x128xf32, #tpu.memory_space<vmem>>
      tpu.wait_dma2 semaphore(%arg19 : memref<!tpu.dma_semaphore, #tpu.memory_space<semaphore_mem>>) src(%dma_wait3A_489 : memref<80x128xf32, #tpu.memory_space<vmem>>) dst(%dma_wait3A_486 : memref<80x128xf32, #tpu.memory_space<vmem_shared>>)
    } else {
    }
    %add3A_75 = arith.constant 32 : i32
    %add3A_76 = arith.addi %add3A_75, %arg1 : i32
    %lt3A_77 = arith.constant 125 : i32
    %lt3A_78 = arith.cmpi slt, %add3A_76, %lt3A_77 : i32
    %convert_element_type3A_79 = arith.extui %lt3A_78 : i1 to i32
    %cond3A_80 = arith.constant 0 : i32
    %cond3A_81 = arith.cmpi ne, %convert_element_type3A_79, %cond3A_80 : i32
    scf.if %cond3A_81 {
      %mul3A_478 = arith.constant 80 : i32
      %mul3A_479 = arith.muli %add3A_76, %mul3A_478 : i32
      %dma_wait3A_480 = arith.constant 0 : i32
      %dma_wait3A_481 = arith.constant 0 : i32
      %dma_wait3A_482 = tpu.memref_slice %arg10[%dma_wait3A_480, %dma_wait3A_481] : memref<80x128xf32, #tpu.memory_space<vmem>> -> memref<80x128xf32, #tpu.memory_space<vmem>>
      %dma_wait3A_483 = arith.constant 0 : i32
      %dma_wait3A_484 = tpu.memref_slice %arg12[%mul3A_479, %dma_wait3A_483] : memref<10000x128xf32, #tpu.memory_space<vmem_shared>> -> memref<80x128xf32, #tpu.memory_space<vmem_shared>>
      %dma_wait3A_485 = arith.constant 0 : i32
      %dma_wait3A_486 = tpu.memref_slice %arg12[%mul3A_479, %dma_wait3A_485] : memref<10000x128xf32, #tpu.memory_space<vmem_shared>> -> memref<80x128xf32, #tpu.memory_space<vmem_shared>>
      %dma_wait3A_487 = arith.constant 0 : i32
      %dma_wait3A_488 = arith.constant 0 : i32
      %dma_wait3A_489 = tpu.memref_slice %arg10[%dma_wait3A_487, %dma_wait3A_488] : memref<80x128xf32, #tpu.memory_space<vmem>> -> memref<80x128xf32, #tpu.memory_space<vmem>>
      tpu.wait_dma2 semaphore(%arg19 : memref<!tpu.dma_semaphore, #tpu.memory_space<semaphore_mem>>) src(%dma_wait3A_489 : memref<80x128xf32, #tpu.memory_space<vmem>>) dst(%dma_wait3A_486 : memref<80x128xf32, #tpu.memory_space<vmem_shared>>)
    } else {
    }
    %add3A_82 = arith.constant 48 : i32
    %add3A_83 = arith.addi %add3A_82, %arg1 : i32
    %lt3A_84 = arith.constant 125 : i32
    %lt3A_85 = arith.cmpi slt, %add3A_83, %lt3A_84 : i32
    %convert_element_type3A_86 = arith.extui %lt3A_85 : i1 to i32
    %cond3A_87 = arith.constant 0 : i32
    %cond3A_88 = arith.cmpi ne, %convert_element_type3A_86, %cond3A_87 : i32
    scf.if %cond3A_88 {
      %mul3A_478 = arith.constant 80 : i32
      %mul3A_479 = arith.muli %add3A_83, %mul3A_478 : i32
      %dma_wait3A_480 = arith.constant 0 : i32
      %dma_wait3A_481 = arith.constant 0 : i32
      %dma_wait3A_482 = tpu.memref_slice %arg10[%dma_wait3A_480, %dma_wait3A_481] : memref<80x128xf32, #tpu.memory_space<vmem>> -> memref<80x128xf32, #tpu.memory_space<vmem>>
      %dma_wait3A_483 = arith.constant 0 : i32
      %dma_wait3A_484 = tpu.memref_slice %arg12[%mul3A_479, %dma_wait3A_483] : memref<10000x128xf32, #tpu.memory_space<vmem_shared>> -> memref<80x128xf32, #tpu.memory_space<vmem_shared>>
      %dma_wait3A_485 = arith.constant 0 : i32
      %dma_wait3A_486 = tpu.memref_slice %arg12[%mul3A_479, %dma_wait3A_485] : memref<10000x128xf32, #tpu.memory_space<vmem_shared>> -> memref<80x128xf32, #tpu.memory_space<vmem_shared>>
      %dma_wait3A_487 = arith.constant 0 : i32
      %dma_wait3A_488 = arith.constant 0 : i32
      %dma_wait3A_489 = tpu.memref_slice %arg10[%dma_wait3A_487, %dma_wait3A_488] : memref<80x128xf32, #tpu.memory_space<vmem>> -> memref<80x128xf32, #tpu.memory_space<vmem>>
      tpu.wait_dma2 semaphore(%arg19 : memref<!tpu.dma_semaphore, #tpu.memory_space<semaphore_mem>>) src(%dma_wait3A_489 : memref<80x128xf32, #tpu.memory_space<vmem>>) dst(%dma_wait3A_486 : memref<80x128xf32, #tpu.memory_space<vmem_shared>>)
    } else {
    }
    %add3A_89 = arith.constant 64 : i32
    %add3A_90 = arith.addi %add3A_89, %arg1 : i32
    %lt3A_91 = arith.constant 125 : i32
    %lt3A_92 = arith.cmpi slt, %add3A_90, %lt3A_91 : i32
    %convert_element_type3A_93 = arith.extui %lt3A_92 : i1 to i32
    %cond3A_94 = arith.constant 0 : i32
    %cond3A_95 = arith.cmpi ne, %convert_element_type3A_93, %cond3A_94 : i32
    scf.if %cond3A_95 {
      %mul3A_478 = arith.constant 80 : i32
      %mul3A_479 = arith.muli %add3A_90, %mul3A_478 : i32
      %dma_wait3A_480 = arith.constant 0 : i32
      %dma_wait3A_481 = arith.constant 0 : i32
      %dma_wait3A_482 = tpu.memref_slice %arg10[%dma_wait3A_480, %dma_wait3A_481] : memref<80x128xf32, #tpu.memory_space<vmem>> -> memref<80x128xf32, #tpu.memory_space<vmem>>
      %dma_wait3A_483 = arith.constant 0 : i32
      %dma_wait3A_484 = tpu.memref_slice %arg12[%mul3A_479, %dma_wait3A_483] : memref<10000x128xf32, #tpu.memory_space<vmem_shared>> -> memref<80x128xf32, #tpu.memory_space<vmem_shared>>
      %dma_wait3A_485 = arith.constant 0 : i32
      %dma_wait3A_486 = tpu.memref_slice %arg12[%mul3A_479, %dma_wait3A_485] : memref<10000x128xf32, #tpu.memory_space<vmem_shared>> -> memref<80x128xf32, #tpu.memory_space<vmem_shared>>
      %dma_wait3A_487 = arith.constant 0 : i32
      %dma_wait3A_488 = arith.constant 0 : i32
      %dma_wait3A_489 = tpu.memref_slice %arg10[%dma_wait3A_487, %dma_wait3A_488] : memref<80x128xf32, #tpu.memory_space<vmem>> -> memref<80x128xf32, #tpu.memory_space<vmem>>
      tpu.wait_dma2 semaphore(%arg19 : memref<!tpu.dma_semaphore, #tpu.memory_space<semaphore_mem>>) src(%dma_wait3A_489 : memref<80x128xf32, #tpu.memory_space<vmem>>) dst(%dma_wait3A_486 : memref<80x128xf32, #tpu.memory_space<vmem_shared>>)
    } else {
    }
    %add3A_96 = arith.constant 80 : i32
    %add3A_97 = arith.addi %add3A_96, %arg1 : i32
    %lt3A_98 = arith.constant 125 : i32
    %lt3A_99 = arith.cmpi slt, %add3A_97, %lt3A_98 : i32
    %convert_element_type3A_100 = arith.extui %lt3A_99 : i1 to i32
    %cond3A_101 = arith.constant 0 : i32
    %cond3A_102 = arith.cmpi ne, %convert_element_type3A_100, %cond3A_101 : i32
    scf.if %cond3A_102 {
      %mul3A_478 = arith.constant 80 : i32
      %mul3A_479 = arith.muli %add3A_97, %mul3A_478 : i32
      %dma_wait3A_480 = arith.constant 0 : i32
      %dma_wait3A_481 = arith.constant 0 : i32
      %dma_wait3A_482 = tpu.memref_slice %arg10[%dma_wait3A_480, %dma_wait3A_481] : memref<80x128xf32, #tpu.memory_space<vmem>> -> memref<80x128xf32, #tpu.memory_space<vmem>>
      %dma_wait3A_483 = arith.constant 0 : i32
      %dma_wait3A_484 = tpu.memref_slice %arg12[%mul3A_479, %dma_wait3A_483] : memref<10000x128xf32, #tpu.memory_space<vmem_shared>> -> memref<80x128xf32, #tpu.memory_space<vmem_shared>>
      %dma_wait3A_485 = arith.constant 0 : i32
      %dma_wait3A_486 = tpu.memref_slice %arg12[%mul3A_479, %dma_wait3A_485] : memref<10000x128xf32, #tpu.memory_space<vmem_shared>> -> memref<80x128xf32, #tpu.memory_space<vmem_shared>>
      %dma_wait3A_487 = arith.constant 0 : i32
      %dma_wait3A_488 = arith.constant 0 : i32
      %dma_wait3A_489 = tpu.memref_slice %arg10[%dma_wait3A_487, %dma_wait3A_488] : memref<80x128xf32, #tpu.memory_space<vmem>> -> memref<80x128xf32, #tpu.memory_space<vmem>>
      tpu.wait_dma2 semaphore(%arg19 : memref<!tpu.dma_semaphore, #tpu.memory_space<semaphore_mem>>) src(%dma_wait3A_489 : memref<80x128xf32, #tpu.memory_space<vmem>>) dst(%dma_wait3A_486 : memref<80x128xf32, #tpu.memory_space<vmem_shared>>)
    } else {
    }
    %add3A_103 = arith.constant 96 : i32
    %add3A_104 = arith.addi %add3A_103, %arg1 : i32
    %lt3A_105 = arith.constant 125 : i32
    %lt3A_106 = arith.cmpi slt, %add3A_104, %lt3A_105 : i32
    %convert_element_type3A_107 = arith.extui %lt3A_106 : i1 to i32
    %cond3A_108 = arith.constant 0 : i32
    %cond3A_109 = arith.cmpi ne, %convert_element_type3A_107, %cond3A_108 : i32
    scf.if %cond3A_109 {
      %mul3A_478 = arith.constant 80 : i32
      %mul3A_479 = arith.muli %add3A_104, %mul3A_478 : i32
      %dma_wait3A_480 = arith.constant 0 : i32
      %dma_wait3A_481 = arith.constant 0 : i32
      %dma_wait3A_482 = tpu.memref_slice %arg10[%dma_wait3A_480, %dma_wait3A_481] : memref<80x128xf32, #tpu.memory_space<vmem>> -> memref<80x128xf32, #tpu.memory_space<vmem>>
      %dma_wait3A_483 = arith.constant 0 : i32
      %dma_wait3A_484 = tpu.memref_slice %arg12[%mul3A_479, %dma_wait3A_483] : memref<10000x128xf32, #tpu.memory_space<vmem_shared>> -> memref<80x128xf32, #tpu.memory_space<vmem_shared>>
      %dma_wait3A_485 = arith.constant 0 : i32
      %dma_wait3A_486 = tpu.memref_slice %arg12[%mul3A_479, %dma_wait3A_485] : memref<10000x128xf32, #tpu.memory_space<vmem_shared>> -> memref<80x128xf32, #tpu.memory_space<vmem_shared>>
      %dma_wait3A_487 = arith.constant 0 : i32
      %dma_wait3A_488 = arith.constant 0 : i32
      %dma_wait3A_489 = tpu.memref_slice %arg10[%dma_wait3A_487, %dma_wait3A_488] : memref<80x128xf32, #tpu.memory_space<vmem>> -> memref<80x128xf32, #tpu.memory_space<vmem>>
      tpu.wait_dma2 semaphore(%arg19 : memref<!tpu.dma_semaphore, #tpu.memory_space<semaphore_mem>>) src(%dma_wait3A_489 : memref<80x128xf32, #tpu.memory_space<vmem>>) dst(%dma_wait3A_486 : memref<80x128xf32, #tpu.memory_space<vmem_shared>>)
    } else {
    }
    %add3A_110 = arith.constant 112 : i32
    %add3A_111 = arith.addi %add3A_110, %arg1 : i32
    %lt3A_112 = arith.constant 125 : i32
    %lt3A_113 = arith.cmpi slt, %add3A_111, %lt3A_112 : i32
    %convert_element_type3A_114 = arith.extui %lt3A_113 : i1 to i32
    %cond3A_115 = arith.constant 0 : i32
    %cond3A_116 = arith.cmpi ne, %convert_element_type3A_114, %cond3A_115 : i32
    scf.if %cond3A_116 {
      %mul3A_478 = arith.constant 80 : i32
      %mul3A_479 = arith.muli %add3A_111, %mul3A_478 : i32
      %dma_wait3A_480 = arith.constant 0 : i32
      %dma_wait3A_481 = arith.constant 0 : i32
      %dma_wait3A_482 = tpu.memref_slice %arg10[%dma_wait3A_480, %dma_wait3A_481] : memref<80x128xf32, #tpu.memory_space<vmem>> -> memref<80x128xf32, #tpu.memory_space<vmem>>
      %dma_wait3A_483 = arith.constant 0 : i32
      %dma_wait3A_484 = tpu.memref_slice %arg12[%mul3A_479, %dma_wait3A_483] : memref<10000x128xf32, #tpu.memory_space<vmem_shared>> -> memref<80x128xf32, #tpu.memory_space<vmem_shared>>
      %dma_wait3A_485 = arith.constant 0 : i32
      %dma_wait3A_486 = tpu.memref_slice %arg12[%mul3A_479, %dma_wait3A_485] : memref<10000x128xf32, #tpu.memory_space<vmem_shared>> -> memref<80x128xf32, #tpu.memory_space<vmem_shared>>
      %dma_wait3A_487 = arith.constant 0 : i32
      %dma_wait3A_488 = arith.constant 0 : i32
      %dma_wait3A_489 = tpu.memref_slice %arg10[%dma_wait3A_487, %dma_wait3A_488] : memref<80x128xf32, #tpu.memory_space<vmem>> -> memref<80x128xf32, #tpu.memory_space<vmem>>
      tpu.wait_dma2 semaphore(%arg19 : memref<!tpu.dma_semaphore, #tpu.memory_space<semaphore_mem>>) src(%dma_wait3A_489 : memref<80x128xf32, #tpu.memory_space<vmem>>) dst(%dma_wait3A_486 : memref<80x128xf32, #tpu.memory_space<vmem_shared>>)
    } else {
    }
    %dma_wait3A = tpu.memref_slice %arg2[%mul3A_2] : memref<320000xi32, #tpu.memory_space<hbm>> -> memref<10000xi32, #tpu.memory_space<hbm>>
    %dma_wait3A_117 = tpu.memref_slice %arg2[%mul3A_2] : memref<320000xi32, #tpu.memory_space<hbm>> -> memref<10000xi32, #tpu.memory_space<hbm>>
    tpu.wait_dma2 semaphore(%arg13 : memref<!tpu.dma_semaphore, #tpu.memory_space<semaphore_mem>>) src(%dma_wait3A_117 : memref<10000xi32, #tpu.memory_space<hbm>>) dst(%arg7 : memref<10000xi32, #tpu.memory_space<vmem>>)
    %dma_wait3A_118 = tpu.memref_slice %arg3[%mul3A_5] : memref<320000xi32, #tpu.memory_space<hbm>> -> memref<10000xi32, #tpu.memory_space<hbm>>
    %dma_wait3A_119 = tpu.memref_slice %arg3[%mul3A_5] : memref<320000xi32, #tpu.memory_space<hbm>> -> memref<10000xi32, #tpu.memory_space<hbm>>
    tpu.wait_dma2 semaphore(%arg14 : memref<!tpu.dma_semaphore, #tpu.memory_space<semaphore_mem>>) src(%dma_wait3A_119 : memref<10000xi32, #tpu.memory_space<hbm>>) dst(%arg8 : memref<10000xi32, #tpu.memory_space<vmem>>)
    %barrier3A = arith.constant 0 : index
    tpu.barrier barrier_id(%barrier3A)
    %dma_start3A_120 = arith.constant 0 : i32
    %dma_start3A_121 = tpu.memref_slice %arg7[%dma_start3A_120] : memref<10000xi32, #tpu.memory_space<vmem>> -> memref<80xi32, #tpu.memory_space<vmem>>
    %dma_start3A_122 = arith.constant 0 : i32
    %dma_start3A_123 = arith.constant 0 : i32
    %dma_start3A_124 = tpu.memref_slice %arg4[%dma_start3A_122, %dma_start3A_123] : memref<10000x128xf32, #tpu.memory_space<hbm>> -> memref<10000x128xf32, #tpu.memory_space<hbm>>
    tpu.enqueue_indirect_dma source(%dma_start3A_124 : memref<10000x128xf32, #tpu.memory_space<hbm>>) target(%arg9 : memref<80x128xf32, #tpu.memory_space<vmem>>) offsets(%dma_start3A_121 : memref<80xi32, #tpu.memory_space<vmem>>) semaphore(%arg13 : memref<!tpu.dma_semaphore, #tpu.memory_space<semaphore_mem>>)
    %dma_start3A_125 = arith.constant 80 : i32
    %dma_start3A_126 = tpu.memref_slice %arg7[%dma_start3A_125] : memref<10000xi32, #tpu.memory_space<vmem>> -> memref<80xi32, #tpu.memory_space<vmem>>
    %dma_start3A_127 = arith.constant 0 : i32
    %dma_start3A_128 = arith.constant 0 : i32
    %dma_start3A_129 = tpu.memref_slice %arg4[%dma_start3A_127, %dma_start3A_128] : memref<10000x128xf32, #tpu.memory_space<hbm>> -> memref<10000x128xf32, #tpu.memory_space<hbm>>
    tpu.enqueue_indirect_dma source(%dma_start3A_129 : memref<10000x128xf32, #tpu.memory_space<hbm>>) target(%arg10 : memref<80x128xf32, #tpu.memory_space<vmem>>) offsets(%dma_start3A_126 : memref<80xi32, #tpu.memory_space<vmem>>) semaphore(%arg14 : memref<!tpu.dma_semaphore, #tpu.memory_space<semaphore_mem>>)
    %dma_wait3A_130 = arith.constant 0 : i32
    %dma_wait3A_131 = tpu.memref_slice %arg7[%dma_wait3A_130] : memref<10000xi32, #tpu.memory_space<vmem>> -> memref<80xi32, #tpu.memory_space<vmem>>
    %dma_wait3A_132 = arith.constant 0 : i32
    %dma_wait3A_133 = arith.constant 0 : i32
    %dma_wait3A_134 = tpu.memref_slice %arg4[%dma_wait3A_132, %dma_wait3A_133] : memref<10000x128xf32, #tpu.memory_space<hbm>> -> memref<10000x128xf32, #tpu.memory_space<hbm>>
    tpu.wait_indirect_dma semaphore(%arg13 : memref<!tpu.dma_semaphore, #tpu.memory_space<semaphore_mem>>) src(%dma_wait3A_134 : memref<10000x128xf32, #tpu.memory_space<hbm>>) dst(%arg9 : memref<80x128xf32, #tpu.memory_space<vmem>>)
    %dma_start3A_135 = arith.constant 0 : i32
    %dma_start3A_136 = tpu.memref_slice %arg8[%dma_start3A_135] : memref<10000xi32, #tpu.memory_space<vmem>> -> memref<80xi32, #tpu.memory_space<vmem>>
    %dma_start3A_137 = arith.constant 0 : i32
    %dma_start3A_138 = arith.constant 0 : i32
    %dma_start3A_139 = tpu.memref_slice %arg12[%dma_start3A_137, %dma_start3A_138] : memref<10000x128xf32, #tpu.memory_space<vmem_shared>> -> memref<10000x128xf32, #tpu.memory_space<vmem_shared>>
    tpu.enqueue_indirect_dma source(%arg9 : memref<80x128xf32, #tpu.memory_space<vmem>>) target(%dma_start3A_139 : memref<10000x128xf32, #tpu.memory_space<vmem_shared>>) offsets(%dma_start3A_136 : memref<80xi32, #tpu.memory_space<vmem>>) semaphore(%arg16 : memref<!tpu.dma_semaphore, #tpu.memory_space<semaphore_mem>>) {add = true}
    %dma_start3A_140 = arith.constant 160 : i32
    %dma_start3A_141 = tpu.memref_slice %arg7[%dma_start3A_140] : memref<10000xi32, #tpu.memory_space<vmem>> -> memref<80xi32, #tpu.memory_space<vmem>>
    %dma_start3A_142 = arith.constant 0 : i32
    %dma_start3A_143 = arith.constant 0 : i32
    %dma_start3A_144 = tpu.memref_slice %arg4[%dma_start3A_142, %dma_start3A_143] : memref<10000x128xf32, #tpu.memory_space<hbm>> -> memref<10000x128xf32, #tpu.memory_space<hbm>>
    tpu.enqueue_indirect_dma source(%dma_start3A_144 : memref<10000x128xf32, #tpu.memory_space<hbm>>) target(%arg11 : memref<80x128xf32, #tpu.memory_space<vmem>>) offsets(%dma_start3A_141 : memref<80xi32, #tpu.memory_space<vmem>>) semaphore(%arg15 : memref<!tpu.dma_semaphore, #tpu.memory_space<semaphore_mem>>)
    %dma_wait3A_145 = arith.constant 80 : i32
    %dma_wait3A_146 = tpu.memref_slice %arg7[%dma_wait3A_145] : memref<10000xi32, #tpu.memory_space<vmem>> -> memref<80xi32, #tpu.memory_space<vmem>>
    %dma_wait3A_147 = arith.constant 0 : i32
    %dma_wait3A_148 = arith.constant 0 : i32
    %dma_wait3A_149 = tpu.memref_slice %arg4[%dma_wait3A_147, %dma_wait3A_148] : memref<10000x128xf32, #tpu.memory_space<hbm>> -> memref<10000x128xf32, #tpu.memory_space<hbm>>
    tpu.wait_indirect_dma semaphore(%arg14 : memref<!tpu.dma_semaphore, #tpu.memory_space<semaphore_mem>>) src(%dma_wait3A_149 : memref<10000x128xf32, #tpu.memory_space<hbm>>) dst(%arg10 : memref<80x128xf32, #tpu.memory_space<vmem>>)
    %dma_start3A_150 = arith.constant 80 : i32
    %dma_start3A_151 = tpu.memref_slice %arg8[%dma_start3A_150] : memref<10000xi32, #tpu.memory_space<vmem>> -> memref<80xi32, #tpu.memory_space<vmem>>
    %dma_start3A_152 = arith.constant 0 : i32
    %dma_start3A_153 = arith.constant 0 : i32
    %dma_start3A_154 = tpu.memref_slice %arg12[%dma_start3A_152, %dma_start3A_153] : memref<10000x128xf32, #tpu.memory_space<vmem_shared>> -> memref<10000x128xf32, #tpu.memory_space<vmem_shared>>
    tpu.enqueue_indirect_dma source(%arg10 : memref<80x128xf32, #tpu.memory_space<vmem>>) target(%dma_start3A_154 : memref<10000x128xf32, #tpu.memory_space<vmem_shared>>) offsets(%dma_start3A_151 : memref<80xi32, #tpu.memory_space<vmem>>) semaphore(%arg17 : memref<!tpu.dma_semaphore, #tpu.memory_space<semaphore_mem>>) {add = true}
    %dma_wait3A_155 = arith.constant 0 : i32
    %dma_wait3A_156 = tpu.memref_slice %arg8[%dma_wait3A_155] : memref<10000xi32, #tpu.memory_space<vmem>> -> memref<80xi32, #tpu.memory_space<vmem>>
    %dma_wait3A_157 = arith.constant 0 : i32
    %dma_wait3A_158 = arith.constant 0 : i32
    %dma_wait3A_159 = tpu.memref_slice %arg12[%dma_wait3A_157, %dma_wait3A_158] : memref<10000x128xf32, #tpu.memory_space<vmem_shared>> -> memref<10000x128xf32, #tpu.memory_space<vmem_shared>>
    tpu.wait_indirect_dma semaphore(%arg16 : memref<!tpu.dma_semaphore, #tpu.memory_space<semaphore_mem>>) src(%arg9 : memref<80x128xf32, #tpu.memory_space<vmem>>) dst(%dma_wait3A_159 : memref<10000x128xf32, #tpu.memory_space<vmem_shared>>)
    %dma_start3A_160 = arith.constant 240 : i32
    %dma_start3A_161 = tpu.memref_slice %arg7[%dma_start3A_160] : memref<10000xi32, #tpu.memory_space<vmem>> -> memref<80xi32, #tpu.memory_space<vmem>>
    %dma_start3A_162 = arith.constant 0 : i32
    %dma_start3A_163 = arith.constant 0 : i32
    %dma_start3A_164 = tpu.memref_slice %arg4[%dma_start3A_162, %dma_start3A_163] : memref<10000x128xf32, #tpu.memory_space<hbm>> -> memref<10000x128xf32, #tpu.memory_space<hbm>>
    tpu.enqueue_indirect_dma source(%dma_start3A_164 : memref<10000x128xf32, #tpu.memory_space<hbm>>) target(%arg9 : memref<80x128xf32, #tpu.memory_space<vmem>>) offsets(%dma_start3A_161 : memref<80xi32, #tpu.memory_space<vmem>>) semaphore(%arg13 : memref<!tpu.dma_semaphore, #tpu.memory_space<semaphore_mem>>)
    %dma_wait3A_165 = arith.constant 160 : i32
    %dma_wait3A_166 = tpu.memref_slice %arg7[%dma_wait3A_165] : memref<10000xi32, #tpu.memory_space<vmem>> -> memref<80xi32, #tpu.memory_space<vmem>>
    %dma_wait3A_167 = arith.constant 0 : i32
    %dma_wait3A_168 = arith.constant 0 : i32
    %dma_wait3A_169 = tpu.memref_slice %arg4[%dma_wait3A_167, %dma_wait3A_168] : memref<10000x128xf32, #tpu.memory_space<hbm>> -> memref<10000x128xf32, #tpu.memory_space<hbm>>
    tpu.wait_indirect_dma semaphore(%arg15 : memref<!tpu.dma_semaphore, #tpu.memory_space<semaphore_mem>>) src(%dma_wait3A_169 : memref<10000x128xf32, #tpu.memory_space<hbm>>) dst(%arg11 : memref<80x128xf32, #tpu.memory_space<vmem>>)
    %dma_start3A_170 = arith.constant 160 : i32
    %dma_start3A_171 = tpu.memref_slice %arg8[%dma_start3A_170] : memref<10000xi32, #tpu.memory_space<vmem>> -> memref<80xi32, #tpu.memory_space<vmem>>
    %dma_start3A_172 = arith.constant 0 : i32
    %dma_start3A_173 = arith.constant 0 : i32
    %dma_start3A_174 = tpu.memref_slice %arg12[%dma_start3A_172, %dma_start3A_173] : memref<10000x128xf32, #tpu.memory_space<vmem_shared>> -> memref<10000x128xf32, #tpu.memory_space<vmem_shared>>
    tpu.enqueue_indirect_dma source(%arg11 : memref<80x128xf32, #tpu.memory_space<vmem>>) target(%dma_start3A_174 : memref<10000x128xf32, #tpu.memory_space<vmem_shared>>) offsets(%dma_start3A_171 : memref<80xi32, #tpu.memory_space<vmem>>) semaphore(%arg18 : memref<!tpu.dma_semaphore, #tpu.memory_space<semaphore_mem>>) {add = true}
    %dma_wait3A_175 = arith.constant 80 : i32
    %dma_wait3A_176 = tpu.memref_slice %arg8[%dma_wait3A_175] : memref<10000xi32, #tpu.memory_space<vmem>> -> memref<80xi32, #tpu.memory_space<vmem>>
    %dma_wait3A_177 = arith.constant 0 : i32
    %dma_wait3A_178 = arith.constant 0 : i32
    %dma_wait3A_179 = tpu.memref_slice %arg12[%dma_wait3A_177, %dma_wait3A_178] : memref<10000x128xf32, #tpu.memory_space<vmem_shared>> -> memref<10000x128xf32, #tpu.memory_space<vmem_shared>>
    tpu.wait_indirect_dma semaphore(%arg17 : memref<!tpu.dma_semaphore, #tpu.memory_space<semaphore_mem>>) src(%arg10 : memref<80x128xf32, #tpu.memory_space<vmem>>) dst(%dma_wait3A_179 : memref<10000x128xf32, #tpu.memory_space<vmem_shared>>)
    %dma_start3A_180 = arith.constant 320 : i32
    %dma_start3A_181 = tpu.memref_slice %arg7[%dma_start3A_180] : memref<10000xi32, #tpu.memory_space<vmem>> -> memref<80xi32, #tpu.memory_space<vmem>>
    %dma_start3A_182 = arith.constant 0 : i32
    %dma_start3A_183 = arith.constant 0 : i32
    %dma_start3A_184 = tpu.memref_slice %arg4[%dma_start3A_182, %dma_start3A_183] : memref<10000x128xf32, #tpu.memory_space<hbm>> -> memref<10000x128xf32, #tpu.memory_space<hbm>>
    tpu.enqueue_indirect_dma source(%dma_start3A_184 : memref<10000x128xf32, #tpu.memory_space<hbm>>) target(%arg10 : memref<80x128xf32, #tpu.memory_space<vmem>>) offsets(%dma_start3A_181 : memref<80xi32, #tpu.memory_space<vmem>>) semaphore(%arg14 : memref<!tpu.dma_semaphore, #tpu.memory_space<semaphore_mem>>)
    %scan3A = arith.constant 0 : i32
    %scan3A_185 = arith.constant 1 : i32
    %scan3A_186 = arith.constant 40 : i32
    %scan3A_187 = arith.addi %scan3A_185, %scan3A_186 : i32
    %scan3A_188 = arith.constant 1 : i32
    scf.for %scan3A_478 = %scan3A_185 to %scan3A_187 step %scan3A_188  : i32 {
      %mul3A_479 = arith.constant 3 : i32
      %mul3A_480 = arith.muli %mul3A_479, %scan3A_478 : i32
      %mul3A_481 = arith.constant 80 : i32
      %mul3A_482 = arith.muli %mul3A_480, %mul3A_481 : i32
      %dma_wait3A_483 = tpu.memref_slice %arg7[%mul3A_482] : memref<10000xi32, #tpu.memory_space<vmem>> -> memref<80xi32, #tpu.memory_space<vmem>>
      %dma_wait3A_484 = arith.constant 0 : i32
      %dma_wait3A_485 = arith.constant 0 : i32
      %dma_wait3A_486 = tpu.memref_slice %arg4[%dma_wait3A_484, %dma_wait3A_485] : memref<10000x128xf32, #tpu.memory_space<hbm>> -> memref<10000x128xf32, #tpu.memory_space<hbm>>
      tpu.wait_indirect_dma semaphore(%arg13 : memref<!tpu.dma_semaphore, #tpu.memory_space<semaphore_mem>>) src(%dma_wait3A_486 : memref<10000x128xf32, #tpu.memory_space<hbm>>) dst(%arg9 : memref<80x128xf32, #tpu.memory_space<vmem>>)
      %mul3A_487 = arith.constant 80 : i32
      %mul3A_488 = arith.muli %mul3A_480, %mul3A_487 : i32
      %dma_start3A_489 = tpu.memref_slice %arg8[%mul3A_488] : memref<10000xi32, #tpu.memory_space<vmem>> -> memref<80xi32, #tpu.memory_space<vmem>>
      %dma_start3A_490 = arith.constant 0 : i32
      %dma_start3A_491 = arith.constant 0 : i32
      %dma_start3A_492 = tpu.memref_slice %arg12[%dma_start3A_490, %dma_start3A_491] : memref<10000x128xf32, #tpu.memory_space<vmem_shared>> -> memref<10000x128xf32, #tpu.memory_space<vmem_shared>>
      tpu.enqueue_indirect_dma source(%arg9 : memref<80x128xf32, #tpu.memory_space<vmem>>) target(%dma_start3A_492 : memref<10000x128xf32, #tpu.memory_space<vmem_shared>>) offsets(%dma_start3A_489 : memref<80xi32, #tpu.memory_space<vmem>>) semaphore(%arg16 : memref<!tpu.dma_semaphore, #tpu.memory_space<semaphore_mem>>) {add = true}
      %sub3A = arith.constant 1 : i32
      %sub3A_493 = arith.subi %mul3A_480, %sub3A : i32
      %mul3A_494 = arith.constant 80 : i32
      %mul3A_495 = arith.muli %sub3A_493, %mul3A_494 : i32
      %dma_wait3A_496 = tpu.memref_slice %arg8[%mul3A_495] : memref<10000xi32, #tpu.memory_space<vmem>> -> memref<80xi32, #tpu.memory_space<vmem>>
      %dma_wait3A_497 = arith.constant 0 : i32
      %dma_wait3A_498 = arith.constant 0 : i32
      %dma_wait3A_499 = tpu.memref_slice %arg12[%dma_wait3A_497, %dma_wait3A_498] : memref<10000x128xf32, #tpu.memory_space<vmem_shared>> -> memref<10000x128xf32, #tpu.memory_space<vmem_shared>>
      tpu.wait_indirect_dma semaphore(%arg18 : memref<!tpu.dma_semaphore, #tpu.memory_space<semaphore_mem>>) src(%arg11 : memref<80x128xf32, #tpu.memory_space<vmem>>) dst(%dma_wait3A_499 : memref<10000x128xf32, #tpu.memory_space<vmem_shared>>)
      %add3A_500 = arith.constant 2 : i32
      %add3A_501 = arith.addi %mul3A_480, %add3A_500 : i32
      %mul3A_502 = arith.constant 80 : i32
      %mul3A_503 = arith.muli %add3A_501, %mul3A_502 : i32
      %dma_start3A_504 = tpu.memref_slice %arg7[%mul3A_503] : memref<10000xi32, #tpu.memory_space<vmem>> -> memref<80xi32, #tpu.memory_space<vmem>>
      %dma_start3A_505 = arith.constant 0 : i32
      %dma_start3A_506 = arith.constant 0 : i32
      %dma_start3A_507 = tpu.memref_slice %arg4[%dma_start3A_505, %dma_start3A_506] : memref<10000x128xf32, #tpu.memory_space<hbm>> -> memref<10000x128xf32, #tpu.memory_space<hbm>>
      tpu.enqueue_indirect_dma source(%dma_start3A_507 : memref<10000x128xf32, #tpu.memory_space<hbm>>) target(%arg11 : memref<80x128xf32, #tpu.memory_space<vmem>>) offsets(%dma_start3A_504 : memref<80xi32, #tpu.memory_space<vmem>>) semaphore(%arg15 : memref<!tpu.dma_semaphore, #tpu.memory_space<semaphore_mem>>)
      %add3A_508 = arith.constant 1 : i32
      %add3A_509 = arith.addi %mul3A_480, %add3A_508 : i32
      %mul3A_510 = arith.constant 80 : i32
      %mul3A_511 = arith.muli %add3A_509, %mul3A_510 : i32
      %dma_wait3A_512 = tpu.memref_slice %arg7[%mul3A_511] : memref<10000xi32, #tpu.memory_space<vmem>> -> memref<80xi32, #tpu.memory_space<vmem>>
      %dma_wait3A_513 = arith.constant 0 : i32
      %dma_wait3A_514 = arith.constant 0 : i32
      %dma_wait3A_515 = tpu.memref_slice %arg4[%dma_wait3A_513, %dma_wait3A_514] : memref<10000x128xf32, #tpu.memory_space<hbm>> -> memref<10000x128xf32, #tpu.memory_space<hbm>>
      tpu.wait_indirect_dma semaphore(%arg14 : memref<!tpu.dma_semaphore, #tpu.memory_space<semaphore_mem>>) src(%dma_wait3A_515 : memref<10000x128xf32, #tpu.memory_space<hbm>>) dst(%arg10 : memref<80x128xf32, #tpu.memory_space<vmem>>)
      %mul3A_516 = arith.constant 80 : i32
      %mul3A_517 = arith.muli %add3A_509, %mul3A_516 : i32
      %dma_start3A_518 = tpu.memref_slice %arg8[%mul3A_517] : memref<10000xi32, #tpu.memory_space<vmem>> -> memref<80xi32, #tpu.memory_space<vmem>>
      %dma_start3A_519 = arith.constant 0 : i32
      %dma_start3A_520 = arith.constant 0 : i32
      %dma_start3A_521 = tpu.memref_slice %arg12[%dma_start3A_519, %dma_start3A_520] : memref<10000x128xf32, #tpu.memory_space<vmem_shared>> -> memref<10000x128xf32, #tpu.memory_space<vmem_shared>>
      tpu.enqueue_indirect_dma source(%arg10 : memref<80x128xf32, #tpu.memory_space<vmem>>) target(%dma_start3A_521 : memref<10000x128xf32, #tpu.memory_space<vmem_shared>>) offsets(%dma_start3A_518 : memref<80xi32, #tpu.memory_space<vmem>>) semaphore(%arg17 : memref<!tpu.dma_semaphore, #tpu.memory_space<semaphore_mem>>) {add = true}
      %sub3A_522 = arith.constant 1 : i32
      %sub3A_523 = arith.subi %add3A_509, %sub3A_522 : i32
      %mul3A_524 = arith.constant 80 : i32
      %mul3A_525 = arith.muli %sub3A_523, %mul3A_524 : i32
      %dma_wait3A_526 = tpu.memref_slice %arg8[%mul3A_525] : memref<10000xi32, #tpu.memory_space<vmem>> -> memref<80xi32, #tpu.memory_space<vmem>>
      %dma_wait3A_527 = arith.constant 0 : i32
      %dma_wait3A_528 = arith.constant 0 : i32
      %dma_wait3A_529 = tpu.memref_slice %arg12[%dma_wait3A_527, %dma_wait3A_528] : memref<10000x128xf32, #tpu.memory_space<vmem_shared>> -> memref<10000x128xf32, #tpu.memory_space<vmem_shared>>
      tpu.wait_indirect_dma semaphore(%arg16 : memref<!tpu.dma_semaphore, #tpu.memory_space<semaphore_mem>>) src(%arg9 : memref<80x128xf32, #tpu.memory_space<vmem>>) dst(%dma_wait3A_529 : memref<10000x128xf32, #tpu.memory_space<vmem_shared>>)
      %add3A_530 = arith.constant 2 : i32
      %add3A_531 = arith.addi %add3A_509, %add3A_530 : i32
      %mul3A_532 = arith.constant 80 : i32
      %mul3A_533 = arith.muli %add3A_531, %mul3A_532 : i32
      %dma_start3A_534 = tpu.memref_slice %arg7[%mul3A_533] : memref<10000xi32, #tpu.memory_space<vmem>> -> memref<80xi32, #tpu.memory_space<vmem>>
      %dma_start3A_535 = arith.constant 0 : i32
      %dma_start3A_536 = arith.constant 0 : i32
      %dma_start3A_537 = tpu.memref_slice %arg4[%dma_start3A_535, %dma_start3A_536] : memref<10000x128xf32, #tpu.memory_space<hbm>> -> memref<10000x128xf32, #tpu.memory_space<hbm>>
      tpu.enqueue_indirect_dma source(%dma_start3A_537 : memref<10000x128xf32, #tpu.memory_space<hbm>>) target(%arg9 : memref<80x128xf32, #tpu.memory_space<vmem>>) offsets(%dma_start3A_534 : memref<80xi32, #tpu.memory_space<vmem>>) semaphore(%arg13 : memref<!tpu.dma_semaphore, #tpu.memory_space<semaphore_mem>>)
      %add3A_538 = arith.constant 2 : i32
      %add3A_539 = arith.addi %mul3A_480, %add3A_538 : i32
      %mul3A_540 = arith.constant 80 : i32
      %mul3A_541 = arith.muli %add3A_539, %mul3A_540 : i32
      %dma_wait3A_542 = tpu.memref_slice %arg7[%mul3A_541] : memref<10000xi32, #tpu.memory_space<vmem>> -> memref<80xi32, #tpu.memory_space<vmem>>
      %dma_wait3A_543 = arith.constant 0 : i32
      %dma_wait3A_544 = arith.constant 0 : i32
      %dma_wait3A_545 = tpu.memref_slice %arg4[%dma_wait3A_543, %dma_wait3A_544] : memref<10000x128xf32, #tpu.memory_space<hbm>> -> memref<10000x128xf32, #tpu.memory_space<hbm>>
      tpu.wait_indirect_dma semaphore(%arg15 : memref<!tpu.dma_semaphore, #tpu.memory_space<semaphore_mem>>) src(%dma_wait3A_545 : memref<10000x128xf32, #tpu.memory_space<hbm>>) dst(%arg11 : memref<80x128xf32, #tpu.memory_space<vmem>>)
      %mul3A_546 = arith.constant 80 : i32
      %mul3A_547 = arith.muli %add3A_539, %mul3A_546 : i32
      %dma_start3A_548 = tpu.memref_slice %arg8[%mul3A_547] : memref<10000xi32, #tpu.memory_space<vmem>> -> memref<80xi32, #tpu.memory_space<vmem>>
      %dma_start3A_549 = arith.constant 0 : i32
      %dma_start3A_550 = arith.constant 0 : i32
      %dma_start3A_551 = tpu.memref_slice %arg12[%dma_start3A_549, %dma_start3A_550] : memref<10000x128xf32, #tpu.memory_space<vmem_shared>> -> memref<10000x128xf32, #tpu.memory_space<vmem_shared>>
      tpu.enqueue_indirect_dma source(%arg11 : memref<80x128xf32, #tpu.memory_space<vmem>>) target(%dma_start3A_551 : memref<10000x128xf32, #tpu.memory_space<vmem_shared>>) offsets(%dma_start3A_548 : memref<80xi32, #tpu.memory_space<vmem>>) semaphore(%arg18 : memref<!tpu.dma_semaphore, #tpu.memory_space<semaphore_mem>>) {add = true}
      %sub3A_552 = arith.constant 1 : i32
      %sub3A_553 = arith.subi %add3A_539, %sub3A_552 : i32
      %mul3A_554 = arith.constant 80 : i32
      %mul3A_555 = arith.muli %sub3A_553, %mul3A_554 : i32
      %dma_wait3A_556 = tpu.memref_slice %arg8[%mul3A_555] : memref<10000xi32, #tpu.memory_space<vmem>> -> memref<80xi32, #tpu.memory_space<vmem>>
      %dma_wait3A_557 = arith.constant 0 : i32
      %dma_wait3A_558 = arith.constant 0 : i32
      %dma_wait3A_559 = tpu.memref_slice %arg12[%dma_wait3A_557, %dma_wait3A_558] : memref<10000x128xf32, #tpu.memory_space<vmem_shared>> -> memref<10000x128xf32, #tpu.memory_space<vmem_shared>>
      tpu.wait_indirect_dma semaphore(%arg17 : memref<!tpu.dma_semaphore, #tpu.memory_space<semaphore_mem>>) src(%arg10 : memref<80x128xf32, #tpu.memory_space<vmem>>) dst(%dma_wait3A_559 : memref<10000x128xf32, #tpu.memory_space<vmem_shared>>)
      %add3A_560 = arith.constant 2 : i32
      %add3A_561 = arith.addi %add3A_539, %add3A_560 : i32
      %mul3A_562 = arith.constant 80 : i32
      %mul3A_563 = arith.muli %add3A_561, %mul3A_562 : i32
      %dma_start3A_564 = tpu.memref_slice %arg7[%mul3A_563] : memref<10000xi32, #tpu.memory_space<vmem>> -> memref<80xi32, #tpu.memory_space<vmem>>
      %dma_start3A_565 = arith.constant 0 : i32
      %dma_start3A_566 = arith.constant 0 : i32
      %dma_start3A_567 = tpu.memref_slice %arg4[%dma_start3A_565, %dma_start3A_566] : memref<10000x128xf32, #tpu.memory_space<hbm>> -> memref<10000x128xf32, #tpu.memory_space<hbm>>
      tpu.enqueue_indirect_dma source(%dma_start3A_567 : memref<10000x128xf32, #tpu.memory_space<hbm>>) target(%arg10 : memref<80x128xf32, #tpu.memory_space<vmem>>) offsets(%dma_start3A_564 : memref<80xi32, #tpu.memory_space<vmem>>) semaphore(%arg14 : memref<!tpu.dma_semaphore, #tpu.memory_space<semaphore_mem>>)
    }
    %scan3A_189 = arith.constant 40 : i32
    %dma_wait3A_190 = arith.constant 9840 : i32
    %dma_wait3A_191 = tpu.memref_slice %arg7[%dma_wait3A_190] : memref<10000xi32, #tpu.memory_space<vmem>> -> memref<80xi32, #tpu.memory_space<vmem>>
    %dma_wait3A_192 = arith.constant 0 : i32
    %dma_wait3A_193 = arith.constant 0 : i32
    %dma_wait3A_194 = tpu.memref_slice %arg4[%dma_wait3A_192, %dma_wait3A_193] : memref<10000x128xf32, #tpu.memory_space<hbm>> -> memref<10000x128xf32, #tpu.memory_space<hbm>>
    tpu.wait_indirect_dma semaphore(%arg13 : memref<!tpu.dma_semaphore, #tpu.memory_space<semaphore_mem>>) src(%dma_wait3A_194 : memref<10000x128xf32, #tpu.memory_space<hbm>>) dst(%arg9 : memref<80x128xf32, #tpu.memory_space<vmem>>)
    %dma_start3A_195 = arith.constant 9840 : i32
    %dma_start3A_196 = tpu.memref_slice %arg8[%dma_start3A_195] : memref<10000xi32, #tpu.memory_space<vmem>> -> memref<80xi32, #tpu.memory_space<vmem>>
    %dma_start3A_197 = arith.constant 0 : i32
    %dma_start3A_198 = arith.constant 0 : i32
    %dma_start3A_199 = tpu.memref_slice %arg12[%dma_start3A_197, %dma_start3A_198] : memref<10000x128xf32, #tpu.memory_space<vmem_shared>> -> memref<10000x128xf32, #tpu.memory_space<vmem_shared>>
    tpu.enqueue_indirect_dma source(%arg9 : memref<80x128xf32, #tpu.memory_space<vmem>>) target(%dma_start3A_199 : memref<10000x128xf32, #tpu.memory_space<vmem_shared>>) offsets(%dma_start3A_196 : memref<80xi32, #tpu.memory_space<vmem>>) semaphore(%arg16 : memref<!tpu.dma_semaphore, #tpu.memory_space<semaphore_mem>>) {add = true}
    %dma_wait3A_200 = arith.constant 9760 : i32
    %dma_wait3A_201 = tpu.memref_slice %arg8[%dma_wait3A_200] : memref<10000xi32, #tpu.memory_space<vmem>> -> memref<80xi32, #tpu.memory_space<vmem>>
    %dma_wait3A_202 = arith.constant 0 : i32
    %dma_wait3A_203 = arith.constant 0 : i32
    %dma_wait3A_204 = tpu.memref_slice %arg12[%dma_wait3A_202, %dma_wait3A_203] : memref<10000x128xf32, #tpu.memory_space<vmem_shared>> -> memref<10000x128xf32, #tpu.memory_space<vmem_shared>>
    tpu.wait_indirect_dma semaphore(%arg18 : memref<!tpu.dma_semaphore, #tpu.memory_space<semaphore_mem>>) src(%arg11 : memref<80x128xf32, #tpu.memory_space<vmem>>) dst(%dma_wait3A_204 : memref<10000x128xf32, #tpu.memory_space<vmem_shared>>)
    %dma_wait3A_205 = arith.constant 9920 : i32
    %dma_wait3A_206 = tpu.memref_slice %arg7[%dma_wait3A_205] : memref<10000xi32, #tpu.memory_space<vmem>> -> memref<80xi32, #tpu.memory_space<vmem>>
    %dma_wait3A_207 = arith.constant 0 : i32
    %dma_wait3A_208 = arith.constant 0 : i32
    %dma_wait3A_209 = tpu.memref_slice %arg4[%dma_wait3A_207, %dma_wait3A_208] : memref<10000x128xf32, #tpu.memory_space<hbm>> -> memref<10000x128xf32, #tpu.memory_space<hbm>>
    tpu.wait_indirect_dma semaphore(%arg14 : memref<!tpu.dma_semaphore, #tpu.memory_space<semaphore_mem>>) src(%dma_wait3A_209 : memref<10000x128xf32, #tpu.memory_space<hbm>>) dst(%arg10 : memref<80x128xf32, #tpu.memory_space<vmem>>)
    %dma_start3A_210 = arith.constant 9920 : i32
    %dma_start3A_211 = tpu.memref_slice %arg8[%dma_start3A_210] : memref<10000xi32, #tpu.memory_space<vmem>> -> memref<80xi32, #tpu.memory_space<vmem>>
    %dma_start3A_212 = arith.constant 0 : i32
    %dma_start3A_213 = arith.constant 0 : i32
    %dma_start3A_214 = tpu.memref_slice %arg12[%dma_start3A_212, %dma_start3A_213] : memref<10000x128xf32, #tpu.memory_space<vmem_shared>> -> memref<10000x128xf32, #tpu.memory_space<vmem_shared>>
    tpu.enqueue_indirect_dma source(%arg10 : memref<80x128xf32, #tpu.memory_space<vmem>>) target(%dma_start3A_214 : memref<10000x128xf32, #tpu.memory_space<vmem_shared>>) offsets(%dma_start3A_211 : memref<80xi32, #tpu.memory_space<vmem>>) semaphore(%arg17 : memref<!tpu.dma_semaphore, #tpu.memory_space<semaphore_mem>>) {add = true}
    %dma_wait3A_215 = arith.constant 9840 : i32
    %dma_wait3A_216 = tpu.memref_slice %arg8[%dma_wait3A_215] : memref<10000xi32, #tpu.memory_space<vmem>> -> memref<80xi32, #tpu.memory_space<vmem>>
    %dma_wait3A_217 = arith.constant 0 : i32
    %dma_wait3A_218 = arith.constant 0 : i32
    %dma_wait3A_219 = tpu.memref_slice %arg12[%dma_wait3A_217, %dma_wait3A_218] : memref<10000x128xf32, #tpu.memory_space<vmem_shared>> -> memref<10000x128xf32, #tpu.memory_space<vmem_shared>>
    tpu.wait_indirect_dma semaphore(%arg16 : memref<!tpu.dma_semaphore, #tpu.memory_space<semaphore_mem>>) src(%arg9 : memref<80x128xf32, #tpu.memory_space<vmem>>) dst(%dma_wait3A_219 : memref<10000x128xf32, #tpu.memory_space<vmem_shared>>)
    %dma_wait3A_220 = arith.constant 9920 : i32
    %dma_wait3A_221 = tpu.memref_slice %arg8[%dma_wait3A_220] : memref<10000xi32, #tpu.memory_space<vmem>> -> memref<80xi32, #tpu.memory_space<vmem>>
    %dma_wait3A_222 = arith.constant 0 : i32
    %dma_wait3A_223 = arith.constant 0 : i32
    %dma_wait3A_224 = tpu.memref_slice %arg12[%dma_wait3A_222, %dma_wait3A_223] : memref<10000x128xf32, #tpu.memory_space<vmem_shared>> -> memref<10000x128xf32, #tpu.memory_space<vmem_shared>>
    tpu.wait_indirect_dma semaphore(%arg17 : memref<!tpu.dma_semaphore, #tpu.memory_space<semaphore_mem>>) src(%arg10 : memref<80x128xf32, #tpu.memory_space<vmem>>) dst(%dma_wait3A_224 : memref<10000x128xf32, #tpu.memory_space<vmem_shared>>)
    %barrier3A_225 = arith.constant 0 : index
    tpu.barrier barrier_id(%barrier3A_225)
    %add3A_226 = arith.constant 0 : i32
    %add3A_227 = arith.addi %add3A_226, %arg1 : i32
    %mul3A_228 = arith.constant 80 : i32
    %mul3A_229 = arith.muli %add3A_227, %mul3A_228 : i32
    "tpu.region"() ({
      %run_scoped3A = tpu.sem_alloc : memref<!tpu.dma_semaphore, #tpu.memory_space<semaphore_mem>>
      %dma_start3A_478 = arith.constant 0 : i32
      %dma_start3A_479 = arith.constant 0 : i32
      %dma_start3A_480 = tpu.memref_slice %arg9[%dma_start3A_478, %dma_start3A_479] : memref<80x128xf32, #tpu.memory_space<vmem>> -> memref<80x128xf32, #tpu.memory_space<vmem>>
      %dma_start3A_481 = arith.constant 0 : i32
      %dma_start3A_482 = tpu.memref_slice %arg12[%mul3A_229, %dma_start3A_481] : memref<10000x128xf32, #tpu.memory_space<vmem_shared>> -> memref<80x128xf32, #tpu.memory_space<vmem_shared>>
      %dma_start3A_483 = arith.constant 0 : i32
      %dma_start3A_484 = arith.constant 0 : i32
      %dma_start3A_485 = tpu.memref_slice %arg9[%dma_start3A_483, %dma_start3A_484] : memref<80x128xf32, #tpu.memory_space<vmem>> -> memref<80x128xf32, #tpu.memory_space<vmem>>
      %dma_start3A_486 = arith.constant 0 : i32
      %dma_start3A_487 = tpu.memref_slice %arg12[%mul3A_229, %dma_start3A_486] : memref<10000x128xf32, #tpu.memory_space<vmem_shared>> -> memref<80x128xf32, #tpu.memory_space<vmem_shared>>
      tpu.enqueue_dma source(%dma_start3A_487 : memref<80x128xf32, #tpu.memory_space<vmem_shared>>) target(%dma_start3A_485 : memref<80x128xf32, #tpu.memory_space<vmem>>) target_semaphore(%run_scoped3A : memref<!tpu.dma_semaphore, #tpu.memory_space<semaphore_mem>>)
      %dma_wait3A_488 = arith.constant 0 : i32
      %dma_wait3A_489 = arith.constant 0 : i32
      %dma_wait3A_490 = tpu.memref_slice %arg9[%dma_wait3A_488, %dma_wait3A_489] : memref<80x128xf32, #tpu.memory_space<vmem>> -> memref<80x128xf32, #tpu.memory_space<vmem>>
      %dma_wait3A_491 = arith.constant 0 : i32
      %dma_wait3A_492 = tpu.memref_slice %arg12[%mul3A_229, %dma_wait3A_491] : memref<10000x128xf32, #tpu.memory_space<vmem_shared>> -> memref<80x128xf32, #tpu.memory_space<vmem_shared>>
      %dma_wait3A_493 = arith.constant 0 : i32
      %dma_wait3A_494 = arith.constant 0 : i32
      %dma_wait3A_495 = tpu.memref_slice %arg9[%dma_wait3A_493, %dma_wait3A_494] : memref<80x128xf32, #tpu.memory_space<vmem>> -> memref<80x128xf32, #tpu.memory_space<vmem>>
      %dma_wait3A_496 = arith.constant 0 : i32
      %dma_wait3A_497 = tpu.memref_slice %arg12[%mul3A_229, %dma_wait3A_496] : memref<10000x128xf32, #tpu.memory_space<vmem_shared>> -> memref<80x128xf32, #tpu.memory_space<vmem_shared>>
      tpu.wait_dma2 semaphore(%run_scoped3A : memref<!tpu.dma_semaphore, #tpu.memory_space<semaphore_mem>>) src(%dma_wait3A_497 : memref<80x128xf32, #tpu.memory_space<vmem_shared>>) dst(%dma_wait3A_495 : memref<80x128xf32, #tpu.memory_space<vmem>>)
      tpu.yield
    }) : () -> ()
    %mul3A_230 = arith.constant 80 : i32
    %mul3A_231 = arith.muli %add3A_227, %mul3A_230 : i32
    %dma_start3A_232 = arith.constant 0 : i32
    %dma_start3A_233 = arith.constant 0 : i32
    %dma_start3A_234 = tpu.memref_slice %arg9[%dma_start3A_232, %dma_start3A_233] : memref<80x128xf32, #tpu.memory_space<vmem>> -> memref<80x128xf32, #tpu.memory_space<vmem>>
    %dma_start3A_235 = arith.constant 0 : i32
    %dma_start3A_236 = tpu.memref_slice %arg6[%arg0, %mul3A_231, %dma_start3A_235] : memref<2x10000x128xf32, #tpu.memory_space<hbm>> -> memref<1x80x128xf32, #tpu.memory_space<hbm>>
    %dma_start3A_237 = tpu.memref_squeeze %dma_start3A_236 : memref<1x80x128xf32, #tpu.memory_space<hbm>> -> memref<80x128xf32, #tpu.memory_space<hbm>>
    %dma_start3A_238 = arith.constant 0 : i32
    %dma_start3A_239 = tpu.memref_slice %arg6[%arg0, %mul3A_231, %dma_start3A_238] : memref<2x10000x128xf32, #tpu.memory_space<hbm>> -> memref<1x80x128xf32, #tpu.memory_space<hbm>>
    %dma_start3A_240 = tpu.memref_squeeze %dma_start3A_239 : memref<1x80x128xf32, #tpu.memory_space<hbm>> -> memref<80x128xf32, #tpu.memory_space<hbm>>
    %dma_start3A_241 = arith.constant 0 : i32
    %dma_start3A_242 = arith.constant 0 : i32
    %dma_start3A_243 = tpu.memref_slice %arg9[%dma_start3A_241, %dma_start3A_242] : memref<80x128xf32, #tpu.memory_space<vmem>> -> memref<80x128xf32, #tpu.memory_space<vmem>>
    tpu.enqueue_dma source(%dma_start3A_243 : memref<80x128xf32, #tpu.memory_space<vmem>>) target(%dma_start3A_240 : memref<80x128xf32, #tpu.memory_space<hbm>>) target_semaphore(%arg13 : memref<!tpu.dma_semaphore, #tpu.memory_space<semaphore_mem>>)
    %add3A_244 = arith.constant 16 : i32
    %add3A_245 = arith.addi %add3A_244, %arg1 : i32
    %mul3A_246 = arith.constant 80 : i32
    %mul3A_247 = arith.muli %add3A_245, %mul3A_246 : i32
    "tpu.region"() ({
      %run_scoped3A = tpu.sem_alloc : memref<!tpu.dma_semaphore, #tpu.memory_space<semaphore_mem>>
      %dma_start3A_478 = arith.constant 0 : i32
      %dma_start3A_479 = arith.constant 0 : i32
      %dma_start3A_480 = tpu.memref_slice %arg10[%dma_start3A_478, %dma_start3A_479] : memref<80x128xf32, #tpu.memory_space<vmem>> -> memref<80x128xf32, #tpu.memory_space<vmem>>
      %dma_start3A_481 = arith.constant 0 : i32
      %dma_start3A_482 = tpu.memref_slice %arg12[%mul3A_247, %dma_start3A_481] : memref<10000x128xf32, #tpu.memory_space<vmem_shared>> -> memref<80x128xf32, #tpu.memory_space<vmem_shared>>
      %dma_start3A_483 = arith.constant 0 : i32
      %dma_start3A_484 = arith.constant 0 : i32
      %dma_start3A_485 = tpu.memref_slice %arg10[%dma_start3A_483, %dma_start3A_484] : memref<80x128xf32, #tpu.memory_space<vmem>> -> memref<80x128xf32, #tpu.memory_space<vmem>>
      %dma_start3A_486 = arith.constant 0 : i32
      %dma_start3A_487 = tpu.memref_slice %arg12[%mul3A_247, %dma_start3A_486] : memref<10000x128xf32, #tpu.memory_space<vmem_shared>> -> memref<80x128xf32, #tpu.memory_space<vmem_shared>>
      tpu.enqueue_dma source(%dma_start3A_487 : memref<80x128xf32, #tpu.memory_space<vmem_shared>>) target(%dma_start3A_485 : memref<80x128xf32, #tpu.memory_space<vmem>>) target_semaphore(%run_scoped3A : memref<!tpu.dma_semaphore, #tpu.memory_space<semaphore_mem>>)
      %dma_wait3A_488 = arith.constant 0 : i32
      %dma_wait3A_489 = arith.constant 0 : i32
      %dma_wait3A_490 = tpu.memref_slice %arg10[%dma_wait3A_488, %dma_wait3A_489] : memref<80x128xf32, #tpu.memory_space<vmem>> -> memref<80x128xf32, #tpu.memory_space<vmem>>
      %dma_wait3A_491 = arith.constant 0 : i32
      %dma_wait3A_492 = tpu.memref_slice %arg12[%mul3A_247, %dma_wait3A_491] : memref<10000x128xf32, #tpu.memory_space<vmem_shared>> -> memref<80x128xf32, #tpu.memory_space<vmem_shared>>
      %dma_wait3A_493 = arith.constant 0 : i32
      %dma_wait3A_494 = arith.constant 0 : i32
      %dma_wait3A_495 = tpu.memref_slice %arg10[%dma_wait3A_493, %dma_wait3A_494] : memref<80x128xf32, #tpu.memory_space<vmem>> -> memref<80x128xf32, #tpu.memory_space<vmem>>
      %dma_wait3A_496 = arith.constant 0 : i32
      %dma_wait3A_497 = tpu.memref_slice %arg12[%mul3A_247, %dma_wait3A_496] : memref<10000x128xf32, #tpu.memory_space<vmem_shared>> -> memref<80x128xf32, #tpu.memory_space<vmem_shared>>
      tpu.wait_dma2 semaphore(%run_scoped3A : memref<!tpu.dma_semaphore, #tpu.memory_space<semaphore_mem>>) src(%dma_wait3A_497 : memref<80x128xf32, #tpu.memory_space<vmem_shared>>) dst(%dma_wait3A_495 : memref<80x128xf32, #tpu.memory_space<vmem>>)
      tpu.yield
    }) : () -> ()
    %mul3A_248 = arith.constant 80 : i32
    %mul3A_249 = arith.muli %add3A_245, %mul3A_248 : i32
    %dma_start3A_250 = arith.constant 0 : i32
    %dma_start3A_251 = arith.constant 0 : i32
    %dma_start3A_252 = tpu.memref_slice %arg10[%dma_start3A_250, %dma_start3A_251] : memref<80x128xf32, #tpu.memory_space<vmem>> -> memref<80x128xf32, #tpu.memory_space<vmem>>
    %dma_start3A_253 = arith.constant 0 : i32
    %dma_start3A_254 = tpu.memref_slice %arg6[%arg0, %mul3A_249, %dma_start3A_253] : memref<2x10000x128xf32, #tpu.memory_space<hbm>> -> memref<1x80x128xf32, #tpu.memory_space<hbm>>
    %dma_start3A_255 = tpu.memref_squeeze %dma_start3A_254 : memref<1x80x128xf32, #tpu.memory_space<hbm>> -> memref<80x128xf32, #tpu.memory_space<hbm>>
    %dma_start3A_256 = arith.constant 0 : i32
    %dma_start3A_257 = tpu.memref_slice %arg6[%arg0, %mul3A_249, %dma_start3A_256] : memref<2x10000x128xf32, #tpu.memory_space<hbm>> -> memref<1x80x128xf32, #tpu.memory_space<hbm>>
    %dma_start3A_258 = tpu.memref_squeeze %dma_start3A_257 : memref<1x80x128xf32, #tpu.memory_space<hbm>> -> memref<80x128xf32, #tpu.memory_space<hbm>>
    %dma_start3A_259 = arith.constant 0 : i32
    %dma_start3A_260 = arith.constant 0 : i32
    %dma_start3A_261 = tpu.memref_slice %arg10[%dma_start3A_259, %dma_start3A_260] : memref<80x128xf32, #tpu.memory_space<vmem>> -> memref<80x128xf32, #tpu.memory_space<vmem>>
    tpu.enqueue_dma source(%dma_start3A_261 : memref<80x128xf32, #tpu.memory_space<vmem>>) target(%dma_start3A_258 : memref<80x128xf32, #tpu.memory_space<hbm>>) target_semaphore(%arg14 : memref<!tpu.dma_semaphore, #tpu.memory_space<semaphore_mem>>)
    %add3A_262 = arith.constant 32 : i32
    %add3A_263 = arith.addi %add3A_262, %arg1 : i32
    %add3A_264 = arith.constant 0 : i32
    %add3A_265 = arith.addi %add3A_264, %arg1 : i32
    %mul3A_266 = arith.constant 80 : i32
    %mul3A_267 = arith.muli %add3A_265, %mul3A_266 : i32
    %dma_wait3A_268 = arith.constant 0 : i32
    %dma_wait3A_269 = arith.constant 0 : i32
    %dma_wait3A_270 = tpu.memref_slice %arg9[%dma_wait3A_268, %dma_wait3A_269] : memref<80x128xf32, #tpu.memory_space<vmem>> -> memref<80x128xf32, #tpu.memory_space<vmem>>
    %dma_wait3A_271 = arith.constant 0 : i32
    %dma_wait3A_272 = tpu.memref_slice %arg6[%arg0, %mul3A_267, %dma_wait3A_271] : memref<2x10000x128xf32, #tpu.memory_space<hbm>> -> memref<1x80x128xf32, #tpu.memory_space<hbm>>
    %dma_wait3A_273 = tpu.memref_squeeze %dma_wait3A_272 : memref<1x80x128xf32, #tpu.memory_space<hbm>> -> memref<80x128xf32, #tpu.memory_space<hbm>>
    %dma_wait3A_274 = arith.constant 0 : i32
    %dma_wait3A_275 = tpu.memref_slice %arg6[%arg0, %mul3A_267, %dma_wait3A_274] : memref<2x10000x128xf32, #tpu.memory_space<hbm>> -> memref<1x80x128xf32, #tpu.memory_space<hbm>>
    %dma_wait3A_276 = tpu.memref_squeeze %dma_wait3A_275 : memref<1x80x128xf32, #tpu.memory_space<hbm>> -> memref<80x128xf32, #tpu.memory_space<hbm>>
    %dma_wait3A_277 = arith.constant 0 : i32
    %dma_wait3A_278 = arith.constant 0 : i32
    %dma_wait3A_279 = tpu.memref_slice %arg9[%dma_wait3A_277, %dma_wait3A_278] : memref<80x128xf32, #tpu.memory_space<vmem>> -> memref<80x128xf32, #tpu.memory_space<vmem>>
    tpu.wait_dma2 semaphore(%arg13 : memref<!tpu.dma_semaphore, #tpu.memory_space<semaphore_mem>>) src(%dma_wait3A_279 : memref<80x128xf32, #tpu.memory_space<vmem>>) dst(%dma_wait3A_276 : memref<80x128xf32, #tpu.memory_space<hbm>>)
    %mul3A_280 = arith.constant 80 : i32
    %mul3A_281 = arith.muli %add3A_263, %mul3A_280 : i32
    "tpu.region"() ({
      %run_scoped3A = tpu.sem_alloc : memref<!tpu.dma_semaphore, #tpu.memory_space<semaphore_mem>>
      %dma_start3A_478 = arith.constant 0 : i32
      %dma_start3A_479 = arith.constant 0 : i32
      %dma_start3A_480 = tpu.memref_slice %arg9[%dma_start3A_478, %dma_start3A_479] : memref<80x128xf32, #tpu.memory_space<vmem>> -> memref<80x128xf32, #tpu.memory_space<vmem>>
      %dma_start3A_481 = arith.constant 0 : i32
      %dma_start3A_482 = tpu.memref_slice %arg12[%mul3A_281, %dma_start3A_481] : memref<10000x128xf32, #tpu.memory_space<vmem_shared>> -> memref<80x128xf32, #tpu.memory_space<vmem_shared>>
      %dma_start3A_483 = arith.constant 0 : i32
      %dma_start3A_484 = arith.constant 0 : i32
      %dma_start3A_485 = tpu.memref_slice %arg9[%dma_start3A_483, %dma_start3A_484] : memref<80x128xf32, #tpu.memory_space<vmem>> -> memref<80x128xf32, #tpu.memory_space<vmem>>
      %dma_start3A_486 = arith.constant 0 : i32
      %dma_start3A_487 = tpu.memref_slice %arg12[%mul3A_281, %dma_start3A_486] : memref<10000x128xf32, #tpu.memory_space<vmem_shared>> -> memref<80x128xf32, #tpu.memory_space<vmem_shared>>
      tpu.enqueue_dma source(%dma_start3A_487 : memref<80x128xf32, #tpu.memory_space<vmem_shared>>) target(%dma_start3A_485 : memref<80x128xf32, #tpu.memory_space<vmem>>) target_semaphore(%run_scoped3A : memref<!tpu.dma_semaphore, #tpu.memory_space<semaphore_mem>>)
      %dma_wait3A_488 = arith.constant 0 : i32
      %dma_wait3A_489 = arith.constant 0 : i32
      %dma_wait3A_490 = tpu.memref_slice %arg9[%dma_wait3A_488, %dma_wait3A_489] : memref<80x128xf32, #tpu.memory_space<vmem>> -> memref<80x128xf32, #tpu.memory_space<vmem>>
      %dma_wait3A_491 = arith.constant 0 : i32
      %dma_wait3A_492 = tpu.memref_slice %arg12[%mul3A_281, %dma_wait3A_491] : memref<10000x128xf32, #tpu.memory_space<vmem_shared>> -> memref<80x128xf32, #tpu.memory_space<vmem_shared>>
      %dma_wait3A_493 = arith.constant 0 : i32
      %dma_wait3A_494 = arith.constant 0 : i32
      %dma_wait3A_495 = tpu.memref_slice %arg9[%dma_wait3A_493, %dma_wait3A_494] : memref<80x128xf32, #tpu.memory_space<vmem>> -> memref<80x128xf32, #tpu.memory_space<vmem>>
      %dma_wait3A_496 = arith.constant 0 : i32
      %dma_wait3A_497 = tpu.memref_slice %arg12[%mul3A_281, %dma_wait3A_496] : memref<10000x128xf32, #tpu.memory_space<vmem_shared>> -> memref<80x128xf32, #tpu.memory_space<vmem_shared>>
      tpu.wait_dma2 semaphore(%run_scoped3A : memref<!tpu.dma_semaphore, #tpu.memory_space<semaphore_mem>>) src(%dma_wait3A_497 : memref<80x128xf32, #tpu.memory_space<vmem_shared>>) dst(%dma_wait3A_495 : memref<80x128xf32, #tpu.memory_space<vmem>>)
      tpu.yield
    }) : () -> ()
    %mul3A_282 = arith.constant 80 : i32
    %mul3A_283 = arith.muli %add3A_263, %mul3A_282 : i32
    %dma_start3A_284 = arith.constant 0 : i32
    %dma_start3A_285 = arith.constant 0 : i32
    %dma_start3A_286 = tpu.memref_slice %arg9[%dma_start3A_284, %dma_start3A_285] : memref<80x128xf32, #tpu.memory_space<vmem>> -> memref<80x128xf32, #tpu.memory_space<vmem>>
    %dma_start3A_287 = arith.constant 0 : i32
    %dma_start3A_288 = tpu.memref_slice %arg6[%arg0, %mul3A_283, %dma_start3A_287] : memref<2x10000x128xf32, #tpu.memory_space<hbm>> -> memref<1x80x128xf32, #tpu.memory_space<hbm>>
    %dma_start3A_289 = tpu.memref_squeeze %dma_start3A_288 : memref<1x80x128xf32, #tpu.memory_space<hbm>> -> memref<80x128xf32, #tpu.memory_space<hbm>>
    %dma_start3A_290 = arith.constant 0 : i32
    %dma_start3A_291 = tpu.memref_slice %arg6[%arg0, %mul3A_283, %dma_start3A_290] : memref<2x10000x128xf32, #tpu.memory_space<hbm>> -> memref<1x80x128xf32, #tpu.memory_space<hbm>>
    %dma_start3A_292 = tpu.memref_squeeze %dma_start3A_291 : memref<1x80x128xf32, #tpu.memory_space<hbm>> -> memref<80x128xf32, #tpu.memory_space<hbm>>
    %dma_start3A_293 = arith.constant 0 : i32
    %dma_start3A_294 = arith.constant 0 : i32
    %dma_start3A_295 = tpu.memref_slice %arg9[%dma_start3A_293, %dma_start3A_294] : memref<80x128xf32, #tpu.memory_space<vmem>> -> memref<80x128xf32, #tpu.memory_space<vmem>>
    tpu.enqueue_dma source(%dma_start3A_295 : memref<80x128xf32, #tpu.memory_space<vmem>>) target(%dma_start3A_292 : memref<80x128xf32, #tpu.memory_space<hbm>>) target_semaphore(%arg13 : memref<!tpu.dma_semaphore, #tpu.memory_space<semaphore_mem>>)
    %add3A_296 = arith.constant 48 : i32
    %add3A_297 = arith.addi %add3A_296, %arg1 : i32
    %add3A_298 = arith.constant 16 : i32
    %add3A_299 = arith.addi %add3A_298, %arg1 : i32
    %mul3A_300 = arith.constant 80 : i32
    %mul3A_301 = arith.muli %add3A_299, %mul3A_300 : i32
    %dma_wait3A_302 = arith.constant 0 : i32
    %dma_wait3A_303 = arith.constant 0 : i32
    %dma_wait3A_304 = tpu.memref_slice %arg10[%dma_wait3A_302, %dma_wait3A_303] : memref<80x128xf32, #tpu.memory_space<vmem>> -> memref<80x128xf32, #tpu.memory_space<vmem>>
    %dma_wait3A_305 = arith.constant 0 : i32
    %dma_wait3A_306 = tpu.memref_slice %arg6[%arg0, %mul3A_301, %dma_wait3A_305] : memref<2x10000x128xf32, #tpu.memory_space<hbm>> -> memref<1x80x128xf32, #tpu.memory_space<hbm>>
    %dma_wait3A_307 = tpu.memref_squeeze %dma_wait3A_306 : memref<1x80x128xf32, #tpu.memory_space<hbm>> -> memref<80x128xf32, #tpu.memory_space<hbm>>
    %dma_wait3A_308 = arith.constant 0 : i32
    %dma_wait3A_309 = tpu.memref_slice %arg6[%arg0, %mul3A_301, %dma_wait3A_308] : memref<2x10000x128xf32, #tpu.memory_space<hbm>> -> memref<1x80x128xf32, #tpu.memory_space<hbm>>
    %dma_wait3A_310 = tpu.memref_squeeze %dma_wait3A_309 : memref<1x80x128xf32, #tpu.memory_space<hbm>> -> memref<80x128xf32, #tpu.memory_space<hbm>>
    %dma_wait3A_311 = arith.constant 0 : i32
    %dma_wait3A_312 = arith.constant 0 : i32
    %dma_wait3A_313 = tpu.memref_slice %arg10[%dma_wait3A_311, %dma_wait3A_312] : memref<80x128xf32, #tpu.memory_space<vmem>> -> memref<80x128xf32, #tpu.memory_space<vmem>>
    tpu.wait_dma2 semaphore(%arg14 : memref<!tpu.dma_semaphore, #tpu.memory_space<semaphore_mem>>) src(%dma_wait3A_313 : memref<80x128xf32, #tpu.memory_space<vmem>>) dst(%dma_wait3A_310 : memref<80x128xf32, #tpu.memory_space<hbm>>)
    %mul3A_314 = arith.constant 80 : i32
    %mul3A_315 = arith.muli %add3A_297, %mul3A_314 : i32
    "tpu.region"() ({
      %run_scoped3A = tpu.sem_alloc : memref<!tpu.dma_semaphore, #tpu.memory_space<semaphore_mem>>
      %dma_start3A_478 = arith.constant 0 : i32
      %dma_start3A_479 = arith.constant 0 : i32
      %dma_start3A_480 = tpu.memref_slice %arg10[%dma_start3A_478, %dma_start3A_479] : memref<80x128xf32, #tpu.memory_space<vmem>> -> memref<80x128xf32, #tpu.memory_space<vmem>>
      %dma_start3A_481 = arith.constant 0 : i32
      %dma_start3A_482 = tpu.memref_slice %arg12[%mul3A_315, %dma_start3A_481] : memref<10000x128xf32, #tpu.memory_space<vmem_shared>> -> memref<80x128xf32, #tpu.memory_space<vmem_shared>>
      %dma_start3A_483 = arith.constant 0 : i32
      %dma_start3A_484 = arith.constant 0 : i32
      %dma_start3A_485 = tpu.memref_slice %arg10[%dma_start3A_483, %dma_start3A_484] : memref<80x128xf32, #tpu.memory_space<vmem>> -> memref<80x128xf32, #tpu.memory_space<vmem>>
      %dma_start3A_486 = arith.constant 0 : i32
      %dma_start3A_487 = tpu.memref_slice %arg12[%mul3A_315, %dma_start3A_486] : memref<10000x128xf32, #tpu.memory_space<vmem_shared>> -> memref<80x128xf32, #tpu.memory_space<vmem_shared>>
      tpu.enqueue_dma source(%dma_start3A_487 : memref<80x128xf32, #tpu.memory_space<vmem_shared>>) target(%dma_start3A_485 : memref<80x128xf32, #tpu.memory_space<vmem>>) target_semaphore(%run_scoped3A : memref<!tpu.dma_semaphore, #tpu.memory_space<semaphore_mem>>)
      %dma_wait3A_488 = arith.constant 0 : i32
      %dma_wait3A_489 = arith.constant 0 : i32
      %dma_wait3A_490 = tpu.memref_slice %arg10[%dma_wait3A_488, %dma_wait3A_489] : memref<80x128xf32, #tpu.memory_space<vmem>> -> memref<80x128xf32, #tpu.memory_space<vmem>>
      %dma_wait3A_491 = arith.constant 0 : i32
      %dma_wait3A_492 = tpu.memref_slice %arg12[%mul3A_315, %dma_wait3A_491] : memref<10000x128xf32, #tpu.memory_space<vmem_shared>> -> memref<80x128xf32, #tpu.memory_space<vmem_shared>>
      %dma_wait3A_493 = arith.constant 0 : i32
      %dma_wait3A_494 = arith.constant 0 : i32
      %dma_wait3A_495 = tpu.memref_slice %arg10[%dma_wait3A_493, %dma_wait3A_494] : memref<80x128xf32, #tpu.memory_space<vmem>> -> memref<80x128xf32, #tpu.memory_space<vmem>>
      %dma_wait3A_496 = arith.constant 0 : i32
      %dma_wait3A_497 = tpu.memref_slice %arg12[%mul3A_315, %dma_wait3A_496] : memref<10000x128xf32, #tpu.memory_space<vmem_shared>> -> memref<80x128xf32, #tpu.memory_space<vmem_shared>>
      tpu.wait_dma2 semaphore(%run_scoped3A : memref<!tpu.dma_semaphore, #tpu.memory_space<semaphore_mem>>) src(%dma_wait3A_497 : memref<80x128xf32, #tpu.memory_space<vmem_shared>>) dst(%dma_wait3A_495 : memref<80x128xf32, #tpu.memory_space<vmem>>)
      tpu.yield
    }) : () -> ()
    %mul3A_316 = arith.constant 80 : i32
    %mul3A_317 = arith.muli %add3A_297, %mul3A_316 : i32
    %dma_start3A_318 = arith.constant 0 : i32
    %dma_start3A_319 = arith.constant 0 : i32
    %dma_start3A_320 = tpu.memref_slice %arg10[%dma_start3A_318, %dma_start3A_319] : memref<80x128xf32, #tpu.memory_space<vmem>> -> memref<80x128xf32, #tpu.memory_space<vmem>>
    %dma_start3A_321 = arith.constant 0 : i32
    %dma_start3A_322 = tpu.memref_slice %arg6[%arg0, %mul3A_317, %dma_start3A_321] : memref<2x10000x128xf32, #tpu.memory_space<hbm>> -> memref<1x80x128xf32, #tpu.memory_space<hbm>>
    %dma_start3A_323 = tpu.memref_squeeze %dma_start3A_322 : memref<1x80x128xf32, #tpu.memory_space<hbm>> -> memref<80x128xf32, #tpu.memory_space<hbm>>
    %dma_start3A_324 = arith.constant 0 : i32
    %dma_start3A_325 = tpu.memref_slice %arg6[%arg0, %mul3A_317, %dma_start3A_324] : memref<2x10000x128xf32, #tpu.memory_space<hbm>> -> memref<1x80x128xf32, #tpu.memory_space<hbm>>
    %dma_start3A_326 = tpu.memref_squeeze %dma_start3A_325 : memref<1x80x128xf32, #tpu.memory_space<hbm>> -> memref<80x128xf32, #tpu.memory_space<hbm>>
    %dma_start3A_327 = arith.constant 0 : i32
    %dma_start3A_328 = arith.constant 0 : i32
    %dma_start3A_329 = tpu.memref_slice %arg10[%dma_start3A_327, %dma_start3A_328] : memref<80x128xf32, #tpu.memory_space<vmem>> -> memref<80x128xf32, #tpu.memory_space<vmem>>
    tpu.enqueue_dma source(%dma_start3A_329 : memref<80x128xf32, #tpu.memory_space<vmem>>) target(%dma_start3A_326 : memref<80x128xf32, #tpu.memory_space<hbm>>) target_semaphore(%arg14 : memref<!tpu.dma_semaphore, #tpu.memory_space<semaphore_mem>>)
    %add3A_330 = arith.constant 64 : i32
    %add3A_331 = arith.addi %add3A_330, %arg1 : i32
    %add3A_332 = arith.constant 32 : i32
    %add3A_333 = arith.addi %add3A_332, %arg1 : i32
    %mul3A_334 = arith.constant 80 : i32
    %mul3A_335 = arith.muli %add3A_333, %mul3A_334 : i32
    %dma_wait3A_336 = arith.constant 0 : i32
    %dma_wait3A_337 = arith.constant 0 : i32
    %dma_wait3A_338 = tpu.memref_slice %arg9[%dma_wait3A_336, %dma_wait3A_337] : memref<80x128xf32, #tpu.memory_space<vmem>> -> memref<80x128xf32, #tpu.memory_space<vmem>>
    %dma_wait3A_339 = arith.constant 0 : i32
    %dma_wait3A_340 = tpu.memref_slice %arg6[%arg0, %mul3A_335, %dma_wait3A_339] : memref<2x10000x128xf32, #tpu.memory_space<hbm>> -> memref<1x80x128xf32, #tpu.memory_space<hbm>>
    %dma_wait3A_341 = tpu.memref_squeeze %dma_wait3A_340 : memref<1x80x128xf32, #tpu.memory_space<hbm>> -> memref<80x128xf32, #tpu.memory_space<hbm>>
    %dma_wait3A_342 = arith.constant 0 : i32
    %dma_wait3A_343 = tpu.memref_slice %arg6[%arg0, %mul3A_335, %dma_wait3A_342] : memref<2x10000x128xf32, #tpu.memory_space<hbm>> -> memref<1x80x128xf32, #tpu.memory_space<hbm>>
    %dma_wait3A_344 = tpu.memref_squeeze %dma_wait3A_343 : memref<1x80x128xf32, #tpu.memory_space<hbm>> -> memref<80x128xf32, #tpu.memory_space<hbm>>
    %dma_wait3A_345 = arith.constant 0 : i32
    %dma_wait3A_346 = arith.constant 0 : i32
    %dma_wait3A_347 = tpu.memref_slice %arg9[%dma_wait3A_345, %dma_wait3A_346] : memref<80x128xf32, #tpu.memory_space<vmem>> -> memref<80x128xf32, #tpu.memory_space<vmem>>
    tpu.wait_dma2 semaphore(%arg13 : memref<!tpu.dma_semaphore, #tpu.memory_space<semaphore_mem>>) src(%dma_wait3A_347 : memref<80x128xf32, #tpu.memory_space<vmem>>) dst(%dma_wait3A_344 : memref<80x128xf32, #tpu.memory_space<hbm>>)
    %mul3A_348 = arith.constant 80 : i32
    %mul3A_349 = arith.muli %add3A_331, %mul3A_348 : i32
    "tpu.region"() ({
      %run_scoped3A = tpu.sem_alloc : memref<!tpu.dma_semaphore, #tpu.memory_space<semaphore_mem>>
      %dma_start3A_478 = arith.constant 0 : i32
      %dma_start3A_479 = arith.constant 0 : i32
      %dma_start3A_480 = tpu.memref_slice %arg9[%dma_start3A_478, %dma_start3A_479] : memref<80x128xf32, #tpu.memory_space<vmem>> -> memref<80x128xf32, #tpu.memory_space<vmem>>
      %dma_start3A_481 = arith.constant 0 : i32
      %dma_start3A_482 = tpu.memref_slice %arg12[%mul3A_349, %dma_start3A_481] : memref<10000x128xf32, #tpu.memory_space<vmem_shared>> -> memref<80x128xf32, #tpu.memory_space<vmem_shared>>
      %dma_start3A_483 = arith.constant 0 : i32
      %dma_start3A_484 = arith.constant 0 : i32
      %dma_start3A_485 = tpu.memref_slice %arg9[%dma_start3A_483, %dma_start3A_484] : memref<80x128xf32, #tpu.memory_space<vmem>> -> memref<80x128xf32, #tpu.memory_space<vmem>>
      %dma_start3A_486 = arith.constant 0 : i32
      %dma_start3A_487 = tpu.memref_slice %arg12[%mul3A_349, %dma_start3A_486] : memref<10000x128xf32, #tpu.memory_space<vmem_shared>> -> memref<80x128xf32, #tpu.memory_space<vmem_shared>>
      tpu.enqueue_dma source(%dma_start3A_487 : memref<80x128xf32, #tpu.memory_space<vmem_shared>>) target(%dma_start3A_485 : memref<80x128xf32, #tpu.memory_space<vmem>>) target_semaphore(%run_scoped3A : memref<!tpu.dma_semaphore, #tpu.memory_space<semaphore_mem>>)
      %dma_wait3A_488 = arith.constant 0 : i32
      %dma_wait3A_489 = arith.constant 0 : i32
      %dma_wait3A_490 = tpu.memref_slice %arg9[%dma_wait3A_488, %dma_wait3A_489] : memref<80x128xf32, #tpu.memory_space<vmem>> -> memref<80x128xf32, #tpu.memory_space<vmem>>
      %dma_wait3A_491 = arith.constant 0 : i32
      %dma_wait3A_492 = tpu.memref_slice %arg12[%mul3A_349, %dma_wait3A_491] : memref<10000x128xf32, #tpu.memory_space<vmem_shared>> -> memref<80x128xf32, #tpu.memory_space<vmem_shared>>
      %dma_wait3A_493 = arith.constant 0 : i32
      %dma_wait3A_494 = arith.constant 0 : i32
      %dma_wait3A_495 = tpu.memref_slice %arg9[%dma_wait3A_493, %dma_wait3A_494] : memref<80x128xf32, #tpu.memory_space<vmem>> -> memref<80x128xf32, #tpu.memory_space<vmem>>
      %dma_wait3A_496 = arith.constant 0 : i32
      %dma_wait3A_497 = tpu.memref_slice %arg12[%mul3A_349, %dma_wait3A_496] : memref<10000x128xf32, #tpu.memory_space<vmem_shared>> -> memref<80x128xf32, #tpu.memory_space<vmem_shared>>
      tpu.wait_dma2 semaphore(%run_scoped3A : memref<!tpu.dma_semaphore, #tpu.memory_space<semaphore_mem>>) src(%dma_wait3A_497 : memref<80x128xf32, #tpu.memory_space<vmem_shared>>) dst(%dma_wait3A_495 : memref<80x128xf32, #tpu.memory_space<vmem>>)
      tpu.yield
    }) : () -> ()
    %mul3A_350 = arith.constant 80 : i32
    %mul3A_351 = arith.muli %add3A_331, %mul3A_350 : i32
    %dma_start3A_352 = arith.constant 0 : i32
    %dma_start3A_353 = arith.constant 0 : i32
    %dma_start3A_354 = tpu.memref_slice %arg9[%dma_start3A_352, %dma_start3A_353] : memref<80x128xf32, #tpu.memory_space<vmem>> -> memref<80x128xf32, #tpu.memory_space<vmem>>
    %dma_start3A_355 = arith.constant 0 : i32
    %dma_start3A_356 = tpu.memref_slice %arg6[%arg0, %mul3A_351, %dma_start3A_355] : memref<2x10000x128xf32, #tpu.memory_space<hbm>> -> memref<1x80x128xf32, #tpu.memory_space<hbm>>
    %dma_start3A_357 = tpu.memref_squeeze %dma_start3A_356 : memref<1x80x128xf32, #tpu.memory_space<hbm>> -> memref<80x128xf32, #tpu.memory_space<hbm>>
    %dma_start3A_358 = arith.constant 0 : i32
    %dma_start3A_359 = tpu.memref_slice %arg6[%arg0, %mul3A_351, %dma_start3A_358] : memref<2x10000x128xf32, #tpu.memory_space<hbm>> -> memref<1x80x128xf32, #tpu.memory_space<hbm>>
    %dma_start3A_360 = tpu.memref_squeeze %dma_start3A_359 : memref<1x80x128xf32, #tpu.memory_space<hbm>> -> memref<80x128xf32, #tpu.memory_space<hbm>>
    %dma_start3A_361 = arith.constant 0 : i32
    %dma_start3A_362 = arith.constant 0 : i32
    %dma_start3A_363 = tpu.memref_slice %arg9[%dma_start3A_361, %dma_start3A_362] : memref<80x128xf32, #tpu.memory_space<vmem>> -> memref<80x128xf32, #tpu.memory_space<vmem>>
    tpu.enqueue_dma source(%dma_start3A_363 : memref<80x128xf32, #tpu.memory_space<vmem>>) target(%dma_start3A_360 : memref<80x128xf32, #tpu.memory_space<hbm>>) target_semaphore(%arg13 : memref<!tpu.dma_semaphore, #tpu.memory_space<semaphore_mem>>)
    %add3A_364 = arith.constant 80 : i32
    %add3A_365 = arith.addi %add3A_364, %arg1 : i32
    %add3A_366 = arith.constant 48 : i32
    %add3A_367 = arith.addi %add3A_366, %arg1 : i32
    %mul3A_368 = arith.constant 80 : i32
    %mul3A_369 = arith.muli %add3A_367, %mul3A_368 : i32
    %dma_wait3A_370 = arith.constant 0 : i32
    %dma_wait3A_371 = arith.constant 0 : i32
    %dma_wait3A_372 = tpu.memref_slice %arg10[%dma_wait3A_370, %dma_wait3A_371] : memref<80x128xf32, #tpu.memory_space<vmem>> -> memref<80x128xf32, #tpu.memory_space<vmem>>
    %dma_wait3A_373 = arith.constant 0 : i32
    %dma_wait3A_374 = tpu.memref_slice %arg6[%arg0, %mul3A_369, %dma_wait3A_373] : memref<2x10000x128xf32, #tpu.memory_space<hbm>> -> memref<1x80x128xf32, #tpu.memory_space<hbm>>
    %dma_wait3A_375 = tpu.memref_squeeze %dma_wait3A_374 : memref<1x80x128xf32, #tpu.memory_space<hbm>> -> memref<80x128xf32, #tpu.memory_space<hbm>>
    %dma_wait3A_376 = arith.constant 0 : i32
    %dma_wait3A_377 = tpu.memref_slice %arg6[%arg0, %mul3A_369, %dma_wait3A_376] : memref<2x10000x128xf32, #tpu.memory_space<hbm>> -> memref<1x80x128xf32, #tpu.memory_space<hbm>>
    %dma_wait3A_378 = tpu.memref_squeeze %dma_wait3A_377 : memref<1x80x128xf32, #tpu.memory_space<hbm>> -> memref<80x128xf32, #tpu.memory_space<hbm>>
    %dma_wait3A_379 = arith.constant 0 : i32
    %dma_wait3A_380 = arith.constant 0 : i32
    %dma_wait3A_381 = tpu.memref_slice %arg10[%dma_wait3A_379, %dma_wait3A_380] : memref<80x128xf32, #tpu.memory_space<vmem>> -> memref<80x128xf32, #tpu.memory_space<vmem>>
    tpu.wait_dma2 semaphore(%arg14 : memref<!tpu.dma_semaphore, #tpu.memory_space<semaphore_mem>>) src(%dma_wait3A_381 : memref<80x128xf32, #tpu.memory_space<vmem>>) dst(%dma_wait3A_378 : memref<80x128xf32, #tpu.memory_space<hbm>>)
    %mul3A_382 = arith.constant 80 : i32
    %mul3A_383 = arith.muli %add3A_365, %mul3A_382 : i32
    "tpu.region"() ({
      %run_scoped3A = tpu.sem_alloc : memref<!tpu.dma_semaphore, #tpu.memory_space<semaphore_mem>>
      %dma_start3A_478 = arith.constant 0 : i32
      %dma_start3A_479 = arith.constant 0 : i32
      %dma_start3A_480 = tpu.memref_slice %arg10[%dma_start3A_478, %dma_start3A_479] : memref<80x128xf32, #tpu.memory_space<vmem>> -> memref<80x128xf32, #tpu.memory_space<vmem>>
      %dma_start3A_481 = arith.constant 0 : i32
      %dma_start3A_482 = tpu.memref_slice %arg12[%mul3A_383, %dma_start3A_481] : memref<10000x128xf32, #tpu.memory_space<vmem_shared>> -> memref<80x128xf32, #tpu.memory_space<vmem_shared>>
      %dma_start3A_483 = arith.constant 0 : i32
      %dma_start3A_484 = arith.constant 0 : i32
      %dma_start3A_485 = tpu.memref_slice %arg10[%dma_start3A_483, %dma_start3A_484] : memref<80x128xf32, #tpu.memory_space<vmem>> -> memref<80x128xf32, #tpu.memory_space<vmem>>
      %dma_start3A_486 = arith.constant 0 : i32
      %dma_start3A_487 = tpu.memref_slice %arg12[%mul3A_383, %dma_start3A_486] : memref<10000x128xf32, #tpu.memory_space<vmem_shared>> -> memref<80x128xf32, #tpu.memory_space<vmem_shared>>
      tpu.enqueue_dma source(%dma_start3A_487 : memref<80x128xf32, #tpu.memory_space<vmem_shared>>) target(%dma_start3A_485 : memref<80x128xf32, #tpu.memory_space<vmem>>) target_semaphore(%run_scoped3A : memref<!tpu.dma_semaphore, #tpu.memory_space<semaphore_mem>>)
      %dma_wait3A_488 = arith.constant 0 : i32
      %dma_wait3A_489 = arith.constant 0 : i32
      %dma_wait3A_490 = tpu.memref_slice %arg10[%dma_wait3A_488, %dma_wait3A_489] : memref<80x128xf32, #tpu.memory_space<vmem>> -> memref<80x128xf32, #tpu.memory_space<vmem>>
      %dma_wait3A_491 = arith.constant 0 : i32
      %dma_wait3A_492 = tpu.memref_slice %arg12[%mul3A_383, %dma_wait3A_491] : memref<10000x128xf32, #tpu.memory_space<vmem_shared>> -> memref<80x128xf32, #tpu.memory_space<vmem_shared>>
      %dma_wait3A_493 = arith.constant 0 : i32
      %dma_wait3A_494 = arith.constant 0 : i32
      %dma_wait3A_495 = tpu.memref_slice %arg10[%dma_wait3A_493, %dma_wait3A_494] : memref<80x128xf32, #tpu.memory_space<vmem>> -> memref<80x128xf32, #tpu.memory_space<vmem>>
      %dma_wait3A_496 = arith.constant 0 : i32
      %dma_wait3A_497 = tpu.memref_slice %arg12[%mul3A_383, %dma_wait3A_496] : memref<10000x128xf32, #tpu.memory_space<vmem_shared>> -> memref<80x128xf32, #tpu.memory_space<vmem_shared>>
      tpu.wait_dma2 semaphore(%run_scoped3A : memref<!tpu.dma_semaphore, #tpu.memory_space<semaphore_mem>>) src(%dma_wait3A_497 : memref<80x128xf32, #tpu.memory_space<vmem_shared>>) dst(%dma_wait3A_495 : memref<80x128xf32, #tpu.memory_space<vmem>>)
      tpu.yield
    }) : () -> ()
    %mul3A_384 = arith.constant 80 : i32
    %mul3A_385 = arith.muli %add3A_365, %mul3A_384 : i32
    %dma_start3A_386 = arith.constant 0 : i32
    %dma_start3A_387 = arith.constant 0 : i32
    %dma_start3A_388 = tpu.memref_slice %arg10[%dma_start3A_386, %dma_start3A_387] : memref<80x128xf32, #tpu.memory_space<vmem>> -> memref<80x128xf32, #tpu.memory_space<vmem>>
    %dma_start3A_389 = arith.constant 0 : i32
    %dma_start3A_390 = tpu.memref_slice %arg6[%arg0, %mul3A_385, %dma_start3A_389] : memref<2x10000x128xf32, #tpu.memory_space<hbm>> -> memref<1x80x128xf32, #tpu.memory_space<hbm>>
    %dma_start3A_391 = tpu.memref_squeeze %dma_start3A_390 : memref<1x80x128xf32, #tpu.memory_space<hbm>> -> memref<80x128xf32, #tpu.memory_space<hbm>>
    %dma_start3A_392 = arith.constant 0 : i32
    %dma_start3A_393 = tpu.memref_slice %arg6[%arg0, %mul3A_385, %dma_start3A_392] : memref<2x10000x128xf32, #tpu.memory_space<hbm>> -> memref<1x80x128xf32, #tpu.memory_space<hbm>>
    %dma_start3A_394 = tpu.memref_squeeze %dma_start3A_393 : memref<1x80x128xf32, #tpu.memory_space<hbm>> -> memref<80x128xf32, #tpu.memory_space<hbm>>
    %dma_start3A_395 = arith.constant 0 : i32
    %dma_start3A_396 = arith.constant 0 : i32
    %dma_start3A_397 = tpu.memref_slice %arg10[%dma_start3A_395, %dma_start3A_396] : memref<80x128xf32, #tpu.memory_space<vmem>> -> memref<80x128xf32, #tpu.memory_space<vmem>>
    tpu.enqueue_dma source(%dma_start3A_397 : memref<80x128xf32, #tpu.memory_space<vmem>>) target(%dma_start3A_394 : memref<80x128xf32, #tpu.memory_space<hbm>>) target_semaphore(%arg14 : memref<!tpu.dma_semaphore, #tpu.memory_space<semaphore_mem>>)
    %add3A_398 = arith.constant 96 : i32
    %add3A_399 = arith.addi %add3A_398, %arg1 : i32
    %add3A_400 = arith.constant 64 : i32
    %add3A_401 = arith.addi %add3A_400, %arg1 : i32
    %mul3A_402 = arith.constant 80 : i32
    %mul3A_403 = arith.muli %add3A_401, %mul3A_402 : i32
    %dma_wait3A_404 = arith.constant 0 : i32
    %dma_wait3A_405 = arith.constant 0 : i32
    %dma_wait3A_406 = tpu.memref_slice %arg9[%dma_wait3A_404, %dma_wait3A_405] : memref<80x128xf32, #tpu.memory_space<vmem>> -> memref<80x128xf32, #tpu.memory_space<vmem>>
    %dma_wait3A_407 = arith.constant 0 : i32
    %dma_wait3A_408 = tpu.memref_slice %arg6[%arg0, %mul3A_403, %dma_wait3A_407] : memref<2x10000x128xf32, #tpu.memory_space<hbm>> -> memref<1x80x128xf32, #tpu.memory_space<hbm>>
    %dma_wait3A_409 = tpu.memref_squeeze %dma_wait3A_408 : memref<1x80x128xf32, #tpu.memory_space<hbm>> -> memref<80x128xf32, #tpu.memory_space<hbm>>
    %dma_wait3A_410 = arith.constant 0 : i32
    %dma_wait3A_411 = tpu.memref_slice %arg6[%arg0, %mul3A_403, %dma_wait3A_410] : memref<2x10000x128xf32, #tpu.memory_space<hbm>> -> memref<1x80x128xf32, #tpu.memory_space<hbm>>
    %dma_wait3A_412 = tpu.memref_squeeze %dma_wait3A_411 : memref<1x80x128xf32, #tpu.memory_space<hbm>> -> memref<80x128xf32, #tpu.memory_space<hbm>>
    %dma_wait3A_413 = arith.constant 0 : i32
    %dma_wait3A_414 = arith.constant 0 : i32
    %dma_wait3A_415 = tpu.memref_slice %arg9[%dma_wait3A_413, %dma_wait3A_414] : memref<80x128xf32, #tpu.memory_space<vmem>> -> memref<80x128xf32, #tpu.memory_space<vmem>>
    tpu.wait_dma2 semaphore(%arg13 : memref<!tpu.dma_semaphore, #tpu.memory_space<semaphore_mem>>) src(%dma_wait3A_415 : memref<80x128xf32, #tpu.memory_space<vmem>>) dst(%dma_wait3A_412 : memref<80x128xf32, #tpu.memory_space<hbm>>)
    %mul3A_416 = arith.constant 80 : i32
    %mul3A_417 = arith.muli %add3A_399, %mul3A_416 : i32
    "tpu.region"() ({
      %run_scoped3A = tpu.sem_alloc : memref<!tpu.dma_semaphore, #tpu.memory_space<semaphore_mem>>
      %dma_start3A_478 = arith.constant 0 : i32
      %dma_start3A_479 = arith.constant 0 : i32
      %dma_start3A_480 = tpu.memref_slice %arg9[%dma_start3A_478, %dma_start3A_479] : memref<80x128xf32, #tpu.memory_space<vmem>> -> memref<80x128xf32, #tpu.memory_space<vmem>>
      %dma_start3A_481 = arith.constant 0 : i32
      %dma_start3A_482 = tpu.memref_slice %arg12[%mul3A_417, %dma_start3A_481] : memref<10000x128xf32, #tpu.memory_space<vmem_shared>> -> memref<80x128xf32, #tpu.memory_space<vmem_shared>>
      %dma_start3A_483 = arith.constant 0 : i32
      %dma_start3A_484 = arith.constant 0 : i32
      %dma_start3A_485 = tpu.memref_slice %arg9[%dma_start3A_483, %dma_start3A_484] : memref<80x128xf32, #tpu.memory_space<vmem>> -> memref<80x128xf32, #tpu.memory_space<vmem>>
      %dma_start3A_486 = arith.constant 0 : i32
      %dma_start3A_487 = tpu.memref_slice %arg12[%mul3A_417, %dma_start3A_486] : memref<10000x128xf32, #tpu.memory_space<vmem_shared>> -> memref<80x128xf32, #tpu.memory_space<vmem_shared>>
      tpu.enqueue_dma source(%dma_start3A_487 : memref<80x128xf32, #tpu.memory_space<vmem_shared>>) target(%dma_start3A_485 : memref<80x128xf32, #tpu.memory_space<vmem>>) target_semaphore(%run_scoped3A : memref<!tpu.dma_semaphore, #tpu.memory_space<semaphore_mem>>)
      %dma_wait3A_488 = arith.constant 0 : i32
      %dma_wait3A_489 = arith.constant 0 : i32
      %dma_wait3A_490 = tpu.memref_slice %arg9[%dma_wait3A_488, %dma_wait3A_489] : memref<80x128xf32, #tpu.memory_space<vmem>> -> memref<80x128xf32, #tpu.memory_space<vmem>>
      %dma_wait3A_491 = arith.constant 0 : i32
      %dma_wait3A_492 = tpu.memref_slice %arg12[%mul3A_417, %dma_wait3A_491] : memref<10000x128xf32, #tpu.memory_space<vmem_shared>> -> memref<80x128xf32, #tpu.memory_space<vmem_shared>>
      %dma_wait3A_493 = arith.constant 0 : i32
      %dma_wait3A_494 = arith.constant 0 : i32
      %dma_wait3A_495 = tpu.memref_slice %arg9[%dma_wait3A_493, %dma_wait3A_494] : memref<80x128xf32, #tpu.memory_space<vmem>> -> memref<80x128xf32, #tpu.memory_space<vmem>>
      %dma_wait3A_496 = arith.constant 0 : i32
      %dma_wait3A_497 = tpu.memref_slice %arg12[%mul3A_417, %dma_wait3A_496] : memref<10000x128xf32, #tpu.memory_space<vmem_shared>> -> memref<80x128xf32, #tpu.memory_space<vmem_shared>>
      tpu.wait_dma2 semaphore(%run_scoped3A : memref<!tpu.dma_semaphore, #tpu.memory_space<semaphore_mem>>) src(%dma_wait3A_497 : memref<80x128xf32, #tpu.memory_space<vmem_shared>>) dst(%dma_wait3A_495 : memref<80x128xf32, #tpu.memory_space<vmem>>)
      tpu.yield
    }) : () -> ()
    %mul3A_418 = arith.constant 80 : i32
    %mul3A_419 = arith.muli %add3A_399, %mul3A_418 : i32
    %dma_start3A_420 = arith.constant 0 : i32
    %dma_start3A_421 = arith.constant 0 : i32
    %dma_start3A_422 = tpu.memref_slice %arg9[%dma_start3A_420, %dma_start3A_421] : memref<80x128xf32, #tpu.memory_space<vmem>> -> memref<80x128xf32, #tpu.memory_space<vmem>>
    %dma_start3A_423 = arith.constant 0 : i32
    %dma_start3A_424 = tpu.memref_slice %arg6[%arg0, %mul3A_419, %dma_start3A_423] : memref<2x10000x128xf32, #tpu.memory_space<hbm>> -> memref<1x80x128xf32, #tpu.memory_space<hbm>>
    %dma_start3A_425 = tpu.memref_squeeze %dma_start3A_424 : memref<1x80x128xf32, #tpu.memory_space<hbm>> -> memref<80x128xf32, #tpu.memory_space<hbm>>
    %dma_start3A_426 = arith.constant 0 : i32
    %dma_start3A_427 = tpu.memref_slice %arg6[%arg0, %mul3A_419, %dma_start3A_426] : memref<2x10000x128xf32, #tpu.memory_space<hbm>> -> memref<1x80x128xf32, #tpu.memory_space<hbm>>
    %dma_start3A_428 = tpu.memref_squeeze %dma_start3A_427 : memref<1x80x128xf32, #tpu.memory_space<hbm>> -> memref<80x128xf32, #tpu.memory_space<hbm>>
    %dma_start3A_429 = arith.constant 0 : i32
    %dma_start3A_430 = arith.constant 0 : i32
    %dma_start3A_431 = tpu.memref_slice %arg9[%dma_start3A_429, %dma_start3A_430] : memref<80x128xf32, #tpu.memory_space<vmem>> -> memref<80x128xf32, #tpu.memory_space<vmem>>
    tpu.enqueue_dma source(%dma_start3A_431 : memref<80x128xf32, #tpu.memory_space<vmem>>) target(%dma_start3A_428 : memref<80x128xf32, #tpu.memory_space<hbm>>) target_semaphore(%arg13 : memref<!tpu.dma_semaphore, #tpu.memory_space<semaphore_mem>>)
    %add3A_432 = arith.constant 112 : i32
    %add3A_433 = arith.addi %add3A_432, %arg1 : i32
    %add3A_434 = arith.constant 80 : i32
    %add3A_435 = arith.addi %add3A_434, %arg1 : i32
    %mul3A_436 = arith.constant 80 : i32
    %mul3A_437 = arith.muli %add3A_435, %mul3A_436 : i32
    %dma_wait3A_438 = arith.constant 0 : i32
    %dma_wait3A_439 = arith.constant 0 : i32
    %dma_wait3A_440 = tpu.memref_slice %arg10[%dma_wait3A_438, %dma_wait3A_439] : memref<80x128xf32, #tpu.memory_space<vmem>> -> memref<80x128xf32, #tpu.memory_space<vmem>>
    %dma_wait3A_441 = arith.constant 0 : i32
    %dma_wait3A_442 = tpu.memref_slice %arg6[%arg0, %mul3A_437, %dma_wait3A_441] : memref<2x10000x128xf32, #tpu.memory_space<hbm>> -> memref<1x80x128xf32, #tpu.memory_space<hbm>>
    %dma_wait3A_443 = tpu.memref_squeeze %dma_wait3A_442 : memref<1x80x128xf32, #tpu.memory_space<hbm>> -> memref<80x128xf32, #tpu.memory_space<hbm>>
    %dma_wait3A_444 = arith.constant 0 : i32
    %dma_wait3A_445 = tpu.memref_slice %arg6[%arg0, %mul3A_437, %dma_wait3A_444] : memref<2x10000x128xf32, #tpu.memory_space<hbm>> -> memref<1x80x128xf32, #tpu.memory_space<hbm>>
    %dma_wait3A_446 = tpu.memref_squeeze %dma_wait3A_445 : memref<1x80x128xf32, #tpu.memory_space<hbm>> -> memref<80x128xf32, #tpu.memory_space<hbm>>
    %dma_wait3A_447 = arith.constant 0 : i32
    %dma_wait3A_448 = arith.constant 0 : i32
    %dma_wait3A_449 = tpu.memref_slice %arg10[%dma_wait3A_447, %dma_wait3A_448] : memref<80x128xf32, #tpu.memory_space<vmem>> -> memref<80x128xf32, #tpu.memory_space<vmem>>
    tpu.wait_dma2 semaphore(%arg14 : memref<!tpu.dma_semaphore, #tpu.memory_space<semaphore_mem>>) src(%dma_wait3A_449 : memref<80x128xf32, #tpu.memory_space<vmem>>) dst(%dma_wait3A_446 : memref<80x128xf32, #tpu.memory_space<hbm>>)
    %lt3A_450 = arith.constant 125 : i32
    %lt3A_451 = arith.cmpi slt, %add3A_433, %lt3A_450 : i32
    %convert_element_type3A_452 = arith.extui %lt3A_451 : i1 to i32
    %cond3A_453 = arith.constant 0 : i32
    %cond3A_454 = arith.cmpi ne, %convert_element_type3A_452, %cond3A_453 : i32
    scf.if %cond3A_454 {
      %mul3A_478 = arith.constant 80 : i32
      %mul3A_479 = arith.muli %add3A_433, %mul3A_478 : i32
      "tpu.region"() ({
        %run_scoped3A = tpu.sem_alloc : memref<!tpu.dma_semaphore, #tpu.memory_space<semaphore_mem>>
        %dma_start3A_494 = arith.constant 0 : i32
        %dma_start3A_495 = arith.constant 0 : i32
        %dma_start3A_496 = tpu.memref_slice %arg10[%dma_start3A_494, %dma_start3A_495] : memref<80x128xf32, #tpu.memory_space<vmem>> -> memref<80x128xf32, #tpu.memory_space<vmem>>
        %dma_start3A_497 = arith.constant 0 : i32
        %dma_start3A_498 = tpu.memref_slice %arg12[%mul3A_479, %dma_start3A_497] : memref<10000x128xf32, #tpu.memory_space<vmem_shared>> -> memref<80x128xf32, #tpu.memory_space<vmem_shared>>
        %dma_start3A_499 = arith.constant 0 : i32
        %dma_start3A_500 = arith.constant 0 : i32
        %dma_start3A_501 = tpu.memref_slice %arg10[%dma_start3A_499, %dma_start3A_500] : memref<80x128xf32, #tpu.memory_space<vmem>> -> memref<80x128xf32, #tpu.memory_space<vmem>>
        %dma_start3A_502 = arith.constant 0 : i32
        %dma_start3A_503 = tpu.memref_slice %arg12[%mul3A_479, %dma_start3A_502] : memref<10000x128xf32, #tpu.memory_space<vmem_shared>> -> memref<80x128xf32, #tpu.memory_space<vmem_shared>>
        tpu.enqueue_dma source(%dma_start3A_503 : memref<80x128xf32, #tpu.memory_space<vmem_shared>>) target(%dma_start3A_501 : memref<80x128xf32, #tpu.memory_space<vmem>>) target_semaphore(%run_scoped3A : memref<!tpu.dma_semaphore, #tpu.memory_space<semaphore_mem>>)
        %dma_wait3A_504 = arith.constant 0 : i32
        %dma_wait3A_505 = arith.constant 0 : i32
        %dma_wait3A_506 = tpu.memref_slice %arg10[%dma_wait3A_504, %dma_wait3A_505] : memref<80x128xf32, #tpu.memory_space<vmem>> -> memref<80x128xf32, #tpu.memory_space<vmem>>
        %dma_wait3A_507 = arith.constant 0 : i32
        %dma_wait3A_508 = tpu.memref_slice %arg12[%mul3A_479, %dma_wait3A_507] : memref<10000x128xf32, #tpu.memory_space<vmem_shared>> -> memref<80x128xf32, #tpu.memory_space<vmem_shared>>
        %dma_wait3A_509 = arith.constant 0 : i32
        %dma_wait3A_510 = arith.constant 0 : i32
        %dma_wait3A_511 = tpu.memref_slice %arg10[%dma_wait3A_509, %dma_wait3A_510] : memref<80x128xf32, #tpu.memory_space<vmem>> -> memref<80x128xf32, #tpu.memory_space<vmem>>
        %dma_wait3A_512 = arith.constant 0 : i32
        %dma_wait3A_513 = tpu.memref_slice %arg12[%mul3A_479, %dma_wait3A_512] : memref<10000x128xf32, #tpu.memory_space<vmem_shared>> -> memref<80x128xf32, #tpu.memory_space<vmem_shared>>
        tpu.wait_dma2 semaphore(%run_scoped3A : memref<!tpu.dma_semaphore, #tpu.memory_space<semaphore_mem>>) src(%dma_wait3A_513 : memref<80x128xf32, #tpu.memory_space<vmem_shared>>) dst(%dma_wait3A_511 : memref<80x128xf32, #tpu.memory_space<vmem>>)
        tpu.yield
      }) : () -> ()
      %mul3A_480 = arith.constant 80 : i32
      %mul3A_481 = arith.muli %add3A_433, %mul3A_480 : i32
      %dma_start3A_482 = arith.constant 0 : i32
      %dma_start3A_483 = arith.constant 0 : i32
      %dma_start3A_484 = tpu.memref_slice %arg10[%dma_start3A_482, %dma_start3A_483] : memref<80x128xf32, #tpu.memory_space<vmem>> -> memref<80x128xf32, #tpu.memory_space<vmem>>
      %dma_start3A_485 = arith.constant 0 : i32
      %dma_start3A_486 = tpu.memref_slice %arg6[%arg0, %mul3A_481, %dma_start3A_485] : memref<2x10000x128xf32, #tpu.memory_space<hbm>> -> memref<1x80x128xf32, #tpu.memory_space<hbm>>
      %dma_start3A_487 = tpu.memref_squeeze %dma_start3A_486 : memref<1x80x128xf32, #tpu.memory_space<hbm>> -> memref<80x128xf32, #tpu.memory_space<hbm>>
      %dma_start3A_488 = arith.constant 0 : i32
      %dma_start3A_489 = tpu.memref_slice %arg6[%arg0, %mul3A_481, %dma_start3A_488] : memref<2x10000x128xf32, #tpu.memory_space<hbm>> -> memref<1x80x128xf32, #tpu.memory_space<hbm>>
      %dma_start3A_490 = tpu.memref_squeeze %dma_start3A_489 : memref<1x80x128xf32, #tpu.memory_space<hbm>> -> memref<80x128xf32, #tpu.memory_space<hbm>>
      %dma_start3A_491 = arith.constant 0 : i32
      %dma_start3A_492 = arith.constant 0 : i32
      %dma_start3A_493 = tpu.memref_slice %arg10[%dma_start3A_491, %dma_start3A_492] : memref<80x128xf32, #tpu.memory_space<vmem>> -> memref<80x128xf32, #tpu.memory_space<vmem>>
      tpu.enqueue_dma source(%dma_start3A_493 : memref<80x128xf32, #tpu.memory_space<vmem>>) target(%dma_start3A_490 : memref<80x128xf32, #tpu.memory_space<hbm>>) target_semaphore(%arg14 : memref<!tpu.dma_semaphore, #tpu.memory_space<semaphore_mem>>)
    } else {
    }
    %add3A_455 = arith.constant 96 : i32
    %add3A_456 = arith.addi %add3A_455, %arg1 : i32
    %mul3A_457 = arith.constant 80 : i32
    %mul3A_458 = arith.muli %add3A_456, %mul3A_457 : i32
    %dma_wait3A_459 = arith.constant 0 : i32
    %dma_wait3A_460 = arith.constant 0 : i32
    %dma_wait3A_461 = tpu.memref_slice %arg9[%dma_wait3A_459, %dma_wait3A_460] : memref<80x128xf32, #tpu.memory_space<vmem>> -> memref<80x128xf32, #tpu.memory_space<vmem>>
    %dma_wait3A_462 = arith.constant 0 : i32
    %dma_wait3A_463 = tpu.memref_slice %arg6[%arg0, %mul3A_458, %dma_wait3A_462] : memref<2x10000x128xf32, #tpu.memory_space<hbm>> -> memref<1x80x128xf32, #tpu.memory_space<hbm>>
    %dma_wait3A_464 = tpu.memref_squeeze %dma_wait3A_463 : memref<1x80x128xf32, #tpu.memory_space<hbm>> -> memref<80x128xf32, #tpu.memory_space<hbm>>
    %dma_wait3A_465 = arith.constant 0 : i32
    %dma_wait3A_466 = tpu.memref_slice %arg6[%arg0, %mul3A_458, %dma_wait3A_465] : memref<2x10000x128xf32, #tpu.memory_space<hbm>> -> memref<1x80x128xf32, #tpu.memory_space<hbm>>
    %dma_wait3A_467 = tpu.memref_squeeze %dma_wait3A_466 : memref<1x80x128xf32, #tpu.memory_space<hbm>> -> memref<80x128xf32, #tpu.memory_space<hbm>>
    %dma_wait3A_468 = arith.constant 0 : i32
    %dma_wait3A_469 = arith.constant 0 : i32
    %dma_wait3A_470 = tpu.memref_slice %arg9[%dma_wait3A_468, %dma_wait3A_469] : memref<80x128xf32, #tpu.memory_space<vmem>> -> memref<80x128xf32, #tpu.memory_space<vmem>>
    tpu.wait_dma2 semaphore(%arg13 : memref<!tpu.dma_semaphore, #tpu.memory_space<semaphore_mem>>) src(%dma_wait3A_470 : memref<80x128xf32, #tpu.memory_space<vmem>>) dst(%dma_wait3A_467 : memref<80x128xf32, #tpu.memory_space<hbm>>)
    %add3A_471 = arith.constant 112 : i32
    %add3A_472 = arith.addi %add3A_471, %arg1 : i32
    %lt3A_473 = arith.constant 125 : i32
    %lt3A_474 = arith.cmpi slt, %add3A_472, %lt3A_473 : i32
    %convert_element_type3A_475 = arith.extui %lt3A_474 : i1 to i32
    %cond3A_476 = arith.constant 0 : i32
    %cond3A_477 = arith.cmpi ne, %convert_element_type3A_475, %cond3A_476 : i32
    scf.if %cond3A_477 {
      %mul3A_478 = arith.constant 80 : i32
      %mul3A_479 = arith.muli %add3A_472, %mul3A_478 : i32
      %dma_wait3A_480 = arith.constant 0 : i32
      %dma_wait3A_481 = arith.constant 0 : i32
      %dma_wait3A_482 = tpu.memref_slice %arg10[%dma_wait3A_480, %dma_wait3A_481] : memref<80x128xf32, #tpu.memory_space<vmem>> -> memref<80x128xf32, #tpu.memory_space<vmem>>
      %dma_wait3A_483 = arith.constant 0 : i32
      %dma_wait3A_484 = tpu.memref_slice %arg6[%arg0, %mul3A_479, %dma_wait3A_483] : memref<2x10000x128xf32, #tpu.memory_space<hbm>> -> memref<1x80x128xf32, #tpu.memory_space<hbm>>
      %dma_wait3A_485 = tpu.memref_squeeze %dma_wait3A_484 : memref<1x80x128xf32, #tpu.memory_space<hbm>> -> memref<80x128xf32, #tpu.memory_space<hbm>>
      %dma_wait3A_486 = arith.constant 0 : i32
      %dma_wait3A_487 = tpu.memref_slice %arg6[%arg0, %mul3A_479, %dma_wait3A_486] : memref<2x10000x128xf32, #tpu.memory_space<hbm>> -> memref<1x80x128xf32, #tpu.memory_space<hbm>>
      %dma_wait3A_488 = tpu.memref_squeeze %dma_wait3A_487 : memref<1x80x128xf32, #tpu.memory_space<hbm>> -> memref<80x128xf32, #tpu.memory_space<hbm>>
      %dma_wait3A_489 = arith.constant 0 : i32
      %dma_wait3A_490 = arith.constant 0 : i32
      %dma_wait3A_491 = tpu.memref_slice %arg10[%dma_wait3A_489, %dma_wait3A_490] : memref<80x128xf32, #tpu.memory_space<vmem>> -> memref<80x128xf32, #tpu.memory_space<vmem>>
      tpu.wait_dma2 semaphore(%arg14 : memref<!tpu.dma_semaphore, #tpu.memory_space<semaphore_mem>>) src(%dma_wait3A_491 : memref<80x128xf32, #tpu.memory_space<vmem>>) dst(%dma_wait3A_488 : memref<80x128xf32, #tpu.memory_space<hbm>>)
    } else {
    }
    return
  }
}

module attributes {stable_mosaic.version = 14 : i64} {
  func.func @_tc1(%arg0: memref<32x1x10000xf32, #tpu.memory_space<vmem>>, %arg1: memref<10000x128xf32, #tpu.memory_space<vmem>>, %arg2: memref<128x128xf32, #tpu.memory_space<vmem>>, %arg3: memref<10000x128xf32, #tpu.memory_space<vmem>>, %arg4: memref<10000x1xf32, #tpu.memory_space<vmem>>) attributes {dimension_semantics = [], scalar_prefetch = 0 : i64, scratch_operands = 0 : i64, tpu.core_type = #tpu.core_type<tc>} {
    %get3A = arith.constant 0 : index
    %get3A_0 = arith.constant 0 : index
    %get3A_1 = arith.constant 0 : index
    %get3A_2 = vector.load %arg0[%get3A, %get3A_0, %get3A_1] : memref<32x1x10000xf32, #tpu.memory_space<vmem>>, vector<32x1x10000xf32>
    %squeeze3A = vector.shape_cast %get3A_2 : vector<32x1x10000xf32> to vector<32x10000xf32>
    %broadcast_in_dim3A = arith.constant 1.000000e+00 : f32
    %broadcast_in_dim3A_3 = vector.broadcast %broadcast_in_dim3A : f32 to vector<32x1xf32>
    %dot_general3A = arith.constant dense<0.000000e+00> : vector<10000x1xf32>
    %dot_general3A_4 = tpu.matmul %squeeze3A, %broadcast_in_dim3A_3, %dot_general3A {dimension_numbers = #tpu.dot_dimension_numbers<[0], [0], [1], [1], [0, 1, 1, 1], [], []>, transpose_lhs_hint = false} : vector<32x10000xf32>, vector<32x1xf32>, vector<10000x1xf32> -> vector<10000x1xf32>
    %add3A = arith.constant 1.000000e+00 : f32
    %add3A_5 = vector.broadcast %add3A : f32 to vector<10000x1xf32>
    %add3A_6 = arith.addf %dot_general3A_4, %add3A_5 : vector<10000x1xf32>
    %rsqrt3A = math.rsqrt %add3A_6 : vector<10000x1xf32>
    %swap3A = arith.constant 0 : index
    %swap3A_7 = arith.constant 0 : index
    %swap3A_8 = vector.load %arg4[%swap3A, %swap3A_7] : memref<10000x1xf32, #tpu.memory_space<vmem>>, vector<10000x1xf32>
    tpu.vector_store %arg4[%swap3A, %swap3A_7], %rsqrt3A {strides = array<i32>} : memref<10000x1xf32, #tpu.memory_space<vmem>>, vector<10000x1xf32>,
    %get3A_9 = arith.constant 0 : index
    %get3A_10 = arith.constant 0 : index
    %get3A_11 = vector.load %arg1[%get3A_9, %get3A_10] : memref<10000x128xf32, #tpu.memory_space<vmem>>, vector<10000x128xf32>
    %get3A_12 = arith.constant 0 : index
    %get3A_13 = arith.constant 0 : index
    %get3A_14 = vector.load %arg2[%get3A_12, %get3A_13] : memref<128x128xf32, #tpu.memory_space<vmem>>, vector<128x128xf32>
    %dot_general3A_15 = arith.constant dense<0.000000e+00> : vector<10000x128xf32>
    %dot_general3A_16 = tpu.matmul %get3A_11, %get3A_14, %dot_general3A_15 {dimension_numbers = #tpu.dot_dimension_numbers<[1], [0], [0], [1], [0, 0, 1, 1], [], []>, transpose_lhs_hint = false} : vector<10000x128xf32>, vector<128x128xf32>, vector<10000x128xf32> -> vector<10000x128xf32>
    %mul3A = vector.broadcast %rsqrt3A : vector<10000x1xf32> to vector<10000x128xf32>
    %mul3A_17 = arith.mulf %dot_general3A_16, %mul3A : vector<10000x128xf32>
    %swap3A_18 = arith.constant 0 : index
    %swap3A_19 = arith.constant 0 : index
    %swap3A_20 = vector.load %arg3[%swap3A_18, %swap3A_19] : memref<10000x128xf32, #tpu.memory_space<vmem>>, vector<10000x128xf32>
    tpu.vector_store %arg3[%swap3A_18, %swap3A_19], %mul3A_17 {strides = array<i32>} : memref<10000x128xf32, #tpu.memory_space<vmem>>, vector<10000x128xf32>,
    return
  }
}

module attributes {stable_mosaic.version = 14 : i64} {
  func.func @_tc2(%arg0: memref<2x10000x128xf32, #tpu.memory_space<vmem>>, %arg1: memref<10000x128xf32, #tpu.memory_space<vmem>>, %arg2: memref<10000x1xf32, #tpu.memory_space<vmem>>, %arg3: memref<128xf32, #tpu.memory_space<vmem>>, %arg4: memref<128x64xf32, #tpu.memory_space<vmem>>, %arg5: memref<10000x64xf32, #tpu.memory_space<vmem>>) attributes {dimension_semantics = [], scalar_prefetch = 0 : i64, scratch_operands = 0 : i64, tpu.core_type = #tpu.core_type<tc>} {
    %get3A = arith.constant 0 : index
    %get3A_0 = arith.constant 0 : index
    %get3A_1 = vector.load %arg2[%get3A, %get3A_0] : memref<10000x1xf32, #tpu.memory_space<vmem>>, vector<10000x1xf32>
    %get3A_2 = arith.constant 0 : index
    %get3A_3 = arith.constant 0 : index
    %get3A_4 = arith.constant 0 : index
    %get3A_5 = vector.load %arg0[%get3A_2, %get3A_3, %get3A_4] : memref<2x10000x128xf32, #tpu.memory_space<vmem>>, vector<1x10000x128xf32>
    %get3A_6 = vector.shape_cast %get3A_5 : vector<1x10000x128xf32> to vector<10000x128xf32>
    %get3A_7 = arith.constant 1 : index
    %get3A_8 = arith.constant 0 : index
    %get3A_9 = arith.constant 0 : index
    %get3A_10 = vector.load %arg0[%get3A_7, %get3A_8, %get3A_9] : memref<2x10000x128xf32, #tpu.memory_space<vmem>>, vector<1x10000x128xf32>
    %get3A_11 = vector.shape_cast %get3A_10 : vector<1x10000x128xf32> to vector<10000x128xf32>
    %add3A = arith.addf %get3A_6, %get3A_11 : vector<10000x128xf32>
    %get3A_12 = arith.constant 0 : index
    %get3A_13 = arith.constant 0 : index
    %get3A_14 = vector.load %arg1[%get3A_12, %get3A_13] : memref<10000x128xf32, #tpu.memory_space<vmem>>, vector<10000x128xf32>
    %add3A_15 = arith.addf %add3A, %get3A_14 : vector<10000x128xf32>
    %mul3A = vector.broadcast %get3A_1 : vector<10000x1xf32> to vector<10000x128xf32>
    %mul3A_16 = arith.mulf %add3A_15, %mul3A : vector<10000x128xf32>
    %get3A_17 = arith.constant 0 : index
    %get3A_18 = vector.load %arg3[%get3A_17] : memref<128xf32, #tpu.memory_space<vmem>>, vector<128xf32>
    %broadcast_in_dim3A = vector.shape_cast %get3A_18 : vector<128xf32> to vector<1x128xf32>
    %add3A_19 = vector.broadcast %broadcast_in_dim3A : vector<1x128xf32> to vector<10000x128xf32>
    %add3A_20 = arith.addf %mul3A_16, %add3A_19 : vector<10000x128xf32>
    %max3A = arith.constant 0.000000e+00 : f32
    %max3A_21 = vector.broadcast %max3A : f32 to vector<10000x128xf32>
    %max3A_22 = arith.maximumf %add3A_20, %max3A_21 : vector<10000x128xf32>
    %get3A_23 = arith.constant 0 : index
    %get3A_24 = arith.constant 0 : index
    %get3A_25 = vector.load %arg4[%get3A_23, %get3A_24] : memref<128x64xf32, #tpu.memory_space<vmem>>, vector<128x64xf32>
    %dot_general3A = arith.constant dense<0.000000e+00> : vector<10000x64xf32>
    %dot_general3A_26 = tpu.matmul %max3A_22, %get3A_25, %dot_general3A {dimension_numbers = #tpu.dot_dimension_numbers<[1], [0], [0], [1], [0, 0, 1, 1], [], []>, transpose_lhs_hint = false} : vector<10000x128xf32>, vector<128x64xf32>, vector<10000x64xf32> -> vector<10000x64xf32>
    %mul3A_27 = vector.broadcast %get3A_1 : vector<10000x1xf32> to vector<10000x64xf32>
    %mul3A_28 = arith.mulf %dot_general3A_26, %mul3A_27 : vector<10000x64xf32>
    %swap3A = arith.constant 0 : index
    %swap3A_29 = arith.constant 0 : index
    %swap3A_30 = vector.load %arg5[%swap3A, %swap3A_29] : memref<10000x64xf32, #tpu.memory_space<vmem>>, vector<10000x64xf32>
    tpu.vector_store %arg5[%swap3A, %swap3A_29], %mul3A_28 {strides = array<i32>} : memref<10000x64xf32, #tpu.memory_space<vmem>>, vector<10000x64xf32>,
    return
  }
}

module attributes {stable_mosaic.version = 14 : i64} {
  func.func @_tc3(%arg0: memref<2x10000x64xf32, #tpu.memory_space<vmem>>, %arg1: memref<10000x64xf32, #tpu.memory_space<vmem>>, %arg2: memref<10000x1xf32, #tpu.memory_space<vmem>>, %arg3: memref<64xf32, #tpu.memory_space<vmem>>, %arg4: memref<16x64xf32, #tpu.memory_space<vmem>>, %arg5: memref<16x8xf32, #tpu.memory_space<vmem>>, %arg6: memref<8xf32, #tpu.memory_space<vmem>>, %arg7: memref<8x1xf32, #tpu.memory_space<vmem>>, %arg8: memref<1xf32, #tpu.memory_space<vmem>>, %arg9: memref<10000x1xf32, #tpu.memory_space<vmem>>) attributes {dimension_semantics = [], scalar_prefetch = 0 : i64, scratch_operands = 0 : i64, tpu.core_type = #tpu.core_type<tc>} {
    %get3A = arith.constant 0 : index
    %get3A_0 = arith.constant 0 : index
    %get3A_1 = vector.load %arg2[%get3A, %get3A_0] : memref<10000x1xf32, #tpu.memory_space<vmem>>, vector<10000x1xf32>
    %get3A_2 = arith.constant 0 : index
    %get3A_3 = arith.constant 0 : index
    %get3A_4 = arith.constant 0 : index
    %get3A_5 = vector.load %arg0[%get3A_2, %get3A_3, %get3A_4] : memref<2x10000x64xf32, #tpu.memory_space<vmem>>, vector<1x10000x64xf32>
    %get3A_6 = vector.shape_cast %get3A_5 : vector<1x10000x64xf32> to vector<10000x64xf32>
    %get3A_7 = arith.constant 1 : index
    %get3A_8 = arith.constant 0 : index
    %get3A_9 = arith.constant 0 : index
    %get3A_10 = vector.load %arg0[%get3A_7, %get3A_8, %get3A_9] : memref<2x10000x64xf32, #tpu.memory_space<vmem>>, vector<1x10000x64xf32>
    %get3A_11 = vector.shape_cast %get3A_10 : vector<1x10000x64xf32> to vector<10000x64xf32>
    %add3A = arith.addf %get3A_6, %get3A_11 : vector<10000x64xf32>
    %get3A_12 = arith.constant 0 : index
    %get3A_13 = arith.constant 0 : index
    %get3A_14 = vector.load %arg1[%get3A_12, %get3A_13] : memref<10000x64xf32, #tpu.memory_space<vmem>>, vector<10000x64xf32>
    %add3A_15 = arith.addf %add3A, %get3A_14 : vector<10000x64xf32>
    %mul3A = vector.broadcast %get3A_1 : vector<10000x1xf32> to vector<10000x64xf32>
    %mul3A_16 = arith.mulf %add3A_15, %mul3A : vector<10000x64xf32>
    %get3A_17 = arith.constant 0 : index
    %get3A_18 = vector.load %arg3[%get3A_17] : memref<64xf32, #tpu.memory_space<vmem>>, vector<64xf32>
    %broadcast_in_dim3A = vector.shape_cast %get3A_18 : vector<64xf32> to vector<1x64xf32>
    %add3A_19 = vector.broadcast %broadcast_in_dim3A : vector<1x64xf32> to vector<10000x64xf32>
    %add3A_20 = arith.addf %mul3A_16, %add3A_19 : vector<10000x64xf32>
    %max3A = arith.constant 0.000000e+00 : f32
    %max3A_21 = vector.broadcast %max3A : f32 to vector<10000x64xf32>
    %max3A_22 = arith.maximumf %add3A_20, %max3A_21 : vector<10000x64xf32>
    %get3A_23 = arith.constant 0 : index
    %get3A_24 = arith.constant 0 : index
    %get3A_25 = vector.load %arg4[%get3A_23, %get3A_24] : memref<16x64xf32, #tpu.memory_space<vmem>>, vector<16x64xf32>
    %mul3A_26 = arith.mulf %get3A_25, %get3A_25 : vector<16x64xf32>
    %reduce_sum3A = arith.constant dense<0.000000e+00> : vector<16xf32>
    %reduce_sum3A_27 = vector.multi_reduction <add>, %mul3A_26, %reduce_sum3A [1] : vector<16x64xf32> to vector<16xf32>
    %mul3A_28 = arith.mulf %max3A_22, %max3A_22 : vector<10000x64xf32>
    %reduce_sum3A_29 = arith.constant dense<0.000000e+00> : vector<10000xf32>
    %reduce_sum3A_30 = vector.multi_reduction <add>, %mul3A_28, %reduce_sum3A_29 [1] : vector<10000x64xf32> to vector<10000xf32>
    %broadcast_in_dim3A_31 = vector.shape_cast %reduce_sum3A_30 : vector<10000xf32> to vector<10000x1xf32>
    %dot_general3A = arith.constant dense<0.000000e+00> : vector<10000x16xf32>
    %dot_general3A_32 = tpu.matmul %max3A_22, %get3A_25, %dot_general3A {dimension_numbers = #tpu.dot_dimension_numbers<[1], [1], [0], [0], [0, 0, 1, 0], [], []>, transpose_lhs_hint = false} : vector<10000x64xf32>, vector<16x64xf32>, vector<10000x16xf32> -> vector<10000x16xf32>
    %broadcast_in_dim3A_33 = vector.shape_cast %reduce_sum3A_27 : vector<16xf32> to vector<1x16xf32>
    %add3A_34 = vector.broadcast %broadcast_in_dim3A_31 : vector<10000x1xf32> to vector<10000x16xf32>
    %add3A_35 = vector.broadcast %broadcast_in_dim3A_33 : vector<1x16xf32> to vector<10000x16xf32>
    %add3A_36 = arith.addf %add3A_34, %add3A_35 : vector<10000x16xf32>
    %mul3A_37 = arith.constant 2.000000e+00 : f32
    %mul3A_38 = vector.broadcast %mul3A_37 : f32 to vector<10000x16xf32>
    %mul3A_39 = arith.mulf %mul3A_38, %dot_general3A_32 : vector<10000x16xf32>
    %sub3A = arith.subf %add3A_36, %mul3A_39 : vector<10000x16xf32>
    %add3A_40 = arith.constant 1.000000e+00 : f32
    %add3A_41 = vector.broadcast %add3A_40 : f32 to vector<10000x16xf32>
    %add3A_42 = arith.addf %sub3A, %add3A_41 : vector<10000x16xf32>
    %log3A = math.log %add3A_42 : vector<10000x16xf32>
    %add3A_43 = arith.constant 9.99999974E-5 : f32
    %add3A_44 = vector.broadcast %add3A_43 : f32 to vector<10000x16xf32>
    %add3A_45 = arith.addf %sub3A, %add3A_44 : vector<10000x16xf32>
    %log3A_46 = math.log %add3A_45 : vector<10000x16xf32>
    %sub3A_47 = arith.subf %log3A, %log3A_46 : vector<10000x16xf32>
    %get3A_48 = arith.constant 0 : index
    %get3A_49 = arith.constant 0 : index
    %get3A_50 = vector.load %arg5[%get3A_48, %get3A_49] : memref<16x8xf32, #tpu.memory_space<vmem>>, vector<16x8xf32>
    %dot_general3A_51 = arith.constant dense<0.000000e+00> : vector<10000x8xf32>
    %dot_general3A_52 = tpu.matmul %sub3A_47, %get3A_50, %dot_general3A_51 {dimension_numbers = #tpu.dot_dimension_numbers<[1], [0], [0], [1], [0, 0, 1, 1], [], []>, transpose_lhs_hint = false} : vector<10000x16xf32>, vector<16x8xf32>, vector<10000x8xf32> -> vector<10000x8xf32>
    %get3A_53 = arith.constant 0 : index
    %get3A_54 = vector.load %arg6[%get3A_53] : memref<8xf32, #tpu.memory_space<vmem>>, vector<8xf32>
    %broadcast_in_dim3A_55 = vector.shape_cast %get3A_54 : vector<8xf32> to vector<1x8xf32>
    %add3A_56 = vector.broadcast %broadcast_in_dim3A_55 : vector<1x8xf32> to vector<10000x8xf32>
    %add3A_57 = arith.addf %dot_general3A_52, %add3A_56 : vector<10000x8xf32>
    %integer_pow3A = arith.mulf %add3A_57, %add3A_57 : vector<10000x8xf32>
    %integer_pow3A_58 = arith.mulf %add3A_57, %integer_pow3A : vector<10000x8xf32>
    %mul3A_59 = arith.constant 4.471500e-02 : f32
    %mul3A_60 = vector.broadcast %mul3A_59 : f32 to vector<10000x8xf32>
    %mul3A_61 = arith.mulf %mul3A_60, %integer_pow3A_58 : vector<10000x8xf32>
    %add3A_62 = arith.addf %add3A_57, %mul3A_61 : vector<10000x8xf32>
    %mul3A_63 = arith.constant 0.797884583 : f32
    %mul3A_64 = vector.broadcast %mul3A_63 : f32 to vector<10000x8xf32>
    %mul3A_65 = arith.mulf %mul3A_64, %add3A_62 : vector<10000x8xf32>
    %tanh3A = math.tanh %mul3A_65 : vector<10000x8xf32>
    %add3A_66 = arith.constant 1.000000e+00 : f32
    %add3A_67 = vector.broadcast %add3A_66 : f32 to vector<10000x8xf32>
    %add3A_68 = arith.addf %add3A_67, %tanh3A : vector<10000x8xf32>
    %mul3A_69 = arith.constant 5.000000e-01 : f32
    %mul3A_70 = vector.broadcast %mul3A_69 : f32 to vector<10000x8xf32>
    %mul3A_71 = arith.mulf %mul3A_70, %add3A_68 : vector<10000x8xf32>
    %mul3A_72 = arith.mulf %add3A_57, %mul3A_71 : vector<10000x8xf32>
    %get3A_73 = arith.constant 0 : index
    %get3A_74 = arith.constant 0 : index
    %get3A_75 = vector.load %arg7[%get3A_73, %get3A_74] : memref<8x1xf32, #tpu.memory_space<vmem>>, vector<8x1xf32>
    %dot_general3A_76 = arith.constant dense<0.000000e+00> : vector<10000x1xf32>
    %dot_general3A_77 = tpu.matmul %mul3A_72, %get3A_75, %dot_general3A_76 {dimension_numbers = #tpu.dot_dimension_numbers<[1], [0], [0], [1], [0, 0, 1, 1], [], []>, transpose_lhs_hint = false} : vector<10000x8xf32>, vector<8x1xf32>, vector<10000x1xf32> -> vector<10000x1xf32>
    %get3A_78 = arith.constant 0 : index
    %get3A_79 = vector.load %arg8[%get3A_78] : memref<1xf32, #tpu.memory_space<vmem>>, vector<1xf32>
    %broadcast_in_dim3A_80 = vector.shape_cast %get3A_79 : vector<1xf32> to vector<1x1xf32>
    %add3A_81 = vector.broadcast %broadcast_in_dim3A_80 : vector<1x1xf32> to vector<10000x1xf32>
    %add3A_82 = arith.addf %dot_general3A_77, %add3A_81 : vector<10000x1xf32>
    %logistic3A = arith.negf %add3A_82 : vector<10000x1xf32>
    %logistic3A_83 = math.exp %logistic3A : vector<10000x1xf32>
    %logistic3A_84 = arith.constant 1.000000e+00 : f32
    %logistic3A_85 = vector.broadcast %logistic3A_84 : f32 to vector<10000x1xf32>
    %logistic3A_86 = arith.addf %logistic3A_85, %logistic3A_83 : vector<10000x1xf32>
    %logistic3A_87 = arith.divf %logistic3A_85, %logistic3A_86 : vector<10000x1xf32>
    %swap3A = arith.constant 0 : index
    %swap3A_88 = arith.constant 0 : index
    %swap3A_89 = vector.load %arg9[%swap3A, %swap3A_88] : memref<10000x1xf32, #tpu.memory_space<vmem>>, vector<10000x1xf32>
    tpu.vector_store %arg9[%swap3A, %swap3A_88], %logistic3A_87 {strides = array<i32>} : memref<10000x1xf32, #tpu.memory_space<vmem>>, vector<10000x1xf32>,
    return
  }
}

</mosaic_0001>

<sc_bundles>
// kernel: kernel.11.cloned.1.call-start
scs
__scs_entry_jumppad:
0x0: {  	(pc) =	sbr.rel $0x88, $3  }
0x1: {  	(tag) =	ssettag $0x0;
	lr =	simm.s32 $0x1  }
0x2: {  	[smem:$0x3F95] =	sst lr;
	_ =	strace $0xD0000000  }
0x3: {  	_ = 	snop  }
0x4: {  	_ = 	snop  }
0x5: {  	_ = 	snop  }
0x6: {  	_ = 	snop  }
0x7: {  	_ = 	snop  }
__scs_overlays_trampoline_lowered:
0x8: {  	[smem:$0x3FA4] =	sst s0  }
0x9: {  	[smem:$0x3FA5] =	sst s1  }
0xa: {  	[smem:$0x3FA6] =	sst s2  }
0xb: {  	[smem:$0x3FA7] =	sst s3  }
0xc: {  	[smem:$0x3FA8] =	sst s4  }
0xd: {  	[smem:$0x3FA9] =	sst s5  }
0xe: {  	[smem:$0x3FAA] =	sst s6  }
0xf: {  	[smem:$0x3FAB] =	sst s7  }
0x10: {  	[smem:$0x3FAC] =	sst s8  }
0x11: {  	[smem:$0x3FAD] =	sst s9;
	s0 =	simm.s32 @!p0 $0x0  }
0x12: {  	s1 =	sld [smem:$0x3F93];
	s0 =	simm.s32 @p0 $0x1  }
0x13: {  	[smem:$0x3FAE] =	sst s0;
	s0 =	simm.s32 @!p1 $0x0  }
0x14: {  	s2 =	sld [smem:$0x3F92];
	s0 =	simm.s32 @p1 $0x1  }
0x15: {  	[smem:$0x3FAF] =	sst s0;
	s0 =	simm.s32 @!p2 $0x0  }
0x16: {  	s3 =	sld [smem:$0x3FDB];
	s0 =	simm.s32 @p2 $0x1  }
0x17: {  	s4 =	simm.s32 $0x1BF5;
	[smem:$0x3FB1] =	sst s0  }
0x18: {  	s0 =	sld [smem:$0x3F94];
	_ =	swait.ge [sflag:s4], $0x0  }
0x19: {  	s7 =	sld [smem:$0x3F95]  }
0x1a: {  	s8 =	sadd.s32 $0xFFFFE003, lr  }
0x1b: {  	s9 =	sadd.s32 $0xFFFFFEF7, lr;
	s5 =	simm.s32 $0xFFFFFFFF;
	p2 =	slt.u32 s8, $0xFFFFF086  }
0x1c: {  	p1 =	slt.u32 s9, $0xF7A;
	s5 =	simm.s32 @!p2 $0x0  }
0x1d: {  	s5 =	simm.s32 @p1 $0x1;
	p0 =	seq.s32 s7, s2  }
0x1e: {  	s7 =	smul.u32 @!p0 $0xF7A, s2;
	p2 =	seq.s32 @!p0 s5, $0x0  }
0x1f: {  	s9 =	smul.u32 $0xF7A, s1;
	s8 =	simm.s32 @!p0 $0x1BF5;
	p2 =	por !p2, p0  }
0x20: {  	[sflag:s8] =	ssyncset.s32 @!p0 $0xFFFFF086;
	s6 =	sadd.s32 @!p0 s3, s7;
	s7 =	simm.s32 @!p0 $0x108  }
0x21: {  	s3 =	sadd.s32 s3, s9;
	s6 =	sadd.s32 @!p0 $0x88, s6;
	s7 =	simm.s32 @p2 $0x1082  }
0x22: {  	[simem:s7], [sflag:s8] =	dma.local @!p0 [hbm:s6], $0xF7A  }
0x23: {  	s9 =	sor.u32 $0xD0000000, s2;
	s6 =	simm.s32 $0x108;
	_ =	swait.ge @!p0 [sflag:s8], $0x0  }
0x24: {  	s3 =	sadd.s32 $0x88, s3;
	s6 =	simm.s32 @!p1 $0x1082;
	[sflag:s4] =	ssyncset.s32 $0xFFFFF086  }
0x25: {  	[simem:s6], [sflag:s4] =	dma.local [hbm:s3], $0xF7A  }
0x26: {  	[smem:$0x3F95] =	sst s1;
	(tag) =	ssettag s2;
	_ =	strace s9  }
0x27: {  	s1 =	sld [smem:$0x3FA5]  }
0x28: {  	s2 =	sld [smem:$0x3FA6]  }
0x29: {  	s4 =	sld [smem:$0x3FA8]  }
0x2a: {  	p0 =	seq.s32 s5, $0x0;
	s5 =	sld [smem:$0x3FA9]  }
0x2b: {  	s6 =	sld [smem:$0x3FAA]  }
0x2c: {  	s7 =	sld [smem:$0x3FAB]  }
0x2d: {  	s3 =	simm.s32 $0x108;
	s8 =	sld [smem:$0x3FAC]  }
0x2e: {  	s3 =	simm.s32 @!p0 $0x1082;
	s9 =	sld [smem:$0x3FAD]  }
0x2f: {  	lr =	sadd.s32 s0, s3;
	s0 =	sld [smem:$0x3FA4]  }
0x30: {  	s3 =	sld [smem:$0x3FA7]  }
0x31: {  	[smem:$0x3FB0] =	sst s10  }
0x32: {  	s10 =	sld [smem:$0x3FAE];
	_ =	sdelay $0x3  }
0x33: {  	p0 =	seq.s32 s10, $0x1;
	s10 =	sld [smem:$0x3FB0];
	_ =	sdelay $0x3  }
0x34: {  	[smem:$0x3FB0] =	sst s10  }
0x35: {  	s10 =	sld [smem:$0x3FAF];
	_ =	sdelay $0x3  }
0x36: {  	p1 =	seq.s32 s10, $0x1;
	s10 =	sld [smem:$0x3FB0];
	_ =	sdelay $0x3  }
0x37: {  	[smem:$0x3FB0] =	sst s10  }
0x38: {  	s10 =	sld [smem:$0x3FB1]  }
0x39: {  	_ = 	snop;
	(pc) =	sbr.ind lr, $3  }
0x3a: {  	_ = 	snop  }
0x3b: {  	_ = 	snop  }
0x3c: {  	p2 =	seq.s32 s10, $0x1;
	s10 =	sld [smem:$0x3FB0]  }
0x3d: {  	_ =	shalt  }
0x3e: {  	_ =	shalt  }
0x3f: {  	_ =	shalt  }
0x40: {  	_ =	shalt  }
0x41: {  	_ =	shalt  }
0x42: {  	_ =	shalt  }
0x43: {  	_ =	shalt  }
0x44: {  	_ =	shalt  }
0x45: {  	_ =	shalt  }
0x46: {  	_ =	shalt  }
0x47: {  	_ =	shalt  }
0x48: {  	_ =	shalt  }
0x49: {  	_ =	shalt  }
0x4a: {  	_ =	shalt  }
0x4b: {  	_ =	shalt  }
0x4c: {  	_ =	shalt  }
0x4d: {  	_ =	shalt  }
0x4e: {  	_ =	shalt  }
0x4f: {  	_ =	shalt  }
0x50: {  	_ =	shalt  }
0x51: {  	_ =	shalt  }
0x52: {  	_ =	shalt  }
0x53: {  	_ =	shalt  }
0x54: {  	_ =	shalt  }
0x55: {  	_ =	shalt  }
0x56: {  	_ =	shalt  }
0x57: {  	_ =	shalt  }
0x58: {  	_ =	shalt  }
0x59: {  	_ =	shalt  }
0x5a: {  	_ =	shalt  }
0x5b: {  	_ =	shalt  }
0x5c: {  	_ =	shalt  }
0x5d: {  	_ =	shalt  }
0x5e: {  	_ =	shalt  }
0x5f: {  	_ =	shalt  }
0x60: {  	_ =	shalt  }
0x61: {  	_ =	shalt  }
0x62: {  	_ =	shalt  }
0x63: {  	_ =	shalt  }
0x64: {  	_ =	shalt  }
0x65: {  	_ =	shalt  }
0x66: {  	_ =	shalt  }
0x67: {  	_ =	shalt  }
0x68: {  	_ =	shalt  }
0x69: {  	_ =	shalt  }
0x6a: {  	_ =	shalt  }
0x6b: {  	_ =	shalt  }
0x6c: {  	_ =	shalt  }
0x6d: {  	_ =	shalt  }
0x6e: {  	_ =	shalt  }
0x6f: {  	_ =	shalt  }
0x70: {  	_ =	shalt  }
0x71: {  	_ =	shalt  }
0x72: {  	_ =	shalt  }
0x73: {  	_ =	shalt  }
0x74: {  	_ =	shalt  }
0x75: {  	_ =	shalt  }
0x76: {  	_ =	shalt  }
0x77: {  	_ =	shalt  }
0x78: {  	_ =	shalt  }
0x79: {  	_ =	shalt  }
0x7a: {  	_ =	shalt  }
0x7b: {  	_ =	shalt  }
0x7c: {  	_ =	shalt  }
0x7d: {  	_ =	shalt  }
0x7e: {  	_ =	shalt  }
0x7f: {  	_ =	shalt  }
0x80: {  	_ =	shalt  }
0x81: {  	_ =	shalt  }
0x82: {  	_ =	shalt  }
0x83: {  	_ =	shalt  }
0x84: {  	_ =	shalt  }
0x85: {  	_ =	shalt  }
0x86: {  	_ =	shalt  }
0x87: {  	_ =	shalt  }
.Lfunc_end0:
.L_simem_size_0:
called_computation.1_lowered:
.L_overlay_start_0:
0x88: {  	s2 =	sld [smem:$0x3FD9]  }
0x89: {  	s3 =	sld [smem:$0x3FFE];
	_ =	sdelay $0x1  }
0x8a: {  	s1 =	srdreg.scid  }
0x8b: {  	s0 =	sand.u32 $0x1, s1  }
0x8c: {  	s14 =	sshll.u32 s0, $0xA;
	s2 =	sadd.s32 s3, s2  }
0x8d: {  	s2 =	sadd.s32 s2, s14  }
0x8e: {  	[smem:$0x3FBC] =	sst s2  }
0x8f: {  	_ = 	snop  }
0x90: {  	s2 =	sld [smem:$0x3FD0];
	_ =	sdelay $0x2  }
0x91: {  	s15 =	simm.s32 $0xA;
	s4 =	simm.s32 $0x10  }
0x92: {  	[smem:s4], [sflag:s15] =	dma.local [hbm:s2], $0x1  }
0x93: {  	_ =	swait.eq [sflag:s15], $0x1  }
0x94: {  	[sflag:s15] =	ssyncset.done $0x0  }
0x95: {  	[sflag:s15] =	ssyncadd.s32 $0xFFFFFFFF  }
0x96: {  	s16 =	sld [smem:$0x11];
	(tm) =	ssettm $0x1  }
0x97: {  	s17 =	sld [smem:$0x3FFB];
	_ =	sdelay $0x3  }
0x98: {  	_ =	strace s17  }
0x99: {  	s3 =	sld [smem:$0x3FFC];
	_ =	sdelay $0x3  }
0x9a: {  	_ =	strace s3  }
0x9b: {  	s3 =	sld [smem:$0x3FFD];
	_ =	sdelay $0x3  }
0x9c: {  	_ =	strace s3  }
0x9d: {  	_ =	strace $0x8FFFFFFF  }
0x9e: {  	s18 =	sld [smem:$0x3FDB];
	_ =	sdelay $0x1  }
0x9f: {  	s19 =	simm.s32 $_scs_section_size  }
0xa0: {  	s5 =	simm.s32 $_size__tile_overlayer_lowered;
	s6 =	simm.s32 $_tile_overlayer_lowered  }
0xa1: {  	s22 =	simm.s32 $0x1BFF;
	s21 =	sshll.u32 s6, $0x1;
	s3 =	sadd.s32 s19, s18  }
0xa2: {  	s7 =	simm.s32 $0x0;
	s20 =	sshll.u32 s5, $0x1;
	s5 =	sadd.s32 s21, s3  }
0xa3: {  	[timem:s7], [sflag:s22] =	dma.local [hbm:s5], s20  }
0xa4: {  	_ =	swait.ge [sflag:s22], s20  }
0xa5: {  	s4 =	ssub.s32 $0x0, s20;
	[sflag:s22] =	ssyncset.done $0x0  }
0xa6: {  	[sflag:s22] =	ssyncadd.s32 s4;
	_ =	sdelay $0x1  }
0xa7: {  	s23 =	simm.s32 $0x1B8B  }
0xa8: {  	_ =	swait.ge [sflag:s23], $0x1  }
0xa9: {  	[sflag:s23] =	ssyncset.done $0x0  }
0xaa: {  	s25 =	simm.s32 $0x1B8E;
	s24 =	sld [smem:$0x3FFE];
	[sflag:s23] =	ssyncadd.s32 $0xFFFFFFFF  }
0xab: {  	s26 =	simm.s32 $execute0_lowered;
	[smem:$0x3FD2] =	sst s25  }
0xac: {  	s5 =	sshll.u32 s26, $0x1;
	_ =	strace $0x80000049;
	[dreg:$0x1] =	wrdreg $0xFFFFFFFF  }
0xad: {  	s28 =	simm.s32 $_size_execute0_lowered;
	s3 =	sadd.s32 s3, s5;
	[dreg:$0x0] =	wrdreg $0x0  }
0xae: {  	s5 =	sshll.u32 s28, $0x1;
	[dreg:$0x2] =	wrdreg s3  }
0xaf: {  	[dreg:$0x3] =	wrdreg s5  }
0xb0: {  	[dreg:$0x4] =	wrdreg $0xC0  }
0xb1: {  	_ =	task [dreg:s7], $0x5FFFF  }
0xb2: {  	[dreg:$0x1] =	wrdreg $0xFFFFFFFF  }
0xb3: {  	[dreg:$0x0] =	wrdreg $0x60  }
0xb4: {  	[dreg:$0x2] =	wrdreg s24  }
0xb5: {  	[dreg:$0x3] =	wrdreg s16  }
0xb6: {  	[dreg:$0x4] =	wrdreg $0xC7000  }
0xb7: {  	[dreg:$0x5] =	wrdreg $0x9  }
0xb8: {  	_ =	task.clear_ibuf [dreg:s7], $0x6FFFF;
	_ =	strace $0x90000049  }
0xb9: {  	s29 =	simm.s32 $0x9;
	_ =	strace $0x8000004B  }
0xba: {  	_ =	swait.ge [sflag:s29], $0x1  }
0xbb: {  	[sflag:s29] =	ssyncadd.s32 $0xFFFFFFFF  }
0xbc: {  	_ =	strace $0x9000004B  }
0xbd: {  	_ =	sfence  }
0xbe: {  	s30 =	sld [smem:$0x0];
	_ =	sdelay $0x2  }
0xbf: {  	s31 =	sshll.u32 s1, $0xD;
	s1 =	sshrl.u32 s1, $0x2  }
0xc0: {  	s3 =	sand.u32 $0x4000, s31;
	s1 =	sadd.s32 s1, s30  }
0xc1: {  	s0 =	sor.u32 s3, s0;
	s1 =	sshll.u32 s1, $0x11  }
0xc2: {  	s0 =	sor.u32 s1, s0  }
0xc3: {  	s0 =	sadd.s32 $0x8F2B, s0  }
0xc4: {  	[sflag:s0] =	ssyncadd.remote.s32 $0x1  }
0xc5: {  	_ =	sfence.sel $0xFFFF  }
0xc6: {  	[dreg:$0x0] =	wrdreg $0xFFFFFFFF;
	(pc) =	sbr.abs _section_cstart, $3  }
0xc7: {  	[dreg:$0x1] =	wrdreg $0xFFFFFFFF  }
0xc8: {  	_ =	task.clear_ibuf [dreg:s7], $0x2FFFF;
	_ =	strace $0x9FFFFFFF  }
0xc9: {  	(tm) =	ssettm $0x7FFFFFFF  }
tec
execute0_lowered:
.L_overlay_start_1:
0x0: {  	(tag) =	ssettag $0x1  }
0x1: {  	s28 =	stileid.u32  }
0x2: {  	s6 =	smul.u32 $0xA000, s28  }
0x3: {  	s0 =	srdreg.scid;
	s5 =	sor.u32 $0x10, s28;
	s9 =	smul.u32 $0x2800, s28  }
0x4: {  	s2 =	rddreg [dreg:$0x0];
	s0 =	sand.u32 $0x1, s0;
	s7 =	smul.u32 $0xA000, s5  }
0x5: {  	s3 =	rddreg [dreg:$0x2];
	s4 =	simm.s32 $0x0;
	s8 =	smul.u32 $0x138800, s0  }
0x6: {  	s29 =	simm.s32 $0x7;
	s10 =	sor.u32 $0x20, s28;
	s11 =	smul.u32 $0x2800, s5  }
0x7: {  	s30 =	simm.s32 $0x1;
	s12 =	sor.u32 $0x30, s28;
	s13 =	smul.u32 $0x2800, s10  }
0x8: {  	s31 =	simm.s32 $0x2;
	s14 =	sor.u32 $0x40, s28;
	s15 =	smul.u32 $0x2800, s12  }
0x9: {  	[smem:$0x7FF] =	sst s4;
	s16 =	sor.u32 $0x50, s28;
	s17 =	smul.u32 $0x2800, s14  }
0xa: {  	s19 =	sor.u32 $0x60, s28;
	p0 =	sgt.u32 s28, $0xC;
	s20 =	smul.u32 $0x2800, s16  }
0xb: {  	s1 =	sshll.u32 s0, $0x4;
	_ =	strace $0x8000004A;
	s21 =	smul.u32 $0x2800, s19  }
0xc: {  	s0 =	ssub.s32 $0x2, s0;
	s10 =	smul.u32 $0xA000, s10;
	s1 =	sor.u32 s28, s1  }
0xd: {  	s5 =	sadd.s32 $0x16200, s2;
	s18 =	sshrl.u32 s0, $0x1;
	s1 =	smul.u32 $0x4E2, s1  }
0xe: {  	s6 =	sshrl.u32 s6, $0x2;
	s23 =	sadd.s32 s8, s11;
	s11 =	smul.u32 $0xA000, s12  }
0xf: {  	s0 =	ssub.s32 s0, s18;
	s18 =	sor.u32 $0x70, s28;
	s12 =	smul.u32 $0xA000, s14  }
0x10: {  	s22 =	sadd.s32 s9, s8;
	s24 =	sadd.s32 s8, s13;
	s14 =	smul.u32 $0xA000, s16  }
0x11: {  	s25 =	sadd.s32 s8, s15;
	s17 =	sadd.s32 s8, s17;
	s15 =	smul.u32 $0xA000, s19  }
0x12: {  	s20 =	sadd.s32 s8, s20;
	s21 =	sadd.s32 s8, s21;
	s26 =	smul.u32 $0x2800, s18  }
0x13: {  	s7 =	sshrl.u32 s7, $0x2;
	s28 =	simm.s32 $0x8;
	s18 =	smul.u32 $0xA000, s18  }
0x14: {  	s22 =	sshrl.u32 s22, $0x3;
	s1 =	sadd.s32 s1, s2;
	s2 =	sadd.s32 $0x3D400, s2  }
0x15: {  	s13 =	sshrl.u32 s11, $0x2;
	s16 =	sshrl.u32 s14, $0x2;
	s26 =	sadd.s32 s8, s26  }
0x16: {  	s9 =	sadd.s32 $0xC400, s1;
	s1 =	sadd.s32 $0x2600, s1;
	s8 =	sadd.s32 s6, s3  }
0x17: {  	s11 =	sadd.s32 s13, s3;
	s6 =	sshrl.u32 s12, $0x2;
	s13 =	sadd.s32 s16, s3  }
0x18: {  	s19 =	sshrl.u32 s18, $0x2;
	s16 =	sshrl.u32 s23, $0x3;
	s18 =	sshrl.u32 s24, $0x3  }
0x19: {  	s23 =	sshrl.u32 s17, $0x3;
	s24 =	sshrl.u32 s20, $0x3;
	[dreg:$0x4] =	wrdreg s9  }
0x1a: {  	s17 =	simm.s32 $0x6;
	[dreg:$0x5] =	wrdreg s1;
	s9 =	sadd.s32 s7, s3  }
0x1b: {  	s1 =	sshrl.u32 s10, $0x2;
	s12 =	sadd.s32 s6, s3;
	s7 =	sadd.s32 s2, s22  }
0x1c: {  	s26 =	sshrl.u32 s26, $0x3;
	s6 =	simm.s32 $0x4;
	s10 =	sadd.s32 s1, s3  }
0x1d: {  	s1 =	sshrl.u32 s15, $0x2;
	s15 =	sadd.s32 s19, s3;
	[dreg:$0x6] =	wrdreg s7  }
0x1e: {  	s19 =	sshrl.u32 s25, $0x3;
	s25 =	sshrl.u32 s21, $0x3;
	s7 =	simm.s32 $0x3  }
0x1f: {  	s14 =	sadd.s32 s1, s3;
	s1 =	sadd.s32 s2, s16;
	s22 =	sadd.s32 s2, s19  }
0x20: {  	s16 =	simm.s32 $0x5;
	[dreg:$0x7] =	wrdreg s1;
	s1 =	sadd.s32 s2, s18  }
0x21: {  	[dreg:$0x9] =	wrdreg s22;
	s22 =	sadd.s32 s2, s25;
	s25 =	simm.s32 $0x2780  }
0x22: {  	s18 =	simm.s32 $0x0;
	[dreg:$0x8] =	wrdreg s1;
	s1 =	sadd.s32 s2, s23  }
0x23: {  	s23 =	sadd.s32 s2, s26;
	s26 =	simm.s32 $0x7700;
	[dreg:$0xa] =	wrdreg s1  }
0x24: {  	s1 =	sadd.s32 s2, s24;
	s24 =	smax.u32 s0, $0x1;
	s0 =	simm.s32 $0x4F00  }
0x25: {  	s2 =	simm.s32 $0x9F00;
	[dreg:$0xb] =	wrdreg s1;
	s1 =	simm.s32 $0x50  }
.LBB2_1:
0x26: {  	s19 =	rddreg [dreg:$0x4]  }
0x27: {  	[tilespmem:s4], [sflag:$0x1] =	stream.linear.gather [hbm4b:s19+s4], $0x2710, $0x38;
	[tilespmem:$0x1FF80] =	vst v63  }
0x28: {  	s20 =	rddreg [dreg:$0x5]  }
0x29: {  	[tilespmem:s25], [sflag:$0x2] =	stream.linear.gather [hbm4b:s20+s4], $0x2710, $0x38;
	[tilespmem:$0x1FF80] =	vst v63  }
0x2a: {  	s21 =	rddreg [dreg:$0x1]  }
0x2b: {  	[tilespmem:s26], [sflag:$0x8] =	stream.linear.gather [hbm4b:s21+s4], $0x2800, $0x38;
	[tilespmem:$0x1FF80] =	vst v63  }
0x2c: {  	_ =	swait.ge [sflag:s28], $0x2800  }
0x2d: {  	[sflag:s28] =	ssyncset.done $0x0  }
0x2e: {  	[sflag:s28] =	ssyncadd.s32 $0xFFFFD800  }
0x2f: {  	[spmem:s8] =	stream.linear.scatter [tilespmem:s26], [sflag:$0x7], $0x2800, $0x38;
	[tilespmem:$0x1FF80] =	vst v63  }
0x30: {  	_ = 	snop  }
0x31: {  	[spmem:s9] =	stream.linear.scatter [tilespmem:s26], [sflag:$0x7], $0x2800, $0x38;
	[tilespmem:$0x1FF80] =	vst v63  }
0x32: {  	_ = 	snop  }
0x33: {  	[spmem:s10] =	stream.linear.scatter [tilespmem:s26], [sflag:$0x7], $0x2800, $0x38;
	[tilespmem:$0x1FF80] =	vst v63  }
0x34: {  	_ = 	snop  }
0x35: {  	[spmem:s11] =	stream.linear.scatter [tilespmem:s26], [sflag:$0x7], $0x2800, $0x38;
	[tilespmem:$0x1FF80] =	vst v63  }
0x36: {  	_ = 	snop  }
0x37: {  	[spmem:s12] =	stream.linear.scatter [tilespmem:s26], [sflag:$0x7], $0x2800, $0x38;
	[tilespmem:$0x1FF80] =	vst v63  }
0x38: {  	_ = 	snop  }
0x39: {  	[spmem:s13] =	stream.linear.scatter [tilespmem:s26], [sflag:$0x7], $0x2800, $0x38;
	[tilespmem:$0x1FF80] =	vst v63  }
0x3a: {  	_ = 	snop  }
0x3b: {  	[spmem:s14] =	stream.linear.scatter [tilespmem:s26], [sflag:$0x7], $0x2800, $0x38;
	[tilespmem:$0x1FF80] =	vst v63  }
0x3c: {  	s19 =	simm.s32 @!p0 $0x7700  }
0x3d: {  	[spmem:s15] =	stream.linear.scatter @!p0 [tilespmem:s19], [sflag:$0x7], $0x2800, $0x38;
	[tilespmem:$0x1FF80] =	vst v63  }
0x3e: {  	_ =	swait.ge [sflag:s29], $0x2800  }
0x3f: {  	[sflag:s29] =	ssyncset.done $0x0  }
0x40: {  	[sflag:s29] =	ssyncadd.s32 $0xFFFFD800  }
0x41: {  	_ =	swait.ge [sflag:s29], $0x2800  }
0x42: {  	[sflag:s29] =	ssyncset.done $0x0  }
0x43: {  	[sflag:s29] =	ssyncadd.s32 $0xFFFFD800  }
0x44: {  	_ =	swait.ge [sflag:s29], $0x2800  }
0x45: {  	[sflag:s29] =	ssyncset.done $0x0  }
0x46: {  	[sflag:s29] =	ssyncadd.s32 $0xFFFFD800  }
0x47: {  	_ =	swait.ge [sflag:s29], $0x2800  }
0x48: {  	[sflag:s29] =	ssyncset.done $0x0  }
0x49: {  	[sflag:s29] =	ssyncadd.s32 $0xFFFFD800  }
0x4a: {  	_ =	swait.ge [sflag:s29], $0x2800  }
0x4b: {  	[sflag:s29] =	ssyncset.done $0x0  }
0x4c: {  	[sflag:s29] =	ssyncadd.s32 $0xFFFFD800  }
0x4d: {  	_ =	swait.ge [sflag:s29], $0x2800  }
0x4e: {  	[sflag:s29] =	ssyncset.done $0x0  }
0x4f: {  	[sflag:s29] =	ssyncadd.s32 $0xFFFFD800  }
0x50: {  	_ =	swait.ge [sflag:s29], $0x2800  }
0x51: {  	[sflag:s29] =	ssyncset.done $0x0  }
0x52: {  	s19 =	simm.s32 @!p0 $0x7;
	[sflag:s29] =	ssyncadd.s32 $0xFFFFD800  }
0x53: {  	_ =	swait.ge @!p0 [sflag:s19], $0x2800  }
0x54: {  	[sflag:s19] =	ssyncset.done @!p0 $0x0  }
0x55: {  	[sflag:s19] =	ssyncadd.s32 @!p0 $0xFFFFD800  }
0x56: {  	_ =	swait.ge [sflag:s30], $0x2710  }
0x57: {  	[sflag:s30] =	ssyncset.done $0x0  }
0x58: {  	[sflag:s30] =	ssyncadd.s32 $0xFFFFD8F0  }
0x59: {  	_ =	swait.ge [sflag:s31], $0x2710  }
0x5a: {  	[sflag:s31] =	ssyncset.done $0x0  }
0x5b: {  	[sflag:s31] =	ssyncadd.s32 $0xFFFFD8F0  }
0x5c: {  	[bflag:$0x0] =	sbarrier.arrive $0xFFFF  }
0x5d: {  	[tilespmem:s0], [sflag:$0x1] =	stream.indirect.gather [hbm4b:s5+s1], $0x80, s4, s1, $0xb8;
	[tilespmem:$0x1FF80] =	vst v63  }
0x5e: {  	_ = 	snop  }
0x5f: {  	[tilespmem:s26], [sflag:$0x2] =	stream.indirect.gather [hbm4b:s5+s1], $0x80, s1, s1, $0xb8;
	[tilespmem:$0x1FF80] =	vst v63  }
0x60: {  	_ =	swait.ge [sflag:s30], $0x2800  }
0x61: {  	[sflag:s30] =	ssyncset.done $0x0  }
0x62: {  	[sflag:s30] =	ssyncadd.s32 $0xFFFFD800  }
0x63: {  	[spmem:s3] =	stream.indirect.scatter.add.f32 [tilespmem:s0], [sflag:$0x4], $0x80, s25, s1, $0xb8;
	[tilespmem:$0x1FF80] =	vst v63  }
0x64: {  	s20 =	simm.s32 $0xA0  }
0x65: {  	[tilespmem:s2], [sflag:$0x3] =	stream.indirect.gather [hbm4b:s5+s1], $0x80, s20, s1, $0xb8;
	[tilespmem:$0x1FF80] =	vst v63  }
0x66: {  	_ =	swait.ge [sflag:s31], $0x2800  }
0x67: {  	[sflag:s31] =	ssyncset.done $0x0  }
0x68: {  	s21 =	simm.s32 $0x27D0;
	[sflag:s31] =	ssyncadd.s32 $0xFFFFD800  }
0x69: {  	[spmem:s3] =	stream.indirect.scatter.add.f32 [tilespmem:s26], [sflag:$0x5], $0x80, s21, s1, $0xb8;
	[tilespmem:$0x1FF80] =	vst v63  }
0x6a: {  	_ =	swait.ge [sflag:s6], $0x2800  }
0x6b: {  	[sflag:s6] =	ssyncset.done $0x0  }
0x6c: {  	s20 =	simm.s32 $0xF0;
	[sflag:s6] =	ssyncadd.s32 $0xFFFFD800  }
0x6d: {  	[tilespmem:s0], [sflag:$0x1] =	stream.indirect.gather [hbm4b:s5+s1], $0x80, s20, s1, $0xb8;
	[tilespmem:$0x1FF80] =	vst v63  }
0x6e: {  	_ =	swait.ge [sflag:s7], $0x2800  }
0x6f: {  	[sflag:s7] =	ssyncset.done $0x0  }
0x70: {  	s21 =	simm.s32 $0x2820;
	[sflag:s7] =	ssyncadd.s32 $0xFFFFD800  }
0x71: {  	[spmem:s3] =	stream.indirect.scatter.add.f32 [tilespmem:s2], [sflag:$0x6], $0x80, s21, s1, $0xb8;
	[tilespmem:$0x1FF80] =	vst v63  }
0x72: {  	_ =	swait.ge [sflag:s16], $0x2800  }
0x73: {  	[sflag:s16] =	ssyncset.done $0x0  }
0x74: {  	s20 =	simm.s32 $0x140;
	[sflag:s16] =	ssyncadd.s32 $0xFFFFD800  }
0x75: {  	[tilespmem:s26], [sflag:$0x2] =	stream.indirect.gather [hbm4b:s5+s1], $0x80, s20, s1, $0xb8;
	[tilespmem:$0x1FF80] =	vst v63  }
0x76: {  	_ =	swait.ge [sflag:s30], $0x2800  }
0x77: {  	[sflag:s30] =	ssyncset.done $0x0  }
0x78: {  	s21 =	simm.s32 $0x2870;
	[sflag:s30] =	ssyncadd.s32 $0xFFFFD800  }
0x79: {  	[spmem:s3] =	stream.indirect.scatter.add.f32 [tilespmem:s0], [sflag:$0x4], $0x80, s21, s1, $0xb8;
	[tilespmem:$0x1FF80] =	vst v63  }
0x7a: {  	_ =	swait.ge [sflag:s17], $0x2800  }
0x7b: {  	[sflag:s17] =	ssyncset.done $0x0  }
0x7c: {  	s20 =	simm.s32 $0x190;
	[sflag:s17] =	ssyncadd.s32 $0xFFFFD800  }
0x7d: {  	[tilespmem:s2], [sflag:$0x3] =	stream.indirect.gather [hbm4b:s5+s1], $0x80, s20, s1, $0xb8;
	[tilespmem:$0x1FF80] =	vst v63  }
0x7e: {  	_ =	swait.ge [sflag:s31], $0x2800  }
0x7f: {  	[sflag:s31] =	ssyncset.done $0x0  }
0x80: {  	s21 =	simm.s32 $0x28C0;
	[sflag:s31] =	ssyncadd.s32 $0xFFFFD800  }
0x81: {  	[spmem:s3] =	stream.indirect.scatter.add.f32 [tilespmem:s26], [sflag:$0x5], $0x80, s21, s1, $0xb8;
	[tilespmem:$0x1FF80] =	vst v63  }
0x82: {  	_ =	swait.ge [sflag:s6], $0x2800  }
0x83: {  	[sflag:s6] =	ssyncset.done $0x0  }
0x84: {  	s20 =	simm.s32 $0x1E0;
	[sflag:s6] =	ssyncadd.s32 $0xFFFFD800  }
0x85: {  	[tilespmem:s0], [sflag:$0x1] =	stream.indirect.gather [hbm4b:s5+s1], $0x80, s20, s1, $0xb8;
	[tilespmem:$0x1FF80] =	vst v63  }
0x86: {  	_ =	swait.ge [sflag:s7], $0x2800  }
0x87: {  	[sflag:s7] =	ssyncset.done $0x0  }
0x88: {  	s21 =	simm.s32 $0x2910;
	[sflag:s7] =	ssyncadd.s32 $0xFFFFD800  }
0x89: {  	[spmem:s3] =	stream.indirect.scatter.add.f32 [tilespmem:s2], [sflag:$0x6], $0x80, s21, s1, $0xb8;
	[tilespmem:$0x1FF80] =	vst v63  }
0x8a: {  	_ =	swait.ge [sflag:s16], $0x2800  }
0x8b: {  	[sflag:s16] =	ssyncset.done $0x0  }
0x8c: {  	s19 =	simm.s32 $0x3C0;
	s20 =	simm.s32 $0x230;
	[sflag:s16] =	ssyncadd.s32 $0xFFFFD800  }
.LBB2_2:
0x8d: {  	[tilespmem:s26], [sflag:$0x2] =	stream.indirect.gather [hbm4b:s5+s1], $0x80, s20, s1, $0xb8;
	[tilespmem:$0x1FF80] =	vst v63  }
0x8e: {  	s20 =	smov.u32 s19  }
0x8f: {  	p1 =	sne.s32 s19, $0x9240;
	s19 =	sadd.s32 $0x3C0, s19;
	_ =	swait.ge [sflag:s30], $0x2800  }
0x90: {  	s20 =	sshra.s32 s20, $0x2;
	[sflag:s30] =	ssyncset.done $0x0  }
0x91: {  	s21 =	sadd.s32 $0x2870, s20;
	[sflag:s30] =	ssyncadd.s32 $0xFFFFD800  }
0x92: {  	[spmem:s3] =	stream.indirect.scatter.add.f32 [tilespmem:s0], [sflag:$0x4], $0x80, s21, s1, $0xb8;
	[tilespmem:$0x1FF80] =	vst v63  }
0x93: {  	_ =	swait.ge [sflag:s17], $0x2800  }
0x94: {  	[sflag:s17] =	ssyncset.done $0x0  }
0x95: {  	s21 =	sadd.s32 $0x190, s20;
	[sflag:s17] =	ssyncadd.s32 $0xFFFFD800  }
0x96: {  	[tilespmem:s2], [sflag:$0x3] =	stream.indirect.gather [hbm4b:s5+s1], $0x80, s21, s1, $0xb8;
	[tilespmem:$0x1FF80] =	vst v63  }
0x97: {  	_ =	swait.ge [sflag:s31], $0x2800  }
0x98: {  	[sflag:s31] =	ssyncset.done $0x0  }
0x99: {  	s21 =	sadd.s32 $0x28C0, s20;
	[sflag:s31] =	ssyncadd.s32 $0xFFFFD800  }
0x9a: {  	[spmem:s3] =	stream.indirect.scatter.add.f32 [tilespmem:s26], [sflag:$0x5], $0x80, s21, s1, $0xb8;
	[tilespmem:$0x1FF80] =	vst v63  }
0x9b: {  	_ =	swait.ge [sflag:s6], $0x2800  }
0x9c: {  	[sflag:s6] =	ssyncset.done $0x0  }
0x9d: {  	s21 =	sadd.s32 $0x1E0, s20;
	[sflag:s6] =	ssyncadd.s32 $0xFFFFD800  }
0x9e: {  	[tilespmem:s0], [sflag:$0x1] =	stream.indirect.gather [hbm4b:s5+s1], $0x80, s21, s1, $0xb8;
	[tilespmem:$0x1FF80] =	vst v63  }
0x9f: {  	_ =	swait.ge [sflag:s7], $0x2800  }
0xa0: {  	[sflag:s7] =	ssyncset.done $0x0  }
.Ltmp0:
0xa1: {  	s21 =	sadd.s32 $0x2910, s20;
	[sflag:s7] =	ssyncadd.s32 $0xFFFFD800;
	(pc) =	sbr.rel @p1 .LBB2_2-.Ltmp0, $4  }
0xa2: {  	[spmem:s3] =	stream.indirect.scatter.add.f32 [tilespmem:s2], [sflag:$0x6], $0x80, s21, s1, $0xb8;
	[tilespmem:$0x1FF80] =	vst v63  }
0xa3: {  	_ =	swait.ge [sflag:s16], $0x2800  }
0xa4: {  	[sflag:s16] =	ssyncset.done $0x0  }
0xa5: {  	s20 =	sadd.s32 $0x230, s20;
	[sflag:s16] =	ssyncadd.s32 $0xFFFFD800  }
0xa6: {  	[tilespmem:s26], [sflag:$0x2] =	stream.indirect.gather [hbm4b:s5+s1], $0x80, s20, s1, $0xb8;
	[tilespmem:$0x1FF80] =	vst v63  }
0xa7: {  	_ =	swait.ge [sflag:s30], $0x2800  }
0xa8: {  	[sflag:s30] =	ssyncset.done $0x0  }
0xa9: {  	s19 =	simm.s32 $0x4DF0;
	[sflag:s30] =	ssyncadd.s32 $0xFFFFD800  }
0xaa: {  	[spmem:s3] =	stream.indirect.scatter.add.f32 [tilespmem:s0], [sflag:$0x4], $0x80, s19, s1, $0xb8;
	[tilespmem:$0x1FF80] =	vst v63  }
0xab: {  	_ =	swait.ge [sflag:s17], $0x2800  }
0xac: {  	[sflag:s17] =	ssyncset.done $0x0  }
0xad: {  	[sflag:s17] =	ssyncadd.s32 $0xFFFFD800  }
0xae: {  	_ =	swait.ge [sflag:s31], $0x2800  }
0xaf: {  	[sflag:s31] =	ssyncset.done $0x0  }
0xb0: {  	s21 =	simm.s32 $0x4E40;
	[sflag:s31] =	ssyncadd.s32 $0xFFFFD800  }
0xb1: {  	[spmem:s3] =	stream.indirect.scatter.add.f32 [tilespmem:s26], [sflag:$0x5], $0x80, s21, s1, $0xb8;
	[tilespmem:$0x1FF80] =	vst v63  }
0xb2: {  	_ =	swait.ge [sflag:s6], $0x2800  }
0xb3: {  	[sflag:s6] =	ssyncset.done $0x0  }
0xb4: {  	[sflag:s6] =	ssyncadd.s32 $0xFFFFD800  }
0xb5: {  	_ =	swait.ge [sflag:s16], $0x2800  }
0xb6: {  	[sflag:s16] =	ssyncset.done $0x0  }
0xb7: {  	[sflag:s16] =	ssyncadd.s32 $0xFFFFD800  }
0xb8: {  	[bflag:$0x0] =	sbarrier.arrive $0xFFFF  }
0xb9: {  	[tilespmem:s0], [sflag:$0x8] =	stream.linear.gather [spmem:s8], $0x2800, $0x38;
	[tilespmem:$0x1FF80] =	vst v63  }
0xba: {  	_ =	swait.ge [sflag:s28], $0x2800  }
0xbb: {  	[sflag:s28] =	ssyncset.done $0x0  }
0xbc: {  	s20 =	rddreg [dreg:$0x6];
	[sflag:s28] =	ssyncadd.s32 $0xFFFFD800  }
0xbd: {  	[hbm4b:s20+s4] =	stream.linear.scatter [tilespmem:s0], [sflag:$0x1], $0x2800, $0x38;
	[tilespmem:$0x1FF80] =	vst v63  }
0xbe: {  	_ = 	snop  }
0xbf: {  	[tilespmem:s26], [sflag:$0x8] =	stream.linear.gather [spmem:s9], $0x2800, $0x38;
	[tilespmem:$0x1FF80] =	vst v63  }
0xc0: {  	_ =	swait.ge [sflag:s28], $0x2800  }
0xc1: {  	[sflag:s28] =	ssyncset.done $0x0  }
0xc2: {  	s21 =	rddreg [dreg:$0x7];
	[sflag:s28] =	ssyncadd.s32 $0xFFFFD800  }
0xc3: {  	[hbm4b:s21+s4] =	stream.linear.scatter [tilespmem:s26], [sflag:$0x2], $0x2800, $0x38;
	[tilespmem:$0x1FF80] =	vst v63  }
0xc4: {  	_ =	swait.ge [sflag:s30], $0x2800  }
0xc5: {  	[sflag:s30] =	ssyncset.done $0x0  }
0xc6: {  	[sflag:s30] =	ssyncadd.s32 $0xFFFFD800  }
0xc7: {  	[tilespmem:s0], [sflag:$0x8] =	stream.linear.gather [spmem:s10], $0x2800, $0x38;
	[tilespmem:$0x1FF80] =	vst v63  }
0xc8: {  	_ =	swait.ge [sflag:s28], $0x2800  }
0xc9: {  	[sflag:s28] =	ssyncset.done $0x0  }
0xca: {  	s20 =	rddreg [dreg:$0x8];
	[sflag:s28] =	ssyncadd.s32 $0xFFFFD800  }
0xcb: {  	[hbm4b:s20+s4] =	stream.linear.scatter [tilespmem:s0], [sflag:$0x1], $0x2800, $0x38;
	[tilespmem:$0x1FF80] =	vst v63  }
0xcc: {  	_ =	swait.ge [sflag:s31], $0x2800  }
0xcd: {  	[sflag:s31] =	ssyncset.done $0x0  }
0xce: {  	[sflag:s31] =	ssyncadd.s32 $0xFFFFD800  }
0xcf: {  	[tilespmem:s26], [sflag:$0x8] =	stream.linear.gather [spmem:s11], $0x2800, $0x38;
	[tilespmem:$0x1FF80] =	vst v63  }
0xd0: {  	_ =	swait.ge [sflag:s28], $0x2800  }
0xd1: {  	[sflag:s28] =	ssyncset.done $0x0  }
0xd2: {  	s21 =	rddreg [dreg:$0x9];
	[sflag:s28] =	ssyncadd.s32 $0xFFFFD800  }
0xd3: {  	[hbm4b:s21+s4] =	stream.linear.scatter [tilespmem:s26], [sflag:$0x2], $0x2800, $0x38;
	[tilespmem:$0x1FF80] =	vst v63  }
0xd4: {  	_ =	swait.ge [sflag:s30], $0x2800  }
0xd5: {  	[sflag:s30] =	ssyncset.done $0x0  }
0xd6: {  	[sflag:s30] =	ssyncadd.s32 $0xFFFFD800  }
0xd7: {  	[tilespmem:s0], [sflag:$0x8] =	stream.linear.gather [spmem:s12], $0x2800, $0x38;
	[tilespmem:$0x1FF80] =	vst v63  }
0xd8: {  	_ =	swait.ge [sflag:s28], $0x2800  }
0xd9: {  	[sflag:s28] =	ssyncset.done $0x0  }
0xda: {  	s20 =	rddreg [dreg:$0xa];
	[sflag:s28] =	ssyncadd.s32 $0xFFFFD800  }
0xdb: {  	[hbm4b:s20+s4] =	stream.linear.scatter [tilespmem:s0], [sflag:$0x1], $0x2800, $0x38;
	[tilespmem:$0x1FF80] =	vst v63  }
0xdc: {  	_ =	swait.ge [sflag:s31], $0x2800  }
0xdd: {  	[sflag:s31] =	ssyncset.done $0x0  }
0xde: {  	[sflag:s31] =	ssyncadd.s32 $0xFFFFD800  }
0xdf: {  	[tilespmem:s26], [sflag:$0x8] =	stream.linear.gather [spmem:s13], $0x2800, $0x38;
	[tilespmem:$0x1FF80] =	vst v63  }
0xe0: {  	_ =	swait.ge [sflag:s28], $0x2800  }
0xe1: {  	[sflag:s28] =	ssyncset.done $0x0  }
0xe2: {  	s21 =	rddreg [dreg:$0xb];
	[sflag:s28] =	ssyncadd.s32 $0xFFFFD800  }
0xe3: {  	[hbm4b:s21+s4] =	stream.linear.scatter [tilespmem:s26], [sflag:$0x2], $0x2800, $0x38;
	[tilespmem:$0x1FF80] =	vst v63  }
0xe4: {  	_ =	swait.ge [sflag:s30], $0x2800  }
0xe5: {  	[sflag:s30] =	ssyncset.done $0x0  }
0xe6: {  	[sflag:s30] =	ssyncadd.s32 $0xFFFFD800  }
0xe7: {  	[tilespmem:s0], [sflag:$0x8] =	stream.linear.gather [spmem:s14], $0x2800, $0x38;
	[tilespmem:$0x1FF80] =	vst v63  }
0xe8: {  	_ =	swait.ge [sflag:s28], $0x2800  }
0xe9: {  	[sflag:s28] =	ssyncset.done $0x0  }
0xea: {  	[sflag:s28] =	ssyncadd.s32 $0xFFFFD800  }
0xeb: {  	[hbm4b:s22+s4] =	stream.linear.scatter [tilespmem:s0], [sflag:$0x1], $0x2800, $0x38;
	[tilespmem:$0x1FF80] =	vst v63  }
0xec: {  	_ =	swait.ge [sflag:s31], $0x2800  }
0xed: {  	[sflag:s31] =	ssyncset.done $0x0  }
0xee: {  	s19 =	simm.s32 @!p0 $0x7700;
	s20 =	simm.s32 @!p0 $0x8;
	[sflag:s31] =	ssyncadd.s32 $0xFFFFD800  }
0xef: {  	[tilespmem:s19], [sflag:$0x8] =	stream.linear.gather @!p0 [spmem:s15], $0x2800, $0x38;
	[tilespmem:$0x1FF80] =	vst v63  }
0xf0: {  	_ =	swait.ge @!p0 [sflag:s20], $0x2800  }
0xf1: {  	[sflag:s20] =	ssyncset.done @!p0 $0x0  }
0xf2: {  	[sflag:s20] =	ssyncadd.s32 @!p0 $0xFFFFD800;
	s20 =	simm.s32 @!p0 $0x0  }
0xf3: {  	[hbm4b:s23+s20] =	stream.linear.scatter @!p0 [tilespmem:s19], [sflag:$0x2], $0x2800, $0x38;
	[tilespmem:$0x1FF80] =	vst v63  }
0xf4: {  	s18 =	sadd.s32 $0x1, s18;
	s19 =	simm.s32 @!p0 $0x1  }
0xf5: {  	p1 =	sne.s32 s18, s24;
	_ =	swait.ge @!p0 [sflag:s19], $0x2800  }
.Ltmp1:
0xf6: {  	s20 =	simm.s32 @!p0 $0x2;
	[sflag:s19] =	ssyncset.done @!p0 $0x0;
	(pc) =	sbr.rel @p1 .LBB2_1-.Ltmp1, $4  }
0xf7: {  	s20 =	simm.s32 @p0 $0x1;
	[sflag:s19] =	ssyncadd.s32 @!p0 $0xFFFFD800  }
0xf8: {  	_ =	swait.ge [sflag:s20], $0x2800  }
0xf9: {  	[sflag:s20] =	ssyncset.done $0x0  }
0xfa: {  	[sflag:s20] =	ssyncadd.s32 $0xFFFFD800  }
0xfb: {  	_ =	sfence.sel $0x180000  }
0xfc: {  	[bflag:$0x0] =	sbarrier.arrive $0xFFFF  }
0xfd: {  	_ =	strace $0x9000004A  }
0xfe: {  	s0 =	stileid.u32;
	[bflag:$0x2] =	sbarrier.arrive $0xFFFF  }
0xff: {  	p0 =	sne.s32 s0, $0x0;
	s0 =	rddreg [dreg:$0x3]  }
0x100: {  	s0 =	sadd.s32 @!p0 $0x100000, s0  }
0x101: {  	[sflag:s0] =	ssyncadd.tile.s32 @!p0 $0x1;
	_ =	shalt  }
.Lfunc_end2:
_tile_overlayer_lowered:
.L_overlay_start_2:
0x102: {  	(tag) =	ssettag $0x2  }
0x103: {  	s0 =	rddreg [dreg:$0x0];
	s2 =	stileid.u32  }
0x104: {  	s1 =	rddreg [dreg:$0x1];
	p0 =	sne.s32 s2, $0x0  }
0x105: {  	s3 =	rddreg [dreg:$0x2];
	[bflag:$0x3] =	sbarrier.arrive $0xFFFF;
	s2 =	simm.s32 @!p0 $0x1C08  }
0x106: {  	[timem:s3], [sflag:s2] =	dma.local @!p0 [hbm:s0], s1  }
0x107: {  	s0 =	simm.s32 @!p0 $0x8  }
0x108: {  	_ =	swait.ge @!p0 [sflag:s0], s1  }
0x109: {  	s1 =	ssub.s32 @!p0 $0x0, s1;
	[sflag:s0] =	ssyncset.done @!p0 $0x0  }
0x10a: {  	[sflag:s0] =	ssyncadd.s32 @!p0 s1  }
0x10b: {  	[bflag:$0x3] =	sbarrier.arrive $0xFFFF  }
0x10c: {  	_ =	shalt  }

// kernel: kernel.14.cloned.1.call-start
scs
__scs_entry_jumppad:
0x0: {  	(pc) =	sbr.rel $0x88, $3  }
0x1: {  	(tag) =	ssettag $0x0;
	lr =	simm.s32 $0x1  }
0x2: {  	[smem:$0x3F95] =	sst lr;
	_ =	strace $0xD0000000  }
0x3: {  	_ = 	snop  }
0x4: {  	_ = 	snop  }
0x5: {  	_ = 	snop  }
0x6: {  	_ = 	snop  }
0x7: {  	_ = 	snop  }
__scs_overlays_trampoline_lowered:
0x8: {  	[smem:$0x3FA4] =	sst s0  }
0x9: {  	[smem:$0x3FA5] =	sst s1  }
0xa: {  	[smem:$0x3FA6] =	sst s2  }
0xb: {  	[smem:$0x3FA7] =	sst s3  }
0xc: {  	[smem:$0x3FA8] =	sst s4  }
0xd: {  	[smem:$0x3FA9] =	sst s5  }
0xe: {  	[smem:$0x3FAA] =	sst s6  }
0xf: {  	[smem:$0x3FAB] =	sst s7  }
0x10: {  	[smem:$0x3FAC] =	sst s8  }
0x11: {  	[smem:$0x3FAD] =	sst s9;
	s0 =	simm.s32 @!p0 $0x0  }
0x12: {  	s1 =	sld [smem:$0x3F93];
	s0 =	simm.s32 @p0 $0x1  }
0x13: {  	[smem:$0x3FAE] =	sst s0;
	s0 =	simm.s32 @!p1 $0x0  }
0x14: {  	s2 =	sld [smem:$0x3F92];
	s0 =	simm.s32 @p1 $0x1  }
0x15: {  	[smem:$0x3FAF] =	sst s0;
	s0 =	simm.s32 @!p2 $0x0  }
0x16: {  	s3 =	sld [smem:$0x3FDB];
	s0 =	simm.s32 @p2 $0x1  }
0x17: {  	s4 =	simm.s32 $0x1BF5;
	[smem:$0x3FB1] =	sst s0  }
0x18: {  	s0 =	sld [smem:$0x3F94];
	_ =	swait.ge [sflag:s4], $0x0  }
0x19: {  	s7 =	sld [smem:$0x3F95]  }
0x1a: {  	s8 =	sadd.s32 $0xFFFFE003, lr  }
0x1b: {  	s9 =	sadd.s32 $0xFFFFFEF7, lr;
	s5 =	simm.s32 $0xFFFFFFFF;
	p2 =	slt.u32 s8, $0xFFFFF086  }
0x1c: {  	p1 =	slt.u32 s9, $0xF7A;
	s5 =	simm.s32 @!p2 $0x0  }
0x1d: {  	s5 =	simm.s32 @p1 $0x1;
	p0 =	seq.s32 s7, s2  }
0x1e: {  	s7 =	smul.u32 @!p0 $0xF7A, s2;
	p2 =	seq.s32 @!p0 s5, $0x0  }
0x1f: {  	s9 =	smul.u32 $0xF7A, s1;
	s8 =	simm.s32 @!p0 $0x1BF5;
	p2 =	por !p2, p0  }
0x20: {  	[sflag:s8] =	ssyncset.s32 @!p0 $0xFFFFF086;
	s6 =	sadd.s32 @!p0 s3, s7;
	s7 =	simm.s32 @!p0 $0x108  }
0x21: {  	s3 =	sadd.s32 s3, s9;
	s6 =	sadd.s32 @!p0 $0x88, s6;
	s7 =	simm.s32 @p2 $0x1082  }
0x22: {  	[simem:s7], [sflag:s8] =	dma.local @!p0 [hbm:s6], $0xF7A  }
0x23: {  	s9 =	sor.u32 $0xD0000000, s2;
	s6 =	simm.s32 $0x108;
	_ =	swait.ge @!p0 [sflag:s8], $0x0  }
0x24: {  	s3 =	sadd.s32 $0x88, s3;
	s6 =	simm.s32 @!p1 $0x1082;
	[sflag:s4] =	ssyncset.s32 $0xFFFFF086  }
0x25: {  	[simem:s6], [sflag:s4] =	dma.local [hbm:s3], $0xF7A  }
0x26: {  	[smem:$0x3F95] =	sst s1;
	(tag) =	ssettag s2;
	_ =	strace s9  }
0x27: {  	s1 =	sld [smem:$0x3FA5]  }
0x28: {  	s2 =	sld [smem:$0x3FA6]  }
0x29: {  	s4 =	sld [smem:$0x3FA8]  }
0x2a: {  	p0 =	seq.s32 s5, $0x0;
	s5 =	sld [smem:$0x3FA9]  }
0x2b: {  	s6 =	sld [smem:$0x3FAA]  }
0x2c: {  	s7 =	sld [smem:$0x3FAB]  }
0x2d: {  	s3 =	simm.s32 $0x108;
	s8 =	sld [smem:$0x3FAC]  }
0x2e: {  	s3 =	simm.s32 @!p0 $0x1082;
	s9 =	sld [smem:$0x3FAD]  }
0x2f: {  	lr =	sadd.s32 s0, s3;
	s0 =	sld [smem:$0x3FA4]  }
0x30: {  	s3 =	sld [smem:$0x3FA7]  }
0x31: {  	[smem:$0x3FB0] =	sst s10  }
0x32: {  	s10 =	sld [smem:$0x3FAE];
	_ =	sdelay $0x3  }
0x33: {  	p0 =	seq.s32 s10, $0x1;
	s10 =	sld [smem:$0x3FB0];
	_ =	sdelay $0x3  }
0x34: {  	[smem:$0x3FB0] =	sst s10  }
0x35: {  	s10 =	sld [smem:$0x3FAF];
	_ =	sdelay $0x3  }
0x36: {  	p1 =	seq.s32 s10, $0x1;
	s10 =	sld [smem:$0x3FB0];
	_ =	sdelay $0x3  }
0x37: {  	[smem:$0x3FB0] =	sst s10  }
0x38: {  	s10 =	sld [smem:$0x3FB1]  }
0x39: {  	_ = 	snop;
	(pc) =	sbr.ind lr, $3  }
0x3a: {  	_ = 	snop  }
0x3b: {  	_ = 	snop  }
0x3c: {  	p2 =	seq.s32 s10, $0x1;
	s10 =	sld [smem:$0x3FB0]  }
0x3d: {  	_ =	shalt  }
0x3e: {  	_ =	shalt  }
0x3f: {  	_ =	shalt  }
0x40: {  	_ =	shalt  }
0x41: {  	_ =	shalt  }
0x42: {  	_ =	shalt  }
0x43: {  	_ =	shalt  }
0x44: {  	_ =	shalt  }
0x45: {  	_ =	shalt  }
0x46: {  	_ =	shalt  }
0x47: {  	_ =	shalt  }
0x48: {  	_ =	shalt  }
0x49: {  	_ =	shalt  }
0x4a: {  	_ =	shalt  }
0x4b: {  	_ =	shalt  }
0x4c: {  	_ =	shalt  }
0x4d: {  	_ =	shalt  }
0x4e: {  	_ =	shalt  }
0x4f: {  	_ =	shalt  }
0x50: {  	_ =	shalt  }
0x51: {  	_ =	shalt  }
0x52: {  	_ =	shalt  }
0x53: {  	_ =	shalt  }
0x54: {  	_ =	shalt  }
0x55: {  	_ =	shalt  }
0x56: {  	_ =	shalt  }
0x57: {  	_ =	shalt  }
0x58: {  	_ =	shalt  }
0x59: {  	_ =	shalt  }
0x5a: {  	_ =	shalt  }
0x5b: {  	_ =	shalt  }
0x5c: {  	_ =	shalt  }
0x5d: {  	_ =	shalt  }
0x5e: {  	_ =	shalt  }
0x5f: {  	_ =	shalt  }
0x60: {  	_ =	shalt  }
0x61: {  	_ =	shalt  }
0x62: {  	_ =	shalt  }
0x63: {  	_ =	shalt  }
0x64: {  	_ =	shalt  }
0x65: {  	_ =	shalt  }
0x66: {  	_ =	shalt  }
0x67: {  	_ =	shalt  }
0x68: {  	_ =	shalt  }
0x69: {  	_ =	shalt  }
0x6a: {  	_ =	shalt  }
0x6b: {  	_ =	shalt  }
0x6c: {  	_ =	shalt  }
0x6d: {  	_ =	shalt  }
0x6e: {  	_ =	shalt  }
0x6f: {  	_ =	shalt  }
0x70: {  	_ =	shalt  }
0x71: {  	_ =	shalt  }
0x72: {  	_ =	shalt  }
0x73: {  	_ =	shalt  }
0x74: {  	_ =	shalt  }
0x75: {  	_ =	shalt  }
0x76: {  	_ =	shalt  }
0x77: {  	_ =	shalt  }
0x78: {  	_ =	shalt  }
0x79: {  	_ =	shalt  }
0x7a: {  	_ =	shalt  }
0x7b: {  	_ =	shalt  }
0x7c: {  	_ =	shalt  }
0x7d: {  	_ =	shalt  }
0x7e: {  	_ =	shalt  }
0x7f: {  	_ =	shalt  }
0x80: {  	_ =	shalt  }
0x81: {  	_ =	shalt  }
0x82: {  	_ =	shalt  }
0x83: {  	_ =	shalt  }
0x84: {  	_ =	shalt  }
0x85: {  	_ =	shalt  }
0x86: {  	_ =	shalt  }
0x87: {  	_ =	shalt  }
.Lfunc_end0:
.L_simem_size_0:
called_computation.2_lowered:
.L_overlay_start_0:
0x88: {  	s2 =	sld [smem:$0x3FD9]  }
0x89: {  	s3 =	sld [smem:$0x3FFE];
	_ =	sdelay $0x1  }
0x8a: {  	s1 =	srdreg.scid  }
0x8b: {  	s0 =	sand.u32 $0x1, s1  }
0x8c: {  	s14 =	sshll.u32 s0, $0xA;
	s2 =	sadd.s32 s3, s2  }
0x8d: {  	s2 =	sadd.s32 s2, s14  }
0x8e: {  	[smem:$0x3FBC] =	sst s2  }
0x8f: {  	_ = 	snop  }
0x90: {  	s2 =	sld [smem:$0x3FD0];
	_ =	sdelay $0x2  }
0x91: {  	s15 =	simm.s32 $0xA;
	s4 =	simm.s32 $0x10  }
0x92: {  	[smem:s4], [sflag:s15] =	dma.local [hbm:s2], $0x1  }
0x93: {  	_ =	swait.eq [sflag:s15], $0x1  }
0x94: {  	[sflag:s15] =	ssyncset.done $0x0  }
0x95: {  	[sflag:s15] =	ssyncadd.s32 $0xFFFFFFFF  }
0x96: {  	s16 =	sld [smem:$0x10];
	(tm) =	ssettm $0x1  }
0x97: {  	s17 =	sld [smem:$0x3FFB];
	_ =	sdelay $0x3  }
0x98: {  	_ =	strace s17  }
0x99: {  	s3 =	sld [smem:$0x3FFC];
	_ =	sdelay $0x3  }
0x9a: {  	_ =	strace s3  }
0x9b: {  	s3 =	sld [smem:$0x3FFD];
	_ =	sdelay $0x3  }
0x9c: {  	_ =	strace s3  }
0x9d: {  	_ =	strace $0x8FFFFFFF  }
0x9e: {  	s18 =	sld [smem:$0x3FDB];
	_ =	sdelay $0x1  }
0x9f: {  	s19 =	simm.s32 $_scs_section_size  }
0xa0: {  	s5 =	simm.s32 $_size__tile_overlayer_lowered;
	s6 =	simm.s32 $_tile_overlayer_lowered  }
0xa1: {  	s22 =	simm.s32 $0x1BFF;
	s21 =	sshll.u32 s6, $0x1;
	s3 =	sadd.s32 s19, s18  }
0xa2: {  	s7 =	simm.s32 $0x0;
	s20 =	sshll.u32 s5, $0x1;
	s5 =	sadd.s32 s21, s3  }
0xa3: {  	[timem:s7], [sflag:s22] =	dma.local [hbm:s5], s20  }
0xa4: {  	_ =	swait.ge [sflag:s22], s20  }
0xa5: {  	s4 =	ssub.s32 $0x0, s20;
	[sflag:s22] =	ssyncset.done $0x0  }
0xa6: {  	[sflag:s22] =	ssyncadd.s32 s4;
	_ =	sdelay $0x1  }
0xa7: {  	s23 =	simm.s32 $0x1B8B  }
0xa8: {  	_ =	swait.ge [sflag:s23], $0x1  }
0xa9: {  	[sflag:s23] =	ssyncset.done $0x0  }
0xaa: {  	s25 =	simm.s32 $0x1B8E;
	s24 =	sld [smem:$0x3FFE];
	[sflag:s23] =	ssyncadd.s32 $0xFFFFFFFF  }
0xab: {  	s26 =	simm.s32 $execute0_lowered;
	[smem:$0x3FD2] =	sst s25  }
0xac: {  	s5 =	sshll.u32 s26, $0x1;
	_ =	strace $0x8000004C;
	[dreg:$0x1] =	wrdreg $0xFFFFFFFF  }
0xad: {  	s28 =	simm.s32 $_size_execute0_lowered;
	s3 =	sadd.s32 s3, s5;
	[dreg:$0x0] =	wrdreg $0x0  }
0xae: {  	s5 =	sshll.u32 s28, $0x1;
	[dreg:$0x2] =	wrdreg s3  }
0xaf: {  	[dreg:$0x3] =	wrdreg s5  }
0xb0: {  	[dreg:$0x4] =	wrdreg $0xC0  }
0xb1: {  	_ =	task [dreg:s7], $0x5FFFF  }
0xb2: {  	[dreg:$0x1] =	wrdreg $0xFFFFFFFF  }
0xb3: {  	[dreg:$0x0] =	wrdreg $0x60  }
0xb4: {  	[dreg:$0x2] =	wrdreg s24  }
0xb5: {  	[dreg:$0x3] =	wrdreg s16  }
0xb6: {  	[dreg:$0x4] =	wrdreg $0x8A200  }
0xb7: {  	[dreg:$0x5] =	wrdreg $0x9  }
0xb8: {  	_ =	task.clear_ibuf [dreg:s7], $0x6FFFF;
	_ =	strace $0x9000004C  }
0xb9: {  	s29 =	simm.s32 $0x9;
	_ =	strace $0x8000004E  }
0xba: {  	_ =	swait.ge [sflag:s29], $0x1  }
0xbb: {  	[sflag:s29] =	ssyncadd.s32 $0xFFFFFFFF  }
0xbc: {  	_ =	strace $0x9000004E  }
0xbd: {  	_ =	sfence  }
0xbe: {  	s30 =	sld [smem:$0x0];
	_ =	sdelay $0x2  }
0xbf: {  	s31 =	sshll.u32 s1, $0xD;
	s1 =	sshrl.u32 s1, $0x2  }
0xc0: {  	s3 =	sand.u32 $0x4000, s31;
	s1 =	sadd.s32 s1, s30  }
0xc1: {  	s0 =	sor.u32 s3, s0;
	s1 =	sshll.u32 s1, $0x11  }
0xc2: {  	s0 =	sor.u32 s1, s0  }
0xc3: {  	s0 =	sadd.s32 $0x8F2B, s0  }
0xc4: {  	[sflag:s0] =	ssyncadd.remote.s32 $0x1  }
0xc5: {  	_ =	sfence.sel $0xFFFF  }
0xc6: {  	[dreg:$0x0] =	wrdreg $0xFFFFFFFF;
	(pc) =	sbr.abs _section_cstart, $3  }
0xc7: {  	[dreg:$0x1] =	wrdreg $0xFFFFFFFF  }
0xc8: {  	_ =	task.clear_ibuf [dreg:s7], $0x2FFFF;
	_ =	strace $0x9FFFFFFF  }
0xc9: {  	(tm) =	ssettm $0x7FFFFFFF  }
tec
execute0_lowered:
.L_overlay_start_1:
0x0: {  	(tag) =	ssettag $0x1  }
0x1: {  	s0 =	srdreg.scid;
	s21 =	stileid.u32  }
0x2: {  	s4 =	rddreg [dreg:$0x0];
	s6 =	sor.u32 $0x10, s21;
	s2 =	smul.u32 $0x1400, s21  }
0x3: {  	s1 =	simm.s32 $0x0;
	s11 =	sor.u32 $0x20, s21;
	s7 =	smul.u32 $0x5000, s6  }
0x4: {  	s3 =	sand.u32 $0x1, s0;
	s12 =	sor.u32 $0x30, s21;
	s16 =	smul.u32 $0x1400, s11  }
0x5: {  	s15 =	sor.u32 $0x60, s21;
	s0 =	sshll.u32 s3, $0x4;
	s17 =	smul.u32 $0x1400, s12  }
0x6: {  	s20 =	ssub.s32 $0x2, s3;
	s31 =	smul.u32 $0x1400, s15;
	s0 =	sor.u32 s21, s0  }
0x7: {  	[smem:$0x7FF] =	sst s1;
	s8 =	sshrl.u32 s20, $0x1;
	s5 =	smul.u32 $0x4E2, s0  }
0x8: {  	s9 =	sadd.s32 $0x29C00, s4;
	s0 =	ssub.s32 s20, s8;
	s8 =	smul.u32 $0x9C400, s3  }
0x9: {  	s14 =	sor.u32 $0x50, s21;
	s18 =	sor.u32 $0x70, s21;
	s3 =	smul.u32 $0x1400, s6  }
0xa: {  	p0 =	sgt.u32 s21, $0xC;
	s6 =	sor.u32 $0x40, s21;
	s20 =	smul.u32 $0x1400, s14  }
0xb: {  	s7 =	sshrl.u32 s7, $0x2;
	[dreg:$0x14] =	wrdreg s0;
	s19 =	smul.u32 $0x1400, s6  }
0xc: {  	s0 =	smul.u32 $0x1400, s18;
	s10 =	sadd.s32 s2, s8;
	s13 =	sadd.s32 s8, s3  }
0xd: {  	s24 =	sadd.s32 s8, s16;
	s25 =	sadd.s32 s8, s17;
	s10 =	sshrl.u32 s10, $0x3  }
0xe: {  	s5 =	sadd.s32 s5, s4;
	s13 =	sshrl.u32 s13, $0x3;
	s22 =	sadd.s32 s9, s10  }
0xf: {  	s23 =	sadd.s32 s9, s13;
	s10 =	sshrl.u32 s24, $0x3;
	[dreg:$0x4] =	wrdreg s22  }
0x10: {  	s13 =	sshrl.u32 s25, $0x3;
	s25 =	sadd.s32 s8, s31;
	[dreg:$0x5] =	wrdreg s23  }
0x11: {  	s26 =	sadd.s32 s9, s10;
	s10 =	sadd.s32 s9, s13;
	s13 =	sadd.s32 s8, s19  }
0x12: {  	s22 =	sadd.s32 s8, s20;
	s8 =	sadd.s32 s8, s0;
	[dreg:$0x6] =	wrdreg s26  }
0x13: {  	[dreg:$0x7] =	wrdreg s10;
	s10 =	sshrl.u32 s13, $0x3;
	s24 =	sshrl.u32 s22, $0x3  }
0x14: {  	s26 =	sshrl.u32 s25, $0x3;
	s8 =	sshrl.u32 s8, $0x3;
	s23 =	sadd.s32 s9, s10  }
0x15: {  	s22 =	smul.u32 $0x5000, s11;
	s10 =	sadd.s32 s9, s24;
	[dreg:$0x8] =	wrdreg s23  }
0x16: {  	s11 =	smul.u32 $0x5000, s15;
	s13 =	sadd.s32 s9, s26;
	[dreg:$0x9] =	wrdreg s10  }
0x17: {  	s8 =	sadd.s32 s9, s8;
	s9 =	smul.u32 $0x5000, s21;
	s10 =	rddreg [dreg:$0x2]  }
0x18: {  	s24 =	sadd.s32 $0xC400, s5;
	s5 =	sadd.s32 $0x2600, s5;
	[dreg:$0xa] =	wrdreg s13  }
0x19: {  	s26 =	smul.u32 $0x5000, s6;
	[dreg:$0xb] =	wrdreg s8;
	s13 =	sadd.s32 $0x16200, s4  }
0x1a: {  	s23 =	smul.u32 $0x5000, s12;
	_ =	strace $0x8000004D;
	[dreg:$0xc] =	wrdreg s24  }
0x1b: {  	s4 =	sshrl.u32 s22, $0x2;
	s8 =	sshrl.u32 s9, $0x2;
	[dreg:$0xd] =	wrdreg s5  }
0x1c: {  	s6 =	sadd.s32 s7, s10;
	s4 =	sadd.s32 s4, s10;
	s5 =	sshrl.u32 s26, $0x2  }
0x1d: {  	s24 =	sadd.s32 s2, s10;
	s26 =	sadd.s32 s16, s10;
	s28 =	sadd.s32 s17, s10  }
0x1e: {  	s29 =	sadd.s32 s19, s10;
	s30 =	sadd.s32 s20, s10;
	s31 =	sadd.s32 s31, s10  }
0x1f: {  	s9 =	sadd.s32 s0, s10;
	s2 =	simm.s32 $0x6220;
	s7 =	simm.s32 $0x50  }
0x20: {  	s16 =	simm.s32 $0x5;
	s17 =	simm.s32 $0x6;
	[dreg:$0xf] =	wrdreg s6  }
0x21: {  	s25 =	sadd.s32 s8, s10;
	s8 =	smul.u32 $0x5000, s14;
	[dreg:$0x10] =	wrdreg s4  }
0x22: {  	s12 =	sshrl.u32 s23, $0x2;
	s14 =	smul.u32 $0x5000, s18;
	s20 =	rddreg [dreg:$0x14]  }
0x23: {  	s5 =	sadd.s32 s5, s10;
	s4 =	sshrl.u32 s11, $0x2;
	[dreg:$0xe] =	wrdreg s25  }
0x24: {  	s11 =	simm.s32 $0x4E20;
	s6 =	sadd.s32 s12, s10;
	[dreg:$0x12] =	wrdreg s5  }
0x25: {  	s22 =	sadd.s32 s4, s10;
	s25 =	sadd.s32 s3, s10;
	s0 =	smax.u32 s20, $0x1  }
0x26: {  	s3 =	simm.s32 $0x8;
	s4 =	simm.s32 $0x7;
	s12 =	simm.s32 $0x7620  }
0x27: {  	[dreg:$0x11] =	wrdreg s6;
	s15 =	sshrl.u32 s8, $0x2;
	s18 =	sshrl.u32 s14, $0x2  }
0x28: {  	s8 =	simm.s32 $0x2710;
	s6 =	simm.s32 $0x2;
	s14 =	simm.s32 $0x4  }
0x29: {  	s5 =	sadd.s32 s15, s10;
	s23 =	sadd.s32 s18, s10;
	s15 =	simm.s32 $0x3  }
0x2a: {  	s18 =	simm.s32 $0x0;
	[dreg:$0x13] =	wrdreg s5;
	s5 =	simm.s32 $0x1  }
.LBB2_1:
0x2b: {  	s19 =	rddreg [dreg:$0xc]  }
0x2c: {  	[tilespmem:s1], [sflag:$0x1] =	stream.linear.gather [hbm4b:s19+s1], $0x2710, $0x38;
	[tilespmem:$0x12660] =	vst v63  }
0x2d: {  	s20 =	rddreg [dreg:$0xd]  }
0x2e: {  	[tilespmem:s8], [sflag:$0x2] =	stream.linear.gather [hbm4b:s20+s1], $0x2710, $0x38;
	[tilespmem:$0x12660] =	vst v63  }
0x2f: {  	s21 =	rddreg [dreg:$0x1]  }
0x30: {  	[tilespmem:s2], [sflag:$0x8] =	stream.linear.gather [hbm4b:s21+s1], $0x1400, $0x38;
	[tilespmem:$0x12660] =	vst v63  }
0x31: {  	_ =	swait.ge [sflag:s3], $0x1400  }
0x32: {  	[sflag:s3] =	ssyncset.done $0x0  }
0x33: {  	s20 =	rddreg [dreg:$0xe];
	[sflag:s3] =	ssyncadd.s32 $0xFFFFEC00  }
0x34: {  	[spmem:s20] =	stream.linear.scatter [tilespmem:s2], [sflag:$0x7], $0x1400, $0x38;
	[tilespmem:$0x12660] =	vst v63  }
0x35: {  	s21 =	rddreg [dreg:$0xf]  }
0x36: {  	[spmem:s21] =	stream.linear.scatter [tilespmem:s2], [sflag:$0x7], $0x1400, $0x38;
	[tilespmem:$0x12660] =	vst v63  }
0x37: {  	s20 =	rddreg [dreg:$0x10]  }
0x38: {  	[spmem:s20] =	stream.linear.scatter [tilespmem:s2], [sflag:$0x7], $0x1400, $0x38;
	[tilespmem:$0x12660] =	vst v63  }
0x39: {  	s21 =	rddreg [dreg:$0x11]  }
0x3a: {  	[spmem:s21] =	stream.linear.scatter [tilespmem:s2], [sflag:$0x7], $0x1400, $0x38;
	[tilespmem:$0x12660] =	vst v63  }
0x3b: {  	s20 =	rddreg [dreg:$0x12]  }
0x3c: {  	[spmem:s20] =	stream.linear.scatter [tilespmem:s2], [sflag:$0x7], $0x1400, $0x38;
	[tilespmem:$0x12660] =	vst v63  }
0x3d: {  	s21 =	rddreg [dreg:$0x13]  }
0x3e: {  	[spmem:s21] =	stream.linear.scatter [tilespmem:s2], [sflag:$0x7], $0x1400, $0x38;
	[tilespmem:$0x12660] =	vst v63  }
0x3f: {  	_ = 	snop  }
0x40: {  	[spmem:s22] =	stream.linear.scatter [tilespmem:s2], [sflag:$0x7], $0x1400, $0x38;
	[tilespmem:$0x12660] =	vst v63  }
0x41: {  	s19 =	simm.s32 @!p0 $0x6220  }
0x42: {  	[spmem:s23] =	stream.linear.scatter @!p0 [tilespmem:s19], [sflag:$0x7], $0x1400, $0x38;
	[tilespmem:$0x12660] =	vst v63  }
0x43: {  	_ =	swait.ge [sflag:s4], $0x1400  }
0x44: {  	[sflag:s4] =	ssyncset.done $0x0  }
0x45: {  	[sflag:s4] =	ssyncadd.s32 $0xFFFFEC00  }
0x46: {  	_ =	swait.ge [sflag:s4], $0x1400  }
0x47: {  	[sflag:s4] =	ssyncset.done $0x0  }
0x48: {  	[sflag:s4] =	ssyncadd.s32 $0xFFFFEC00  }
0x49: {  	_ =	swait.ge [sflag:s4], $0x1400  }
0x4a: {  	[sflag:s4] =	ssyncset.done $0x0  }
0x4b: {  	[sflag:s4] =	ssyncadd.s32 $0xFFFFEC00  }
0x4c: {  	_ =	swait.ge [sflag:s4], $0x1400  }
0x4d: {  	[sflag:s4] =	ssyncset.done $0x0  }
0x4e: {  	[sflag:s4] =	ssyncadd.s32 $0xFFFFEC00  }
0x4f: {  	_ =	swait.ge [sflag:s4], $0x1400  }
0x50: {  	[sflag:s4] =	ssyncset.done $0x0  }
0x51: {  	[sflag:s4] =	ssyncadd.s32 $0xFFFFEC00  }
0x52: {  	_ =	swait.ge [sflag:s4], $0x1400  }
0x53: {  	[sflag:s4] =	ssyncset.done $0x0  }
0x54: {  	[sflag:s4] =	ssyncadd.s32 $0xFFFFEC00  }
0x55: {  	_ =	swait.ge [sflag:s4], $0x1400  }
0x56: {  	[sflag:s4] =	ssyncset.done $0x0  }
0x57: {  	s19 =	simm.s32 @!p0 $0x7;
	[sflag:s4] =	ssyncadd.s32 $0xFFFFEC00  }
0x58: {  	_ =	swait.ge @!p0 [sflag:s19], $0x1400  }
0x59: {  	[sflag:s19] =	ssyncset.done @!p0 $0x0  }
0x5a: {  	[sflag:s19] =	ssyncadd.s32 @!p0 $0xFFFFEC00  }
0x5b: {  	_ =	swait.ge [sflag:s5], $0x2710  }
0x5c: {  	[sflag:s5] =	ssyncset.done $0x0  }
0x5d: {  	[sflag:s5] =	ssyncadd.s32 $0xFFFFD8F0  }
0x5e: {  	_ =	swait.ge [sflag:s6], $0x2710  }
0x5f: {  	[sflag:s6] =	ssyncset.done $0x0  }
0x60: {  	[sflag:s6] =	ssyncadd.s32 $0xFFFFD8F0  }
0x61: {  	[bflag:$0x0] =	sbarrier.arrive $0xFFFF  }
0x62: {  	[tilespmem:s11], [sflag:$0x1] =	stream.indirect.gather [hbm4b:s13+s7], $0x40, s1, s7, $0xb8;
	[tilespmem:$0x12660] =	vst v63  }
0x63: {  	_ = 	snop  }
0x64: {  	[tilespmem:s2], [sflag:$0x2] =	stream.indirect.gather [hbm4b:s13+s7], $0x40, s7, s7, $0xb8;
	[tilespmem:$0x12660] =	vst v63  }
0x65: {  	_ =	swait.ge [sflag:s5], $0x1400  }
0x66: {  	[sflag:s5] =	ssyncset.done $0x0  }
0x67: {  	[sflag:s5] =	ssyncadd.s32 $0xFFFFEC00  }
0x68: {  	[spmem:s10] =	stream.indirect.scatter.add.f32 [tilespmem:s11], [sflag:$0x4], $0x40, s8, s7, $0xb8;
	[tilespmem:$0x12660] =	vst v63  }
0x69: {  	s20 =	simm.s32 $0xA0  }
0x6a: {  	[tilespmem:s12], [sflag:$0x3] =	stream.indirect.gather [hbm4b:s13+s7], $0x40, s20, s7, $0xb8;
	[tilespmem:$0x12660] =	vst v63  }
0x6b: {  	_ =	swait.ge [sflag:s6], $0x1400  }
0x6c: {  	[sflag:s6] =	ssyncset.done $0x0  }
0x6d: {  	s21 =	simm.s32 $0x2760;
	[sflag:s6] =	ssyncadd.s32 $0xFFFFEC00  }
0x6e: {  	[spmem:s10] =	stream.indirect.scatter.add.f32 [tilespmem:s2], [sflag:$0x5], $0x40, s21, s7, $0xb8;
	[tilespmem:$0x12660] =	vst v63  }
0x6f: {  	_ =	swait.ge [sflag:s14], $0x1400  }
0x70: {  	[sflag:s14] =	ssyncset.done $0x0  }
0x71: {  	s20 =	simm.s32 $0xF0;
	[sflag:s14] =	ssyncadd.s32 $0xFFFFEC00  }
0x72: {  	[tilespmem:s11], [sflag:$0x1] =	stream.indirect.gather [hbm4b:s13+s7], $0x40, s20, s7, $0xb8;
	[tilespmem:$0x12660] =	vst v63  }
0x73: {  	_ =	swait.ge [sflag:s15], $0x1400  }
0x74: {  	[sflag:s15] =	ssyncset.done $0x0  }
0x75: {  	s21 =	simm.s32 $0x27B0;
	[sflag:s15] =	ssyncadd.s32 $0xFFFFEC00  }
0x76: {  	[spmem:s10] =	stream.indirect.scatter.add.f32 [tilespmem:s12], [sflag:$0x6], $0x40, s21, s7, $0xb8;
	[tilespmem:$0x12660] =	vst v63  }
0x77: {  	_ =	swait.ge [sflag:s16], $0x1400  }
0x78: {  	[sflag:s16] =	ssyncset.done $0x0  }
0x79: {  	s20 =	simm.s32 $0x140;
	[sflag:s16] =	ssyncadd.s32 $0xFFFFEC00  }
0x7a: {  	[tilespmem:s2], [sflag:$0x2] =	stream.indirect.gather [hbm4b:s13+s7], $0x40, s20, s7, $0xb8;
	[tilespmem:$0x12660] =	vst v63  }
0x7b: {  	_ =	swait.ge [sflag:s5], $0x1400  }
0x7c: {  	[sflag:s5] =	ssyncset.done $0x0  }
0x7d: {  	s21 =	simm.s32 $0x2800;
	[sflag:s5] =	ssyncadd.s32 $0xFFFFEC00  }
0x7e: {  	[spmem:s10] =	stream.indirect.scatter.add.f32 [tilespmem:s11], [sflag:$0x4], $0x40, s21, s7, $0xb8;
	[tilespmem:$0x12660] =	vst v63  }
0x7f: {  	_ =	swait.ge [sflag:s17], $0x1400  }
0x80: {  	[sflag:s17] =	ssyncset.done $0x0  }
0x81: {  	s20 =	simm.s32 $0x190;
	[sflag:s17] =	ssyncadd.s32 $0xFFFFEC00  }
0x82: {  	[tilespmem:s12], [sflag:$0x3] =	stream.indirect.gather [hbm4b:s13+s7], $0x40, s20, s7, $0xb8;
	[tilespmem:$0x12660] =	vst v63  }
0x83: {  	_ =	swait.ge [sflag:s6], $0x1400  }
0x84: {  	[sflag:s6] =	ssyncset.done $0x0  }
0x85: {  	s21 =	simm.s32 $0x2850;
	[sflag:s6] =	ssyncadd.s32 $0xFFFFEC00  }
0x86: {  	[spmem:s10] =	stream.indirect.scatter.add.f32 [tilespmem:s2], [sflag:$0x5], $0x40, s21, s7, $0xb8;
	[tilespmem:$0x12660] =	vst v63  }
0x87: {  	_ =	swait.ge [sflag:s14], $0x1400  }
0x88: {  	[sflag:s14] =	ssyncset.done $0x0  }
0x89: {  	s20 =	simm.s32 $0x1E0;
	[sflag:s14] =	ssyncadd.s32 $0xFFFFEC00  }
0x8a: {  	[tilespmem:s11], [sflag:$0x1] =	stream.indirect.gather [hbm4b:s13+s7], $0x40, s20, s7, $0xb8;
	[tilespmem:$0x12660] =	vst v63  }
0x8b: {  	_ =	swait.ge [sflag:s15], $0x1400  }
0x8c: {  	[sflag:s15] =	ssyncset.done $0x0  }
0x8d: {  	s21 =	simm.s32 $0x28A0;
	[sflag:s15] =	ssyncadd.s32 $0xFFFFEC00  }
0x8e: {  	[spmem:s10] =	stream.indirect.scatter.add.f32 [tilespmem:s12], [sflag:$0x6], $0x40, s21, s7, $0xb8;
	[tilespmem:$0x12660] =	vst v63  }
0x8f: {  	_ =	swait.ge [sflag:s16], $0x1400  }
0x90: {  	[sflag:s16] =	ssyncset.done $0x0  }
0x91: {  	s19 =	simm.s32 $0x3C0;
	s20 =	simm.s32 $0x230;
	[sflag:s16] =	ssyncadd.s32 $0xFFFFEC00  }
.LBB2_2:
0x92: {  	[tilespmem:s2], [sflag:$0x2] =	stream.indirect.gather [hbm4b:s13+s7], $0x40, s20, s7, $0xb8;
	[tilespmem:$0x12660] =	vst v63  }
0x93: {  	s20 =	smov.u32 s19  }
0x94: {  	p1 =	sne.s32 s19, $0x9240;
	s19 =	sadd.s32 $0x3C0, s19;
	_ =	swait.ge [sflag:s5], $0x1400  }
0x95: {  	s20 =	sshra.s32 s20, $0x2;
	[sflag:s5] =	ssyncset.done $0x0  }
0x96: {  	s21 =	sadd.s32 $0x2800, s20;
	[sflag:s5] =	ssyncadd.s32 $0xFFFFEC00  }
0x97: {  	[spmem:s10] =	stream.indirect.scatter.add.f32 [tilespmem:s11], [sflag:$0x4], $0x40, s21, s7, $0xb8;
	[tilespmem:$0x12660] =	vst v63  }
0x98: {  	_ =	swait.ge [sflag:s17], $0x1400  }
0x99: {  	[sflag:s17] =	ssyncset.done $0x0  }
0x9a: {  	s21 =	sadd.s32 $0x190, s20;
	[sflag:s17] =	ssyncadd.s32 $0xFFFFEC00  }
0x9b: {  	[tilespmem:s12], [sflag:$0x3] =	stream.indirect.gather [hbm4b:s13+s7], $0x40, s21, s7, $0xb8;
	[tilespmem:$0x12660] =	vst v63  }
0x9c: {  	_ =	swait.ge [sflag:s6], $0x1400  }
0x9d: {  	[sflag:s6] =	ssyncset.done $0x0  }
0x9e: {  	s21 =	sadd.s32 $0x2850, s20;
	[sflag:s6] =	ssyncadd.s32 $0xFFFFEC00  }
0x9f: {  	[spmem:s10] =	stream.indirect.scatter.add.f32 [tilespmem:s2], [sflag:$0x5], $0x40, s21, s7, $0xb8;
	[tilespmem:$0x12660] =	vst v63  }
0xa0: {  	_ =	swait.ge [sflag:s14], $0x1400  }
0xa1: {  	[sflag:s14] =	ssyncset.done $0x0  }
0xa2: {  	s21 =	sadd.s32 $0x1E0, s20;
	[sflag:s14] =	ssyncadd.s32 $0xFFFFEC00  }
0xa3: {  	[tilespmem:s11], [sflag:$0x1] =	stream.indirect.gather [hbm4b:s13+s7], $0x40, s21, s7, $0xb8;
	[tilespmem:$0x12660] =	vst v63  }
0xa4: {  	_ =	swait.ge [sflag:s15], $0x1400  }
0xa5: {  	[sflag:s15] =	ssyncset.done $0x0  }
.Ltmp0:
0xa6: {  	s21 =	sadd.s32 $0x28A0, s20;
	[sflag:s15] =	ssyncadd.s32 $0xFFFFEC00;
	(pc) =	sbr.rel @p1 .LBB2_2-.Ltmp0, $4  }
0xa7: {  	[spmem:s10] =	stream.indirect.scatter.add.f32 [tilespmem:s12], [sflag:$0x6], $0x40, s21, s7, $0xb8;
	[tilespmem:$0x12660] =	vst v63  }
0xa8: {  	_ =	swait.ge [sflag:s16], $0x1400  }
0xa9: {  	[sflag:s16] =	ssyncset.done $0x0  }
0xaa: {  	s20 =	sadd.s32 $0x230, s20;
	[sflag:s16] =	ssyncadd.s32 $0xFFFFEC00  }
0xab: {  	[tilespmem:s2], [sflag:$0x2] =	stream.indirect.gather [hbm4b:s13+s7], $0x40, s20, s7, $0xb8;
	[tilespmem:$0x12660] =	vst v63  }
0xac: {  	_ =	swait.ge [sflag:s5], $0x1400  }
0xad: {  	[sflag:s5] =	ssyncset.done $0x0  }
0xae: {  	s19 =	simm.s32 $0x4D80;
	[sflag:s5] =	ssyncadd.s32 $0xFFFFEC00  }
0xaf: {  	[spmem:s10] =	stream.indirect.scatter.add.f32 [tilespmem:s11], [sflag:$0x4], $0x40, s19, s7, $0xb8;
	[tilespmem:$0x12660] =	vst v63  }
0xb0: {  	_ =	swait.ge [sflag:s17], $0x1400  }
0xb1: {  	[sflag:s17] =	ssyncset.done $0x0  }
0xb2: {  	[sflag:s17] =	ssyncadd.s32 $0xFFFFEC00  }
0xb3: {  	_ =	swait.ge [sflag:s6], $0x1400  }
0xb4: {  	[sflag:s6] =	ssyncset.done $0x0  }
0xb5: {  	s20 =	simm.s32 $0x4DD0;
	[sflag:s6] =	ssyncadd.s32 $0xFFFFEC00  }
0xb6: {  	[spmem:s10] =	stream.indirect.scatter.add.f32 [tilespmem:s2], [sflag:$0x5], $0x40, s20, s7, $0xb8;
	[tilespmem:$0x12660] =	vst v63  }
0xb7: {  	_ =	swait.ge [sflag:s14], $0x1400  }
0xb8: {  	[sflag:s14] =	ssyncset.done $0x0  }
0xb9: {  	[sflag:s14] =	ssyncadd.s32 $0xFFFFEC00  }
0xba: {  	_ =	swait.ge [sflag:s16], $0x1400  }
0xbb: {  	[sflag:s16] =	ssyncset.done $0x0  }
0xbc: {  	[sflag:s16] =	ssyncadd.s32 $0xFFFFEC00  }
0xbd: {  	[bflag:$0x0] =	sbarrier.arrive $0xFFFF  }
0xbe: {  	[tilespmem:s11], [sflag:$0x8] =	stream.linear.gather [spmem:s24], $0x1400, $0x38;
	[tilespmem:$0x12660] =	vst v63  }
0xbf: {  	_ =	swait.ge [sflag:s3], $0x1400  }
0xc0: {  	[sflag:s3] =	ssyncset.done $0x0  }
0xc1: {  	s21 =	rddreg [dreg:$0x4];
	[sflag:s3] =	ssyncadd.s32 $0xFFFFEC00  }
0xc2: {  	[hbm4b:s21+s1] =	stream.linear.scatter [tilespmem:s11], [sflag:$0x1], $0x1400, $0x38;
	[tilespmem:$0x12660] =	vst v63  }
0xc3: {  	_ = 	snop  }
0xc4: {  	[tilespmem:s2], [sflag:$0x8] =	stream.linear.gather [spmem:s25], $0x1400, $0x38;
	[tilespmem:$0x12660] =	vst v63  }
0xc5: {  	_ =	swait.ge [sflag:s3], $0x1400  }
0xc6: {  	[sflag:s3] =	ssyncset.done $0x0  }
0xc7: {  	s20 =	rddreg [dreg:$0x5];
	[sflag:s3] =	ssyncadd.s32 $0xFFFFEC00  }
0xc8: {  	[hbm4b:s20+s1] =	stream.linear.scatter [tilespmem:s2], [sflag:$0x2], $0x1400, $0x38;
	[tilespmem:$0x12660] =	vst v63  }
0xc9: {  	_ =	swait.ge [sflag:s5], $0x1400  }
0xca: {  	[sflag:s5] =	ssyncset.done $0x0  }
0xcb: {  	[sflag:s5] =	ssyncadd.s32 $0xFFFFEC00  }
0xcc: {  	[tilespmem:s11], [sflag:$0x8] =	stream.linear.gather [spmem:s26], $0x1400, $0x38;
	[tilespmem:$0x12660] =	vst v63  }
0xcd: {  	_ =	swait.ge [sflag:s3], $0x1400  }
0xce: {  	[sflag:s3] =	ssyncset.done $0x0  }
0xcf: {  	s21 =	rddreg [dreg:$0x6];
	[sflag:s3] =	ssyncadd.s32 $0xFFFFEC00  }
0xd0: {  	[hbm4b:s21+s1] =	stream.linear.scatter [tilespmem:s11], [sflag:$0x1], $0x1400, $0x38;
	[tilespmem:$0x12660] =	vst v63  }
0xd1: {  	_ =	swait.ge [sflag:s6], $0x1400  }
0xd2: {  	[sflag:s6] =	ssyncset.done $0x0  }
0xd3: {  	[sflag:s6] =	ssyncadd.s32 $0xFFFFEC00  }
0xd4: {  	[tilespmem:s2], [sflag:$0x8] =	stream.linear.gather [spmem:s28], $0x1400, $0x38;
	[tilespmem:$0x12660] =	vst v63  }
0xd5: {  	_ =	swait.ge [sflag:s3], $0x1400  }
0xd6: {  	[sflag:s3] =	ssyncset.done $0x0  }
0xd7: {  	s20 =	rddreg [dreg:$0x7];
	[sflag:s3] =	ssyncadd.s32 $0xFFFFEC00  }
0xd8: {  	[hbm4b:s20+s1] =	stream.linear.scatter [tilespmem:s2], [sflag:$0x2], $0x1400, $0x38;
	[tilespmem:$0x12660] =	vst v63  }
0xd9: {  	_ =	swait.ge [sflag:s5], $0x1400  }
0xda: {  	[sflag:s5] =	ssyncset.done $0x0  }
0xdb: {  	[sflag:s5] =	ssyncadd.s32 $0xFFFFEC00  }
0xdc: {  	[tilespmem:s11], [sflag:$0x8] =	stream.linear.gather [spmem:s29], $0x1400, $0x38;
	[tilespmem:$0x12660] =	vst v63  }
0xdd: {  	_ =	swait.ge [sflag:s3], $0x1400  }
0xde: {  	[sflag:s3] =	ssyncset.done $0x0  }
0xdf: {  	s21 =	rddreg [dreg:$0x8];
	[sflag:s3] =	ssyncadd.s32 $0xFFFFEC00  }
0xe0: {  	[hbm4b:s21+s1] =	stream.linear.scatter [tilespmem:s11], [sflag:$0x1], $0x1400, $0x38;
	[tilespmem:$0x12660] =	vst v63  }
0xe1: {  	_ =	swait.ge [sflag:s6], $0x1400  }
0xe2: {  	[sflag:s6] =	ssyncset.done $0x0  }
0xe3: {  	[sflag:s6] =	ssyncadd.s32 $0xFFFFEC00  }
0xe4: {  	[tilespmem:s2], [sflag:$0x8] =	stream.linear.gather [spmem:s30], $0x1400, $0x38;
	[tilespmem:$0x12660] =	vst v63  }
0xe5: {  	_ =	swait.ge [sflag:s3], $0x1400  }
0xe6: {  	[sflag:s3] =	ssyncset.done $0x0  }
0xe7: {  	s20 =	rddreg [dreg:$0x9];
	[sflag:s3] =	ssyncadd.s32 $0xFFFFEC00  }
0xe8: {  	[hbm4b:s20+s1] =	stream.linear.scatter [tilespmem:s2], [sflag:$0x2], $0x1400, $0x38;
	[tilespmem:$0x12660] =	vst v63  }
0xe9: {  	_ =	swait.ge [sflag:s5], $0x1400  }
0xea: {  	[sflag:s5] =	ssyncset.done $0x0  }
0xeb: {  	[sflag:s5] =	ssyncadd.s32 $0xFFFFEC00  }
0xec: {  	[tilespmem:s11], [sflag:$0x8] =	stream.linear.gather [spmem:s31], $0x1400, $0x38;
	[tilespmem:$0x12660] =	vst v63  }
0xed: {  	_ =	swait.ge [sflag:s3], $0x1400  }
0xee: {  	[sflag:s3] =	ssyncset.done $0x0  }
0xef: {  	s21 =	rddreg [dreg:$0xa];
	[sflag:s3] =	ssyncadd.s32 $0xFFFFEC00  }
0xf0: {  	[hbm4b:s21+s1] =	stream.linear.scatter [tilespmem:s11], [sflag:$0x1], $0x1400, $0x38;
	[tilespmem:$0x12660] =	vst v63  }
0xf1: {  	_ =	swait.ge [sflag:s6], $0x1400  }
0xf2: {  	[sflag:s6] =	ssyncset.done $0x0  }
0xf3: {  	s19 =	simm.s32 @!p0 $0x6220;
	s20 =	simm.s32 @!p0 $0x8;
	[sflag:s6] =	ssyncadd.s32 $0xFFFFEC00  }
0xf4: {  	[tilespmem:s19], [sflag:$0x8] =	stream.linear.gather @!p0 [spmem:s9], $0x1400, $0x38;
	[tilespmem:$0x12660] =	vst v63  }
0xf5: {  	_ =	swait.ge @!p0 [sflag:s20], $0x1400  }
0xf6: {  	[sflag:s20] =	ssyncset.done @!p0 $0x0  }
0xf7: {  	s21 =	rddreg [dreg:$0xb];
	[sflag:s20] =	ssyncadd.s32 @!p0 $0xFFFFEC00;
	s20 =	simm.s32 @!p0 $0x0  }
0xf8: {  	[hbm4b:s21+s20] =	stream.linear.scatter @!p0 [tilespmem:s19], [sflag:$0x2], $0x1400, $0x38;
	[tilespmem:$0x12660] =	vst v63  }
0xf9: {  	s18 =	sadd.s32 $0x1, s18;
	s19 =	simm.s32 @!p0 $0x1  }
0xfa: {  	p1 =	sne.s32 s18, s0;
	_ =	swait.ge @!p0 [sflag:s19], $0x1400  }
.Ltmp1:
0xfb: {  	s20 =	simm.s32 @!p0 $0x2;
	[sflag:s19] =	ssyncset.done @!p0 $0x0;
	(pc) =	sbr.rel @p1 .LBB2_1-.Ltmp1, $4  }
0xfc: {  	s20 =	simm.s32 @p0 $0x1;
	[sflag:s19] =	ssyncadd.s32 @!p0 $0xFFFFEC00  }
0xfd: {  	_ =	swait.ge [sflag:s20], $0x1400  }
0xfe: {  	[sflag:s20] =	ssyncset.done $0x0  }
0xff: {  	[sflag:s20] =	ssyncadd.s32 $0xFFFFEC00  }
0x100: {  	_ =	sfence.sel $0x180000  }
0x101: {  	[bflag:$0x0] =	sbarrier.arrive $0xFFFF  }
0x102: {  	_ =	strace $0x9000004D  }
0x103: {  	s0 =	stileid.u32;
	[bflag:$0x2] =	sbarrier.arrive $0xFFFF  }
0x104: {  	p0 =	sne.s32 s0, $0x0;
	s0 =	rddreg [dreg:$0x3]  }
0x105: {  	s0 =	sadd.s32 @!p0 $0x100000, s0  }
0x106: {  	[sflag:s0] =	ssyncadd.tile.s32 @!p0 $0x1;
	_ =	shalt  }
.Lfunc_end2:
_tile_overlayer_lowered:
.L_overlay_start_2:
0x107: {  	(tag) =	ssettag $0x2  }
0x108: {  	s0 =	rddreg [dreg:$0x0];
	s2 =	stileid.u32  }
0x109: {  	s1 =	rddreg [dreg:$0x1];
	p0 =	sne.s32 s2, $0x0  }
0x10a: {  	s3 =	rddreg [dreg:$0x2];
	[bflag:$0x3] =	sbarrier.arrive $0xFFFF;
	s2 =	simm.s32 @!p0 $0x1C08  }
0x10b: {  	[timem:s3], [sflag:s2] =	dma.local @!p0 [hbm:s0], s1  }
0x10c: {  	s0 =	simm.s32 @!p0 $0x8  }
0x10d: {  	_ =	swait.ge @!p0 [sflag:s0], s1  }
0x10e: {  	s1 =	ssub.s32 @!p0 $0x0, s1;
	[sflag:s0] =	ssyncset.done @!p0 $0x0  }
0x10f: {  	[sflag:s0] =	ssyncadd.s32 @!p0 s1  }
0x110: {  	[bflag:$0x3] =	sbarrier.arrive $0xFFFF  }
0x111: {  	_ =	shalt  }

// kernel: kernel.8.cloned.1.call-start
scs
__scs_entry_jumppad:
0x0: {  	(pc) =	sbr.rel $0x88, $3  }
0x1: {  	(tag) =	ssettag $0x0;
	lr =	simm.s32 $0x1  }
0x2: {  	[smem:$0x3F95] =	sst lr;
	_ =	strace $0xD0000000  }
0x3: {  	_ = 	snop  }
0x4: {  	_ = 	snop  }
0x5: {  	_ = 	snop  }
0x6: {  	_ = 	snop  }
0x7: {  	_ = 	snop  }
__scs_overlays_trampoline_lowered:
0x8: {  	[smem:$0x3FA4] =	sst s0  }
0x9: {  	[smem:$0x3FA5] =	sst s1  }
0xa: {  	[smem:$0x3FA6] =	sst s2  }
0xb: {  	[smem:$0x3FA7] =	sst s3  }
0xc: {  	[smem:$0x3FA8] =	sst s4  }
0xd: {  	[smem:$0x3FA9] =	sst s5  }
0xe: {  	[smem:$0x3FAA] =	sst s6  }
0xf: {  	[smem:$0x3FAB] =	sst s7  }
0x10: {  	[smem:$0x3FAC] =	sst s8  }
0x11: {  	[smem:$0x3FAD] =	sst s9;
	s0 =	simm.s32 @!p0 $0x0  }
0x12: {  	s1 =	sld [smem:$0x3F93];
	s0 =	simm.s32 @p0 $0x1  }
0x13: {  	[smem:$0x3FAE] =	sst s0;
	s0 =	simm.s32 @!p1 $0x0  }
0x14: {  	s2 =	sld [smem:$0x3F92];
	s0 =	simm.s32 @p1 $0x1  }
0x15: {  	[smem:$0x3FAF] =	sst s0;
	s0 =	simm.s32 @!p2 $0x0  }
0x16: {  	s3 =	sld [smem:$0x3FDB];
	s0 =	simm.s32 @p2 $0x1  }
0x17: {  	s4 =	simm.s32 $0x1BF5;
	[smem:$0x3FB1] =	sst s0  }
0x18: {  	s0 =	sld [smem:$0x3F94];
	_ =	swait.ge [sflag:s4], $0x0  }
0x19: {  	s7 =	sld [smem:$0x3F95]  }
0x1a: {  	s8 =	sadd.s32 $0xFFFFE003, lr  }
0x1b: {  	s9 =	sadd.s32 $0xFFFFFEF7, lr;
	s5 =	simm.s32 $0xFFFFFFFF;
	p2 =	slt.u32 s8, $0xFFFFF086  }
0x1c: {  	p1 =	slt.u32 s9, $0xF7A;
	s5 =	simm.s32 @!p2 $0x0  }
0x1d: {  	s5 =	simm.s32 @p1 $0x1;
	p0 =	seq.s32 s7, s2  }
0x1e: {  	s7 =	smul.u32 @!p0 $0xF7A, s2;
	p2 =	seq.s32 @!p0 s5, $0x0  }
0x1f: {  	s9 =	smul.u32 $0xF7A, s1;
	s8 =	simm.s32 @!p0 $0x1BF5;
	p2 =	por !p2, p0  }
0x20: {  	[sflag:s8] =	ssyncset.s32 @!p0 $0xFFFFF086;
	s6 =	sadd.s32 @!p0 s3, s7;
	s7 =	simm.s32 @!p0 $0x108  }
0x21: {  	s3 =	sadd.s32 s3, s9;
	s6 =	sadd.s32 @!p0 $0x88, s6;
	s7 =	simm.s32 @p2 $0x1082  }
0x22: {  	[simem:s7], [sflag:s8] =	dma.local @!p0 [hbm:s6], $0xF7A  }
0x23: {  	s9 =	sor.u32 $0xD0000000, s2;
	s6 =	simm.s32 $0x108;
	_ =	swait.ge @!p0 [sflag:s8], $0x0  }
0x24: {  	s3 =	sadd.s32 $0x88, s3;
	s6 =	simm.s32 @!p1 $0x1082;
	[sflag:s4] =	ssyncset.s32 $0xFFFFF086  }
0x25: {  	[simem:s6], [sflag:s4] =	dma.local [hbm:s3], $0xF7A  }
0x26: {  	[smem:$0x3F95] =	sst s1;
	(tag) =	ssettag s2;
	_ =	strace s9  }
0x27: {  	s1 =	sld [smem:$0x3FA5]  }
0x28: {  	s2 =	sld [smem:$0x3FA6]  }
0x29: {  	s4 =	sld [smem:$0x3FA8]  }
0x2a: {  	p0 =	seq.s32 s5, $0x0;
	s5 =	sld [smem:$0x3FA9]  }
0x2b: {  	s6 =	sld [smem:$0x3FAA]  }
0x2c: {  	s7 =	sld [smem:$0x3FAB]  }
0x2d: {  	s3 =	simm.s32 $0x108;
	s8 =	sld [smem:$0x3FAC]  }
0x2e: {  	s3 =	simm.s32 @!p0 $0x1082;
	s9 =	sld [smem:$0x3FAD]  }
0x2f: {  	lr =	sadd.s32 s0, s3;
	s0 =	sld [smem:$0x3FA4]  }
0x30: {  	s3 =	sld [smem:$0x3FA7]  }
0x31: {  	[smem:$0x3FB0] =	sst s10  }
0x32: {  	s10 =	sld [smem:$0x3FAE];
	_ =	sdelay $0x3  }
0x33: {  	p0 =	seq.s32 s10, $0x1;
	s10 =	sld [smem:$0x3FB0];
	_ =	sdelay $0x3  }
0x34: {  	[smem:$0x3FB0] =	sst s10  }
0x35: {  	s10 =	sld [smem:$0x3FAF];
	_ =	sdelay $0x3  }
0x36: {  	p1 =	seq.s32 s10, $0x1;
	s10 =	sld [smem:$0x3FB0];
	_ =	sdelay $0x3  }
0x37: {  	[smem:$0x3FB0] =	sst s10  }
0x38: {  	s10 =	sld [smem:$0x3FB1]  }
0x39: {  	_ = 	snop;
	(pc) =	sbr.ind lr, $3  }
0x3a: {  	_ = 	snop  }
0x3b: {  	_ = 	snop  }
0x3c: {  	p2 =	seq.s32 s10, $0x1;
	s10 =	sld [smem:$0x3FB0]  }
0x3d: {  	_ =	shalt  }
0x3e: {  	_ =	shalt  }
0x3f: {  	_ =	shalt  }
0x40: {  	_ =	shalt  }
0x41: {  	_ =	shalt  }
0x42: {  	_ =	shalt  }
0x43: {  	_ =	shalt  }
0x44: {  	_ =	shalt  }
0x45: {  	_ =	shalt  }
0x46: {  	_ =	shalt  }
0x47: {  	_ =	shalt  }
0x48: {  	_ =	shalt  }
0x49: {  	_ =	shalt  }
0x4a: {  	_ =	shalt  }
0x4b: {  	_ =	shalt  }
0x4c: {  	_ =	shalt  }
0x4d: {  	_ =	shalt  }
0x4e: {  	_ =	shalt  }
0x4f: {  	_ =	shalt  }
0x50: {  	_ =	shalt  }
0x51: {  	_ =	shalt  }
0x52: {  	_ =	shalt  }
0x53: {  	_ =	shalt  }
0x54: {  	_ =	shalt  }
0x55: {  	_ =	shalt  }
0x56: {  	_ =	shalt  }
0x57: {  	_ =	shalt  }
0x58: {  	_ =	shalt  }
0x59: {  	_ =	shalt  }
0x5a: {  	_ =	shalt  }
0x5b: {  	_ =	shalt  }
0x5c: {  	_ =	shalt  }
0x5d: {  	_ =	shalt  }
0x5e: {  	_ =	shalt  }
0x5f: {  	_ =	shalt  }
0x60: {  	_ =	shalt  }
0x61: {  	_ =	shalt  }
0x62: {  	_ =	shalt  }
0x63: {  	_ =	shalt  }
0x64: {  	_ =	shalt  }
0x65: {  	_ =	shalt  }
0x66: {  	_ =	shalt  }
0x67: {  	_ =	shalt  }
0x68: {  	_ =	shalt  }
0x69: {  	_ =	shalt  }
0x6a: {  	_ =	shalt  }
0x6b: {  	_ =	shalt  }
0x6c: {  	_ =	shalt  }
0x6d: {  	_ =	shalt  }
0x6e: {  	_ =	shalt  }
0x6f: {  	_ =	shalt  }
0x70: {  	_ =	shalt  }
0x71: {  	_ =	shalt  }
0x72: {  	_ =	shalt  }
0x73: {  	_ =	shalt  }
0x74: {  	_ =	shalt  }
0x75: {  	_ =	shalt  }
0x76: {  	_ =	shalt  }
0x77: {  	_ =	shalt  }
0x78: {  	_ =	shalt  }
0x79: {  	_ =	shalt  }
0x7a: {  	_ =	shalt  }
0x7b: {  	_ =	shalt  }
0x7c: {  	_ =	shalt  }
0x7d: {  	_ =	shalt  }
0x7e: {  	_ =	shalt  }
0x7f: {  	_ =	shalt  }
0x80: {  	_ =	shalt  }
0x81: {  	_ =	shalt  }
0x82: {  	_ =	shalt  }
0x83: {  	_ =	shalt  }
0x84: {  	_ =	shalt  }
0x85: {  	_ =	shalt  }
0x86: {  	_ =	shalt  }
0x87: {  	_ =	shalt  }
.Lfunc_end0:
.L_simem_size_0:
called_computation_lowered:
.L_overlay_start_0:
0x88: {  	s2 =	sld [smem:$0x3FD9]  }
0x89: {  	s3 =	sld [smem:$0x3FFE];
	_ =	sdelay $0x1  }
0x8a: {  	s1 =	srdreg.scid  }
0x8b: {  	s0 =	sand.u32 $0x1, s1  }
0x8c: {  	s14 =	sshll.u32 s0, $0xA;
	s2 =	sadd.s32 s3, s2  }
0x8d: {  	s2 =	sadd.s32 s2, s14  }
0x8e: {  	[smem:$0x3FBC] =	sst s2  }
0x8f: {  	_ = 	snop  }
0x90: {  	s2 =	sld [smem:$0x3FD0];
	_ =	sdelay $0x2  }
0x91: {  	s15 =	simm.s32 $0xA;
	s4 =	simm.s32 $0x10  }
0x92: {  	[smem:s4], [sflag:s15] =	dma.local [hbm:s2], $0x1  }
0x93: {  	_ =	swait.eq [sflag:s15], $0x1  }
0x94: {  	[sflag:s15] =	ssyncset.done $0x0  }
0x95: {  	[sflag:s15] =	ssyncadd.s32 $0xFFFFFFFF  }
0x96: {  	s16 =	sld [smem:$0x11];
	(tm) =	ssettm $0x1  }
0x97: {  	s17 =	sld [smem:$0x3FFB];
	_ =	sdelay $0x3  }
0x98: {  	_ =	strace s17  }
0x99: {  	s3 =	sld [smem:$0x3FFC];
	_ =	sdelay $0x3  }
0x9a: {  	_ =	strace s3  }
0x9b: {  	s3 =	sld [smem:$0x3FFD];
	_ =	sdelay $0x3  }
0x9c: {  	_ =	strace s3  }
0x9d: {  	_ =	strace $0x8FFFFFFF  }
0x9e: {  	s18 =	sld [smem:$0x3FDB];
	_ =	sdelay $0x1  }
0x9f: {  	s19 =	simm.s32 $_scs_section_size  }
0xa0: {  	s5 =	simm.s32 $_size__tile_overlayer_lowered;
	s6 =	simm.s32 $_tile_overlayer_lowered  }
0xa1: {  	s22 =	simm.s32 $0x1BFF;
	s21 =	sshll.u32 s6, $0x1;
	s3 =	sadd.s32 s19, s18  }
0xa2: {  	s7 =	simm.s32 $0x0;
	s20 =	sshll.u32 s5, $0x1;
	s5 =	sadd.s32 s21, s3  }
0xa3: {  	[timem:s7], [sflag:s22] =	dma.local [hbm:s5], s20  }
0xa4: {  	_ =	swait.ge [sflag:s22], s20  }
0xa5: {  	s4 =	ssub.s32 $0x0, s20;
	[sflag:s22] =	ssyncset.done $0x0  }
0xa6: {  	[sflag:s22] =	ssyncadd.s32 s4;
	_ =	sdelay $0x1  }
0xa7: {  	s23 =	simm.s32 $0x1B8B  }
0xa8: {  	_ =	swait.ge [sflag:s23], $0x1  }
0xa9: {  	[sflag:s23] =	ssyncset.done $0x0  }
0xaa: {  	s25 =	simm.s32 $0x1B8E;
	s24 =	sld [smem:$0x3FFE];
	[sflag:s23] =	ssyncadd.s32 $0xFFFFFFFF  }
0xab: {  	s26 =	simm.s32 $execute0_lowered;
	[smem:$0x3FD2] =	sst s25  }
0xac: {  	s5 =	sshll.u32 s26, $0x1;
	_ =	strace $0x80000046;
	[dreg:$0x1] =	wrdreg $0xFFFFFFFF  }
0xad: {  	s28 =	simm.s32 $_size_execute0_lowered;
	s3 =	sadd.s32 s3, s5;
	[dreg:$0x0] =	wrdreg $0x0  }
0xae: {  	s5 =	sshll.u32 s28, $0x1;
	[dreg:$0x2] =	wrdreg s3  }
0xaf: {  	[dreg:$0x3] =	wrdreg s5  }
0xb0: {  	[dreg:$0x4] =	wrdreg $0xC0  }
0xb1: {  	_ =	task [dreg:s7], $0x5FFFF  }
0xb2: {  	[dreg:$0x1] =	wrdreg $0xFFFFFFFF  }
0xb3: {  	[dreg:$0x0] =	wrdreg $0x60  }
0xb4: {  	[dreg:$0x2] =	wrdreg s24  }
0xb5: {  	[dreg:$0x3] =	wrdreg s16  }
0xb6: {  	[dreg:$0x4] =	wrdreg $0x9  }
0xb7: {  	_ =	task.clear_ibuf [dreg:s7], $0x5FFFF;
	_ =	strace $0x90000046  }
0xb8: {  	s29 =	simm.s32 $0x9;
	_ =	strace $0x80000048  }
0xb9: {  	_ =	swait.ge [sflag:s29], $0x1  }
0xba: {  	[sflag:s29] =	ssyncadd.s32 $0xFFFFFFFF  }
0xbb: {  	_ =	strace $0x90000048  }
0xbc: {  	_ =	sfence  }
0xbd: {  	s30 =	sld [smem:$0x0];
	_ =	sdelay $0x2  }
0xbe: {  	s31 =	sshll.u32 s1, $0xD;
	s1 =	sshrl.u32 s1, $0x2  }
0xbf: {  	s3 =	sand.u32 $0x4000, s31;
	s1 =	sadd.s32 s1, s30  }
0xc0: {  	s0 =	sor.u32 s3, s0;
	s1 =	sshll.u32 s1, $0x11  }
0xc1: {  	s0 =	sor.u32 s1, s0  }
0xc2: {  	s0 =	sadd.s32 $0x8F2B, s0  }
0xc3: {  	[sflag:s0] =	ssyncadd.remote.s32 $0x1  }
0xc4: {  	_ =	sfence.sel $0xFFFF  }
0xc5: {  	[dreg:$0x0] =	wrdreg $0xFFFFFFFF;
	(pc) =	sbr.abs _section_cstart, $3  }
0xc6: {  	[dreg:$0x1] =	wrdreg $0xFFFFFFFF  }
0xc7: {  	_ =	task.clear_ibuf [dreg:s7], $0x2FFFF;
	_ =	strace $0x9FFFFFFF  }
0xc8: {  	(tm) =	ssettm $0x7FFFFFFF  }
0xc9: {  	_ =	shalt  }
tec
execute0_lowered:
.L_overlay_start_1:
0x0: {  	(tag) =	ssettag $0x1  }
0x1: {  	s0 =	srdreg.scid  }
0x2: {  	s5 =	rddreg [dreg:$0x0];
	s4 =	sand.u32 $0x1, s0  }
0x3: {  	s2 =	rddreg [dreg:$0x1];
	s0 =	stileid.u32;
	s1 =	sshll.u32 s4, $0x4  }
0x4: {  	s3 =	simm.s32 $0x0;
	s9 =	simm.s32 $0x0;
	s6 =	sor.u32 s0, s1  }
0x5: {  	[smem:$0x7FF] =	sst s3;
	s4 =	ssub.s32 $0x2, s4;
	s7 =	smul.u32 $0x4E2, s6  }
0x6: {  	s1 =	rddreg [dreg:$0x2];
	s8 =	sshrl.u32 s4, $0x1;
	s6 =	smul.u32 $0x4F0, s6  }
0x7: {  	_ =	strace $0x80000047;
	s31 =	ssub.s32 s4, s8;
	s8 =	simm.s32 $0x1  }
0x8: {  	s7 =	sadd.s32 s7, s5;
	s5 =	sadd.s32 s6, s5;
	s6 =	smax.u32 s31, $0x1  }
0x9: {  	v0 =	vimm.f32 $1.000000000e+00;
	s4 =	sadd.s32 $0x2600, s7;
	s5 =	sadd.s32 $0x16200, s5;
	s7 =	simm.s32 $0x2780  }
.LBB2_1:
0xa: {  	[tilespmem:s7], [sflag:$0x1] =	stream.linear.gather [hbm4b:s2+s3], $0x2780, $0x38;
	[tilespmem:$0x4F00] =	vst v63  }
0xb: {  	_ =	swait.ge [sflag:s8], $0x2780  }
0xc: {  	[sflag:s8] =	ssyncset.done $0x0  }
0xd: {  	[sflag:s8] =	ssyncadd.s32 $0xFFFFD880  }
0xe: {  	[tilespmem:s3], [sflag:$0x1] =	stream.linear.gather [hbm4b:s4+s3], $0x2710, $0x38;
	[tilespmem:$0x4F00] =	vst v63  }
0xf: {  	_ =	swait.ge [sflag:s8], $0x2710  }
0x10: {  	[sflag:s8] =	ssyncset.done $0x0  }
0x11: {  	s10 =	simm.s32 $0x0;
	[sflag:s8] =	ssyncadd.s32 $0xFFFFD8F0  }
.LBB2_2:
0x12: {  	s11 =	sshra.s32 s10, $0x2  }
0x13: {  	v1 =	vld [tilespmem:s11+$0x0];
	_ =	sdelay $0x7  }
0x14: {  	[tilespmem:v1+s7+$0x0] =	vst.idx.add.f32.msk $0xffff, v0  }
0x15: {  	v1 =	vld [tilespmem:s11+$0x10];
	_ =	sdelay $0x7  }
0x16: {  	[tilespmem:v1+s7+$0x0] =	vst.idx.add.f32.msk $0xffff, v0  }
0x17: {  	v1 =	vld [tilespmem:s11+$0x20];
	_ =	sdelay $0x7  }
0x18: {  	[tilespmem:v1+s7+$0x0] =	vst.idx.add.f32.msk $0xffff, v0  }
0x19: {  	v1 =	vld [tilespmem:s11+$0x30];
	_ =	sdelay $0x7  }
0x1a: {  	[tilespmem:v1+s7+$0x0] =	vst.idx.add.f32.msk $0xffff, v0  }
0x1b: {  	v1 =	vld [tilespmem:s11+$0x40];
	_ =	sdelay $0x2  }
0x1c: {  	p0 =	sne.s32 s10, $0x9B00  }
.Ltmp0:
0x1d: {  	_ = 	snop;
	(pc) =	sbr.rel @p0 .LBB2_2-.Ltmp0, $2  }
0x1e: {  	_ =	sdelay $0x2  }
0x1f: {  	s10 =	sadd.s32 $0x140, s10;
	[tilespmem:v1+s7+$0x0] =	vst.idx.add.f32.msk $0xffff, v0  }
0x20: {  	s9 =	sadd.s32 $0x1, s9  }
0x21: {  	p0 =	sne.s32 s9, s6  }
.Ltmp1:
0x22: {  	_ = 	snop;
	(pc) =	sbr.rel @p0 .LBB2_1-.Ltmp1, $4  }
0x23: {  	[hbm4b:s5+s3] =	stream.linear.scatter [tilespmem:s7], [sflag:$0x1], $0x2780, $0x38;
	[tilespmem:$0x4F00] =	vst v63  }
0x24: {  	_ =	swait.ge [sflag:s8], $0x2780  }
0x25: {  	[sflag:s8] =	ssyncset.done $0x0  }
0x26: {  	[sflag:s8] =	ssyncadd.s32 $0xFFFFD880  }
0x27: {  	_ =	sfence.sel $0x180000  }
0x28: {  	[bflag:$0x0] =	sbarrier.arrive $0xFFFF  }
0x29: {  	p0 =	sne.s32 s0, $0x0;
	_ =	strace $0x90000047  }
0x2a: {  	s0 =	sadd.s32 @!p0 $0x100000, s1;
	[bflag:$0x2] =	sbarrier.arrive $0xFFFF  }
0x2b: {  	[sflag:s0] =	ssyncadd.tile.s32 @!p0 $0x1;
	_ =	shalt  }
.Lfunc_end2:
_tile_overlayer_lowered:
.L_overlay_start_2:
0x2c: {  	(tag) =	ssettag $0x2  }
0x2d: {  	s0 =	rddreg [dreg:$0x0];
	s2 =	stileid.u32  }
0x2e: {  	s1 =	rddreg [dreg:$0x1];
	p0 =	sne.s32 s2, $0x0  }
0x2f: {  	s3 =	rddreg [dreg:$0x2];
	[bflag:$0x3] =	sbarrier.arrive $0xFFFF;
	s2 =	simm.s32 @!p0 $0x1C01  }
0x30: {  	[timem:s3], [sflag:s2] =	dma.local @!p0 [hbm:s0], s1  }
0x31: {  	s0 =	simm.s32 @!p0 $0x1  }
0x32: {  	_ =	swait.ge @!p0 [sflag:s0], s1  }
0x33: {  	s1 =	ssub.s32 @!p0 $0x0, s1;
	[sflag:s0] =	ssyncset.done @!p0 $0x0  }
0x34: {  	[sflag:s0] =	ssyncadd.s32 @!p0 s1  }
0x35: {  	[bflag:$0x3] =	sbarrier.arrive $0xFFFF  }
0x36: {  	_ =	shalt  }

</sc_bundles>
